<compile_context>
chip_gen: v7x
topology: tpu7x:2x2x1
jax: 0.10.2.dev20260603
libtpu: 0.0.44.dev20260713+nightly
codegen_flags: <defaults>
</compile_context>

<pallas_src>
import functools

import jax
import jax.numpy as jnp
from jax import lax
from jax.experimental import pallas as pl
from jax.experimental.pallas import tpu as pltpu
from jax.experimental.pallas import tpu_sc as plsc

N = 10000
E = 320000
D = 128
G = 64

NC = 2
NS = 16
NW = NC * NS
KB = 128
NBLK = -((E + NW * KB - 1) // (NW * KB)) // 8 * -8
EPAD = NW * KB * NBLK
ACC_N = 10112
RZ = ACC_N // NS

DEGW = 128
NBUF = 2
NPH = 2
NBLK0 = 128
NBLK1 = 2 * NBLK - NBLK0
HBMAX = max(NBLK0, NBLK1) // NPH
BLK = 1000
NCHUNK = N // BLK


@functools.cache
def _sc_kernels():
    mesh = plsc.VectorSubcoreMesh(core_axis_name="c", subcore_axis_name="s")

    @functools.partial(
        pl.kernel,
        out_type=jax.ShapeDtypeStruct((NC, ACC_N, DEGW), jnp.float32),
        mesh=mesh,
        scratch_types=[
            pltpu.VMEM((NBLK, KB), jnp.int32),
            pltpu.VMEM((KB, DEGW), jnp.float32),
            pltpu.VMEM_SHARED((ACC_N, DEGW), jnp.float32),
        ],
    )
    def sc_degree(dst_hbm, ones_hbm, zeros_hbm, out_hbm, dstb, onesb, acc):
        c = lax.axis_index("c")
        s = lax.axis_index("s")
        w = s * NC + c
        pltpu.sync_copy(zeros_hbm.at[pl.ds(s * RZ, RZ)],
                        acc.at[pl.ds(s * RZ, RZ)])
        pltpu.sync_copy(ones_hbm, onesb)
        pltpu.sync_copy(dst_hbm.at[pl.ds(w * NBLK, NBLK)], dstb)
        plsc.subcore_barrier()

        def body(g, carry):
            pltpu.sync_copy(onesb, acc.at[dstb.at[g]], add=True)
            return carry

        lax.fori_loop(0, NBLK, body, 0)
        plsc.subcore_barrier()
        pltpu.sync_copy(acc.at[pl.ds(s * RZ, RZ)],
                        out_hbm.at[c, pl.ds(s * RZ, RZ)])

    @functools.partial(
        pl.kernel,
        out_type=jax.ShapeDtypeStruct((NC, ACC_N, D), jnp.float32),
        mesh=mesh,
        scratch_types=[
            pltpu.VMEM((HBMAX, KB), jnp.int32),
            pltpu.VMEM((HBMAX, KB), jnp.int32),
            [pltpu.VMEM((KB, D), jnp.float32)] * NBUF,
            pltpu.VMEM_SHARED((ACC_N, D), jnp.float32),
            [pltpu.SemaphoreType.DMA] * NBUF,
            [pltpu.SemaphoreType.DMA] * NBUF,
        ],
    )
    def sc_spmm(p_hbm, src_hbm, dst_hbm, zeros_hbm, out_hbm,
                srcb, dstb, rows, acc, gsem, ssem):
        c = lax.axis_index("c")
        s = lax.axis_index("s")
        pltpu.sync_copy(zeros_hbm.at[pl.ds(s * RZ, RZ)],
                        acc.at[pl.ds(s * RZ, RZ)])
        plsc.subcore_barrier()

        def run_edges(first_blk, nblk_c):
            hb = nblk_c // NPH
            for ph in range(NPH):
                base = first_blk + ph * hb
                pltpu.sync_copy(src_hbm.at[pl.ds(base, hb)],
                                srcb.at[pl.ds(0, hb)])
                pltpu.sync_copy(dst_hbm.at[pl.ds(base, hb)],
                                dstb.at[pl.ds(0, hb)])
                for b in range(NBUF - 1):
                    pltpu.async_copy(p_hbm.at[srcb.at[b]], rows[b], gsem[b])

                def body(i, carry):
                    for j in range(NBUF):
                        g = i * NBUF + j
                        bn = (j + NBUF - 1) % NBUF
                        pltpu.make_async_copy(
                            p_hbm.at[srcb.at[g]], rows[j], gsem[j]).wait()
                        pltpu.async_copy(rows[j], acc.at[dstb.at[g]],
                                         ssem[j], add=True)
                        if j == 0:
                            @pl.when(i > 0)
                            def _():
                                pltpu.make_async_copy(
                                    rows[bn], acc.at[dstb.at[0]],
                                    ssem[bn]).wait()

                            pltpu.async_copy(
                                p_hbm.at[srcb.at[g + NBUF - 1]], rows[bn],
                                gsem[bn])
                        else:
                            @pl.when(i < hb // NBUF - 1)
                            def _():
                                pltpu.make_async_copy(
                                    rows[bn], acc.at[dstb.at[0]],
                                    ssem[bn]).wait()
                                pltpu.async_copy(
                                    p_hbm.at[srcb.at[g + NBUF - 1]], rows[bn],
                                    gsem[bn])

                    return carry

                lax.fori_loop(0, hb // NBUF, body, 0)
                for b in range(NBUF):
                    pltpu.make_async_copy(
                        rows[b], acc.at[dstb.at[0]], ssem[b]).wait()

        @pl.when(c == 0)
        def _():
            run_edges(s * NBLK0, NBLK0)

        if NBLK1:
            @pl.when(c == 1)
            def _():
                run_edges(NS * NBLK0 + s * NBLK1, NBLK1)

        plsc.subcore_barrier()
        pltpu.sync_copy(acc.at[pl.ds(s * RZ, RZ)],
                        out_hbm.at[c, pl.ds(s * RZ, RZ)])

    return sc_degree, sc_spmm



def _tc_entry(degA, degB, x, W):
    def body(dA, dB, x_ref, W_ref, out_ref):
        dis = 1.0 / jnp.sqrt(dA[...] + dB[...] + 1.0)
        out_ref[...] = jnp.dot(x_ref[...], W_ref[...],
                               preferred_element_type=jnp.float32) * dis

    return pl.pallas_call(
        body,
        grid=(NCHUNK,),
        in_specs=[
            pl.BlockSpec((BLK, 1), lambda i: (i, 0)),
            pl.BlockSpec((BLK, 1), lambda i: (i, 0)),
            pl.BlockSpec((BLK, D), lambda i: (i, 0)),
            pl.BlockSpec((D, D), lambda i: (0, 0)),
        ],
        out_specs=pl.BlockSpec((BLK, D), lambda i: (i, 0)),
        out_shape=jax.ShapeDtypeStruct((N, D), jnp.float32),
    )(degA, degB, x, W)


def _tc_mid(degA, degB, sA, sB, p, b, W):
    def body(dA, dB, sA_ref, sB_ref, p_ref, b_ref, W_ref, out_ref):
        dis = 1.0 / jnp.sqrt(dA[...] + dB[...] + 1.0)
        h = jnp.maximum(
            dis * (sA_ref[...] + sB_ref[...] + p_ref[...]) + b_ref[...], 0.0)
        out_ref[...] = jnp.dot(h, W_ref[...],
                               preferred_element_type=jnp.float32) * dis

    return pl.pallas_call(
        body,
        grid=(NCHUNK,),
        in_specs=[
            pl.BlockSpec((BLK, 1), lambda i: (i, 0)),
            pl.BlockSpec((BLK, 1), lambda i: (i, 0)),
            pl.BlockSpec((BLK, D), lambda i: (i, 0)),
            pl.BlockSpec((BLK, D), lambda i: (i, 0)),
            pl.BlockSpec((BLK, D), lambda i: (i, 0)),
            pl.BlockSpec((1, D), lambda i: (0, 0)),
            pl.BlockSpec((D, D), lambda i: (0, 0)),
        ],
        out_specs=pl.BlockSpec((BLK, D), lambda i: (i, 0)),
        out_shape=jax.ShapeDtypeStruct((N, D), jnp.float32),
    )(degA, degB, sA, sB, p, b, W)


def _tc_final(degA, degB, sA, sB, p, b, batch3, fW1, fb1, fW2, fb2):
    def body(dA, dB, sA_ref, sB_ref, p_ref, b_ref, bat_ref,
             fW1_ref, fb1_ref, fW2_ref, fb2_ref, out_ref, pool_acc, cnt_acc):
        i = pl.program_id(0)

        @pl.when(i == 0)
        def _():
            pool_acc[...] = jnp.zeros_like(pool_acc)
            cnt_acc[...] = jnp.zeros_like(cnt_acc)

        dis = 1.0 / jnp.sqrt(dA[...] + dB[...] + 1.0)
        h = jnp.maximum(
            dis * (sA_ref[...] + sB_ref[...] + p_ref[...]) + b_ref[...], 0.0)
        bb = bat_ref[0, 0, :]
        oh = (bb[None, :] == lax.broadcasted_iota(jnp.int32, (G, BLK), 0)
              ).astype(jnp.float32)
        pool_acc[...] += jnp.dot(oh, h, preferred_element_type=jnp.float32)
        cnt_acc[...] += jnp.sum(oh, axis=1, keepdims=True)

        @pl.when(i == NCHUNK - 1)
        def _():
            pooled = pool_acc[...] / jnp.maximum(cnt_acc[...], 1.0)
            z = jnp.maximum(
                jnp.dot(pooled, fW1_ref[...],
                        preferred_element_type=jnp.float32) + fb1_ref[...], 0.0)
            out_ref[...] = jnp.dot(z, fW2_ref[...],
                                   preferred_element_type=jnp.float32) + fb2_ref[...]

    return pl.pallas_call(
        body,
        grid=(NCHUNK,),
        in_specs=[
            pl.BlockSpec((BLK, 1), lambda i: (i, 0)),
            pl.BlockSpec((BLK, 1), lambda i: (i, 0)),
            pl.BlockSpec((BLK, D), lambda i: (i, 0)),
            pl.BlockSpec((BLK, D), lambda i: (i, 0)),
            pl.BlockSpec((BLK, D), lambda i: (i, 0)),
            pl.BlockSpec((1, D), lambda i: (0, 0)),
            pl.BlockSpec((1, 1, BLK), lambda i: (i, 0, 0)),
            pl.BlockSpec((D, G), lambda i: (0, 0)),
            pl.BlockSpec((1, G), lambda i: (0, 0)),
            pl.BlockSpec((G, 1), lambda i: (0, 0)),
            pl.BlockSpec((1, 1), lambda i: (0, 0)),
        ],
        out_specs=pl.BlockSpec((G, 1), lambda i: (0, 0)),
        out_shape=jax.ShapeDtypeStruct((G, 1), jnp.float32),
        scratch_shapes=[
            pltpu.VMEM((G, D), jnp.float32),
            pltpu.VMEM((G, 1), jnp.float32),
        ],
    )(degA, degB, sA, sB, p, b, batch3, fW1, fb1, fW2, fb2)



def kernel(x, edge_index, batch, W1, b1, W2, b2, W3, b3, fW1, fb1, fW2, fb2):
    src = edge_index[0]
    dst = edge_index[1]
    pad = EPAD - E
    src2 = jnp.concatenate([src, jnp.zeros((pad,), jnp.int32)]).reshape(-1, KB)
    dst2 = jnp.concatenate([dst, jnp.full((pad,), N, jnp.int32)]).reshape(-1, KB)

    ones_col = jnp.ones((KB, DEGW), jnp.float32)
    zeros_col = jnp.zeros((ACC_N, DEGW), jnp.float32)
    zeros_tab = jnp.zeros((ACC_N, D), jnp.float32)

    sc_degree, sc_spmm = _sc_kernels()
    deg = sc_degree(dst2, ones_col, zeros_col)
    degA, degB = deg[0, :, 0:1], deg[1, :, 0:1]

    b1r = b1.reshape(1, D)
    b2r = b2.reshape(1, D)
    b3r = b3.reshape(1, D)
    batch3 = batch.reshape(NCHUNK, 1, BLK)

    p1 = _tc_entry(degA, degB, x, W1)
    s1 = sc_spmm(p1, src2, dst2, zeros_tab)
    p2 = _tc_mid(degA, degB, s1[0], s1[1], p1, b1r, W2)
    s2 = sc_spmm(p2, src2, dst2, zeros_tab)
    p3 = _tc_mid(degA, degB, s2[0], s2[1], p2, b2r, W3)
    s3 = sc_spmm(p3, src2, dst2, zeros_tab)
    out = _tc_final(degA, degB, s3[0], s3[1], p3, b3r, batch3,
                    fW1, fb1.reshape(1, G), fW2, fb2.reshape(1, 1))
    return out.reshape(-1)

# --- scband reference (transcript-rebuilt; emitter-appended) ---
"""Pipeline reference for scband-graph-classification-model-20023137534040 (READ-ONLY COPY).

The authoritative reference and input builder live on the scoring server;
editing this copy changes nothing except your own understanding.
"""

import jax, jax.numpy as jnp
import numpy as np

N = 10000
E = 320000
D = 128
H = 128
G = 64


def setup_inputs(seed: int = 0) -> dict:
    key = jax.random.key(seed)
    ks = jax.random.split(key, 16)
    x = jax.random.normal(ks[0], (N, D), dtype=jnp.float32)
    edge_index = jax.random.randint(ks[1], (2, E), 0, N, dtype=jnp.int32)
    batch = jnp.sort(jax.random.randint(ks[2], (N,), 0, G, dtype=jnp.int32))
    s = 0.05
    W1 = jax.random.normal(ks[3], (D, H), dtype=jnp.float32) * s
    b1 = jnp.zeros((H,), dtype=jnp.float32)
    W2 = jax.random.normal(ks[4], (H, H), dtype=jnp.float32) * s
    b2 = jnp.zeros((H,), dtype=jnp.float32)
    W3 = jax.random.normal(ks[5], (H, H), dtype=jnp.float32) * s
    b3 = jnp.zeros((H,), dtype=jnp.float32)
    fW1 = jax.random.normal(ks[6], (H, 64), dtype=jnp.float32) * s
    fb1 = jnp.zeros((64,), dtype=jnp.float32)
    fW2 = jax.random.normal(ks[7], (64, 1), dtype=jnp.float32) * s
    fb2 = jnp.zeros((1,), dtype=jnp.float32)
    return {"x": x, "edge_index": edge_index, "batch": batch,
            "W1": W1, "b1": b1, "W2": W2, "b2": b2, "W3": W3, "b3": b3,
            "fW1": fW1, "fb1": fb1, "fW2": fW2, "fb2": fb2}


def _gcn_norm(edge_index):
    # add self-loops (GCNConv default) and compute symmetric normalization
    loops = jnp.arange(N, dtype=edge_index.dtype)
    src = jnp.concatenate([edge_index[0], loops])
    dst = jnp.concatenate([edge_index[1], loops])
    deg = jax.ops.segment_sum(jnp.ones_like(dst, dtype=jnp.float32), dst, num_segments=N)
    dis = jnp.where(deg > 0, 1.0 / jnp.sqrt(deg), 0.0)
    norm = dis[src] * dis[dst]
    return src, dst, norm


def _gcn_layer(x, src, dst, norm, W, b):
    h = x @ W
    out = jax.ops.segment_sum(h[src] * norm[:, None], dst, num_segments=N) + b
    return jax.nn.relu(out)


def reference(x, edge_index, batch, W1, b1, W2, b2, W3, b3, fW1, fb1, fW2, fb2):
    src, dst, norm = _gcn_norm(edge_index)
    h = _gcn_layer(x, src, dst, norm, W1, b1)
    h = _gcn_layer(h, src, dst, norm, W2, b2)
    h = _gcn_layer(h, src, dst, norm, W3, b3)
    # global mean pool over batch (graph) ids
    sums = jax.ops.segment_sum(h, batch, num_segments=G)
    cnts = jax.ops.segment_sum(jnp.ones((N,), dtype=jnp.float32), batch, num_segments=G)
    pooled = sums / jnp.maximum(cnts, 1.0)[:, None]
    # FC head (dropout inactive in eval)
    z = jax.nn.relu(pooled @ fW1 + fb1)
    z = z @ fW2 + fb2
    return z.reshape(-1)

if __name__ == "__main__":
    import jax
    _d = setup_inputs()
    print(jax.jit(kernel)(*tuple(_d.values())))

</pallas_src>

<mosaic_0001>
#map = affine_map<(d0, d1) -> (0, 0)>
#map1 = affine_map<(d0, d1) -> (0, 0, 0)>
module attributes {stable_mosaic.version = 14 : i64} {
  func.func @sc_degree(%arg0: i32, %arg1: i32, %arg2: memref<2560x128xi32, #tpu.memory_space<hbm>>, %arg3: memref<128x128xf32, #tpu.memory_space<hbm>>, %arg4: memref<10112x128xf32, #tpu.memory_space<hbm>>, %arg5: memref<2x10112x128xf32, #tpu.memory_space<hbm>>, %arg6: memref<80x128xi32, #tpu.memory_space<vmem>>, %arg7: memref<128x128xf32, #tpu.memory_space<vmem>>, %arg8: memref<10112x128xf32, #tpu.memory_space<vmem_shared>>) attributes {dimension_semantics = [#tpu.dimension_semantics<core_parallel>, #tpu.dimension_semantics<subcore_parallel>], iteration_bounds = array<i64: 2, 16>, scalar_prefetch = 0 : i64, scratch_operands = 3 : i64, tpu.core_type = #tpu.core_type<sc_vector_subcore>, window_params = [{transform_indices = #map}, {transform_indices = #map}, {transform_indices = #map}, {transform_indices = #map1}]} {
    %mul3A = arith.constant 2 : i32
    %mul3A_0 = arith.muli %arg1, %mul3A : i32
    %add3A = arith.addi %mul3A_0, %arg0 : i32
    %mul3A_1 = arith.constant 632 : i32
    %mul3A_2 = arith.muli %arg1, %mul3A_1 : i32
    %mul3A_3 = arith.constant 632 : i32
    %mul3A_4 = arith.muli %arg1, %mul3A_3 : i32
    "tpu.region"() ({
      %run_scoped3A = tpu.sem_alloc : memref<!tpu.dma_semaphore, #tpu.memory_space<semaphore_mem>>
      %dma_start3A = arith.constant 0 : i32
      %dma_start3A_17 = tpu.memref_slice %arg8[%mul3A_4, %dma_start3A] : memref<10112x128xf32, #tpu.memory_space<vmem_shared>> -> memref<632x128xf32, #tpu.memory_space<vmem_shared>>
      %dma_start3A_18 = arith.constant 0 : i32
      %dma_start3A_19 = tpu.memref_slice %arg4[%mul3A_2, %dma_start3A_18] : memref<10112x128xf32, #tpu.memory_space<hbm>> -> memref<632x128xf32, #tpu.memory_space<hbm>>
      tpu.enqueue_dma source(%dma_start3A_19 : memref<632x128xf32, #tpu.memory_space<hbm>>) target(%dma_start3A_17 : memref<632x128xf32, #tpu.memory_space<vmem_shared>>) target_semaphore(%run_scoped3A : memref<!tpu.dma_semaphore, #tpu.memory_space<semaphore_mem>>)
      %dma_wait3A = arith.constant 0 : i32
      %dma_wait3A_20 = tpu.memref_slice %arg8[%mul3A_4, %dma_wait3A] : memref<10112x128xf32, #tpu.memory_space<vmem_shared>> -> memref<632x128xf32, #tpu.memory_space<vmem_shared>>
      %dma_wait3A_21 = arith.constant 0 : i32
      %dma_wait3A_22 = tpu.memref_slice %arg4[%mul3A_2, %dma_wait3A_21] : memref<10112x128xf32, #tpu.memory_space<hbm>> -> memref<632x128xf32, #tpu.memory_space<hbm>>
      tpu.wait_dma2 semaphore(%run_scoped3A : memref<!tpu.dma_semaphore, #tpu.memory_space<semaphore_mem>>) src(%dma_wait3A_22 : memref<632x128xf32, #tpu.memory_space<hbm>>) dst(%dma_wait3A_20 : memref<632x128xf32, #tpu.memory_space<vmem_shared>>)
      tpu.yield
    }) : () -> ()
    "tpu.region"() ({
      %run_scoped3A = tpu.sem_alloc : memref<!tpu.dma_semaphore, #tpu.memory_space<semaphore_mem>>
      tpu.enqueue_dma source(%arg3 : memref<128x128xf32, #tpu.memory_space<hbm>>) target(%arg7 : memref<128x128xf32, #tpu.memory_space<vmem>>) target_semaphore(%run_scoped3A : memref<!tpu.dma_semaphore, #tpu.memory_space<semaphore_mem>>)
      tpu.wait_dma2 semaphore(%run_scoped3A : memref<!tpu.dma_semaphore, #tpu.memory_space<semaphore_mem>>) src(%arg3 : memref<128x128xf32, #tpu.memory_space<hbm>>) dst(%arg7 : memref<128x128xf32, #tpu.memory_space<vmem>>)
      tpu.yield
    }) : () -> ()
    %mul3A_5 = arith.constant 80 : i32
    %mul3A_6 = arith.muli %add3A, %mul3A_5 : i32
    "tpu.region"() ({
      %run_scoped3A = tpu.sem_alloc : memref<!tpu.dma_semaphore, #tpu.memory_space<semaphore_mem>>
      %dma_start3A = arith.constant 0 : i32
      %dma_start3A_17 = tpu.memref_slice %arg2[%mul3A_6, %dma_start3A] : memref<2560x128xi32, #tpu.memory_space<hbm>> -> memref<80x128xi32, #tpu.memory_space<hbm>>
      %dma_start3A_18 = arith.constant 0 : i32
      %dma_start3A_19 = tpu.memref_slice %arg2[%mul3A_6, %dma_start3A_18] : memref<2560x128xi32, #tpu.memory_space<hbm>> -> memref<80x128xi32, #tpu.memory_space<hbm>>
      tpu.enqueue_dma source(%dma_start3A_19 : memref<80x128xi32, #tpu.memory_space<hbm>>) target(%arg6 : memref<80x128xi32, #tpu.memory_space<vmem>>) target_semaphore(%run_scoped3A : memref<!tpu.dma_semaphore, #tpu.memory_space<semaphore_mem>>)
      %dma_wait3A = arith.constant 0 : i32
      %dma_wait3A_20 = tpu.memref_slice %arg2[%mul3A_6, %dma_wait3A] : memref<2560x128xi32, #tpu.memory_space<hbm>> -> memref<80x128xi32, #tpu.memory_space<hbm>>
      %dma_wait3A_21 = arith.constant 0 : i32
      %dma_wait3A_22 = tpu.memref_slice %arg2[%mul3A_6, %dma_wait3A_21] : memref<2560x128xi32, #tpu.memory_space<hbm>> -> memref<80x128xi32, #tpu.memory_space<hbm>>
      tpu.wait_dma2 semaphore(%run_scoped3A : memref<!tpu.dma_semaphore, #tpu.memory_space<semaphore_mem>>) src(%dma_wait3A_22 : memref<80x128xi32, #tpu.memory_space<hbm>>) dst(%arg6 : memref<80x128xi32, #tpu.memory_space<vmem>>)
      tpu.yield
    }) : () -> ()
    %barrier3A = arith.constant 0 : index
    tpu.barrier barrier_id(%barrier3A)
    %scan3A = arith.constant 0 : i32
    %scan3A_7 = arith.constant 0 : i32
    %scan3A_8 = arith.constant 80 : i32
    %scan3A_9 = arith.addi %scan3A_7, %scan3A_8 : i32
    %scan3A_10 = arith.constant 1 : i32
    scf.for %scan3A_17 = %scan3A_7 to %scan3A_9 step %scan3A_10  : i32 {
      "tpu.region"() ({
        %run_scoped3A = tpu.sem_alloc : memref<!tpu.dma_semaphore, #tpu.memory_space<semaphore_mem>>
        %dma_start3A = arith.constant 0 : i32
        %dma_start3A_18 = tpu.memref_slice %arg6[%scan3A_17, %dma_start3A] : memref<80x128xi32, #tpu.memory_space<vmem>> -> memref<1x128xi32, #tpu.memory_space<vmem>>
        %dma_start3A_19 = tpu.memref_squeeze %dma_start3A_18 : memref<1x128xi32, #tpu.memory_space<vmem>> -> memref<128xi32, #tpu.memory_space<vmem>>
        %dma_start3A_20 = arith.constant 0 : i32
        %dma_start3A_21 = arith.constant 0 : i32
        %dma_start3A_22 = tpu.memref_slice %arg8[%dma_start3A_20, %dma_start3A_21] : memref<10112x128xf32, #tpu.memory_space<vmem_shared>> -> memref<10112x128xf32, #tpu.memory_space<vmem_shared>>
        tpu.enqueue_indirect_dma source(%arg7 : memref<128x128xf32, #tpu.memory_space<vmem>>) target(%dma_start3A_22 : memref<10112x128xf32, #tpu.memory_space<vmem_shared>>) offsets(%dma_start3A_19 : memref<128xi32, #tpu.memory_space<vmem>>) semaphore(%run_scoped3A : memref<!tpu.dma_semaphore, #tpu.memory_space<semaphore_mem>>) {add = true}
        %dma_wait3A = arith.constant 0 : i32
        %dma_wait3A_23 = tpu.memref_slice %arg6[%scan3A_17, %dma_wait3A] : memref<80x128xi32, #tpu.memory_space<vmem>> -> memref<1x128xi32, #tpu.memory_space<vmem>>
        %dma_wait3A_24 = tpu.memref_squeeze %dma_wait3A_23 : memref<1x128xi32, #tpu.memory_space<vmem>> -> memref<128xi32, #tpu.memory_space<vmem>>
        %dma_wait3A_25 = arith.constant 0 : i32
        %dma_wait3A_26 = arith.constant 0 : i32
        %dma_wait3A_27 = tpu.memref_slice %arg8[%dma_wait3A_25, %dma_wait3A_26] : memref<10112x128xf32, #tpu.memory_space<vmem_shared>> -> memref<10112x128xf32, #tpu.memory_space<vmem_shared>>
        tpu.wait_indirect_dma semaphore(%run_scoped3A : memref<!tpu.dma_semaphore, #tpu.memory_space<semaphore_mem>>) src(%arg7 : memref<128x128xf32, #tpu.memory_space<vmem>>) dst(%dma_wait3A_27 : memref<10112x128xf32, #tpu.memory_space<vmem_shared>>)
        tpu.yield
      }) : () -> ()
    }
    %scan3A_11 = arith.constant 80 : i32
    %barrier3A_12 = arith.constant 0 : index
    tpu.barrier barrier_id(%barrier3A_12)
    %mul3A_13 = arith.constant 632 : i32
    %mul3A_14 = arith.muli %arg1, %mul3A_13 : i32
    %mul3A_15 = arith.constant 632 : i32
    %mul3A_16 = arith.muli %arg1, %mul3A_15 : i32
    "tpu.region"() ({
      %run_scoped3A = tpu.sem_alloc : memref<!tpu.dma_semaphore, #tpu.memory_space<semaphore_mem>>
      %dma_start3A = arith.constant 0 : i32
      %dma_start3A_17 = tpu.memref_slice %arg5[%arg0, %mul3A_16, %dma_start3A] : memref<2x10112x128xf32, #tpu.memory_space<hbm>> -> memref<1x632x128xf32, #tpu.memory_space<hbm>>
      %dma_start3A_18 = tpu.memref_squeeze %dma_start3A_17 : memref<1x632x128xf32, #tpu.memory_space<hbm>> -> memref<632x128xf32, #tpu.memory_space<hbm>>
      %dma_start3A_19 = arith.constant 0 : i32
      %dma_start3A_20 = tpu.memref_slice %arg8[%mul3A_14, %dma_start3A_19] : memref<10112x128xf32, #tpu.memory_space<vmem_shared>> -> memref<632x128xf32, #tpu.memory_space<vmem_shared>>
      tpu.enqueue_dma source(%dma_start3A_20 : memref<632x128xf32, #tpu.memory_space<vmem_shared>>) target(%dma_start3A_18 : memref<632x128xf32, #tpu.memory_space<hbm>>) target_semaphore(%run_scoped3A : memref<!tpu.dma_semaphore, #tpu.memory_space<semaphore_mem>>)
      %dma_wait3A = arith.constant 0 : i32
      %dma_wait3A_21 = tpu.memref_slice %arg5[%arg0, %mul3A_16, %dma_wait3A] : memref<2x10112x128xf32, #tpu.memory_space<hbm>> -> memref<1x632x128xf32, #tpu.memory_space<hbm>>
      %dma_wait3A_22 = tpu.memref_squeeze %dma_wait3A_21 : memref<1x632x128xf32, #tpu.memory_space<hbm>> -> memref<632x128xf32, #tpu.memory_space<hbm>>
      %dma_wait3A_23 = arith.constant 0 : i32
      %dma_wait3A_24 = tpu.memref_slice %arg8[%mul3A_14, %dma_wait3A_23] : memref<10112x128xf32, #tpu.memory_space<vmem_shared>> -> memref<632x128xf32, #tpu.memory_space<vmem_shared>>
      tpu.wait_dma2 semaphore(%run_scoped3A : memref<!tpu.dma_semaphore, #tpu.memory_space<semaphore_mem>>) src(%dma_wait3A_24 : memref<632x128xf32, #tpu.memory_space<vmem_shared>>) dst(%dma_wait3A_22 : memref<632x128xf32, #tpu.memory_space<hbm>>)
      tpu.yield
    }) : () -> ()
    return
  }
}

#map = affine_map<(d0, d1) -> (0, 0)>
#map1 = affine_map<(d0, d1) -> (0, 0, 0)>
module attributes {stable_mosaic.version = 14 : i64} {
  func.func @sc_spmm(%arg0: i32, %arg1: i32, %arg2: memref<10000x128xf32, #tpu.memory_space<hbm>>, %arg3: memref<2560x128xi32, #tpu.memory_space<hbm>>, %arg4: memref<2560x128xi32, #tpu.memory_space<hbm>>, %arg5: memref<10112x128xf32, #tpu.memory_space<hbm>>, %arg6: memref<2x10112x128xf32, #tpu.memory_space<hbm>>, %arg7: memref<64x128xi32, #tpu.memory_space<vmem>>, %arg8: memref<64x128xi32, #tpu.memory_space<vmem>>, %arg9: memref<128x128xf32, #tpu.memory_space<vmem>>, %arg10: memref<128x128xf32, #tpu.memory_space<vmem>>, %arg11: memref<10112x128xf32, #tpu.memory_space<vmem_shared>>, %arg12: memref<!tpu.dma_semaphore, #tpu.memory_space<semaphore_mem>>, %arg13: memref<!tpu.dma_semaphore, #tpu.memory_space<semaphore_mem>>, %arg14: memref<!tpu.dma_semaphore, #tpu.memory_space<semaphore_mem>>, %arg15: memref<!tpu.dma_semaphore, #tpu.memory_space<semaphore_mem>>) attributes {dimension_semantics = [#tpu.dimension_semantics<core_parallel>, #tpu.dimension_semantics<subcore_parallel>], iteration_bounds = array<i64: 2, 16>, scalar_prefetch = 0 : i64, scratch_operands = 9 : i64, tpu.core_type = #tpu.core_type<sc_vector_subcore>, window_params = [{transform_indices = #map}, {transform_indices = #map}, {transform_indices = #map}, {transform_indices = #map}, {transform_indices = #map1}]} {
    %mul3A = arith.constant 632 : i32
    %mul3A_0 = arith.muli %arg1, %mul3A : i32
    %mul3A_1 = arith.constant 632 : i32
    %mul3A_2 = arith.muli %arg1, %mul3A_1 : i32
    "tpu.region"() ({
      %run_scoped3A = tpu.sem_alloc : memref<!tpu.dma_semaphore, #tpu.memory_space<semaphore_mem>>
      %dma_start3A = arith.constant 0 : i32
      %dma_start3A_15 = tpu.memref_slice %arg11[%mul3A_2, %dma_start3A] : memref<10112x128xf32, #tpu.memory_space<vmem_shared>> -> memref<632x128xf32, #tpu.memory_space<vmem_shared>>
      %dma_start3A_16 = arith.constant 0 : i32
      %dma_start3A_17 = tpu.memref_slice %arg5[%mul3A_0, %dma_start3A_16] : memref<10112x128xf32, #tpu.memory_space<hbm>> -> memref<632x128xf32, #tpu.memory_space<hbm>>
      tpu.enqueue_dma source(%dma_start3A_17 : memref<632x128xf32, #tpu.memory_space<hbm>>) target(%dma_start3A_15 : memref<632x128xf32, #tpu.memory_space<vmem_shared>>) target_semaphore(%run_scoped3A : memref<!tpu.dma_semaphore, #tpu.memory_space<semaphore_mem>>)
      %dma_wait3A = arith.constant 0 : i32
      %dma_wait3A_18 = tpu.memref_slice %arg11[%mul3A_2, %dma_wait3A] : memref<10112x128xf32, #tpu.memory_space<vmem_shared>> -> memref<632x128xf32, #tpu.memory_space<vmem_shared>>
      %dma_wait3A_19 = arith.constant 0 : i32
      %dma_wait3A_20 = tpu.memref_slice %arg5[%mul3A_0, %dma_wait3A_19] : memref<10112x128xf32, #tpu.memory_space<hbm>> -> memref<632x128xf32, #tpu.memory_space<hbm>>
      tpu.wait_dma2 semaphore(%run_scoped3A : memref<!tpu.dma_semaphore, #tpu.memory_space<semaphore_mem>>) src(%dma_wait3A_20 : memref<632x128xf32, #tpu.memory_space<hbm>>) dst(%dma_wait3A_18 : memref<632x128xf32, #tpu.memory_space<vmem_shared>>)
      tpu.yield
    }) : () -> ()
    %barrier3A = arith.constant 0 : index
    tpu.barrier barrier_id(%barrier3A)
    %eq3A = arith.constant 0 : i32
    %eq3A_3 = arith.cmpi eq, %arg0, %eq3A : i32
    %convert_element_type3A = arith.extui %eq3A_3 : i1 to i32
    %cond3A = arith.constant 0 : i32
    %cond3A_4 = arith.cmpi ne, %convert_element_type3A, %cond3A : i32
    scf.if %cond3A_4 {
      %mul3A_15 = arith.constant 128 : i32
      %mul3A_16 = arith.muli %arg1, %mul3A_15 : i32
      %add3A = arith.constant 0 : i32
      %add3A_17 = arith.addi %mul3A_16, %add3A : i32
      "tpu.region"() ({
        %run_scoped3A = tpu.sem_alloc : memref<!tpu.dma_semaphore, #tpu.memory_space<semaphore_mem>>
        %dma_start3A_71 = arith.constant 0 : i32
        %dma_start3A_72 = arith.constant 0 : i32
        %dma_start3A_73 = tpu.memref_slice %arg7[%dma_start3A_71, %dma_start3A_72] : memref<64x128xi32, #tpu.memory_space<vmem>> -> memref<64x128xi32, #tpu.memory_space<vmem>>
        %dma_start3A_74 = arith.constant 0 : i32
        %dma_start3A_75 = tpu.memref_slice %arg3[%add3A_17, %dma_start3A_74] : memref<2560x128xi32, #tpu.memory_space<hbm>> -> memref<64x128xi32, #tpu.memory_space<hbm>>
        %dma_start3A_76 = arith.constant 0 : i32
        %dma_start3A_77 = arith.constant 0 : i32
        %dma_start3A_78 = tpu.memref_slice %arg7[%dma_start3A_76, %dma_start3A_77] : memref<64x128xi32, #tpu.memory_space<vmem>> -> memref<64x128xi32, #tpu.memory_space<vmem>>
        %dma_start3A_79 = arith.constant 0 : i32
        %dma_start3A_80 = tpu.memref_slice %arg3[%add3A_17, %dma_start3A_79] : memref<2560x128xi32, #tpu.memory_space<hbm>> -> memref<64x128xi32, #tpu.memory_space<hbm>>
        tpu.enqueue_dma source(%dma_start3A_80 : memref<64x128xi32, #tpu.memory_space<hbm>>) target(%dma_start3A_78 : memref<64x128xi32, #tpu.memory_space<vmem>>) target_semaphore(%run_scoped3A : memref<!tpu.dma_semaphore, #tpu.memory_space<semaphore_mem>>)
        %dma_wait3A_81 = arith.constant 0 : i32
        %dma_wait3A_82 = arith.constant 0 : i32
        %dma_wait3A_83 = tpu.memref_slice %arg7[%dma_wait3A_81, %dma_wait3A_82] : memref<64x128xi32, #tpu.memory_space<vmem>> -> memref<64x128xi32, #tpu.memory_space<vmem>>
        %dma_wait3A_84 = arith.constant 0 : i32
        %dma_wait3A_85 = tpu.memref_slice %arg3[%add3A_17, %dma_wait3A_84] : memref<2560x128xi32, #tpu.memory_space<hbm>> -> memref<64x128xi32, #tpu.memory_space<hbm>>
        %dma_wait3A_86 = arith.constant 0 : i32
        %dma_wait3A_87 = arith.constant 0 : i32
        %dma_wait3A_88 = tpu.memref_slice %arg7[%dma_wait3A_86, %dma_wait3A_87] : memref<64x128xi32, #tpu.memory_space<vmem>> -> memref<64x128xi32, #tpu.memory_space<vmem>>
        %dma_wait3A_89 = arith.constant 0 : i32
        %dma_wait3A_90 = tpu.memref_slice %arg3[%add3A_17, %dma_wait3A_89] : memref<2560x128xi32, #tpu.memory_space<hbm>> -> memref<64x128xi32, #tpu.memory_space<hbm>>
        tpu.wait_dma2 semaphore(%run_scoped3A : memref<!tpu.dma_semaphore, #tpu.memory_space<semaphore_mem>>) src(%dma_wait3A_90 : memref<64x128xi32, #tpu.memory_space<hbm>>) dst(%dma_wait3A_88 : memref<64x128xi32, #tpu.memory_space<vmem>>)
        tpu.yield
      }) : () -> ()
      "tpu.region"() ({
        %run_scoped3A = tpu.sem_alloc : memref<!tpu.dma_semaphore, #tpu.memory_space<semaphore_mem>>
        %dma_start3A_71 = arith.constant 0 : i32
        %dma_start3A_72 = arith.constant 0 : i32
        %dma_start3A_73 = tpu.memref_slice %arg8[%dma_start3A_71, %dma_start3A_72] : memref<64x128xi32, #tpu.memory_space<vmem>> -> memref<64x128xi32, #tpu.memory_space<vmem>>
        %dma_start3A_74 = arith.constant 0 : i32
        %dma_start3A_75 = tpu.memref_slice %arg4[%add3A_17, %dma_start3A_74] : memref<2560x128xi32, #tpu.memory_space<hbm>> -> memref<64x128xi32, #tpu.memory_space<hbm>>
        %dma_start3A_76 = arith.constant 0 : i32
        %dma_start3A_77 = arith.constant 0 : i32
        %dma_start3A_78 = tpu.memref_slice %arg8[%dma_start3A_76, %dma_start3A_77] : memref<64x128xi32, #tpu.memory_space<vmem>> -> memref<64x128xi32, #tpu.memory_space<vmem>>
        %dma_start3A_79 = arith.constant 0 : i32
        %dma_start3A_80 = tpu.memref_slice %arg4[%add3A_17, %dma_start3A_79] : memref<2560x128xi32, #tpu.memory_space<hbm>> -> memref<64x128xi32, #tpu.memory_space<hbm>>
        tpu.enqueue_dma source(%dma_start3A_80 : memref<64x128xi32, #tpu.memory_space<hbm>>) target(%dma_start3A_78 : memref<64x128xi32, #tpu.memory_space<vmem>>) target_semaphore(%run_scoped3A : memref<!tpu.dma_semaphore, #tpu.memory_space<semaphore_mem>>)
        %dma_wait3A_81 = arith.constant 0 : i32
        %dma_wait3A_82 = arith.constant 0 : i32
        %dma_wait3A_83 = tpu.memref_slice %arg8[%dma_wait3A_81, %dma_wait3A_82] : memref<64x128xi32, #tpu.memory_space<vmem>> -> memref<64x128xi32, #tpu.memory_space<vmem>>
        %dma_wait3A_84 = arith.constant 0 : i32
        %dma_wait3A_85 = tpu.memref_slice %arg4[%add3A_17, %dma_wait3A_84] : memref<2560x128xi32, #tpu.memory_space<hbm>> -> memref<64x128xi32, #tpu.memory_space<hbm>>
        %dma_wait3A_86 = arith.constant 0 : i32
        %dma_wait3A_87 = arith.constant 0 : i32
        %dma_wait3A_88 = tpu.memref_slice %arg8[%dma_wait3A_86, %dma_wait3A_87] : memref<64x128xi32, #tpu.memory_space<vmem>> -> memref<64x128xi32, #tpu.memory_space<vmem>>
        %dma_wait3A_89 = arith.constant 0 : i32
        %dma_wait3A_90 = tpu.memref_slice %arg4[%add3A_17, %dma_wait3A_89] : memref<2560x128xi32, #tpu.memory_space<hbm>> -> memref<64x128xi32, #tpu.memory_space<hbm>>
        tpu.wait_dma2 semaphore(%run_scoped3A : memref<!tpu.dma_semaphore, #tpu.memory_space<semaphore_mem>>) src(%dma_wait3A_90 : memref<64x128xi32, #tpu.memory_space<hbm>>) dst(%dma_wait3A_88 : memref<64x128xi32, #tpu.memory_space<vmem>>)
        tpu.yield
      }) : () -> ()
      %dma_start3A = arith.constant 0 : i32
      %dma_start3A_18 = arith.constant 0 : i32
      %dma_start3A_19 = tpu.memref_slice %arg7[%dma_start3A, %dma_start3A_18] : memref<64x128xi32, #tpu.memory_space<vmem>> -> memref<1x128xi32, #tpu.memory_space<vmem>>
      %dma_start3A_20 = tpu.memref_squeeze %dma_start3A_19 : memref<1x128xi32, #tpu.memory_space<vmem>> -> memref<128xi32, #tpu.memory_space<vmem>>
      %dma_start3A_21 = arith.constant 0 : i32
      %dma_start3A_22 = arith.constant 0 : i32
      %dma_start3A_23 = tpu.memref_slice %arg2[%dma_start3A_21, %dma_start3A_22] : memref<10000x128xf32, #tpu.memory_space<hbm>> -> memref<10000x128xf32, #tpu.memory_space<hbm>>
      tpu.enqueue_indirect_dma source(%dma_start3A_23 : memref<10000x128xf32, #tpu.memory_space<hbm>>) target(%arg9 : memref<128x128xf32, #tpu.memory_space<vmem>>) offsets(%dma_start3A_20 : memref<128xi32, #tpu.memory_space<vmem>>) semaphore(%arg12 : memref<!tpu.dma_semaphore, #tpu.memory_space<semaphore_mem>>)
      %scan3A = arith.constant 0 : i32
      %scan3A_24 = arith.constant 0 : i32
      %scan3A_25 = arith.constant 32 : i32
      %scan3A_26 = arith.addi %scan3A_24, %scan3A_25 : i32
      %scan3A_27 = arith.constant 1 : i32
      scf.for %scan3A_71 = %scan3A_24 to %scan3A_26 step %scan3A_27  : i32 {
        %mul3A_72 = arith.constant 2 : i32
        %mul3A_73 = arith.muli %scan3A_71, %mul3A_72 : i32
        %add3A_74 = arith.constant 0 : i32
        %add3A_75 = arith.addi %mul3A_73, %add3A_74 : i32
        %dma_wait3A_76 = arith.constant 0 : i32
        %dma_wait3A_77 = tpu.memref_slice %arg7[%add3A_75, %dma_wait3A_76] : memref<64x128xi32, #tpu.memory_space<vmem>> -> memref<1x128xi32, #tpu.memory_space<vmem>>
        %dma_wait3A_78 = tpu.memref_squeeze %dma_wait3A_77 : memref<1x128xi32, #tpu.memory_space<vmem>> -> memref<128xi32, #tpu.memory_space<vmem>>
        %dma_wait3A_79 = arith.constant 0 : i32
        %dma_wait3A_80 = arith.constant 0 : i32
        %dma_wait3A_81 = tpu.memref_slice %arg2[%dma_wait3A_79, %dma_wait3A_80] : memref<10000x128xf32, #tpu.memory_space<hbm>> -> memref<10000x128xf32, #tpu.memory_space<hbm>>
        tpu.wait_indirect_dma semaphore(%arg12 : memref<!tpu.dma_semaphore, #tpu.memory_space<semaphore_mem>>) src(%dma_wait3A_81 : memref<10000x128xf32, #tpu.memory_space<hbm>>) dst(%arg9 : memref<128x128xf32, #tpu.memory_space<vmem>>)
        %dma_start3A_82 = arith.constant 0 : i32
        %dma_start3A_83 = tpu.memref_slice %arg8[%add3A_75, %dma_start3A_82] : memref<64x128xi32, #tpu.memory_space<vmem>> -> memref<1x128xi32, #tpu.memory_space<vmem>>
        %dma_start3A_84 = tpu.memref_squeeze %dma_start3A_83 : memref<1x128xi32, #tpu.memory_space<vmem>> -> memref<128xi32, #tpu.memory_space<vmem>>
        %dma_start3A_85 = arith.constant 0 : i32
        %dma_start3A_86 = arith.constant 0 : i32
        %dma_start3A_87 = tpu.memref_slice %arg11[%dma_start3A_85, %dma_start3A_86] : memref<10112x128xf32, #tpu.memory_space<vmem_shared>> -> memref<10112x128xf32, #tpu.memory_space<vmem_shared>>
        tpu.enqueue_indirect_dma source(%arg9 : memref<128x128xf32, #tpu.memory_space<vmem>>) target(%dma_start3A_87 : memref<10112x128xf32, #tpu.memory_space<vmem_shared>>) offsets(%dma_start3A_84 : memref<128xi32, #tpu.memory_space<vmem>>) semaphore(%arg14 : memref<!tpu.dma_semaphore, #tpu.memory_space<semaphore_mem>>) {add = true}
        %gt3A = arith.constant 0 : i32
        %gt3A_88 = arith.cmpi sgt, %scan3A_71, %gt3A : i32
        %convert_element_type3A_89 = arith.extui %gt3A_88 : i1 to i32
        %cond3A_90 = arith.constant 0 : i32
        %cond3A_91 = arith.cmpi ne, %convert_element_type3A_89, %cond3A_90 : i32
        scf.if %cond3A_91 {
          %dma_wait3A_121 = arith.constant 0 : i32
          %dma_wait3A_122 = arith.constant 0 : i32
          %dma_wait3A_123 = tpu.memref_slice %arg8[%dma_wait3A_121, %dma_wait3A_122] : memref<64x128xi32, #tpu.memory_space<vmem>> -> memref<1x128xi32, #tpu.memory_space<vmem>>
          %dma_wait3A_124 = tpu.memref_squeeze %dma_wait3A_123 : memref<1x128xi32, #tpu.memory_space<vmem>> -> memref<128xi32, #tpu.memory_space<vmem>>
          %dma_wait3A_125 = arith.constant 0 : i32
          %dma_wait3A_126 = arith.constant 0 : i32
          %dma_wait3A_127 = tpu.memref_slice %arg11[%dma_wait3A_125, %dma_wait3A_126] : memref<10112x128xf32, #tpu.memory_space<vmem_shared>> -> memref<10112x128xf32, #tpu.memory_space<vmem_shared>>
          tpu.wait_indirect_dma semaphore(%arg15 : memref<!tpu.dma_semaphore, #tpu.memory_space<semaphore_mem>>) src(%arg10 : memref<128x128xf32, #tpu.memory_space<vmem>>) dst(%dma_wait3A_127 : memref<10112x128xf32, #tpu.memory_space<vmem_shared>>)
        } else {
        }
        %add3A_92 = arith.constant 2 : i32
        %add3A_93 = arith.addi %add3A_75, %add3A_92 : i32
        %sub3A = arith.constant 1 : i32
        %sub3A_94 = arith.subi %add3A_93, %sub3A : i32
        %dma_start3A_95 = arith.constant 0 : i32
        %dma_start3A_96 = tpu.memref_slice %arg7[%sub3A_94, %dma_start3A_95] : memref<64x128xi32, #tpu.memory_space<vmem>> -> memref<1x128xi32, #tpu.memory_space<vmem>>
        %dma_start3A_97 = tpu.memref_squeeze %dma_start3A_96 : memref<1x128xi32, #tpu.memory_space<vmem>> -> memref<128xi32, #tpu.memory_space<vmem>>
        %dma_start3A_98 = arith.constant 0 : i32
        %dma_start3A_99 = arith.constant 0 : i32
        %dma_start3A_100 = tpu.memref_slice %arg2[%dma_start3A_98, %dma_start3A_99] : memref<10000x128xf32, #tpu.memory_space<hbm>> -> memref<10000x128xf32, #tpu.memory_space<hbm>>
        tpu.enqueue_indirect_dma source(%dma_start3A_100 : memref<10000x128xf32, #tpu.memory_space<hbm>>) target(%arg10 : memref<128x128xf32, #tpu.memory_space<vmem>>) offsets(%dma_start3A_97 : memref<128xi32, #tpu.memory_space<vmem>>) semaphore(%arg13 : memref<!tpu.dma_semaphore, #tpu.memory_space<semaphore_mem>>)
        %mul3A_101 = arith.constant 2 : i32
        %mul3A_102 = arith.muli %scan3A_71, %mul3A_101 : i32
        %add3A_103 = arith.constant 1 : i32
        %add3A_104 = arith.addi %mul3A_102, %add3A_103 : i32
        %dma_wait3A_105 = arith.constant 0 : i32
        %dma_wait3A_106 = tpu.memref_slice %arg7[%add3A_104, %dma_wait3A_105] : memref<64x128xi32, #tpu.memory_space<vmem>> -> memref<1x128xi32, #tpu.memory_space<vmem>>
        %dma_wait3A_107 = tpu.memref_squeeze %dma_wait3A_106 : memref<1x128xi32, #tpu.memory_space<vmem>> -> memref<128xi32, #tpu.memory_space<vmem>>
        %dma_wait3A_108 = arith.constant 0 : i32
        %dma_wait3A_109 = arith.constant 0 : i32
        %dma_wait3A_110 = tpu.memref_slice %arg2[%dma_wait3A_108, %dma_wait3A_109] : memref<10000x128xf32, #tpu.memory_space<hbm>> -> memref<10000x128xf32, #tpu.memory_space<hbm>>
        tpu.wait_indirect_dma semaphore(%arg13 : memref<!tpu.dma_semaphore, #tpu.memory_space<semaphore_mem>>) src(%dma_wait3A_110 : memref<10000x128xf32, #tpu.memory_space<hbm>>) dst(%arg10 : memref<128x128xf32, #tpu.memory_space<vmem>>)
        %dma_start3A_111 = arith.constant 0 : i32
        %dma_start3A_112 = tpu.memref_slice %arg8[%add3A_104, %dma_start3A_111] : memref<64x128xi32, #tpu.memory_space<vmem>> -> memref<1x128xi32, #tpu.memory_space<vmem>>
        %dma_start3A_113 = tpu.memref_squeeze %dma_start3A_112 : memref<1x128xi32, #tpu.memory_space<vmem>> -> memref<128xi32, #tpu.memory_space<vmem>>
        %dma_start3A_114 = arith.constant 0 : i32
        %dma_start3A_115 = arith.constant 0 : i32
        %dma_start3A_116 = tpu.memref_slice %arg11[%dma_start3A_114, %dma_start3A_115] : memref<10112x128xf32, #tpu.memory_space<vmem_shared>> -> memref<10112x128xf32, #tpu.memory_space<vmem_shared>>
        tpu.enqueue_indirect_dma source(%arg10 : memref<128x128xf32, #tpu.memory_space<vmem>>) target(%dma_start3A_116 : memref<10112x128xf32, #tpu.memory_space<vmem_shared>>) offsets(%dma_start3A_113 : memref<128xi32, #tpu.memory_space<vmem>>) semaphore(%arg15 : memref<!tpu.dma_semaphore, #tpu.memory_space<semaphore_mem>>) {add = true}
        %lt3A = arith.constant 31 : i32
        %lt3A_117 = arith.cmpi slt, %scan3A_71, %lt3A : i32
        %convert_element_type3A_118 = arith.extui %lt3A_117 : i1 to i32
        %cond3A_119 = arith.constant 0 : i32
        %cond3A_120 = arith.cmpi ne, %convert_element_type3A_118, %cond3A_119 : i32
        scf.if %cond3A_120 {
          %dma_wait3A_121 = arith.constant 0 : i32
          %dma_wait3A_122 = arith.constant 0 : i32
          %dma_wait3A_123 = tpu.memref_slice %arg8[%dma_wait3A_121, %dma_wait3A_122] : memref<64x128xi32, #tpu.memory_space<vmem>> -> memref<1x128xi32, #tpu.memory_space<vmem>>
          %dma_wait3A_124 = tpu.memref_squeeze %dma_wait3A_123 : memref<1x128xi32, #tpu.memory_space<vmem>> -> memref<128xi32, #tpu.memory_space<vmem>>
          %dma_wait3A_125 = arith.constant 0 : i32
          %dma_wait3A_126 = arith.constant 0 : i32
          %dma_wait3A_127 = tpu.memref_slice %arg11[%dma_wait3A_125, %dma_wait3A_126] : memref<10112x128xf32, #tpu.memory_space<vmem_shared>> -> memref<10112x128xf32, #tpu.memory_space<vmem_shared>>
          tpu.wait_indirect_dma semaphore(%arg14 : memref<!tpu.dma_semaphore, #tpu.memory_space<semaphore_mem>>) src(%arg9 : memref<128x128xf32, #tpu.memory_space<vmem>>) dst(%dma_wait3A_127 : memref<10112x128xf32, #tpu.memory_space<vmem_shared>>)
          %add3A_128 = arith.constant 2 : i32
          %add3A_129 = arith.addi %add3A_104, %add3A_128 : i32
          %sub3A_130 = arith.constant 1 : i32
          %sub3A_131 = arith.subi %add3A_129, %sub3A_130 : i32
          %dma_start3A_132 = arith.constant 0 : i32
          %dma_start3A_133 = tpu.memref_slice %arg7[%sub3A_131, %dma_start3A_132] : memref<64x128xi32, #tpu.memory_space<vmem>> -> memref<1x128xi32, #tpu.memory_space<vmem>>
          %dma_start3A_134 = tpu.memref_squeeze %dma_start3A_133 : memref<1x128xi32, #tpu.memory_space<vmem>> -> memref<128xi32, #tpu.memory_space<vmem>>
          %dma_start3A_135 = arith.constant 0 : i32
          %dma_start3A_136 = arith.constant 0 : i32
          %dma_start3A_137 = tpu.memref_slice %arg2[%dma_start3A_135, %dma_start3A_136] : memref<10000x128xf32, #tpu.memory_space<hbm>> -> memref<10000x128xf32, #tpu.memory_space<hbm>>
          tpu.enqueue_indirect_dma source(%dma_start3A_137 : memref<10000x128xf32, #tpu.memory_space<hbm>>) target(%arg9 : memref<128x128xf32, #tpu.memory_space<vmem>>) offsets(%dma_start3A_134 : memref<128xi32, #tpu.memory_space<vmem>>) semaphore(%arg12 : memref<!tpu.dma_semaphore, #tpu.memory_space<semaphore_mem>>)
        } else {
        }
      }
      %scan3A_28 = arith.constant 32 : i32
      %dma_wait3A = arith.constant 0 : i32
      %dma_wait3A_29 = arith.constant 0 : i32
      %dma_wait3A_30 = tpu.memref_slice %arg8[%dma_wait3A, %dma_wait3A_29] : memref<64x128xi32, #tpu.memory_space<vmem>> -> memref<1x128xi32, #tpu.memory_space<vmem>>
      %dma_wait3A_31 = tpu.memref_squeeze %dma_wait3A_30 : memref<1x128xi32, #tpu.memory_space<vmem>> -> memref<128xi32, #tpu.memory_space<vmem>>
      %dma_wait3A_32 = arith.constant 0 : i32
      %dma_wait3A_33 = arith.constant 0 : i32
      %dma_wait3A_34 = tpu.memref_slice %arg11[%dma_wait3A_32, %dma_wait3A_33] : memref<10112x128xf32, #tpu.memory_space<vmem_shared>> -> memref<10112x128xf32, #tpu.memory_space<vmem_shared>>
      tpu.wait_indirect_dma semaphore(%arg14 : memref<!tpu.dma_semaphore, #tpu.memory_space<semaphore_mem>>) src(%arg9 : memref<128x128xf32, #tpu.memory_space<vmem>>) dst(%dma_wait3A_34 : memref<10112x128xf32, #tpu.memory_space<vmem_shared>>)
      %dma_wait3A_35 = arith.constant 0 : i32
      %dma_wait3A_36 = arith.constant 0 : i32
      %dma_wait3A_37 = tpu.memref_slice %arg8[%dma_wait3A_35, %dma_wait3A_36] : memref<64x128xi32, #tpu.memory_space<vmem>> -> memref<1x128xi32, #tpu.memory_space<vmem>>
      %dma_wait3A_38 = tpu.memref_squeeze %dma_wait3A_37 : memref<1x128xi32, #tpu.memory_space<vmem>> -> memref<128xi32, #tpu.memory_space<vmem>>
      %dma_wait3A_39 = arith.constant 0 : i32
      %dma_wait3A_40 = arith.constant 0 : i32
      %dma_wait3A_41 = tpu.memref_slice %arg11[%dma_wait3A_39, %dma_wait3A_40] : memref<10112x128xf32, #tpu.memory_space<vmem_shared>> -> memref<10112x128xf32, #tpu.memory_space<vmem_shared>>
      tpu.wait_indirect_dma semaphore(%arg15 : memref<!tpu.dma_semaphore, #tpu.memory_space<semaphore_mem>>) src(%arg10 : memref<128x128xf32, #tpu.memory_space<vmem>>) dst(%dma_wait3A_41 : memref<10112x128xf32, #tpu.memory_space<vmem_shared>>)
      %add3A_42 = arith.constant 64 : i32
      %add3A_43 = arith.addi %mul3A_16, %add3A_42 : i32
      "tpu.region"() ({
        %run_scoped3A = tpu.sem_alloc : memref<!tpu.dma_semaphore, #tpu.memory_space<semaphore_mem>>
        %dma_start3A_71 = arith.constant 0 : i32
        %dma_start3A_72 = arith.constant 0 : i32
        %dma_start3A_73 = tpu.memref_slice %arg7[%dma_start3A_71, %dma_start3A_72] : memref<64x128xi32, #tpu.memory_space<vmem>> -> memref<64x128xi32, #tpu.memory_space<vmem>>
        %dma_start3A_74 = arith.constant 0 : i32
        %dma_start3A_75 = tpu.memref_slice %arg3[%add3A_43, %dma_start3A_74] : memref<2560x128xi32, #tpu.memory_space<hbm>> -> memref<64x128xi32, #tpu.memory_space<hbm>>
        %dma_start3A_76 = arith.constant 0 : i32
        %dma_start3A_77 = arith.constant 0 : i32
        %dma_start3A_78 = tpu.memref_slice %arg7[%dma_start3A_76, %dma_start3A_77] : memref<64x128xi32, #tpu.memory_space<vmem>> -> memref<64x128xi32, #tpu.memory_space<vmem>>
        %dma_start3A_79 = arith.constant 0 : i32
        %dma_start3A_80 = tpu.memref_slice %arg3[%add3A_43, %dma_start3A_79] : memref<2560x128xi32, #tpu.memory_space<hbm>> -> memref<64x128xi32, #tpu.memory_space<hbm>>
        tpu.enqueue_dma source(%dma_start3A_80 : memref<64x128xi32, #tpu.memory_space<hbm>>) target(%dma_start3A_78 : memref<64x128xi32, #tpu.memory_space<vmem>>) target_semaphore(%run_scoped3A : memref<!tpu.dma_semaphore, #tpu.memory_space<semaphore_mem>>)
        %dma_wait3A_81 = arith.constant 0 : i32
        %dma_wait3A_82 = arith.constant 0 : i32
        %dma_wait3A_83 = tpu.memref_slice %arg7[%dma_wait3A_81, %dma_wait3A_82] : memref<64x128xi32, #tpu.memory_space<vmem>> -> memref<64x128xi32, #tpu.memory_space<vmem>>
        %dma_wait3A_84 = arith.constant 0 : i32
        %dma_wait3A_85 = tpu.memref_slice %arg3[%add3A_43, %dma_wait3A_84] : memref<2560x128xi32, #tpu.memory_space<hbm>> -> memref<64x128xi32, #tpu.memory_space<hbm>>
        %dma_wait3A_86 = arith.constant 0 : i32
        %dma_wait3A_87 = arith.constant 0 : i32
        %dma_wait3A_88 = tpu.memref_slice %arg7[%dma_wait3A_86, %dma_wait3A_87] : memref<64x128xi32, #tpu.memory_space<vmem>> -> memref<64x128xi32, #tpu.memory_space<vmem>>
        %dma_wait3A_89 = arith.constant 0 : i32
        %dma_wait3A_90 = tpu.memref_slice %arg3[%add3A_43, %dma_wait3A_89] : memref<2560x128xi32, #tpu.memory_space<hbm>> -> memref<64x128xi32, #tpu.memory_space<hbm>>
        tpu.wait_dma2 semaphore(%run_scoped3A : memref<!tpu.dma_semaphore, #tpu.memory_space<semaphore_mem>>) src(%dma_wait3A_90 : memref<64x128xi32, #tpu.memory_space<hbm>>) dst(%dma_wait3A_88 : memref<64x128xi32, #tpu.memory_space<vmem>>)
        tpu.yield
      }) : () -> ()
      "tpu.region"() ({
        %run_scoped3A = tpu.sem_alloc : memref<!tpu.dma_semaphore, #tpu.memory_space<semaphore_mem>>
        %dma_start3A_71 = arith.constant 0 : i32
        %dma_start3A_72 = arith.constant 0 : i32
        %dma_start3A_73 = tpu.memref_slice %arg8[%dma_start3A_71, %dma_start3A_72] : memref<64x128xi32, #tpu.memory_space<vmem>> -> memref<64x128xi32, #tpu.memory_space<vmem>>
        %dma_start3A_74 = arith.constant 0 : i32
        %dma_start3A_75 = tpu.memref_slice %arg4[%add3A_43, %dma_start3A_74] : memref<2560x128xi32, #tpu.memory_space<hbm>> -> memref<64x128xi32, #tpu.memory_space<hbm>>
        %dma_start3A_76 = arith.constant 0 : i32
        %dma_start3A_77 = arith.constant 0 : i32
        %dma_start3A_78 = tpu.memref_slice %arg8[%dma_start3A_76, %dma_start3A_77] : memref<64x128xi32, #tpu.memory_space<vmem>> -> memref<64x128xi32, #tpu.memory_space<vmem>>
        %dma_start3A_79 = arith.constant 0 : i32
        %dma_start3A_80 = tpu.memref_slice %arg4[%add3A_43, %dma_start3A_79] : memref<2560x128xi32, #tpu.memory_space<hbm>> -> memref<64x128xi32, #tpu.memory_space<hbm>>
        tpu.enqueue_dma source(%dma_start3A_80 : memref<64x128xi32, #tpu.memory_space<hbm>>) target(%dma_start3A_78 : memref<64x128xi32, #tpu.memory_space<vmem>>) target_semaphore(%run_scoped3A : memref<!tpu.dma_semaphore, #tpu.memory_space<semaphore_mem>>)
        %dma_wait3A_81 = arith.constant 0 : i32
        %dma_wait3A_82 = arith.constant 0 : i32
        %dma_wait3A_83 = tpu.memref_slice %arg8[%dma_wait3A_81, %dma_wait3A_82] : memref<64x128xi32, #tpu.memory_space<vmem>> -> memref<64x128xi32, #tpu.memory_space<vmem>>
        %dma_wait3A_84 = arith.constant 0 : i32
        %dma_wait3A_85 = tpu.memref_slice %arg4[%add3A_43, %dma_wait3A_84] : memref<2560x128xi32, #tpu.memory_space<hbm>> -> memref<64x128xi32, #tpu.memory_space<hbm>>
        %dma_wait3A_86 = arith.constant 0 : i32
        %dma_wait3A_87 = arith.constant 0 : i32
        %dma_wait3A_88 = tpu.memref_slice %arg8[%dma_wait3A_86, %dma_wait3A_87] : memref<64x128xi32, #tpu.memory_space<vmem>> -> memref<64x128xi32, #tpu.memory_space<vmem>>
        %dma_wait3A_89 = arith.constant 0 : i32
        %dma_wait3A_90 = tpu.memref_slice %arg4[%add3A_43, %dma_wait3A_89] : memref<2560x128xi32, #tpu.memory_space<hbm>> -> memref<64x128xi32, #tpu.memory_space<hbm>>
        tpu.wait_dma2 semaphore(%run_scoped3A : memref<!tpu.dma_semaphore, #tpu.memory_space<semaphore_mem>>) src(%dma_wait3A_90 : memref<64x128xi32, #tpu.memory_space<hbm>>) dst(%dma_wait3A_88 : memref<64x128xi32, #tpu.memory_space<vmem>>)
        tpu.yield
      }) : () -> ()
      %dma_start3A_44 = arith.constant 0 : i32
      %dma_start3A_45 = arith.constant 0 : i32
      %dma_start3A_46 = tpu.memref_slice %arg7[%dma_start3A_44, %dma_start3A_45] : memref<64x128xi32, #tpu.memory_space<vmem>> -> memref<1x128xi32, #tpu.memory_space<vmem>>
      %dma_start3A_47 = tpu.memref_squeeze %dma_start3A_46 : memref<1x128xi32, #tpu.memory_space<vmem>> -> memref<128xi32, #tpu.memory_space<vmem>>
      %dma_start3A_48 = arith.constant 0 : i32
      %dma_start3A_49 = arith.constant 0 : i32
      %dma_start3A_50 = tpu.memref_slice %arg2[%dma_start3A_48, %dma_start3A_49] : memref<10000x128xf32, #tpu.memory_space<hbm>> -> memref<10000x128xf32, #tpu.memory_space<hbm>>
      tpu.enqueue_indirect_dma source(%dma_start3A_50 : memref<10000x128xf32, #tpu.memory_space<hbm>>) target(%arg9 : memref<128x128xf32, #tpu.memory_space<vmem>>) offsets(%dma_start3A_47 : memref<128xi32, #tpu.memory_space<vmem>>) semaphore(%arg12 : memref<!tpu.dma_semaphore, #tpu.memory_space<semaphore_mem>>)
      %scan3A_51 = arith.constant 0 : i32
      %scan3A_52 = arith.constant 0 : i32
      %scan3A_53 = arith.constant 32 : i32
      %scan3A_54 = arith.addi %scan3A_52, %scan3A_53 : i32
      %scan3A_55 = arith.constant 1 : i32
      scf.for %scan3A_71 = %scan3A_52 to %scan3A_54 step %scan3A_55  : i32 {
        %mul3A_72 = arith.constant 2 : i32
        %mul3A_73 = arith.muli %scan3A_71, %mul3A_72 : i32
        %add3A_74 = arith.constant 0 : i32
        %add3A_75 = arith.addi %mul3A_73, %add3A_74 : i32
        %dma_wait3A_76 = arith.constant 0 : i32
        %dma_wait3A_77 = tpu.memref_slice %arg7[%add3A_75, %dma_wait3A_76] : memref<64x128xi32, #tpu.memory_space<vmem>> -> memref<1x128xi32, #tpu.memory_space<vmem>>
        %dma_wait3A_78 = tpu.memref_squeeze %dma_wait3A_77 : memref<1x128xi32, #tpu.memory_space<vmem>> -> memref<128xi32, #tpu.memory_space<vmem>>
        %dma_wait3A_79 = arith.constant 0 : i32
        %dma_wait3A_80 = arith.constant 0 : i32
        %dma_wait3A_81 = tpu.memref_slice %arg2[%dma_wait3A_79, %dma_wait3A_80] : memref<10000x128xf32, #tpu.memory_space<hbm>> -> memref<10000x128xf32, #tpu.memory_space<hbm>>
        tpu.wait_indirect_dma semaphore(%arg12 : memref<!tpu.dma_semaphore, #tpu.memory_space<semaphore_mem>>) src(%dma_wait3A_81 : memref<10000x128xf32, #tpu.memory_space<hbm>>) dst(%arg9 : memref<128x128xf32, #tpu.memory_space<vmem>>)
        %dma_start3A_82 = arith.constant 0 : i32
        %dma_start3A_83 = tpu.memref_slice %arg8[%add3A_75, %dma_start3A_82] : memref<64x128xi32, #tpu.memory_space<vmem>> -> memref<1x128xi32, #tpu.memory_space<vmem>>
        %dma_start3A_84 = tpu.memref_squeeze %dma_start3A_83 : memref<1x128xi32, #tpu.memory_space<vmem>> -> memref<128xi32, #tpu.memory_space<vmem>>
        %dma_start3A_85 = arith.constant 0 : i32
        %dma_start3A_86 = arith.constant 0 : i32
        %dma_start3A_87 = tpu.memref_slice %arg11[%dma_start3A_85, %dma_start3A_86] : memref<10112x128xf32, #tpu.memory_space<vmem_shared>> -> memref<10112x128xf32, #tpu.memory_space<vmem_shared>>
        tpu.enqueue_indirect_dma source(%arg9 : memref<128x128xf32, #tpu.memory_space<vmem>>) target(%dma_start3A_87 : memref<10112x128xf32, #tpu.memory_space<vmem_shared>>) offsets(%dma_start3A_84 : memref<128xi32, #tpu.memory_space<vmem>>) semaphore(%arg14 : memref<!tpu.dma_semaphore, #tpu.memory_space<semaphore_mem>>) {add = true}
        %gt3A = arith.constant 0 : i32
        %gt3A_88 = arith.cmpi sgt, %scan3A_71, %gt3A : i32
        %convert_element_type3A_89 = arith.extui %gt3A_88 : i1 to i32
        %cond3A_90 = arith.constant 0 : i32
        %cond3A_91 = arith.cmpi ne, %convert_element_type3A_89, %cond3A_90 : i32
        scf.if %cond3A_91 {
          %dma_wait3A_121 = arith.constant 0 : i32
          %dma_wait3A_122 = arith.constant 0 : i32
          %dma_wait3A_123 = tpu.memref_slice %arg8[%dma_wait3A_121, %dma_wait3A_122] : memref<64x128xi32, #tpu.memory_space<vmem>> -> memref<1x128xi32, #tpu.memory_space<vmem>>
          %dma_wait3A_124 = tpu.memref_squeeze %dma_wait3A_123 : memref<1x128xi32, #tpu.memory_space<vmem>> -> memref<128xi32, #tpu.memory_space<vmem>>
          %dma_wait3A_125 = arith.constant 0 : i32
          %dma_wait3A_126 = arith.constant 0 : i32
          %dma_wait3A_127 = tpu.memref_slice %arg11[%dma_wait3A_125, %dma_wait3A_126] : memref<10112x128xf32, #tpu.memory_space<vmem_shared>> -> memref<10112x128xf32, #tpu.memory_space<vmem_shared>>
          tpu.wait_indirect_dma semaphore(%arg15 : memref<!tpu.dma_semaphore, #tpu.memory_space<semaphore_mem>>) src(%arg10 : memref<128x128xf32, #tpu.memory_space<vmem>>) dst(%dma_wait3A_127 : memref<10112x128xf32, #tpu.memory_space<vmem_shared>>)
        } else {
        }
        %add3A_92 = arith.constant 2 : i32
        %add3A_93 = arith.addi %add3A_75, %add3A_92 : i32
        %sub3A = arith.constant 1 : i32
        %sub3A_94 = arith.subi %add3A_93, %sub3A : i32
        %dma_start3A_95 = arith.constant 0 : i32
        %dma_start3A_96 = tpu.memref_slice %arg7[%sub3A_94, %dma_start3A_95] : memref<64x128xi32, #tpu.memory_space<vmem>> -> memref<1x128xi32, #tpu.memory_space<vmem>>
        %dma_start3A_97 = tpu.memref_squeeze %dma_start3A_96 : memref<1x128xi32, #tpu.memory_space<vmem>> -> memref<128xi32, #tpu.memory_space<vmem>>
        %dma_start3A_98 = arith.constant 0 : i32
        %dma_start3A_99 = arith.constant 0 : i32
        %dma_start3A_100 = tpu.memref_slice %arg2[%dma_start3A_98, %dma_start3A_99] : memref<10000x128xf32, #tpu.memory_space<hbm>> -> memref<10000x128xf32, #tpu.memory_space<hbm>>
        tpu.enqueue_indirect_dma source(%dma_start3A_100 : memref<10000x128xf32, #tpu.memory_space<hbm>>) target(%arg10 : memref<128x128xf32, #tpu.memory_space<vmem>>) offsets(%dma_start3A_97 : memref<128xi32, #tpu.memory_space<vmem>>) semaphore(%arg13 : memref<!tpu.dma_semaphore, #tpu.memory_space<semaphore_mem>>)
        %mul3A_101 = arith.constant 2 : i32
        %mul3A_102 = arith.muli %scan3A_71, %mul3A_101 : i32
        %add3A_103 = arith.constant 1 : i32
        %add3A_104 = arith.addi %mul3A_102, %add3A_103 : i32
        %dma_wait3A_105 = arith.constant 0 : i32
        %dma_wait3A_106 = tpu.memref_slice %arg7[%add3A_104, %dma_wait3A_105] : memref<64x128xi32, #tpu.memory_space<vmem>> -> memref<1x128xi32, #tpu.memory_space<vmem>>
        %dma_wait3A_107 = tpu.memref_squeeze %dma_wait3A_106 : memref<1x128xi32, #tpu.memory_space<vmem>> -> memref<128xi32, #tpu.memory_space<vmem>>
        %dma_wait3A_108 = arith.constant 0 : i32
        %dma_wait3A_109 = arith.constant 0 : i32
        %dma_wait3A_110 = tpu.memref_slice %arg2[%dma_wait3A_108, %dma_wait3A_109] : memref<10000x128xf32, #tpu.memory_space<hbm>> -> memref<10000x128xf32, #tpu.memory_space<hbm>>
        tpu.wait_indirect_dma semaphore(%arg13 : memref<!tpu.dma_semaphore, #tpu.memory_space<semaphore_mem>>) src(%dma_wait3A_110 : memref<10000x128xf32, #tpu.memory_space<hbm>>) dst(%arg10 : memref<128x128xf32, #tpu.memory_space<vmem>>)
        %dma_start3A_111 = arith.constant 0 : i32
        %dma_start3A_112 = tpu.memref_slice %arg8[%add3A_104, %dma_start3A_111] : memref<64x128xi32, #tpu.memory_space<vmem>> -> memref<1x128xi32, #tpu.memory_space<vmem>>
        %dma_start3A_113 = tpu.memref_squeeze %dma_start3A_112 : memref<1x128xi32, #tpu.memory_space<vmem>> -> memref<128xi32, #tpu.memory_space<vmem>>
        %dma_start3A_114 = arith.constant 0 : i32
        %dma_start3A_115 = arith.constant 0 : i32
        %dma_start3A_116 = tpu.memref_slice %arg11[%dma_start3A_114, %dma_start3A_115] : memref<10112x128xf32, #tpu.memory_space<vmem_shared>> -> memref<10112x128xf32, #tpu.memory_space<vmem_shared>>
        tpu.enqueue_indirect_dma source(%arg10 : memref<128x128xf32, #tpu.memory_space<vmem>>) target(%dma_start3A_116 : memref<10112x128xf32, #tpu.memory_space<vmem_shared>>) offsets(%dma_start3A_113 : memref<128xi32, #tpu.memory_space<vmem>>) semaphore(%arg15 : memref<!tpu.dma_semaphore, #tpu.memory_space<semaphore_mem>>) {add = true}
        %lt3A = arith.constant 31 : i32
        %lt3A_117 = arith.cmpi slt, %scan3A_71, %lt3A : i32
        %convert_element_type3A_118 = arith.extui %lt3A_117 : i1 to i32
        %cond3A_119 = arith.constant 0 : i32
        %cond3A_120 = arith.cmpi ne, %convert_element_type3A_118, %cond3A_119 : i32
        scf.if %cond3A_120 {
          %dma_wait3A_121 = arith.constant 0 : i32
          %dma_wait3A_122 = arith.constant 0 : i32
          %dma_wait3A_123 = tpu.memref_slice %arg8[%dma_wait3A_121, %dma_wait3A_122] : memref<64x128xi32, #tpu.memory_space<vmem>> -> memref<1x128xi32, #tpu.memory_space<vmem>>
          %dma_wait3A_124 = tpu.memref_squeeze %dma_wait3A_123 : memref<1x128xi32, #tpu.memory_space<vmem>> -> memref<128xi32, #tpu.memory_space<vmem>>
          %dma_wait3A_125 = arith.constant 0 : i32
          %dma_wait3A_126 = arith.constant 0 : i32
          %dma_wait3A_127 = tpu.memref_slice %arg11[%dma_wait3A_125, %dma_wait3A_126] : memref<10112x128xf32, #tpu.memory_space<vmem_shared>> -> memref<10112x128xf32, #tpu.memory_space<vmem_shared>>
          tpu.wait_indirect_dma semaphore(%arg14 : memref<!tpu.dma_semaphore, #tpu.memory_space<semaphore_mem>>) src(%arg9 : memref<128x128xf32, #tpu.memory_space<vmem>>) dst(%dma_wait3A_127 : memref<10112x128xf32, #tpu.memory_space<vmem_shared>>)
          %add3A_128 = arith.constant 2 : i32
          %add3A_129 = arith.addi %add3A_104, %add3A_128 : i32
          %sub3A_130 = arith.constant 1 : i32
          %sub3A_131 = arith.subi %add3A_129, %sub3A_130 : i32
          %dma_start3A_132 = arith.constant 0 : i32
          %dma_start3A_133 = tpu.memref_slice %arg7[%sub3A_131, %dma_start3A_132] : memref<64x128xi32, #tpu.memory_space<vmem>> -> memref<1x128xi32, #tpu.memory_space<vmem>>
          %dma_start3A_134 = tpu.memref_squeeze %dma_start3A_133 : memref<1x128xi32, #tpu.memory_space<vmem>> -> memref<128xi32, #tpu.memory_space<vmem>>
          %dma_start3A_135 = arith.constant 0 : i32
          %dma_start3A_136 = arith.constant 0 : i32
          %dma_start3A_137 = tpu.memref_slice %arg2[%dma_start3A_135, %dma_start3A_136] : memref<10000x128xf32, #tpu.memory_space<hbm>> -> memref<10000x128xf32, #tpu.memory_space<hbm>>
          tpu.enqueue_indirect_dma source(%dma_start3A_137 : memref<10000x128xf32, #tpu.memory_space<hbm>>) target(%arg9 : memref<128x128xf32, #tpu.memory_space<vmem>>) offsets(%dma_start3A_134 : memref<128xi32, #tpu.memory_space<vmem>>) semaphore(%arg12 : memref<!tpu.dma_semaphore, #tpu.memory_space<semaphore_mem>>)
        } else {
        }
      }
      %scan3A_56 = arith.constant 32 : i32
      %dma_wait3A_57 = arith.constant 0 : i32
      %dma_wait3A_58 = arith.constant 0 : i32
      %dma_wait3A_59 = tpu.memref_slice %arg8[%dma_wait3A_57, %dma_wait3A_58] : memref<64x128xi32, #tpu.memory_space<vmem>> -> memref<1x128xi32, #tpu.memory_space<vmem>>
      %dma_wait3A_60 = tpu.memref_squeeze %dma_wait3A_59 : memref<1x128xi32, #tpu.memory_space<vmem>> -> memref<128xi32, #tpu.memory_space<vmem>>
      %dma_wait3A_61 = arith.constant 0 : i32
      %dma_wait3A_62 = arith.constant 0 : i32
      %dma_wait3A_63 = tpu.memref_slice %arg11[%dma_wait3A_61, %dma_wait3A_62] : memref<10112x128xf32, #tpu.memory_space<vmem_shared>> -> memref<10112x128xf32, #tpu.memory_space<vmem_shared>>
      tpu.wait_indirect_dma semaphore(%arg14 : memref<!tpu.dma_semaphore, #tpu.memory_space<semaphore_mem>>) src(%arg9 : memref<128x128xf32, #tpu.memory_space<vmem>>) dst(%dma_wait3A_63 : memref<10112x128xf32, #tpu.memory_space<vmem_shared>>)
      %dma_wait3A_64 = arith.constant 0 : i32
      %dma_wait3A_65 = arith.constant 0 : i32
      %dma_wait3A_66 = tpu.memref_slice %arg8[%dma_wait3A_64, %dma_wait3A_65] : memref<64x128xi32, #tpu.memory_space<vmem>> -> memref<1x128xi32, #tpu.memory_space<vmem>>
      %dma_wait3A_67 = tpu.memref_squeeze %dma_wait3A_66 : memref<1x128xi32, #tpu.memory_space<vmem>> -> memref<128xi32, #tpu.memory_space<vmem>>
      %dma_wait3A_68 = arith.constant 0 : i32
      %dma_wait3A_69 = arith.constant 0 : i32
      %dma_wait3A_70 = tpu.memref_slice %arg11[%dma_wait3A_68, %dma_wait3A_69] : memref<10112x128xf32, #tpu.memory_space<vmem_shared>> -> memref<10112x128xf32, #tpu.memory_space<vmem_shared>>
      tpu.wait_indirect_dma semaphore(%arg15 : memref<!tpu.dma_semaphore, #tpu.memory_space<semaphore_mem>>) src(%arg10 : memref<128x128xf32, #tpu.memory_space<vmem>>) dst(%dma_wait3A_70 : memref<10112x128xf32, #tpu.memory_space<vmem_shared>>)
    } else {
    }
    %eq3A_5 = arith.constant 1 : i32
    %eq3A_6 = arith.cmpi eq, %arg0, %eq3A_5 : i32
    %convert_element_type3A_7 = arith.extui %eq3A_6 : i1 to i32
    %cond3A_8 = arith.constant 0 : i32
    %cond3A_9 = arith.cmpi ne, %convert_element_type3A_7, %cond3A_8 : i32
    scf.if %cond3A_9 {
      %mul3A_15 = arith.constant 32 : i32
      %mul3A_16 = arith.muli %arg1, %mul3A_15 : i32
      %add3A = arith.constant 2048 : i32
      %add3A_17 = arith.addi %add3A, %mul3A_16 : i32
      %add3A_18 = arith.constant 0 : i32
      %add3A_19 = arith.addi %add3A_17, %add3A_18 : i32
      "tpu.region"() ({
        %run_scoped3A = tpu.sem_alloc : memref<!tpu.dma_semaphore, #tpu.memory_space<semaphore_mem>>
        %dma_start3A_73 = arith.constant 0 : i32
        %dma_start3A_74 = arith.constant 0 : i32
        %dma_start3A_75 = tpu.memref_slice %arg7[%dma_start3A_73, %dma_start3A_74] : memref<64x128xi32, #tpu.memory_space<vmem>> -> memref<16x128xi32, #tpu.memory_space<vmem>>
        %dma_start3A_76 = arith.constant 0 : i32
        %dma_start3A_77 = tpu.memref_slice %arg3[%add3A_19, %dma_start3A_76] : memref<2560x128xi32, #tpu.memory_space<hbm>> -> memref<16x128xi32, #tpu.memory_space<hbm>>
        %dma_start3A_78 = arith.constant 0 : i32
        %dma_start3A_79 = arith.constant 0 : i32
        %dma_start3A_80 = tpu.memref_slice %arg7[%dma_start3A_78, %dma_start3A_79] : memref<64x128xi32, #tpu.memory_space<vmem>> -> memref<16x128xi32, #tpu.memory_space<vmem>>
        %dma_start3A_81 = arith.constant 0 : i32
        %dma_start3A_82 = tpu.memref_slice %arg3[%add3A_19, %dma_start3A_81] : memref<2560x128xi32, #tpu.memory_space<hbm>> -> memref<16x128xi32, #tpu.memory_space<hbm>>
        tpu.enqueue_dma source(%dma_start3A_82 : memref<16x128xi32, #tpu.memory_space<hbm>>) target(%dma_start3A_80 : memref<16x128xi32, #tpu.memory_space<vmem>>) target_semaphore(%run_scoped3A : memref<!tpu.dma_semaphore, #tpu.memory_space<semaphore_mem>>)
        %dma_wait3A_83 = arith.constant 0 : i32
        %dma_wait3A_84 = arith.constant 0 : i32
        %dma_wait3A_85 = tpu.memref_slice %arg7[%dma_wait3A_83, %dma_wait3A_84] : memref<64x128xi32, #tpu.memory_space<vmem>> -> memref<16x128xi32, #tpu.memory_space<vmem>>
        %dma_wait3A_86 = arith.constant 0 : i32
        %dma_wait3A_87 = tpu.memref_slice %arg3[%add3A_19, %dma_wait3A_86] : memref<2560x128xi32, #tpu.memory_space<hbm>> -> memref<16x128xi32, #tpu.memory_space<hbm>>
        %dma_wait3A_88 = arith.constant 0 : i32
        %dma_wait3A_89 = arith.constant 0 : i32
        %dma_wait3A_90 = tpu.memref_slice %arg7[%dma_wait3A_88, %dma_wait3A_89] : memref<64x128xi32, #tpu.memory_space<vmem>> -> memref<16x128xi32, #tpu.memory_space<vmem>>
        %dma_wait3A_91 = arith.constant 0 : i32
        %dma_wait3A_92 = tpu.memref_slice %arg3[%add3A_19, %dma_wait3A_91] : memref<2560x128xi32, #tpu.memory_space<hbm>> -> memref<16x128xi32, #tpu.memory_space<hbm>>
        tpu.wait_dma2 semaphore(%run_scoped3A : memref<!tpu.dma_semaphore, #tpu.memory_space<semaphore_mem>>) src(%dma_wait3A_92 : memref<16x128xi32, #tpu.memory_space<hbm>>) dst(%dma_wait3A_90 : memref<16x128xi32, #tpu.memory_space<vmem>>)
        tpu.yield
      }) : () -> ()
      "tpu.region"() ({
        %run_scoped3A = tpu.sem_alloc : memref<!tpu.dma_semaphore, #tpu.memory_space<semaphore_mem>>
        %dma_start3A_73 = arith.constant 0 : i32
        %dma_start3A_74 = arith.constant 0 : i32
        %dma_start3A_75 = tpu.memref_slice %arg8[%dma_start3A_73, %dma_start3A_74] : memref<64x128xi32, #tpu.memory_space<vmem>> -> memref<16x128xi32, #tpu.memory_space<vmem>>
        %dma_start3A_76 = arith.constant 0 : i32
        %dma_start3A_77 = tpu.memref_slice %arg4[%add3A_19, %dma_start3A_76] : memref<2560x128xi32, #tpu.memory_space<hbm>> -> memref<16x128xi32, #tpu.memory_space<hbm>>
        %dma_start3A_78 = arith.constant 0 : i32
        %dma_start3A_79 = arith.constant 0 : i32
        %dma_start3A_80 = tpu.memref_slice %arg8[%dma_start3A_78, %dma_start3A_79] : memref<64x128xi32, #tpu.memory_space<vmem>> -> memref<16x128xi32, #tpu.memory_space<vmem>>
        %dma_start3A_81 = arith.constant 0 : i32
        %dma_start3A_82 = tpu.memref_slice %arg4[%add3A_19, %dma_start3A_81] : memref<2560x128xi32, #tpu.memory_space<hbm>> -> memref<16x128xi32, #tpu.memory_space<hbm>>
        tpu.enqueue_dma source(%dma_start3A_82 : memref<16x128xi32, #tpu.memory_space<hbm>>) target(%dma_start3A_80 : memref<16x128xi32, #tpu.memory_space<vmem>>) target_semaphore(%run_scoped3A : memref<!tpu.dma_semaphore, #tpu.memory_space<semaphore_mem>>)
        %dma_wait3A_83 = arith.constant 0 : i32
        %dma_wait3A_84 = arith.constant 0 : i32
        %dma_wait3A_85 = tpu.memref_slice %arg8[%dma_wait3A_83, %dma_wait3A_84] : memref<64x128xi32, #tpu.memory_space<vmem>> -> memref<16x128xi32, #tpu.memory_space<vmem>>
        %dma_wait3A_86 = arith.constant 0 : i32
        %dma_wait3A_87 = tpu.memref_slice %arg4[%add3A_19, %dma_wait3A_86] : memref<2560x128xi32, #tpu.memory_space<hbm>> -> memref<16x128xi32, #tpu.memory_space<hbm>>
        %dma_wait3A_88 = arith.constant 0 : i32
        %dma_wait3A_89 = arith.constant 0 : i32
        %dma_wait3A_90 = tpu.memref_slice %arg8[%dma_wait3A_88, %dma_wait3A_89] : memref<64x128xi32, #tpu.memory_space<vmem>> -> memref<16x128xi32, #tpu.memory_space<vmem>>
        %dma_wait3A_91 = arith.constant 0 : i32
        %dma_wait3A_92 = tpu.memref_slice %arg4[%add3A_19, %dma_wait3A_91] : memref<2560x128xi32, #tpu.memory_space<hbm>> -> memref<16x128xi32, #tpu.memory_space<hbm>>
        tpu.wait_dma2 semaphore(%run_scoped3A : memref<!tpu.dma_semaphore, #tpu.memory_space<semaphore_mem>>) src(%dma_wait3A_92 : memref<16x128xi32, #tpu.memory_space<hbm>>) dst(%dma_wait3A_90 : memref<16x128xi32, #tpu.memory_space<vmem>>)
        tpu.yield
      }) : () -> ()
      %dma_start3A = arith.constant 0 : i32
      %dma_start3A_20 = arith.constant 0 : i32
      %dma_start3A_21 = tpu.memref_slice %arg7[%dma_start3A, %dma_start3A_20] : memref<64x128xi32, #tpu.memory_space<vmem>> -> memref<1x128xi32, #tpu.memory_space<vmem>>
      %dma_start3A_22 = tpu.memref_squeeze %dma_start3A_21 : memref<1x128xi32, #tpu.memory_space<vmem>> -> memref<128xi32, #tpu.memory_space<vmem>>
      %dma_start3A_23 = arith.constant 0 : i32
      %dma_start3A_24 = arith.constant 0 : i32
      %dma_start3A_25 = tpu.memref_slice %arg2[%dma_start3A_23, %dma_start3A_24] : memref<10000x128xf32, #tpu.memory_space<hbm>> -> memref<10000x128xf32, #tpu.memory_space<hbm>>
      tpu.enqueue_indirect_dma source(%dma_start3A_25 : memref<10000x128xf32, #tpu.memory_space<hbm>>) target(%arg9 : memref<128x128xf32, #tpu.memory_space<vmem>>) offsets(%dma_start3A_22 : memref<128xi32, #tpu.memory_space<vmem>>) semaphore(%arg12 : memref<!tpu.dma_semaphore, #tpu.memory_space<semaphore_mem>>)
      %scan3A = arith.constant 0 : i32
      %scan3A_26 = arith.constant 0 : i32
      %scan3A_27 = arith.constant 8 : i32
      %scan3A_28 = arith.addi %scan3A_26, %scan3A_27 : i32
      %scan3A_29 = arith.constant 1 : i32
      scf.for %scan3A_73 = %scan3A_26 to %scan3A_28 step %scan3A_29  : i32 {
        %mul3A_74 = arith.constant 2 : i32
        %mul3A_75 = arith.muli %scan3A_73, %mul3A_74 : i32
        %add3A_76 = arith.constant 0 : i32
        %add3A_77 = arith.addi %mul3A_75, %add3A_76 : i32
        %dma_wait3A_78 = arith.constant 0 : i32
        %dma_wait3A_79 = tpu.memref_slice %arg7[%add3A_77, %dma_wait3A_78] : memref<64x128xi32, #tpu.memory_space<vmem>> -> memref<1x128xi32, #tpu.memory_space<vmem>>
        %dma_wait3A_80 = tpu.memref_squeeze %dma_wait3A_79 : memref<1x128xi32, #tpu.memory_space<vmem>> -> memref<128xi32, #tpu.memory_space<vmem>>
        %dma_wait3A_81 = arith.constant 0 : i32
        %dma_wait3A_82 = arith.constant 0 : i32
        %dma_wait3A_83 = tpu.memref_slice %arg2[%dma_wait3A_81, %dma_wait3A_82] : memref<10000x128xf32, #tpu.memory_space<hbm>> -> memref<10000x128xf32, #tpu.memory_space<hbm>>
        tpu.wait_indirect_dma semaphore(%arg12 : memref<!tpu.dma_semaphore, #tpu.memory_space<semaphore_mem>>) src(%dma_wait3A_83 : memref<10000x128xf32, #tpu.memory_space<hbm>>) dst(%arg9 : memref<128x128xf32, #tpu.memory_space<vmem>>)
        %dma_start3A_84 = arith.constant 0 : i32
        %dma_start3A_85 = tpu.memref_slice %arg8[%add3A_77, %dma_start3A_84] : memref<64x128xi32, #tpu.memory_space<vmem>> -> memref<1x128xi32, #tpu.memory_space<vmem>>
        %dma_start3A_86 = tpu.memref_squeeze %dma_start3A_85 : memref<1x128xi32, #tpu.memory_space<vmem>> -> memref<128xi32, #tpu.memory_space<vmem>>
        %dma_start3A_87 = arith.constant 0 : i32
        %dma_start3A_88 = arith.constant 0 : i32
        %dma_start3A_89 = tpu.memref_slice %arg11[%dma_start3A_87, %dma_start3A_88] : memref<10112x128xf32, #tpu.memory_space<vmem_shared>> -> memref<10112x128xf32, #tpu.memory_space<vmem_shared>>
        tpu.enqueue_indirect_dma source(%arg9 : memref<128x128xf32, #tpu.memory_space<vmem>>) target(%dma_start3A_89 : memref<10112x128xf32, #tpu.memory_space<vmem_shared>>) offsets(%dma_start3A_86 : memref<128xi32, #tpu.memory_space<vmem>>) semaphore(%arg14 : memref<!tpu.dma_semaphore, #tpu.memory_space<semaphore_mem>>) {add = true}
        %gt3A = arith.constant 0 : i32
        %gt3A_90 = arith.cmpi sgt, %scan3A_73, %gt3A : i32
        %convert_element_type3A_91 = arith.extui %gt3A_90 : i1 to i32
        %cond3A_92 = arith.constant 0 : i32
        %cond3A_93 = arith.cmpi ne, %convert_element_type3A_91, %cond3A_92 : i32
        scf.if %cond3A_93 {
          %dma_wait3A_123 = arith.constant 0 : i32
          %dma_wait3A_124 = arith.constant 0 : i32
          %dma_wait3A_125 = tpu.memref_slice %arg8[%dma_wait3A_123, %dma_wait3A_124] : memref<64x128xi32, #tpu.memory_space<vmem>> -> memref<1x128xi32, #tpu.memory_space<vmem>>
          %dma_wait3A_126 = tpu.memref_squeeze %dma_wait3A_125 : memref<1x128xi32, #tpu.memory_space<vmem>> -> memref<128xi32, #tpu.memory_space<vmem>>
          %dma_wait3A_127 = arith.constant 0 : i32
          %dma_wait3A_128 = arith.constant 0 : i32
          %dma_wait3A_129 = tpu.memref_slice %arg11[%dma_wait3A_127, %dma_wait3A_128] : memref<10112x128xf32, #tpu.memory_space<vmem_shared>> -> memref<10112x128xf32, #tpu.memory_space<vmem_shared>>
          tpu.wait_indirect_dma semaphore(%arg15 : memref<!tpu.dma_semaphore, #tpu.memory_space<semaphore_mem>>) src(%arg10 : memref<128x128xf32, #tpu.memory_space<vmem>>) dst(%dma_wait3A_129 : memref<10112x128xf32, #tpu.memory_space<vmem_shared>>)
        } else {
        }
        %add3A_94 = arith.constant 2 : i32
        %add3A_95 = arith.addi %add3A_77, %add3A_94 : i32
        %sub3A = arith.constant 1 : i32
        %sub3A_96 = arith.subi %add3A_95, %sub3A : i32
        %dma_start3A_97 = arith.constant 0 : i32
        %dma_start3A_98 = tpu.memref_slice %arg7[%sub3A_96, %dma_start3A_97] : memref<64x128xi32, #tpu.memory_space<vmem>> -> memref<1x128xi32, #tpu.memory_space<vmem>>
        %dma_start3A_99 = tpu.memref_squeeze %dma_start3A_98 : memref<1x128xi32, #tpu.memory_space<vmem>> -> memref<128xi32, #tpu.memory_space<vmem>>
        %dma_start3A_100 = arith.constant 0 : i32
        %dma_start3A_101 = arith.constant 0 : i32
        %dma_start3A_102 = tpu.memref_slice %arg2[%dma_start3A_100, %dma_start3A_101] : memref<10000x128xf32, #tpu.memory_space<hbm>> -> memref<10000x128xf32, #tpu.memory_space<hbm>>
        tpu.enqueue_indirect_dma source(%dma_start3A_102 : memref<10000x128xf32, #tpu.memory_space<hbm>>) target(%arg10 : memref<128x128xf32, #tpu.memory_space<vmem>>) offsets(%dma_start3A_99 : memref<128xi32, #tpu.memory_space<vmem>>) semaphore(%arg13 : memref<!tpu.dma_semaphore, #tpu.memory_space<semaphore_mem>>)
        %mul3A_103 = arith.constant 2 : i32
        %mul3A_104 = arith.muli %scan3A_73, %mul3A_103 : i32
        %add3A_105 = arith.constant 1 : i32
        %add3A_106 = arith.addi %mul3A_104, %add3A_105 : i32
        %dma_wait3A_107 = arith.constant 0 : i32
        %dma_wait3A_108 = tpu.memref_slice %arg7[%add3A_106, %dma_wait3A_107] : memref<64x128xi32, #tpu.memory_space<vmem>> -> memref<1x128xi32, #tpu.memory_space<vmem>>
        %dma_wait3A_109 = tpu.memref_squeeze %dma_wait3A_108 : memref<1x128xi32, #tpu.memory_space<vmem>> -> memref<128xi32, #tpu.memory_space<vmem>>
        %dma_wait3A_110 = arith.constant 0 : i32
        %dma_wait3A_111 = arith.constant 0 : i32
        %dma_wait3A_112 = tpu.memref_slice %arg2[%dma_wait3A_110, %dma_wait3A_111] : memref<10000x128xf32, #tpu.memory_space<hbm>> -> memref<10000x128xf32, #tpu.memory_space<hbm>>
        tpu.wait_indirect_dma semaphore(%arg13 : memref<!tpu.dma_semaphore, #tpu.memory_space<semaphore_mem>>) src(%dma_wait3A_112 : memref<10000x128xf32, #tpu.memory_space<hbm>>) dst(%arg10 : memref<128x128xf32, #tpu.memory_space<vmem>>)
        %dma_start3A_113 = arith.constant 0 : i32
        %dma_start3A_114 = tpu.memref_slice %arg8[%add3A_106, %dma_start3A_113] : memref<64x128xi32, #tpu.memory_space<vmem>> -> memref<1x128xi32, #tpu.memory_space<vmem>>
        %dma_start3A_115 = tpu.memref_squeeze %dma_start3A_114 : memref<1x128xi32, #tpu.memory_space<vmem>> -> memref<128xi32, #tpu.memory_space<vmem>>
        %dma_start3A_116 = arith.constant 0 : i32
        %dma_start3A_117 = arith.constant 0 : i32
        %dma_start3A_118 = tpu.memref_slice %arg11[%dma_start3A_116, %dma_start3A_117] : memref<10112x128xf32, #tpu.memory_space<vmem_shared>> -> memref<10112x128xf32, #tpu.memory_space<vmem_shared>>
        tpu.enqueue_indirect_dma source(%arg10 : memref<128x128xf32, #tpu.memory_space<vmem>>) target(%dma_start3A_118 : memref<10112x128xf32, #tpu.memory_space<vmem_shared>>) offsets(%dma_start3A_115 : memref<128xi32, #tpu.memory_space<vmem>>) semaphore(%arg15 : memref<!tpu.dma_semaphore, #tpu.memory_space<semaphore_mem>>) {add = true}
        %lt3A = arith.constant 7 : i32
        %lt3A_119 = arith.cmpi slt, %scan3A_73, %lt3A : i32
        %convert_element_type3A_120 = arith.extui %lt3A_119 : i1 to i32
        %cond3A_121 = arith.constant 0 : i32
        %cond3A_122 = arith.cmpi ne, %convert_element_type3A_120, %cond3A_121 : i32
        scf.if %cond3A_122 {
          %dma_wait3A_123 = arith.constant 0 : i32
          %dma_wait3A_124 = arith.constant 0 : i32
          %dma_wait3A_125 = tpu.memref_slice %arg8[%dma_wait3A_123, %dma_wait3A_124] : memref<64x128xi32, #tpu.memory_space<vmem>> -> memref<1x128xi32, #tpu.memory_space<vmem>>
          %dma_wait3A_126 = tpu.memref_squeeze %dma_wait3A_125 : memref<1x128xi32, #tpu.memory_space<vmem>> -> memref<128xi32, #tpu.memory_space<vmem>>
          %dma_wait3A_127 = arith.constant 0 : i32
          %dma_wait3A_128 = arith.constant 0 : i32
          %dma_wait3A_129 = tpu.memref_slice %arg11[%dma_wait3A_127, %dma_wait3A_128] : memref<10112x128xf32, #tpu.memory_space<vmem_shared>> -> memref<10112x128xf32, #tpu.memory_space<vmem_shared>>
          tpu.wait_indirect_dma semaphore(%arg14 : memref<!tpu.dma_semaphore, #tpu.memory_space<semaphore_mem>>) src(%arg9 : memref<128x128xf32, #tpu.memory_space<vmem>>) dst(%dma_wait3A_129 : memref<10112x128xf32, #tpu.memory_space<vmem_shared>>)
          %add3A_130 = arith.constant 2 : i32
          %add3A_131 = arith.addi %add3A_106, %add3A_130 : i32
          %sub3A_132 = arith.constant 1 : i32
          %sub3A_133 = arith.subi %add3A_131, %sub3A_132 : i32
          %dma_start3A_134 = arith.constant 0 : i32
          %dma_start3A_135 = tpu.memref_slice %arg7[%sub3A_133, %dma_start3A_134] : memref<64x128xi32, #tpu.memory_space<vmem>> -> memref<1x128xi32, #tpu.memory_space<vmem>>
          %dma_start3A_136 = tpu.memref_squeeze %dma_start3A_135 : memref<1x128xi32, #tpu.memory_space<vmem>> -> memref<128xi32, #tpu.memory_space<vmem>>
          %dma_start3A_137 = arith.constant 0 : i32
          %dma_start3A_138 = arith.constant 0 : i32
          %dma_start3A_139 = tpu.memref_slice %arg2[%dma_start3A_137, %dma_start3A_138] : memref<10000x128xf32, #tpu.memory_space<hbm>> -> memref<10000x128xf32, #tpu.memory_space<hbm>>
          tpu.enqueue_indirect_dma source(%dma_start3A_139 : memref<10000x128xf32, #tpu.memory_space<hbm>>) target(%arg9 : memref<128x128xf32, #tpu.memory_space<vmem>>) offsets(%dma_start3A_136 : memref<128xi32, #tpu.memory_space<vmem>>) semaphore(%arg12 : memref<!tpu.dma_semaphore, #tpu.memory_space<semaphore_mem>>)
        } else {
        }
      }
      %scan3A_30 = arith.constant 8 : i32
      %dma_wait3A = arith.constant 0 : i32
      %dma_wait3A_31 = arith.constant 0 : i32
      %dma_wait3A_32 = tpu.memref_slice %arg8[%dma_wait3A, %dma_wait3A_31] : memref<64x128xi32, #tpu.memory_space<vmem>> -> memref<1x128xi32, #tpu.memory_space<vmem>>
      %dma_wait3A_33 = tpu.memref_squeeze %dma_wait3A_32 : memref<1x128xi32, #tpu.memory_space<vmem>> -> memref<128xi32, #tpu.memory_space<vmem>>
      %dma_wait3A_34 = arith.constant 0 : i32
      %dma_wait3A_35 = arith.constant 0 : i32
      %dma_wait3A_36 = tpu.memref_slice %arg11[%dma_wait3A_34, %dma_wait3A_35] : memref<10112x128xf32, #tpu.memory_space<vmem_shared>> -> memref<10112x128xf32, #tpu.memory_space<vmem_shared>>
      tpu.wait_indirect_dma semaphore(%arg14 : memref<!tpu.dma_semaphore, #tpu.memory_space<semaphore_mem>>) src(%arg9 : memref<128x128xf32, #tpu.memory_space<vmem>>) dst(%dma_wait3A_36 : memref<10112x128xf32, #tpu.memory_space<vmem_shared>>)
      %dma_wait3A_37 = arith.constant 0 : i32
      %dma_wait3A_38 = arith.constant 0 : i32
      %dma_wait3A_39 = tpu.memref_slice %arg8[%dma_wait3A_37, %dma_wait3A_38] : memref<64x128xi32, #tpu.memory_space<vmem>> -> memref<1x128xi32, #tpu.memory_space<vmem>>
      %dma_wait3A_40 = tpu.memref_squeeze %dma_wait3A_39 : memref<1x128xi32, #tpu.memory_space<vmem>> -> memref<128xi32, #tpu.memory_space<vmem>>
      %dma_wait3A_41 = arith.constant 0 : i32
      %dma_wait3A_42 = arith.constant 0 : i32
      %dma_wait3A_43 = tpu.memref_slice %arg11[%dma_wait3A_41, %dma_wait3A_42] : memref<10112x128xf32, #tpu.memory_space<vmem_shared>> -> memref<10112x128xf32, #tpu.memory_space<vmem_shared>>
      tpu.wait_indirect_dma semaphore(%arg15 : memref<!tpu.dma_semaphore, #tpu.memory_space<semaphore_mem>>) src(%arg10 : memref<128x128xf32, #tpu.memory_space<vmem>>) dst(%dma_wait3A_43 : memref<10112x128xf32, #tpu.memory_space<vmem_shared>>)
      %add3A_44 = arith.constant 16 : i32
      %add3A_45 = arith.addi %add3A_17, %add3A_44 : i32
      "tpu.region"() ({
        %run_scoped3A = tpu.sem_alloc : memref<!tpu.dma_semaphore, #tpu.memory_space<semaphore_mem>>
        %dma_start3A_73 = arith.constant 0 : i32
        %dma_start3A_74 = arith.constant 0 : i32
        %dma_start3A_75 = tpu.memref_slice %arg7[%dma_start3A_73, %dma_start3A_74] : memref<64x128xi32, #tpu.memory_space<vmem>> -> memref<16x128xi32, #tpu.memory_space<vmem>>
        %dma_start3A_76 = arith.constant 0 : i32
        %dma_start3A_77 = tpu.memref_slice %arg3[%add3A_45, %dma_start3A_76] : memref<2560x128xi32, #tpu.memory_space<hbm>> -> memref<16x128xi32, #tpu.memory_space<hbm>>
        %dma_start3A_78 = arith.constant 0 : i32
        %dma_start3A_79 = arith.constant 0 : i32
        %dma_start3A_80 = tpu.memref_slice %arg7[%dma_start3A_78, %dma_start3A_79] : memref<64x128xi32, #tpu.memory_space<vmem>> -> memref<16x128xi32, #tpu.memory_space<vmem>>
        %dma_start3A_81 = arith.constant 0 : i32
        %dma_start3A_82 = tpu.memref_slice %arg3[%add3A_45, %dma_start3A_81] : memref<2560x128xi32, #tpu.memory_space<hbm>> -> memref<16x128xi32, #tpu.memory_space<hbm>>
        tpu.enqueue_dma source(%dma_start3A_82 : memref<16x128xi32, #tpu.memory_space<hbm>>) target(%dma_start3A_80 : memref<16x128xi32, #tpu.memory_space<vmem>>) target_semaphore(%run_scoped3A : memref<!tpu.dma_semaphore, #tpu.memory_space<semaphore_mem>>)
        %dma_wait3A_83 = arith.constant 0 : i32
        %dma_wait3A_84 = arith.constant 0 : i32
        %dma_wait3A_85 = tpu.memref_slice %arg7[%dma_wait3A_83, %dma_wait3A_84] : memref<64x128xi32, #tpu.memory_space<vmem>> -> memref<16x128xi32, #tpu.memory_space<vmem>>
        %dma_wait3A_86 = arith.constant 0 : i32
        %dma_wait3A_87 = tpu.memref_slice %arg3[%add3A_45, %dma_wait3A_86] : memref<2560x128xi32, #tpu.memory_space<hbm>> -> memref<16x128xi32, #tpu.memory_space<hbm>>
        %dma_wait3A_88 = arith.constant 0 : i32
        %dma_wait3A_89 = arith.constant 0 : i32
        %dma_wait3A_90 = tpu.memref_slice %arg7[%dma_wait3A_88, %dma_wait3A_89] : memref<64x128xi32, #tpu.memory_space<vmem>> -> memref<16x128xi32, #tpu.memory_space<vmem>>
        %dma_wait3A_91 = arith.constant 0 : i32
        %dma_wait3A_92 = tpu.memref_slice %arg3[%add3A_45, %dma_wait3A_91] : memref<2560x128xi32, #tpu.memory_space<hbm>> -> memref<16x128xi32, #tpu.memory_space<hbm>>
        tpu.wait_dma2 semaphore(%run_scoped3A : memref<!tpu.dma_semaphore, #tpu.memory_space<semaphore_mem>>) src(%dma_wait3A_92 : memref<16x128xi32, #tpu.memory_space<hbm>>) dst(%dma_wait3A_90 : memref<16x128xi32, #tpu.memory_space<vmem>>)
        tpu.yield
      }) : () -> ()
      "tpu.region"() ({
        %run_scoped3A = tpu.sem_alloc : memref<!tpu.dma_semaphore, #tpu.memory_space<semaphore_mem>>
        %dma_start3A_73 = arith.constant 0 : i32
        %dma_start3A_74 = arith.constant 0 : i32
        %dma_start3A_75 = tpu.memref_slice %arg8[%dma_start3A_73, %dma_start3A_74] : memref<64x128xi32, #tpu.memory_space<vmem>> -> memref<16x128xi32, #tpu.memory_space<vmem>>
        %dma_start3A_76 = arith.constant 0 : i32
        %dma_start3A_77 = tpu.memref_slice %arg4[%add3A_45, %dma_start3A_76] : memref<2560x128xi32, #tpu.memory_space<hbm>> -> memref<16x128xi32, #tpu.memory_space<hbm>>
        %dma_start3A_78 = arith.constant 0 : i32
        %dma_start3A_79 = arith.constant 0 : i32
        %dma_start3A_80 = tpu.memref_slice %arg8[%dma_start3A_78, %dma_start3A_79] : memref<64x128xi32, #tpu.memory_space<vmem>> -> memref<16x128xi32, #tpu.memory_space<vmem>>
        %dma_start3A_81 = arith.constant 0 : i32
        %dma_start3A_82 = tpu.memref_slice %arg4[%add3A_45, %dma_start3A_81] : memref<2560x128xi32, #tpu.memory_space<hbm>> -> memref<16x128xi32, #tpu.memory_space<hbm>>
        tpu.enqueue_dma source(%dma_start3A_82 : memref<16x128xi32, #tpu.memory_space<hbm>>) target(%dma_start3A_80 : memref<16x128xi32, #tpu.memory_space<vmem>>) target_semaphore(%run_scoped3A : memref<!tpu.dma_semaphore, #tpu.memory_space<semaphore_mem>>)
        %dma_wait3A_83 = arith.constant 0 : i32
        %dma_wait3A_84 = arith.constant 0 : i32
        %dma_wait3A_85 = tpu.memref_slice %arg8[%dma_wait3A_83, %dma_wait3A_84] : memref<64x128xi32, #tpu.memory_space<vmem>> -> memref<16x128xi32, #tpu.memory_space<vmem>>
        %dma_wait3A_86 = arith.constant 0 : i32
        %dma_wait3A_87 = tpu.memref_slice %arg4[%add3A_45, %dma_wait3A_86] : memref<2560x128xi32, #tpu.memory_space<hbm>> -> memref<16x128xi32, #tpu.memory_space<hbm>>
        %dma_wait3A_88 = arith.constant 0 : i32
        %dma_wait3A_89 = arith.constant 0 : i32
        %dma_wait3A_90 = tpu.memref_slice %arg8[%dma_wait3A_88, %dma_wait3A_89] : memref<64x128xi32, #tpu.memory_space<vmem>> -> memref<16x128xi32, #tpu.memory_space<vmem>>
        %dma_wait3A_91 = arith.constant 0 : i32
        %dma_wait3A_92 = tpu.memref_slice %arg4[%add3A_45, %dma_wait3A_91] : memref<2560x128xi32, #tpu.memory_space<hbm>> -> memref<16x128xi32, #tpu.memory_space<hbm>>
        tpu.wait_dma2 semaphore(%run_scoped3A : memref<!tpu.dma_semaphore, #tpu.memory_space<semaphore_mem>>) src(%dma_wait3A_92 : memref<16x128xi32, #tpu.memory_space<hbm>>) dst(%dma_wait3A_90 : memref<16x128xi32, #tpu.memory_space<vmem>>)
        tpu.yield
      }) : () -> ()
      %dma_start3A_46 = arith.constant 0 : i32
      %dma_start3A_47 = arith.constant 0 : i32
      %dma_start3A_48 = tpu.memref_slice %arg7[%dma_start3A_46, %dma_start3A_47] : memref<64x128xi32, #tpu.memory_space<vmem>> -> memref<1x128xi32, #tpu.memory_space<vmem>>
      %dma_start3A_49 = tpu.memref_squeeze %dma_start3A_48 : memref<1x128xi32, #tpu.memory_space<vmem>> -> memref<128xi32, #tpu.memory_space<vmem>>
      %dma_start3A_50 = arith.constant 0 : i32
      %dma_start3A_51 = arith.constant 0 : i32
      %dma_start3A_52 = tpu.memref_slice %arg2[%dma_start3A_50, %dma_start3A_51] : memref<10000x128xf32, #tpu.memory_space<hbm>> -> memref<10000x128xf32, #tpu.memory_space<hbm>>
      tpu.enqueue_indirect_dma source(%dma_start3A_52 : memref<10000x128xf32, #tpu.memory_space<hbm>>) target(%arg9 : memref<128x128xf32, #tpu.memory_space<vmem>>) offsets(%dma_start3A_49 : memref<128xi32, #tpu.memory_space<vmem>>) semaphore(%arg12 : memref<!tpu.dma_semaphore, #tpu.memory_space<semaphore_mem>>)
      %scan3A_53 = arith.constant 0 : i32
      %scan3A_54 = arith.constant 0 : i32
      %scan3A_55 = arith.constant 8 : i32
      %scan3A_56 = arith.addi %scan3A_54, %scan3A_55 : i32
      %scan3A_57 = arith.constant 1 : i32
      scf.for %scan3A_73 = %scan3A_54 to %scan3A_56 step %scan3A_57  : i32 {
        %mul3A_74 = arith.constant 2 : i32
        %mul3A_75 = arith.muli %scan3A_73, %mul3A_74 : i32
        %add3A_76 = arith.constant 0 : i32
        %add3A_77 = arith.addi %mul3A_75, %add3A_76 : i32
        %dma_wait3A_78 = arith.constant 0 : i32
        %dma_wait3A_79 = tpu.memref_slice %arg7[%add3A_77, %dma_wait3A_78] : memref<64x128xi32, #tpu.memory_space<vmem>> -> memref<1x128xi32, #tpu.memory_space<vmem>>
        %dma_wait3A_80 = tpu.memref_squeeze %dma_wait3A_79 : memref<1x128xi32, #tpu.memory_space<vmem>> -> memref<128xi32, #tpu.memory_space<vmem>>
        %dma_wait3A_81 = arith.constant 0 : i32
        %dma_wait3A_82 = arith.constant 0 : i32
        %dma_wait3A_83 = tpu.memref_slice %arg2[%dma_wait3A_81, %dma_wait3A_82] : memref<10000x128xf32, #tpu.memory_space<hbm>> -> memref<10000x128xf32, #tpu.memory_space<hbm>>
        tpu.wait_indirect_dma semaphore(%arg12 : memref<!tpu.dma_semaphore, #tpu.memory_space<semaphore_mem>>) src(%dma_wait3A_83 : memref<10000x128xf32, #tpu.memory_space<hbm>>) dst(%arg9 : memref<128x128xf32, #tpu.memory_space<vmem>>)
        %dma_start3A_84 = arith.constant 0 : i32
        %dma_start3A_85 = tpu.memref_slice %arg8[%add3A_77, %dma_start3A_84] : memref<64x128xi32, #tpu.memory_space<vmem>> -> memref<1x128xi32, #tpu.memory_space<vmem>>
        %dma_start3A_86 = tpu.memref_squeeze %dma_start3A_85 : memref<1x128xi32, #tpu.memory_space<vmem>> -> memref<128xi32, #tpu.memory_space<vmem>>
        %dma_start3A_87 = arith.constant 0 : i32
        %dma_start3A_88 = arith.constant 0 : i32
        %dma_start3A_89 = tpu.memref_slice %arg11[%dma_start3A_87, %dma_start3A_88] : memref<10112x128xf32, #tpu.memory_space<vmem_shared>> -> memref<10112x128xf32, #tpu.memory_space<vmem_shared>>
        tpu.enqueue_indirect_dma source(%arg9 : memref<128x128xf32, #tpu.memory_space<vmem>>) target(%dma_start3A_89 : memref<10112x128xf32, #tpu.memory_space<vmem_shared>>) offsets(%dma_start3A_86 : memref<128xi32, #tpu.memory_space<vmem>>) semaphore(%arg14 : memref<!tpu.dma_semaphore, #tpu.memory_space<semaphore_mem>>) {add = true}
        %gt3A = arith.constant 0 : i32
        %gt3A_90 = arith.cmpi sgt, %scan3A_73, %gt3A : i32
        %convert_element_type3A_91 = arith.extui %gt3A_90 : i1 to i32
        %cond3A_92 = arith.constant 0 : i32
        %cond3A_93 = arith.cmpi ne, %convert_element_type3A_91, %cond3A_92 : i32
        scf.if %cond3A_93 {
          %dma_wait3A_123 = arith.constant 0 : i32
          %dma_wait3A_124 = arith.constant 0 : i32
          %dma_wait3A_125 = tpu.memref_slice %arg8[%dma_wait3A_123, %dma_wait3A_124] : memref<64x128xi32, #tpu.memory_space<vmem>> -> memref<1x128xi32, #tpu.memory_space<vmem>>
          %dma_wait3A_126 = tpu.memref_squeeze %dma_wait3A_125 : memref<1x128xi32, #tpu.memory_space<vmem>> -> memref<128xi32, #tpu.memory_space<vmem>>
          %dma_wait3A_127 = arith.constant 0 : i32
          %dma_wait3A_128 = arith.constant 0 : i32
          %dma_wait3A_129 = tpu.memref_slice %arg11[%dma_wait3A_127, %dma_wait3A_128] : memref<10112x128xf32, #tpu.memory_space<vmem_shared>> -> memref<10112x128xf32, #tpu.memory_space<vmem_shared>>
          tpu.wait_indirect_dma semaphore(%arg15 : memref<!tpu.dma_semaphore, #tpu.memory_space<semaphore_mem>>) src(%arg10 : memref<128x128xf32, #tpu.memory_space<vmem>>) dst(%dma_wait3A_129 : memref<10112x128xf32, #tpu.memory_space<vmem_shared>>)
        } else {
        }
        %add3A_94 = arith.constant 2 : i32
        %add3A_95 = arith.addi %add3A_77, %add3A_94 : i32
        %sub3A = arith.constant 1 : i32
        %sub3A_96 = arith.subi %add3A_95, %sub3A : i32
        %dma_start3A_97 = arith.constant 0 : i32
        %dma_start3A_98 = tpu.memref_slice %arg7[%sub3A_96, %dma_start3A_97] : memref<64x128xi32, #tpu.memory_space<vmem>> -> memref<1x128xi32, #tpu.memory_space<vmem>>
        %dma_start3A_99 = tpu.memref_squeeze %dma_start3A_98 : memref<1x128xi32, #tpu.memory_space<vmem>> -> memref<128xi32, #tpu.memory_space<vmem>>
        %dma_start3A_100 = arith.constant 0 : i32
        %dma_start3A_101 = arith.constant 0 : i32
        %dma_start3A_102 = tpu.memref_slice %arg2[%dma_start3A_100, %dma_start3A_101] : memref<10000x128xf32, #tpu.memory_space<hbm>> -> memref<10000x128xf32, #tpu.memory_space<hbm>>
        tpu.enqueue_indirect_dma source(%dma_start3A_102 : memref<10000x128xf32, #tpu.memory_space<hbm>>) target(%arg10 : memref<128x128xf32, #tpu.memory_space<vmem>>) offsets(%dma_start3A_99 : memref<128xi32, #tpu.memory_space<vmem>>) semaphore(%arg13 : memref<!tpu.dma_semaphore, #tpu.memory_space<semaphore_mem>>)
        %mul3A_103 = arith.constant 2 : i32
        %mul3A_104 = arith.muli %scan3A_73, %mul3A_103 : i32
        %add3A_105 = arith.constant 1 : i32
        %add3A_106 = arith.addi %mul3A_104, %add3A_105 : i32
        %dma_wait3A_107 = arith.constant 0 : i32
        %dma_wait3A_108 = tpu.memref_slice %arg7[%add3A_106, %dma_wait3A_107] : memref<64x128xi32, #tpu.memory_space<vmem>> -> memref<1x128xi32, #tpu.memory_space<vmem>>
        %dma_wait3A_109 = tpu.memref_squeeze %dma_wait3A_108 : memref<1x128xi32, #tpu.memory_space<vmem>> -> memref<128xi32, #tpu.memory_space<vmem>>
        %dma_wait3A_110 = arith.constant 0 : i32
        %dma_wait3A_111 = arith.constant 0 : i32
        %dma_wait3A_112 = tpu.memref_slice %arg2[%dma_wait3A_110, %dma_wait3A_111] : memref<10000x128xf32, #tpu.memory_space<hbm>> -> memref<10000x128xf32, #tpu.memory_space<hbm>>
        tpu.wait_indirect_dma semaphore(%arg13 : memref<!tpu.dma_semaphore, #tpu.memory_space<semaphore_mem>>) src(%dma_wait3A_112 : memref<10000x128xf32, #tpu.memory_space<hbm>>) dst(%arg10 : memref<128x128xf32, #tpu.memory_space<vmem>>)
        %dma_start3A_113 = arith.constant 0 : i32
        %dma_start3A_114 = tpu.memref_slice %arg8[%add3A_106, %dma_start3A_113] : memref<64x128xi32, #tpu.memory_space<vmem>> -> memref<1x128xi32, #tpu.memory_space<vmem>>
        %dma_start3A_115 = tpu.memref_squeeze %dma_start3A_114 : memref<1x128xi32, #tpu.memory_space<vmem>> -> memref<128xi32, #tpu.memory_space<vmem>>
        %dma_start3A_116 = arith.constant 0 : i32
        %dma_start3A_117 = arith.constant 0 : i32
        %dma_start3A_118 = tpu.memref_slice %arg11[%dma_start3A_116, %dma_start3A_117] : memref<10112x128xf32, #tpu.memory_space<vmem_shared>> -> memref<10112x128xf32, #tpu.memory_space<vmem_shared>>
        tpu.enqueue_indirect_dma source(%arg10 : memref<128x128xf32, #tpu.memory_space<vmem>>) target(%dma_start3A_118 : memref<10112x128xf32, #tpu.memory_space<vmem_shared>>) offsets(%dma_start3A_115 : memref<128xi32, #tpu.memory_space<vmem>>) semaphore(%arg15 : memref<!tpu.dma_semaphore, #tpu.memory_space<semaphore_mem>>) {add = true}
        %lt3A = arith.constant 7 : i32
        %lt3A_119 = arith.cmpi slt, %scan3A_73, %lt3A : i32
        %convert_element_type3A_120 = arith.extui %lt3A_119 : i1 to i32
        %cond3A_121 = arith.constant 0 : i32
        %cond3A_122 = arith.cmpi ne, %convert_element_type3A_120, %cond3A_121 : i32
        scf.if %cond3A_122 {
          %dma_wait3A_123 = arith.constant 0 : i32
          %dma_wait3A_124 = arith.constant 0 : i32
          %dma_wait3A_125 = tpu.memref_slice %arg8[%dma_wait3A_123, %dma_wait3A_124] : memref<64x128xi32, #tpu.memory_space<vmem>> -> memref<1x128xi32, #tpu.memory_space<vmem>>
          %dma_wait3A_126 = tpu.memref_squeeze %dma_wait3A_125 : memref<1x128xi32, #tpu.memory_space<vmem>> -> memref<128xi32, #tpu.memory_space<vmem>>
          %dma_wait3A_127 = arith.constant 0 : i32
          %dma_wait3A_128 = arith.constant 0 : i32
          %dma_wait3A_129 = tpu.memref_slice %arg11[%dma_wait3A_127, %dma_wait3A_128] : memref<10112x128xf32, #tpu.memory_space<vmem_shared>> -> memref<10112x128xf32, #tpu.memory_space<vmem_shared>>
          tpu.wait_indirect_dma semaphore(%arg14 : memref<!tpu.dma_semaphore, #tpu.memory_space<semaphore_mem>>) src(%arg9 : memref<128x128xf32, #tpu.memory_space<vmem>>) dst(%dma_wait3A_129 : memref<10112x128xf32, #tpu.memory_space<vmem_shared>>)
          %add3A_130 = arith.constant 2 : i32
          %add3A_131 = arith.addi %add3A_106, %add3A_130 : i32
          %sub3A_132 = arith.constant 1 : i32
          %sub3A_133 = arith.subi %add3A_131, %sub3A_132 : i32
          %dma_start3A_134 = arith.constant 0 : i32
          %dma_start3A_135 = tpu.memref_slice %arg7[%sub3A_133, %dma_start3A_134] : memref<64x128xi32, #tpu.memory_space<vmem>> -> memref<1x128xi32, #tpu.memory_space<vmem>>
          %dma_start3A_136 = tpu.memref_squeeze %dma_start3A_135 : memref<1x128xi32, #tpu.memory_space<vmem>> -> memref<128xi32, #tpu.memory_space<vmem>>
          %dma_start3A_137 = arith.constant 0 : i32
          %dma_start3A_138 = arith.constant 0 : i32
          %dma_start3A_139 = tpu.memref_slice %arg2[%dma_start3A_137, %dma_start3A_138] : memref<10000x128xf32, #tpu.memory_space<hbm>> -> memref<10000x128xf32, #tpu.memory_space<hbm>>
          tpu.enqueue_indirect_dma source(%dma_start3A_139 : memref<10000x128xf32, #tpu.memory_space<hbm>>) target(%arg9 : memref<128x128xf32, #tpu.memory_space<vmem>>) offsets(%dma_start3A_136 : memref<128xi32, #tpu.memory_space<vmem>>) semaphore(%arg12 : memref<!tpu.dma_semaphore, #tpu.memory_space<semaphore_mem>>)
        } else {
        }
      }
      %scan3A_58 = arith.constant 8 : i32
      %dma_wait3A_59 = arith.constant 0 : i32
      %dma_wait3A_60 = arith.constant 0 : i32
      %dma_wait3A_61 = tpu.memref_slice %arg8[%dma_wait3A_59, %dma_wait3A_60] : memref<64x128xi32, #tpu.memory_space<vmem>> -> memref<1x128xi32, #tpu.memory_space<vmem>>
      %dma_wait3A_62 = tpu.memref_squeeze %dma_wait3A_61 : memref<1x128xi32, #tpu.memory_space<vmem>> -> memref<128xi32, #tpu.memory_space<vmem>>
      %dma_wait3A_63 = arith.constant 0 : i32
      %dma_wait3A_64 = arith.constant 0 : i32
      %dma_wait3A_65 = tpu.memref_slice %arg11[%dma_wait3A_63, %dma_wait3A_64] : memref<10112x128xf32, #tpu.memory_space<vmem_shared>> -> memref<10112x128xf32, #tpu.memory_space<vmem_shared>>
      tpu.wait_indirect_dma semaphore(%arg14 : memref<!tpu.dma_semaphore, #tpu.memory_space<semaphore_mem>>) src(%arg9 : memref<128x128xf32, #tpu.memory_space<vmem>>) dst(%dma_wait3A_65 : memref<10112x128xf32, #tpu.memory_space<vmem_shared>>)
      %dma_wait3A_66 = arith.constant 0 : i32
      %dma_wait3A_67 = arith.constant 0 : i32
      %dma_wait3A_68 = tpu.memref_slice %arg8[%dma_wait3A_66, %dma_wait3A_67] : memref<64x128xi32, #tpu.memory_space<vmem>> -> memref<1x128xi32, #tpu.memory_space<vmem>>
      %dma_wait3A_69 = tpu.memref_squeeze %dma_wait3A_68 : memref<1x128xi32, #tpu.memory_space<vmem>> -> memref<128xi32, #tpu.memory_space<vmem>>
      %dma_wait3A_70 = arith.constant 0 : i32
      %dma_wait3A_71 = arith.constant 0 : i32
      %dma_wait3A_72 = tpu.memref_slice %arg11[%dma_wait3A_70, %dma_wait3A_71] : memref<10112x128xf32, #tpu.memory_space<vmem_shared>> -> memref<10112x128xf32, #tpu.memory_space<vmem_shared>>
      tpu.wait_indirect_dma semaphore(%arg15 : memref<!tpu.dma_semaphore, #tpu.memory_space<semaphore_mem>>) src(%arg10 : memref<128x128xf32, #tpu.memory_space<vmem>>) dst(%dma_wait3A_72 : memref<10112x128xf32, #tpu.memory_space<vmem_shared>>)
    } else {
    }
    %barrier3A_10 = arith.constant 0 : index
    tpu.barrier barrier_id(%barrier3A_10)
    %mul3A_11 = arith.constant 632 : i32
    %mul3A_12 = arith.muli %arg1, %mul3A_11 : i32
    %mul3A_13 = arith.constant 632 : i32
    %mul3A_14 = arith.muli %arg1, %mul3A_13 : i32
    "tpu.region"() ({
      %run_scoped3A = tpu.sem_alloc : memref<!tpu.dma_semaphore, #tpu.memory_space<semaphore_mem>>
      %dma_start3A = arith.constant 0 : i32
      %dma_start3A_15 = tpu.memref_slice %arg6[%arg0, %mul3A_14, %dma_start3A] : memref<2x10112x128xf32, #tpu.memory_space<hbm>> -> memref<1x632x128xf32, #tpu.memory_space<hbm>>
      %dma_start3A_16 = tpu.memref_squeeze %dma_start3A_15 : memref<1x632x128xf32, #tpu.memory_space<hbm>> -> memref<632x128xf32, #tpu.memory_space<hbm>>
      %dma_start3A_17 = arith.constant 0 : i32
      %dma_start3A_18 = tpu.memref_slice %arg11[%mul3A_12, %dma_start3A_17] : memref<10112x128xf32, #tpu.memory_space<vmem_shared>> -> memref<632x128xf32, #tpu.memory_space<vmem_shared>>
      tpu.enqueue_dma source(%dma_start3A_18 : memref<632x128xf32, #tpu.memory_space<vmem_shared>>) target(%dma_start3A_16 : memref<632x128xf32, #tpu.memory_space<hbm>>) target_semaphore(%run_scoped3A : memref<!tpu.dma_semaphore, #tpu.memory_space<semaphore_mem>>)
      %dma_wait3A = arith.constant 0 : i32
      %dma_wait3A_19 = tpu.memref_slice %arg6[%arg0, %mul3A_14, %dma_wait3A] : memref<2x10112x128xf32, #tpu.memory_space<hbm>> -> memref<1x632x128xf32, #tpu.memory_space<hbm>>
      %dma_wait3A_20 = tpu.memref_squeeze %dma_wait3A_19 : memref<1x632x128xf32, #tpu.memory_space<hbm>> -> memref<632x128xf32, #tpu.memory_space<hbm>>
      %dma_wait3A_21 = arith.constant 0 : i32
      %dma_wait3A_22 = tpu.memref_slice %arg11[%mul3A_12, %dma_wait3A_21] : memref<10112x128xf32, #tpu.memory_space<vmem_shared>> -> memref<632x128xf32, #tpu.memory_space<vmem_shared>>
      tpu.wait_dma2 semaphore(%run_scoped3A : memref<!tpu.dma_semaphore, #tpu.memory_space<semaphore_mem>>) src(%dma_wait3A_22 : memref<632x128xf32, #tpu.memory_space<vmem_shared>>) dst(%dma_wait3A_20 : memref<632x128xf32, #tpu.memory_space<hbm>>)
      tpu.yield
    }) : () -> ()
    return
  }
}

#map = affine_map<(d0, d1) -> (0, 0)>
#map1 = affine_map<(d0, d1) -> (0, 0, 0)>
module attributes {stable_mosaic.version = 14 : i64} {
  func.func @sc_spmm(%arg0: i32, %arg1: i32, %arg2: memref<10000x128xf32, #tpu.memory_space<hbm>>, %arg3: memref<2560x128xi32, #tpu.memory_space<hbm>>, %arg4: memref<2560x128xi32, #tpu.memory_space<hbm>>, %arg5: memref<10112x128xf32, #tpu.memory_space<hbm>>, %arg6: memref<2x10112x128xf32, #tpu.memory_space<hbm>>, %arg7: memref<64x128xi32, #tpu.memory_space<vmem>>, %arg8: memref<64x128xi32, #tpu.memory_space<vmem>>, %arg9: memref<128x128xf32, #tpu.memory_space<vmem>>, %arg10: memref<128x128xf32, #tpu.memory_space<vmem>>, %arg11: memref<10112x128xf32, #tpu.memory_space<vmem_shared>>, %arg12: memref<!tpu.dma_semaphore, #tpu.memory_space<semaphore_mem>>, %arg13: memref<!tpu.dma_semaphore, #tpu.memory_space<semaphore_mem>>, %arg14: memref<!tpu.dma_semaphore, #tpu.memory_space<semaphore_mem>>, %arg15: memref<!tpu.dma_semaphore, #tpu.memory_space<semaphore_mem>>) attributes {dimension_semantics = [#tpu.dimension_semantics<core_parallel>, #tpu.dimension_semantics<subcore_parallel>], iteration_bounds = array<i64: 2, 16>, scalar_prefetch = 0 : i64, scratch_operands = 9 : i64, tpu.core_type = #tpu.core_type<sc_vector_subcore>, window_params = [{transform_indices = #map}, {transform_indices = #map}, {transform_indices = #map}, {transform_indices = #map}, {transform_indices = #map1}]} {
    %mul3A = arith.constant 632 : i32
    %mul3A_0 = arith.muli %arg1, %mul3A : i32
    %mul3A_1 = arith.constant 632 : i32
    %mul3A_2 = arith.muli %arg1, %mul3A_1 : i32
    "tpu.region"() ({
      %run_scoped3A = tpu.sem_alloc : memref<!tpu.dma_semaphore, #tpu.memory_space<semaphore_mem>>
      %dma_start3A = arith.constant 0 : i32
      %dma_start3A_15 = tpu.memref_slice %arg11[%mul3A_2, %dma_start3A] : memref<10112x128xf32, #tpu.memory_space<vmem_shared>> -> memref<632x128xf32, #tpu.memory_space<vmem_shared>>
      %dma_start3A_16 = arith.constant 0 : i32
      %dma_start3A_17 = tpu.memref_slice %arg5[%mul3A_0, %dma_start3A_16] : memref<10112x128xf32, #tpu.memory_space<hbm>> -> memref<632x128xf32, #tpu.memory_space<hbm>>
      tpu.enqueue_dma source(%dma_start3A_17 : memref<632x128xf32, #tpu.memory_space<hbm>>) target(%dma_start3A_15 : memref<632x128xf32, #tpu.memory_space<vmem_shared>>) target_semaphore(%run_scoped3A : memref<!tpu.dma_semaphore, #tpu.memory_space<semaphore_mem>>)
      %dma_wait3A = arith.constant 0 : i32
      %dma_wait3A_18 = tpu.memref_slice %arg11[%mul3A_2, %dma_wait3A] : memref<10112x128xf32, #tpu.memory_space<vmem_shared>> -> memref<632x128xf32, #tpu.memory_space<vmem_shared>>
      %dma_wait3A_19 = arith.constant 0 : i32
      %dma_wait3A_20 = tpu.memref_slice %arg5[%mul3A_0, %dma_wait3A_19] : memref<10112x128xf32, #tpu.memory_space<hbm>> -> memref<632x128xf32, #tpu.memory_space<hbm>>
      tpu.wait_dma2 semaphore(%run_scoped3A : memref<!tpu.dma_semaphore, #tpu.memory_space<semaphore_mem>>) src(%dma_wait3A_20 : memref<632x128xf32, #tpu.memory_space<hbm>>) dst(%dma_wait3A_18 : memref<632x128xf32, #tpu.memory_space<vmem_shared>>)
      tpu.yield
    }) : () -> ()
    %barrier3A = arith.constant 0 : index
    tpu.barrier barrier_id(%barrier3A)
    %eq3A = arith.constant 0 : i32
    %eq3A_3 = arith.cmpi eq, %arg0, %eq3A : i32
    %convert_element_type3A = arith.extui %eq3A_3 : i1 to i32
    %cond3A = arith.constant 0 : i32
    %cond3A_4 = arith.cmpi ne, %convert_element_type3A, %cond3A : i32
    scf.if %cond3A_4 {
      %mul3A_15 = arith.constant 128 : i32
      %mul3A_16 = arith.muli %arg1, %mul3A_15 : i32
      %add3A = arith.constant 0 : i32
      %add3A_17 = arith.addi %mul3A_16, %add3A : i32
      "tpu.region"() ({
        %run_scoped3A = tpu.sem_alloc : memref<!tpu.dma_semaphore, #tpu.memory_space<semaphore_mem>>
        %dma_start3A_71 = arith.constant 0 : i32
        %dma_start3A_72 = arith.constant 0 : i32
        %dma_start3A_73 = tpu.memref_slice %arg7[%dma_start3A_71, %dma_start3A_72] : memref<64x128xi32, #tpu.memory_space<vmem>> -> memref<64x128xi32, #tpu.memory_space<vmem>>
        %dma_start3A_74 = arith.constant 0 : i32
        %dma_start3A_75 = tpu.memref_slice %arg3[%add3A_17, %dma_start3A_74] : memref<2560x128xi32, #tpu.memory_space<hbm>> -> memref<64x128xi32, #tpu.memory_space<hbm>>
        %dma_start3A_76 = arith.constant 0 : i32
        %dma_start3A_77 = arith.constant 0 : i32
        %dma_start3A_78 = tpu.memref_slice %arg7[%dma_start3A_76, %dma_start3A_77] : memref<64x128xi32, #tpu.memory_space<vmem>> -> memref<64x128xi32, #tpu.memory_space<vmem>>
        %dma_start3A_79 = arith.constant 0 : i32
        %dma_start3A_80 = tpu.memref_slice %arg3[%add3A_17, %dma_start3A_79] : memref<2560x128xi32, #tpu.memory_space<hbm>> -> memref<64x128xi32, #tpu.memory_space<hbm>>
        tpu.enqueue_dma source(%dma_start3A_80 : memref<64x128xi32, #tpu.memory_space<hbm>>) target(%dma_start3A_78 : memref<64x128xi32, #tpu.memory_space<vmem>>) target_semaphore(%run_scoped3A : memref<!tpu.dma_semaphore, #tpu.memory_space<semaphore_mem>>)
        %dma_wait3A_81 = arith.constant 0 : i32
        %dma_wait3A_82 = arith.constant 0 : i32
        %dma_wait3A_83 = tpu.memref_slice %arg7[%dma_wait3A_81, %dma_wait3A_82] : memref<64x128xi32, #tpu.memory_space<vmem>> -> memref<64x128xi32, #tpu.memory_space<vmem>>
        %dma_wait3A_84 = arith.constant 0 : i32
        %dma_wait3A_85 = tpu.memref_slice %arg3[%add3A_17, %dma_wait3A_84] : memref<2560x128xi32, #tpu.memory_space<hbm>> -> memref<64x128xi32, #tpu.memory_space<hbm>>
        %dma_wait3A_86 = arith.constant 0 : i32
        %dma_wait3A_87 = arith.constant 0 : i32
        %dma_wait3A_88 = tpu.memref_slice %arg7[%dma_wait3A_86, %dma_wait3A_87] : memref<64x128xi32, #tpu.memory_space<vmem>> -> memref<64x128xi32, #tpu.memory_space<vmem>>
        %dma_wait3A_89 = arith.constant 0 : i32
        %dma_wait3A_90 = tpu.memref_slice %arg3[%add3A_17, %dma_wait3A_89] : memref<2560x128xi32, #tpu.memory_space<hbm>> -> memref<64x128xi32, #tpu.memory_space<hbm>>
        tpu.wait_dma2 semaphore(%run_scoped3A : memref<!tpu.dma_semaphore, #tpu.memory_space<semaphore_mem>>) src(%dma_wait3A_90 : memref<64x128xi32, #tpu.memory_space<hbm>>) dst(%dma_wait3A_88 : memref<64x128xi32, #tpu.memory_space<vmem>>)
        tpu.yield
      }) : () -> ()
      "tpu.region"() ({
        %run_scoped3A = tpu.sem_alloc : memref<!tpu.dma_semaphore, #tpu.memory_space<semaphore_mem>>
        %dma_start3A_71 = arith.constant 0 : i32
        %dma_start3A_72 = arith.constant 0 : i32
        %dma_start3A_73 = tpu.memref_slice %arg8[%dma_start3A_71, %dma_start3A_72] : memref<64x128xi32, #tpu.memory_space<vmem>> -> memref<64x128xi32, #tpu.memory_space<vmem>>
        %dma_start3A_74 = arith.constant 0 : i32
        %dma_start3A_75 = tpu.memref_slice %arg4[%add3A_17, %dma_start3A_74] : memref<2560x128xi32, #tpu.memory_space<hbm>> -> memref<64x128xi32, #tpu.memory_space<hbm>>
        %dma_start3A_76 = arith.constant 0 : i32
        %dma_start3A_77 = arith.constant 0 : i32
        %dma_start3A_78 = tpu.memref_slice %arg8[%dma_start3A_76, %dma_start3A_77] : memref<64x128xi32, #tpu.memory_space<vmem>> -> memref<64x128xi32, #tpu.memory_space<vmem>>
        %dma_start3A_79 = arith.constant 0 : i32
        %dma_start3A_80 = tpu.memref_slice %arg4[%add3A_17, %dma_start3A_79] : memref<2560x128xi32, #tpu.memory_space<hbm>> -> memref<64x128xi32, #tpu.memory_space<hbm>>
        tpu.enqueue_dma source(%dma_start3A_80 : memref<64x128xi32, #tpu.memory_space<hbm>>) target(%dma_start3A_78 : memref<64x128xi32, #tpu.memory_space<vmem>>) target_semaphore(%run_scoped3A : memref<!tpu.dma_semaphore, #tpu.memory_space<semaphore_mem>>)
        %dma_wait3A_81 = arith.constant 0 : i32
        %dma_wait3A_82 = arith.constant 0 : i32
        %dma_wait3A_83 = tpu.memref_slice %arg8[%dma_wait3A_81, %dma_wait3A_82] : memref<64x128xi32, #tpu.memory_space<vmem>> -> memref<64x128xi32, #tpu.memory_space<vmem>>
        %dma_wait3A_84 = arith.constant 0 : i32
        %dma_wait3A_85 = tpu.memref_slice %arg4[%add3A_17, %dma_wait3A_84] : memref<2560x128xi32, #tpu.memory_space<hbm>> -> memref<64x128xi32, #tpu.memory_space<hbm>>
        %dma_wait3A_86 = arith.constant 0 : i32
        %dma_wait3A_87 = arith.constant 0 : i32
        %dma_wait3A_88 = tpu.memref_slice %arg8[%dma_wait3A_86, %dma_wait3A_87] : memref<64x128xi32, #tpu.memory_space<vmem>> -> memref<64x128xi32, #tpu.memory_space<vmem>>
        %dma_wait3A_89 = arith.constant 0 : i32
        %dma_wait3A_90 = tpu.memref_slice %arg4[%add3A_17, %dma_wait3A_89] : memref<2560x128xi32, #tpu.memory_space<hbm>> -> memref<64x128xi32, #tpu.memory_space<hbm>>
        tpu.wait_dma2 semaphore(%run_scoped3A : memref<!tpu.dma_semaphore, #tpu.memory_space<semaphore_mem>>) src(%dma_wait3A_90 : memref<64x128xi32, #tpu.memory_space<hbm>>) dst(%dma_wait3A_88 : memref<64x128xi32, #tpu.memory_space<vmem>>)
        tpu.yield
      }) : () -> ()
      %dma_start3A = arith.constant 0 : i32
      %dma_start3A_18 = arith.constant 0 : i32
      %dma_start3A_19 = tpu.memref_slice %arg7[%dma_start3A, %dma_start3A_18] : memref<64x128xi32, #tpu.memory_space<vmem>> -> memref<1x128xi32, #tpu.memory_space<vmem>>
      %dma_start3A_20 = tpu.memref_squeeze %dma_start3A_19 : memref<1x128xi32, #tpu.memory_space<vmem>> -> memref<128xi32, #tpu.memory_space<vmem>>
      %dma_start3A_21 = arith.constant 0 : i32
      %dma_start3A_22 = arith.constant 0 : i32
      %dma_start3A_23 = tpu.memref_slice %arg2[%dma_start3A_21, %dma_start3A_22] : memref<10000x128xf32, #tpu.memory_space<hbm>> -> memref<10000x128xf32, #tpu.memory_space<hbm>>
      tpu.enqueue_indirect_dma source(%dma_start3A_23 : memref<10000x128xf32, #tpu.memory_space<hbm>>) target(%arg9 : memref<128x128xf32, #tpu.memory_space<vmem>>) offsets(%dma_start3A_20 : memref<128xi32, #tpu.memory_space<vmem>>) semaphore(%arg12 : memref<!tpu.dma_semaphore, #tpu.memory_space<semaphore_mem>>)
      %scan3A = arith.constant 0 : i32
      %scan3A_24 = arith.constant 0 : i32
      %scan3A_25 = arith.constant 32 : i32
      %scan3A_26 = arith.addi %scan3A_24, %scan3A_25 : i32
      %scan3A_27 = arith.constant 1 : i32
      scf.for %scan3A_71 = %scan3A_24 to %scan3A_26 step %scan3A_27  : i32 {
        %mul3A_72 = arith.constant 2 : i32
        %mul3A_73 = arith.muli %scan3A_71, %mul3A_72 : i32
        %add3A_74 = arith.constant 0 : i32
        %add3A_75 = arith.addi %mul3A_73, %add3A_74 : i32
        %dma_wait3A_76 = arith.constant 0 : i32
        %dma_wait3A_77 = tpu.memref_slice %arg7[%add3A_75, %dma_wait3A_76] : memref<64x128xi32, #tpu.memory_space<vmem>> -> memref<1x128xi32, #tpu.memory_space<vmem>>
        %dma_wait3A_78 = tpu.memref_squeeze %dma_wait3A_77 : memref<1x128xi32, #tpu.memory_space<vmem>> -> memref<128xi32, #tpu.memory_space<vmem>>
        %dma_wait3A_79 = arith.constant 0 : i32
        %dma_wait3A_80 = arith.constant 0 : i32
        %dma_wait3A_81 = tpu.memref_slice %arg2[%dma_wait3A_79, %dma_wait3A_80] : memref<10000x128xf32, #tpu.memory_space<hbm>> -> memref<10000x128xf32, #tpu.memory_space<hbm>>
        tpu.wait_indirect_dma semaphore(%arg12 : memref<!tpu.dma_semaphore, #tpu.memory_space<semaphore_mem>>) src(%dma_wait3A_81 : memref<10000x128xf32, #tpu.memory_space<hbm>>) dst(%arg9 : memref<128x128xf32, #tpu.memory_space<vmem>>)
        %dma_start3A_82 = arith.constant 0 : i32
        %dma_start3A_83 = tpu.memref_slice %arg8[%add3A_75, %dma_start3A_82] : memref<64x128xi32, #tpu.memory_space<vmem>> -> memref<1x128xi32, #tpu.memory_space<vmem>>
        %dma_start3A_84 = tpu.memref_squeeze %dma_start3A_83 : memref<1x128xi32, #tpu.memory_space<vmem>> -> memref<128xi32, #tpu.memory_space<vmem>>
        %dma_start3A_85 = arith.constant 0 : i32
        %dma_start3A_86 = arith.constant 0 : i32
        %dma_start3A_87 = tpu.memref_slice %arg11[%dma_start3A_85, %dma_start3A_86] : memref<10112x128xf32, #tpu.memory_space<vmem_shared>> -> memref<10112x128xf32, #tpu.memory_space<vmem_shared>>
        tpu.enqueue_indirect_dma source(%arg9 : memref<128x128xf32, #tpu.memory_space<vmem>>) target(%dma_start3A_87 : memref<10112x128xf32, #tpu.memory_space<vmem_shared>>) offsets(%dma_start3A_84 : memref<128xi32, #tpu.memory_space<vmem>>) semaphore(%arg14 : memref<!tpu.dma_semaphore, #tpu.memory_space<semaphore_mem>>) {add = true}
        %gt3A = arith.constant 0 : i32
        %gt3A_88 = arith.cmpi sgt, %scan3A_71, %gt3A : i32
        %convert_element_type3A_89 = arith.extui %gt3A_88 : i1 to i32
        %cond3A_90 = arith.constant 0 : i32
        %cond3A_91 = arith.cmpi ne, %convert_element_type3A_89, %cond3A_90 : i32
        scf.if %cond3A_91 {
          %dma_wait3A_121 = arith.constant 0 : i32
          %dma_wait3A_122 = arith.constant 0 : i32
          %dma_wait3A_123 = tpu.memref_slice %arg8[%dma_wait3A_121, %dma_wait3A_122] : memref<64x128xi32, #tpu.memory_space<vmem>> -> memref<1x128xi32, #tpu.memory_space<vmem>>
          %dma_wait3A_124 = tpu.memref_squeeze %dma_wait3A_123 : memref<1x128xi32, #tpu.memory_space<vmem>> -> memref<128xi32, #tpu.memory_space<vmem>>
          %dma_wait3A_125 = arith.constant 0 : i32
          %dma_wait3A_126 = arith.constant 0 : i32
          %dma_wait3A_127 = tpu.memref_slice %arg11[%dma_wait3A_125, %dma_wait3A_126] : memref<10112x128xf32, #tpu.memory_space<vmem_shared>> -> memref<10112x128xf32, #tpu.memory_space<vmem_shared>>
          tpu.wait_indirect_dma semaphore(%arg15 : memref<!tpu.dma_semaphore, #tpu.memory_space<semaphore_mem>>) src(%arg10 : memref<128x128xf32, #tpu.memory_space<vmem>>) dst(%dma_wait3A_127 : memref<10112x128xf32, #tpu.memory_space<vmem_shared>>)
        } else {
        }
        %add3A_92 = arith.constant 2 : i32
        %add3A_93 = arith.addi %add3A_75, %add3A_92 : i32
        %sub3A = arith.constant 1 : i32
        %sub3A_94 = arith.subi %add3A_93, %sub3A : i32
        %dma_start3A_95 = arith.constant 0 : i32
        %dma_start3A_96 = tpu.memref_slice %arg7[%sub3A_94, %dma_start3A_95] : memref<64x128xi32, #tpu.memory_space<vmem>> -> memref<1x128xi32, #tpu.memory_space<vmem>>
        %dma_start3A_97 = tpu.memref_squeeze %dma_start3A_96 : memref<1x128xi32, #tpu.memory_space<vmem>> -> memref<128xi32, #tpu.memory_space<vmem>>
        %dma_start3A_98 = arith.constant 0 : i32
        %dma_start3A_99 = arith.constant 0 : i32
        %dma_start3A_100 = tpu.memref_slice %arg2[%dma_start3A_98, %dma_start3A_99] : memref<10000x128xf32, #tpu.memory_space<hbm>> -> memref<10000x128xf32, #tpu.memory_space<hbm>>
        tpu.enqueue_indirect_dma source(%dma_start3A_100 : memref<10000x128xf32, #tpu.memory_space<hbm>>) target(%arg10 : memref<128x128xf32, #tpu.memory_space<vmem>>) offsets(%dma_start3A_97 : memref<128xi32, #tpu.memory_space<vmem>>) semaphore(%arg13 : memref<!tpu.dma_semaphore, #tpu.memory_space<semaphore_mem>>)
        %mul3A_101 = arith.constant 2 : i32
        %mul3A_102 = arith.muli %scan3A_71, %mul3A_101 : i32
        %add3A_103 = arith.constant 1 : i32
        %add3A_104 = arith.addi %mul3A_102, %add3A_103 : i32
        %dma_wait3A_105 = arith.constant 0 : i32
        %dma_wait3A_106 = tpu.memref_slice %arg7[%add3A_104, %dma_wait3A_105] : memref<64x128xi32, #tpu.memory_space<vmem>> -> memref<1x128xi32, #tpu.memory_space<vmem>>
        %dma_wait3A_107 = tpu.memref_squeeze %dma_wait3A_106 : memref<1x128xi32, #tpu.memory_space<vmem>> -> memref<128xi32, #tpu.memory_space<vmem>>
        %dma_wait3A_108 = arith.constant 0 : i32
        %dma_wait3A_109 = arith.constant 0 : i32
        %dma_wait3A_110 = tpu.memref_slice %arg2[%dma_wait3A_108, %dma_wait3A_109] : memref<10000x128xf32, #tpu.memory_space<hbm>> -> memref<10000x128xf32, #tpu.memory_space<hbm>>
        tpu.wait_indirect_dma semaphore(%arg13 : memref<!tpu.dma_semaphore, #tpu.memory_space<semaphore_mem>>) src(%dma_wait3A_110 : memref<10000x128xf32, #tpu.memory_space<hbm>>) dst(%arg10 : memref<128x128xf32, #tpu.memory_space<vmem>>)
        %dma_start3A_111 = arith.constant 0 : i32
        %dma_start3A_112 = tpu.memref_slice %arg8[%add3A_104, %dma_start3A_111] : memref<64x128xi32, #tpu.memory_space<vmem>> -> memref<1x128xi32, #tpu.memory_space<vmem>>
        %dma_start3A_113 = tpu.memref_squeeze %dma_start3A_112 : memref<1x128xi32, #tpu.memory_space<vmem>> -> memref<128xi32, #tpu.memory_space<vmem>>
        %dma_start3A_114 = arith.constant 0 : i32
        %dma_start3A_115 = arith.constant 0 : i32
        %dma_start3A_116 = tpu.memref_slice %arg11[%dma_start3A_114, %dma_start3A_115] : memref<10112x128xf32, #tpu.memory_space<vmem_shared>> -> memref<10112x128xf32, #tpu.memory_space<vmem_shared>>
        tpu.enqueue_indirect_dma source(%arg10 : memref<128x128xf32, #tpu.memory_space<vmem>>) target(%dma_start3A_116 : memref<10112x128xf32, #tpu.memory_space<vmem_shared>>) offsets(%dma_start3A_113 : memref<128xi32, #tpu.memory_space<vmem>>) semaphore(%arg15 : memref<!tpu.dma_semaphore, #tpu.memory_space<semaphore_mem>>) {add = true}
        %lt3A = arith.constant 31 : i32
        %lt3A_117 = arith.cmpi slt, %scan3A_71, %lt3A : i32
        %convert_element_type3A_118 = arith.extui %lt3A_117 : i1 to i32
        %cond3A_119 = arith.constant 0 : i32
        %cond3A_120 = arith.cmpi ne, %convert_element_type3A_118, %cond3A_119 : i32
        scf.if %cond3A_120 {
          %dma_wait3A_121 = arith.constant 0 : i32
          %dma_wait3A_122 = arith.constant 0 : i32
          %dma_wait3A_123 = tpu.memref_slice %arg8[%dma_wait3A_121, %dma_wait3A_122] : memref<64x128xi32, #tpu.memory_space<vmem>> -> memref<1x128xi32, #tpu.memory_space<vmem>>
          %dma_wait3A_124 = tpu.memref_squeeze %dma_wait3A_123 : memref<1x128xi32, #tpu.memory_space<vmem>> -> memref<128xi32, #tpu.memory_space<vmem>>
          %dma_wait3A_125 = arith.constant 0 : i32
          %dma_wait3A_126 = arith.constant 0 : i32
          %dma_wait3A_127 = tpu.memref_slice %arg11[%dma_wait3A_125, %dma_wait3A_126] : memref<10112x128xf32, #tpu.memory_space<vmem_shared>> -> memref<10112x128xf32, #tpu.memory_space<vmem_shared>>
          tpu.wait_indirect_dma semaphore(%arg14 : memref<!tpu.dma_semaphore, #tpu.memory_space<semaphore_mem>>) src(%arg9 : memref<128x128xf32, #tpu.memory_space<vmem>>) dst(%dma_wait3A_127 : memref<10112x128xf32, #tpu.memory_space<vmem_shared>>)
          %add3A_128 = arith.constant 2 : i32
          %add3A_129 = arith.addi %add3A_104, %add3A_128 : i32
          %sub3A_130 = arith.constant 1 : i32
          %sub3A_131 = arith.subi %add3A_129, %sub3A_130 : i32
          %dma_start3A_132 = arith.constant 0 : i32
          %dma_start3A_133 = tpu.memref_slice %arg7[%sub3A_131, %dma_start3A_132] : memref<64x128xi32, #tpu.memory_space<vmem>> -> memref<1x128xi32, #tpu.memory_space<vmem>>
          %dma_start3A_134 = tpu.memref_squeeze %dma_start3A_133 : memref<1x128xi32, #tpu.memory_space<vmem>> -> memref<128xi32, #tpu.memory_space<vmem>>
          %dma_start3A_135 = arith.constant 0 : i32
          %dma_start3A_136 = arith.constant 0 : i32
          %dma_start3A_137 = tpu.memref_slice %arg2[%dma_start3A_135, %dma_start3A_136] : memref<10000x128xf32, #tpu.memory_space<hbm>> -> memref<10000x128xf32, #tpu.memory_space<hbm>>
          tpu.enqueue_indirect_dma source(%dma_start3A_137 : memref<10000x128xf32, #tpu.memory_space<hbm>>) target(%arg9 : memref<128x128xf32, #tpu.memory_space<vmem>>) offsets(%dma_start3A_134 : memref<128xi32, #tpu.memory_space<vmem>>) semaphore(%arg12 : memref<!tpu.dma_semaphore, #tpu.memory_space<semaphore_mem>>)
        } else {
        }
      }
      %scan3A_28 = arith.constant 32 : i32
      %dma_wait3A = arith.constant 0 : i32
      %dma_wait3A_29 = arith.constant 0 : i32
      %dma_wait3A_30 = tpu.memref_slice %arg8[%dma_wait3A, %dma_wait3A_29] : memref<64x128xi32, #tpu.memory_space<vmem>> -> memref<1x128xi32, #tpu.memory_space<vmem>>
      %dma_wait3A_31 = tpu.memref_squeeze %dma_wait3A_30 : memref<1x128xi32, #tpu.memory_space<vmem>> -> memref<128xi32, #tpu.memory_space<vmem>>
      %dma_wait3A_32 = arith.constant 0 : i32
      %dma_wait3A_33 = arith.constant 0 : i32
      %dma_wait3A_34 = tpu.memref_slice %arg11[%dma_wait3A_32, %dma_wait3A_33] : memref<10112x128xf32, #tpu.memory_space<vmem_shared>> -> memref<10112x128xf32, #tpu.memory_space<vmem_shared>>
      tpu.wait_indirect_dma semaphore(%arg14 : memref<!tpu.dma_semaphore, #tpu.memory_space<semaphore_mem>>) src(%arg9 : memref<128x128xf32, #tpu.memory_space<vmem>>) dst(%dma_wait3A_34 : memref<10112x128xf32, #tpu.memory_space<vmem_shared>>)
      %dma_wait3A_35 = arith.constant 0 : i32
      %dma_wait3A_36 = arith.constant 0 : i32
      %dma_wait3A_37 = tpu.memref_slice %arg8[%dma_wait3A_35, %dma_wait3A_36] : memref<64x128xi32, #tpu.memory_space<vmem>> -> memref<1x128xi32, #tpu.memory_space<vmem>>
      %dma_wait3A_38 = tpu.memref_squeeze %dma_wait3A_37 : memref<1x128xi32, #tpu.memory_space<vmem>> -> memref<128xi32, #tpu.memory_space<vmem>>
      %dma_wait3A_39 = arith.constant 0 : i32
      %dma_wait3A_40 = arith.constant 0 : i32
      %dma_wait3A_41 = tpu.memref_slice %arg11[%dma_wait3A_39, %dma_wait3A_40] : memref<10112x128xf32, #tpu.memory_space<vmem_shared>> -> memref<10112x128xf32, #tpu.memory_space<vmem_shared>>
      tpu.wait_indirect_dma semaphore(%arg15 : memref<!tpu.dma_semaphore, #tpu.memory_space<semaphore_mem>>) src(%arg10 : memref<128x128xf32, #tpu.memory_space<vmem>>) dst(%dma_wait3A_41 : memref<10112x128xf32, #tpu.memory_space<vmem_shared>>)
      %add3A_42 = arith.constant 64 : i32
      %add3A_43 = arith.addi %mul3A_16, %add3A_42 : i32
      "tpu.region"() ({
        %run_scoped3A = tpu.sem_alloc : memref<!tpu.dma_semaphore, #tpu.memory_space<semaphore_mem>>
        %dma_start3A_71 = arith.constant 0 : i32
        %dma_start3A_72 = arith.constant 0 : i32
        %dma_start3A_73 = tpu.memref_slice %arg7[%dma_start3A_71, %dma_start3A_72] : memref<64x128xi32, #tpu.memory_space<vmem>> -> memref<64x128xi32, #tpu.memory_space<vmem>>
        %dma_start3A_74 = arith.constant 0 : i32
        %dma_start3A_75 = tpu.memref_slice %arg3[%add3A_43, %dma_start3A_74] : memref<2560x128xi32, #tpu.memory_space<hbm>> -> memref<64x128xi32, #tpu.memory_space<hbm>>
        %dma_start3A_76 = arith.constant 0 : i32
        %dma_start3A_77 = arith.constant 0 : i32
        %dma_start3A_78 = tpu.memref_slice %arg7[%dma_start3A_76, %dma_start3A_77] : memref<64x128xi32, #tpu.memory_space<vmem>> -> memref<64x128xi32, #tpu.memory_space<vmem>>
        %dma_start3A_79 = arith.constant 0 : i32
        %dma_start3A_80 = tpu.memref_slice %arg3[%add3A_43, %dma_start3A_79] : memref<2560x128xi32, #tpu.memory_space<hbm>> -> memref<64x128xi32, #tpu.memory_space<hbm>>
        tpu.enqueue_dma source(%dma_start3A_80 : memref<64x128xi32, #tpu.memory_space<hbm>>) target(%dma_start3A_78 : memref<64x128xi32, #tpu.memory_space<vmem>>) target_semaphore(%run_scoped3A : memref<!tpu.dma_semaphore, #tpu.memory_space<semaphore_mem>>)
        %dma_wait3A_81 = arith.constant 0 : i32
        %dma_wait3A_82 = arith.constant 0 : i32
        %dma_wait3A_83 = tpu.memref_slice %arg7[%dma_wait3A_81, %dma_wait3A_82] : memref<64x128xi32, #tpu.memory_space<vmem>> -> memref<64x128xi32, #tpu.memory_space<vmem>>
        %dma_wait3A_84 = arith.constant 0 : i32
        %dma_wait3A_85 = tpu.memref_slice %arg3[%add3A_43, %dma_wait3A_84] : memref<2560x128xi32, #tpu.memory_space<hbm>> -> memref<64x128xi32, #tpu.memory_space<hbm>>
        %dma_wait3A_86 = arith.constant 0 : i32
        %dma_wait3A_87 = arith.constant 0 : i32
        %dma_wait3A_88 = tpu.memref_slice %arg7[%dma_wait3A_86, %dma_wait3A_87] : memref<64x128xi32, #tpu.memory_space<vmem>> -> memref<64x128xi32, #tpu.memory_space<vmem>>
        %dma_wait3A_89 = arith.constant 0 : i32
        %dma_wait3A_90 = tpu.memref_slice %arg3[%add3A_43, %dma_wait3A_89] : memref<2560x128xi32, #tpu.memory_space<hbm>> -> memref<64x128xi32, #tpu.memory_space<hbm>>
        tpu.wait_dma2 semaphore(%run_scoped3A : memref<!tpu.dma_semaphore, #tpu.memory_space<semaphore_mem>>) src(%dma_wait3A_90 : memref<64x128xi32, #tpu.memory_space<hbm>>) dst(%dma_wait3A_88 : memref<64x128xi32, #tpu.memory_space<vmem>>)
        tpu.yield
      }) : () -> ()
      "tpu.region"() ({
        %run_scoped3A = tpu.sem_alloc : memref<!tpu.dma_semaphore, #tpu.memory_space<semaphore_mem>>
        %dma_start3A_71 = arith.constant 0 : i32
        %dma_start3A_72 = arith.constant 0 : i32
        %dma_start3A_73 = tpu.memref_slice %arg8[%dma_start3A_71, %dma_start3A_72] : memref<64x128xi32, #tpu.memory_space<vmem>> -> memref<64x128xi32, #tpu.memory_space<vmem>>
        %dma_start3A_74 = arith.constant 0 : i32
        %dma_start3A_75 = tpu.memref_slice %arg4[%add3A_43, %dma_start3A_74] : memref<2560x128xi32, #tpu.memory_space<hbm>> -> memref<64x128xi32, #tpu.memory_space<hbm>>
        %dma_start3A_76 = arith.constant 0 : i32
        %dma_start3A_77 = arith.constant 0 : i32
        %dma_start3A_78 = tpu.memref_slice %arg8[%dma_start3A_76, %dma_start3A_77] : memref<64x128xi32, #tpu.memory_space<vmem>> -> memref<64x128xi32, #tpu.memory_space<vmem>>
        %dma_start3A_79 = arith.constant 0 : i32
        %dma_start3A_80 = tpu.memref_slice %arg4[%add3A_43, %dma_start3A_79] : memref<2560x128xi32, #tpu.memory_space<hbm>> -> memref<64x128xi32, #tpu.memory_space<hbm>>
        tpu.enqueue_dma source(%dma_start3A_80 : memref<64x128xi32, #tpu.memory_space<hbm>>) target(%dma_start3A_78 : memref<64x128xi32, #tpu.memory_space<vmem>>) target_semaphore(%run_scoped3A : memref<!tpu.dma_semaphore, #tpu.memory_space<semaphore_mem>>)
        %dma_wait3A_81 = arith.constant 0 : i32
        %dma_wait3A_82 = arith.constant 0 : i32
        %dma_wait3A_83 = tpu.memref_slice %arg8[%dma_wait3A_81, %dma_wait3A_82] : memref<64x128xi32, #tpu.memory_space<vmem>> -> memref<64x128xi32, #tpu.memory_space<vmem>>
        %dma_wait3A_84 = arith.constant 0 : i32
        %dma_wait3A_85 = tpu.memref_slice %arg4[%add3A_43, %dma_wait3A_84] : memref<2560x128xi32, #tpu.memory_space<hbm>> -> memref<64x128xi32, #tpu.memory_space<hbm>>
        %dma_wait3A_86 = arith.constant 0 : i32
        %dma_wait3A_87 = arith.constant 0 : i32
        %dma_wait3A_88 = tpu.memref_slice %arg8[%dma_wait3A_86, %dma_wait3A_87] : memref<64x128xi32, #tpu.memory_space<vmem>> -> memref<64x128xi32, #tpu.memory_space<vmem>>
        %dma_wait3A_89 = arith.constant 0 : i32
        %dma_wait3A_90 = tpu.memref_slice %arg4[%add3A_43, %dma_wait3A_89] : memref<2560x128xi32, #tpu.memory_space<hbm>> -> memref<64x128xi32, #tpu.memory_space<hbm>>
        tpu.wait_dma2 semaphore(%run_scoped3A : memref<!tpu.dma_semaphore, #tpu.memory_space<semaphore_mem>>) src(%dma_wait3A_90 : memref<64x128xi32, #tpu.memory_space<hbm>>) dst(%dma_wait3A_88 : memref<64x128xi32, #tpu.memory_space<vmem>>)
        tpu.yield
      }) : () -> ()
      %dma_start3A_44 = arith.constant 0 : i32
      %dma_start3A_45 = arith.constant 0 : i32
      %dma_start3A_46 = tpu.memref_slice %arg7[%dma_start3A_44, %dma_start3A_45] : memref<64x128xi32, #tpu.memory_space<vmem>> -> memref<1x128xi32, #tpu.memory_space<vmem>>
      %dma_start3A_47 = tpu.memref_squeeze %dma_start3A_46 : memref<1x128xi32, #tpu.memory_space<vmem>> -> memref<128xi32, #tpu.memory_space<vmem>>
      %dma_start3A_48 = arith.constant 0 : i32
      %dma_start3A_49 = arith.constant 0 : i32
      %dma_start3A_50 = tpu.memref_slice %arg2[%dma_start3A_48, %dma_start3A_49] : memref<10000x128xf32, #tpu.memory_space<hbm>> -> memref<10000x128xf32, #tpu.memory_space<hbm>>
      tpu.enqueue_indirect_dma source(%dma_start3A_50 : memref<10000x128xf32, #tpu.memory_space<hbm>>) target(%arg9 : memref<128x128xf32, #tpu.memory_space<vmem>>) offsets(%dma_start3A_47 : memref<128xi32, #tpu.memory_space<vmem>>) semaphore(%arg12 : memref<!tpu.dma_semaphore, #tpu.memory_space<semaphore_mem>>)
      %scan3A_51 = arith.constant 0 : i32
      %scan3A_52 = arith.constant 0 : i32
      %scan3A_53 = arith.constant 32 : i32
      %scan3A_54 = arith.addi %scan3A_52, %scan3A_53 : i32
      %scan3A_55 = arith.constant 1 : i32
      scf.for %scan3A_71 = %scan3A_52 to %scan3A_54 step %scan3A_55  : i32 {
        %mul3A_72 = arith.constant 2 : i32
        %mul3A_73 = arith.muli %scan3A_71, %mul3A_72 : i32
        %add3A_74 = arith.constant 0 : i32
        %add3A_75 = arith.addi %mul3A_73, %add3A_74 : i32
        %dma_wait3A_76 = arith.constant 0 : i32
        %dma_wait3A_77 = tpu.memref_slice %arg7[%add3A_75, %dma_wait3A_76] : memref<64x128xi32, #tpu.memory_space<vmem>> -> memref<1x128xi32, #tpu.memory_space<vmem>>
        %dma_wait3A_78 = tpu.memref_squeeze %dma_wait3A_77 : memref<1x128xi32, #tpu.memory_space<vmem>> -> memref<128xi32, #tpu.memory_space<vmem>>
        %dma_wait3A_79 = arith.constant 0 : i32
        %dma_wait3A_80 = arith.constant 0 : i32
        %dma_wait3A_81 = tpu.memref_slice %arg2[%dma_wait3A_79, %dma_wait3A_80] : memref<10000x128xf32, #tpu.memory_space<hbm>> -> memref<10000x128xf32, #tpu.memory_space<hbm>>
        tpu.wait_indirect_dma semaphore(%arg12 : memref<!tpu.dma_semaphore, #tpu.memory_space<semaphore_mem>>) src(%dma_wait3A_81 : memref<10000x128xf32, #tpu.memory_space<hbm>>) dst(%arg9 : memref<128x128xf32, #tpu.memory_space<vmem>>)
        %dma_start3A_82 = arith.constant 0 : i32
        %dma_start3A_83 = tpu.memref_slice %arg8[%add3A_75, %dma_start3A_82] : memref<64x128xi32, #tpu.memory_space<vmem>> -> memref<1x128xi32, #tpu.memory_space<vmem>>
        %dma_start3A_84 = tpu.memref_squeeze %dma_start3A_83 : memref<1x128xi32, #tpu.memory_space<vmem>> -> memref<128xi32, #tpu.memory_space<vmem>>
        %dma_start3A_85 = arith.constant 0 : i32
        %dma_start3A_86 = arith.constant 0 : i32
        %dma_start3A_87 = tpu.memref_slice %arg11[%dma_start3A_85, %dma_start3A_86] : memref<10112x128xf32, #tpu.memory_space<vmem_shared>> -> memref<10112x128xf32, #tpu.memory_space<vmem_shared>>
        tpu.enqueue_indirect_dma source(%arg9 : memref<128x128xf32, #tpu.memory_space<vmem>>) target(%dma_start3A_87 : memref<10112x128xf32, #tpu.memory_space<vmem_shared>>) offsets(%dma_start3A_84 : memref<128xi32, #tpu.memory_space<vmem>>) semaphore(%arg14 : memref<!tpu.dma_semaphore, #tpu.memory_space<semaphore_mem>>) {add = true}
        %gt3A = arith.constant 0 : i32
        %gt3A_88 = arith.cmpi sgt, %scan3A_71, %gt3A : i32
        %convert_element_type3A_89 = arith.extui %gt3A_88 : i1 to i32
        %cond3A_90 = arith.constant 0 : i32
        %cond3A_91 = arith.cmpi ne, %convert_element_type3A_89, %cond3A_90 : i32
        scf.if %cond3A_91 {
          %dma_wait3A_121 = arith.constant 0 : i32
          %dma_wait3A_122 = arith.constant 0 : i32
          %dma_wait3A_123 = tpu.memref_slice %arg8[%dma_wait3A_121, %dma_wait3A_122] : memref<64x128xi32, #tpu.memory_space<vmem>> -> memref<1x128xi32, #tpu.memory_space<vmem>>
          %dma_wait3A_124 = tpu.memref_squeeze %dma_wait3A_123 : memref<1x128xi32, #tpu.memory_space<vmem>> -> memref<128xi32, #tpu.memory_space<vmem>>
          %dma_wait3A_125 = arith.constant 0 : i32
          %dma_wait3A_126 = arith.constant 0 : i32
          %dma_wait3A_127 = tpu.memref_slice %arg11[%dma_wait3A_125, %dma_wait3A_126] : memref<10112x128xf32, #tpu.memory_space<vmem_shared>> -> memref<10112x128xf32, #tpu.memory_space<vmem_shared>>
          tpu.wait_indirect_dma semaphore(%arg15 : memref<!tpu.dma_semaphore, #tpu.memory_space<semaphore_mem>>) src(%arg10 : memref<128x128xf32, #tpu.memory_space<vmem>>) dst(%dma_wait3A_127 : memref<10112x128xf32, #tpu.memory_space<vmem_shared>>)
        } else {
        }
        %add3A_92 = arith.constant 2 : i32
        %add3A_93 = arith.addi %add3A_75, %add3A_92 : i32
        %sub3A = arith.constant 1 : i32
        %sub3A_94 = arith.subi %add3A_93, %sub3A : i32
        %dma_start3A_95 = arith.constant 0 : i32
        %dma_start3A_96 = tpu.memref_slice %arg7[%sub3A_94, %dma_start3A_95] : memref<64x128xi32, #tpu.memory_space<vmem>> -> memref<1x128xi32, #tpu.memory_space<vmem>>
        %dma_start3A_97 = tpu.memref_squeeze %dma_start3A_96 : memref<1x128xi32, #tpu.memory_space<vmem>> -> memref<128xi32, #tpu.memory_space<vmem>>
        %dma_start3A_98 = arith.constant 0 : i32
        %dma_start3A_99 = arith.constant 0 : i32
        %dma_start3A_100 = tpu.memref_slice %arg2[%dma_start3A_98, %dma_start3A_99] : memref<10000x128xf32, #tpu.memory_space<hbm>> -> memref<10000x128xf32, #tpu.memory_space<hbm>>
        tpu.enqueue_indirect_dma source(%dma_start3A_100 : memref<10000x128xf32, #tpu.memory_space<hbm>>) target(%arg10 : memref<128x128xf32, #tpu.memory_space<vmem>>) offsets(%dma_start3A_97 : memref<128xi32, #tpu.memory_space<vmem>>) semaphore(%arg13 : memref<!tpu.dma_semaphore, #tpu.memory_space<semaphore_mem>>)
        %mul3A_101 = arith.constant 2 : i32
        %mul3A_102 = arith.muli %scan3A_71, %mul3A_101 : i32
        %add3A_103 = arith.constant 1 : i32
        %add3A_104 = arith.addi %mul3A_102, %add3A_103 : i32
        %dma_wait3A_105 = arith.constant 0 : i32
        %dma_wait3A_106 = tpu.memref_slice %arg7[%add3A_104, %dma_wait3A_105] : memref<64x128xi32, #tpu.memory_space<vmem>> -> memref<1x128xi32, #tpu.memory_space<vmem>>
        %dma_wait3A_107 = tpu.memref_squeeze %dma_wait3A_106 : memref<1x128xi32, #tpu.memory_space<vmem>> -> memref<128xi32, #tpu.memory_space<vmem>>
        %dma_wait3A_108 = arith.constant 0 : i32
        %dma_wait3A_109 = arith.constant 0 : i32
        %dma_wait3A_110 = tpu.memref_slice %arg2[%dma_wait3A_108, %dma_wait3A_109] : memref<10000x128xf32, #tpu.memory_space<hbm>> -> memref<10000x128xf32, #tpu.memory_space<hbm>>
        tpu.wait_indirect_dma semaphore(%arg13 : memref<!tpu.dma_semaphore, #tpu.memory_space<semaphore_mem>>) src(%dma_wait3A_110 : memref<10000x128xf32, #tpu.memory_space<hbm>>) dst(%arg10 : memref<128x128xf32, #tpu.memory_space<vmem>>)
        %dma_start3A_111 = arith.constant 0 : i32
        %dma_start3A_112 = tpu.memref_slice %arg8[%add3A_104, %dma_start3A_111] : memref<64x128xi32, #tpu.memory_space<vmem>> -> memref<1x128xi32, #tpu.memory_space<vmem>>
        %dma_start3A_113 = tpu.memref_squeeze %dma_start3A_112 : memref<1x128xi32, #tpu.memory_space<vmem>> -> memref<128xi32, #tpu.memory_space<vmem>>
        %dma_start3A_114 = arith.constant 0 : i32
        %dma_start3A_115 = arith.constant 0 : i32
        %dma_start3A_116 = tpu.memref_slice %arg11[%dma_start3A_114, %dma_start3A_115] : memref<10112x128xf32, #tpu.memory_space<vmem_shared>> -> memref<10112x128xf32, #tpu.memory_space<vmem_shared>>
        tpu.enqueue_indirect_dma source(%arg10 : memref<128x128xf32, #tpu.memory_space<vmem>>) target(%dma_start3A_116 : memref<10112x128xf32, #tpu.memory_space<vmem_shared>>) offsets(%dma_start3A_113 : memref<128xi32, #tpu.memory_space<vmem>>) semaphore(%arg15 : memref<!tpu.dma_semaphore, #tpu.memory_space<semaphore_mem>>) {add = true}
        %lt3A = arith.constant 31 : i32
        %lt3A_117 = arith.cmpi slt, %scan3A_71, %lt3A : i32
        %convert_element_type3A_118 = arith.extui %lt3A_117 : i1 to i32
        %cond3A_119 = arith.constant 0 : i32
        %cond3A_120 = arith.cmpi ne, %convert_element_type3A_118, %cond3A_119 : i32
        scf.if %cond3A_120 {
          %dma_wait3A_121 = arith.constant 0 : i32
          %dma_wait3A_122 = arith.constant 0 : i32
          %dma_wait3A_123 = tpu.memref_slice %arg8[%dma_wait3A_121, %dma_wait3A_122] : memref<64x128xi32, #tpu.memory_space<vmem>> -> memref<1x128xi32, #tpu.memory_space<vmem>>
          %dma_wait3A_124 = tpu.memref_squeeze %dma_wait3A_123 : memref<1x128xi32, #tpu.memory_space<vmem>> -> memref<128xi32, #tpu.memory_space<vmem>>
          %dma_wait3A_125 = arith.constant 0 : i32
          %dma_wait3A_126 = arith.constant 0 : i32
          %dma_wait3A_127 = tpu.memref_slice %arg11[%dma_wait3A_125, %dma_wait3A_126] : memref<10112x128xf32, #tpu.memory_space<vmem_shared>> -> memref<10112x128xf32, #tpu.memory_space<vmem_shared>>
          tpu.wait_indirect_dma semaphore(%arg14 : memref<!tpu.dma_semaphore, #tpu.memory_space<semaphore_mem>>) src(%arg9 : memref<128x128xf32, #tpu.memory_space<vmem>>) dst(%dma_wait3A_127 : memref<10112x128xf32, #tpu.memory_space<vmem_shared>>)
          %add3A_128 = arith.constant 2 : i32
          %add3A_129 = arith.addi %add3A_104, %add3A_128 : i32
          %sub3A_130 = arith.constant 1 : i32
          %sub3A_131 = arith.subi %add3A_129, %sub3A_130 : i32
          %dma_start3A_132 = arith.constant 0 : i32
          %dma_start3A_133 = tpu.memref_slice %arg7[%sub3A_131, %dma_start3A_132] : memref<64x128xi32, #tpu.memory_space<vmem>> -> memref<1x128xi32, #tpu.memory_space<vmem>>
          %dma_start3A_134 = tpu.memref_squeeze %dma_start3A_133 : memref<1x128xi32, #tpu.memory_space<vmem>> -> memref<128xi32, #tpu.memory_space<vmem>>
          %dma_start3A_135 = arith.constant 0 : i32
          %dma_start3A_136 = arith.constant 0 : i32
          %dma_start3A_137 = tpu.memref_slice %arg2[%dma_start3A_135, %dma_start3A_136] : memref<10000x128xf32, #tpu.memory_space<hbm>> -> memref<10000x128xf32, #tpu.memory_space<hbm>>
          tpu.enqueue_indirect_dma source(%dma_start3A_137 : memref<10000x128xf32, #tpu.memory_space<hbm>>) target(%arg9 : memref<128x128xf32, #tpu.memory_space<vmem>>) offsets(%dma_start3A_134 : memref<128xi32, #tpu.memory_space<vmem>>) semaphore(%arg12 : memref<!tpu.dma_semaphore, #tpu.memory_space<semaphore_mem>>)
        } else {
        }
      }
      %scan3A_56 = arith.constant 32 : i32
      %dma_wait3A_57 = arith.constant 0 : i32
      %dma_wait3A_58 = arith.constant 0 : i32
      %dma_wait3A_59 = tpu.memref_slice %arg8[%dma_wait3A_57, %dma_wait3A_58] : memref<64x128xi32, #tpu.memory_space<vmem>> -> memref<1x128xi32, #tpu.memory_space<vmem>>
      %dma_wait3A_60 = tpu.memref_squeeze %dma_wait3A_59 : memref<1x128xi32, #tpu.memory_space<vmem>> -> memref<128xi32, #tpu.memory_space<vmem>>
      %dma_wait3A_61 = arith.constant 0 : i32
      %dma_wait3A_62 = arith.constant 0 : i32
      %dma_wait3A_63 = tpu.memref_slice %arg11[%dma_wait3A_61, %dma_wait3A_62] : memref<10112x128xf32, #tpu.memory_space<vmem_shared>> -> memref<10112x128xf32, #tpu.memory_space<vmem_shared>>
      tpu.wait_indirect_dma semaphore(%arg14 : memref<!tpu.dma_semaphore, #tpu.memory_space<semaphore_mem>>) src(%arg9 : memref<128x128xf32, #tpu.memory_space<vmem>>) dst(%dma_wait3A_63 : memref<10112x128xf32, #tpu.memory_space<vmem_shared>>)
      %dma_wait3A_64 = arith.constant 0 : i32
      %dma_wait3A_65 = arith.constant 0 : i32
      %dma_wait3A_66 = tpu.memref_slice %arg8[%dma_wait3A_64, %dma_wait3A_65] : memref<64x128xi32, #tpu.memory_space<vmem>> -> memref<1x128xi32, #tpu.memory_space<vmem>>
      %dma_wait3A_67 = tpu.memref_squeeze %dma_wait3A_66 : memref<1x128xi32, #tpu.memory_space<vmem>> -> memref<128xi32, #tpu.memory_space<vmem>>
      %dma_wait3A_68 = arith.constant 0 : i32
      %dma_wait3A_69 = arith.constant 0 : i32
      %dma_wait3A_70 = tpu.memref_slice %arg11[%dma_wait3A_68, %dma_wait3A_69] : memref<10112x128xf32, #tpu.memory_space<vmem_shared>> -> memref<10112x128xf32, #tpu.memory_space<vmem_shared>>
      tpu.wait_indirect_dma semaphore(%arg15 : memref<!tpu.dma_semaphore, #tpu.memory_space<semaphore_mem>>) src(%arg10 : memref<128x128xf32, #tpu.memory_space<vmem>>) dst(%dma_wait3A_70 : memref<10112x128xf32, #tpu.memory_space<vmem_shared>>)
    } else {
    }
    %eq3A_5 = arith.constant 1 : i32
    %eq3A_6 = arith.cmpi eq, %arg0, %eq3A_5 : i32
    %convert_element_type3A_7 = arith.extui %eq3A_6 : i1 to i32
    %cond3A_8 = arith.constant 0 : i32
    %cond3A_9 = arith.cmpi ne, %convert_element_type3A_7, %cond3A_8 : i32
    scf.if %cond3A_9 {
      %mul3A_15 = arith.constant 32 : i32
      %mul3A_16 = arith.muli %arg1, %mul3A_15 : i32
      %add3A = arith.constant 2048 : i32
      %add3A_17 = arith.addi %add3A, %mul3A_16 : i32
      %add3A_18 = arith.constant 0 : i32
      %add3A_19 = arith.addi %add3A_17, %add3A_18 : i32
      "tpu.region"() ({
        %run_scoped3A = tpu.sem_alloc : memref<!tpu.dma_semaphore, #tpu.memory_space<semaphore_mem>>
        %dma_start3A_73 = arith.constant 0 : i32
        %dma_start3A_74 = arith.constant 0 : i32
        %dma_start3A_75 = tpu.memref_slice %arg7[%dma_start3A_73, %dma_start3A_74] : memref<64x128xi32, #tpu.memory_space<vmem>> -> memref<16x128xi32, #tpu.memory_space<vmem>>
        %dma_start3A_76 = arith.constant 0 : i32
        %dma_start3A_77 = tpu.memref_slice %arg3[%add3A_19, %dma_start3A_76] : memref<2560x128xi32, #tpu.memory_space<hbm>> -> memref<16x128xi32, #tpu.memory_space<hbm>>
        %dma_start3A_78 = arith.constant 0 : i32
        %dma_start3A_79 = arith.constant 0 : i32
        %dma_start3A_80 = tpu.memref_slice %arg7[%dma_start3A_78, %dma_start3A_79] : memref<64x128xi32, #tpu.memory_space<vmem>> -> memref<16x128xi32, #tpu.memory_space<vmem>>
        %dma_start3A_81 = arith.constant 0 : i32
        %dma_start3A_82 = tpu.memref_slice %arg3[%add3A_19, %dma_start3A_81] : memref<2560x128xi32, #tpu.memory_space<hbm>> -> memref<16x128xi32, #tpu.memory_space<hbm>>
        tpu.enqueue_dma source(%dma_start3A_82 : memref<16x128xi32, #tpu.memory_space<hbm>>) target(%dma_start3A_80 : memref<16x128xi32, #tpu.memory_space<vmem>>) target_semaphore(%run_scoped3A : memref<!tpu.dma_semaphore, #tpu.memory_space<semaphore_mem>>)
        %dma_wait3A_83 = arith.constant 0 : i32
        %dma_wait3A_84 = arith.constant 0 : i32
        %dma_wait3A_85 = tpu.memref_slice %arg7[%dma_wait3A_83, %dma_wait3A_84] : memref<64x128xi32, #tpu.memory_space<vmem>> -> memref<16x128xi32, #tpu.memory_space<vmem>>
        %dma_wait3A_86 = arith.constant 0 : i32
        %dma_wait3A_87 = tpu.memref_slice %arg3[%add3A_19, %dma_wait3A_86] : memref<2560x128xi32, #tpu.memory_space<hbm>> -> memref<16x128xi32, #tpu.memory_space<hbm>>
        %dma_wait3A_88 = arith.constant 0 : i32
        %dma_wait3A_89 = arith.constant 0 : i32
        %dma_wait3A_90 = tpu.memref_slice %arg7[%dma_wait3A_88, %dma_wait3A_89] : memref<64x128xi32, #tpu.memory_space<vmem>> -> memref<16x128xi32, #tpu.memory_space<vmem>>
        %dma_wait3A_91 = arith.constant 0 : i32
        %dma_wait3A_92 = tpu.memref_slice %arg3[%add3A_19, %dma_wait3A_91] : memref<2560x128xi32, #tpu.memory_space<hbm>> -> memref<16x128xi32, #tpu.memory_space<hbm>>
        tpu.wait_dma2 semaphore(%run_scoped3A : memref<!tpu.dma_semaphore, #tpu.memory_space<semaphore_mem>>) src(%dma_wait3A_92 : memref<16x128xi32, #tpu.memory_space<hbm>>) dst(%dma_wait3A_90 : memref<16x128xi32, #tpu.memory_space<vmem>>)
        tpu.yield
      }) : () -> ()
      "tpu.region"() ({
        %run_scoped3A = tpu.sem_alloc : memref<!tpu.dma_semaphore, #tpu.memory_space<semaphore_mem>>
        %dma_start3A_73 = arith.constant 0 : i32
        %dma_start3A_74 = arith.constant 0 : i32
        %dma_start3A_75 = tpu.memref_slice %arg8[%dma_start3A_73, %dma_start3A_74] : memref<64x128xi32, #tpu.memory_space<vmem>> -> memref<16x128xi32, #tpu.memory_space<vmem>>
        %dma_start3A_76 = arith.constant 0 : i32
        %dma_start3A_77 = tpu.memref_slice %arg4[%add3A_19, %dma_start3A_76] : memref<2560x128xi32, #tpu.memory_space<hbm>> -> memref<16x128xi32, #tpu.memory_space<hbm>>
        %dma_start3A_78 = arith.constant 0 : i32
        %dma_start3A_79 = arith.constant 0 : i32
        %dma_start3A_80 = tpu.memref_slice %arg8[%dma_start3A_78, %dma_start3A_79] : memref<64x128xi32, #tpu.memory_space<vmem>> -> memref<16x128xi32, #tpu.memory_space<vmem>>
        %dma_start3A_81 = arith.constant 0 : i32
        %dma_start3A_82 = tpu.memref_slice %arg4[%add3A_19, %dma_start3A_81] : memref<2560x128xi32, #tpu.memory_space<hbm>> -> memref<16x128xi32, #tpu.memory_space<hbm>>
        tpu.enqueue_dma source(%dma_start3A_82 : memref<16x128xi32, #tpu.memory_space<hbm>>) target(%dma_start3A_80 : memref<16x128xi32, #tpu.memory_space<vmem>>) target_semaphore(%run_scoped3A : memref<!tpu.dma_semaphore, #tpu.memory_space<semaphore_mem>>)
        %dma_wait3A_83 = arith.constant 0 : i32
        %dma_wait3A_84 = arith.constant 0 : i32
        %dma_wait3A_85 = tpu.memref_slice %arg8[%dma_wait3A_83, %dma_wait3A_84] : memref<64x128xi32, #tpu.memory_space<vmem>> -> memref<16x128xi32, #tpu.memory_space<vmem>>
        %dma_wait3A_86 = arith.constant 0 : i32
        %dma_wait3A_87 = tpu.memref_slice %arg4[%add3A_19, %dma_wait3A_86] : memref<2560x128xi32, #tpu.memory_space<hbm>> -> memref<16x128xi32, #tpu.memory_space<hbm>>
        %dma_wait3A_88 = arith.constant 0 : i32
        %dma_wait3A_89 = arith.constant 0 : i32
        %dma_wait3A_90 = tpu.memref_slice %arg8[%dma_wait3A_88, %dma_wait3A_89] : memref<64x128xi32, #tpu.memory_space<vmem>> -> memref<16x128xi32, #tpu.memory_space<vmem>>
        %dma_wait3A_91 = arith.constant 0 : i32
        %dma_wait3A_92 = tpu.memref_slice %arg4[%add3A_19, %dma_wait3A_91] : memref<2560x128xi32, #tpu.memory_space<hbm>> -> memref<16x128xi32, #tpu.memory_space<hbm>>
        tpu.wait_dma2 semaphore(%run_scoped3A : memref<!tpu.dma_semaphore, #tpu.memory_space<semaphore_mem>>) src(%dma_wait3A_92 : memref<16x128xi32, #tpu.memory_space<hbm>>) dst(%dma_wait3A_90 : memref<16x128xi32, #tpu.memory_space<vmem>>)
        tpu.yield
      }) : () -> ()
      %dma_start3A = arith.constant 0 : i32
      %dma_start3A_20 = arith.constant 0 : i32
      %dma_start3A_21 = tpu.memref_slice %arg7[%dma_start3A, %dma_start3A_20] : memref<64x128xi32, #tpu.memory_space<vmem>> -> memref<1x128xi32, #tpu.memory_space<vmem>>
      %dma_start3A_22 = tpu.memref_squeeze %dma_start3A_21 : memref<1x128xi32, #tpu.memory_space<vmem>> -> memref<128xi32, #tpu.memory_space<vmem>>
      %dma_start3A_23 = arith.constant 0 : i32
      %dma_start3A_24 = arith.constant 0 : i32
      %dma_start3A_25 = tpu.memref_slice %arg2[%dma_start3A_23, %dma_start3A_24] : memref<10000x128xf32, #tpu.memory_space<hbm>> -> memref<10000x128xf32, #tpu.memory_space<hbm>>
      tpu.enqueue_indirect_dma source(%dma_start3A_25 : memref<10000x128xf32, #tpu.memory_space<hbm>>) target(%arg9 : memref<128x128xf32, #tpu.memory_space<vmem>>) offsets(%dma_start3A_22 : memref<128xi32, #tpu.memory_space<vmem>>) semaphore(%arg12 : memref<!tpu.dma_semaphore, #tpu.memory_space<semaphore_mem>>)
      %scan3A = arith.constant 0 : i32
      %scan3A_26 = arith.constant 0 : i32
      %scan3A_27 = arith.constant 8 : i32
      %scan3A_28 = arith.addi %scan3A_26, %scan3A_27 : i32
      %scan3A_29 = arith.constant 1 : i32
      scf.for %scan3A_73 = %scan3A_26 to %scan3A_28 step %scan3A_29  : i32 {
        %mul3A_74 = arith.constant 2 : i32
        %mul3A_75 = arith.muli %scan3A_73, %mul3A_74 : i32
        %add3A_76 = arith.constant 0 : i32
        %add3A_77 = arith.addi %mul3A_75, %add3A_76 : i32
        %dma_wait3A_78 = arith.constant 0 : i32
        %dma_wait3A_79 = tpu.memref_slice %arg7[%add3A_77, %dma_wait3A_78] : memref<64x128xi32, #tpu.memory_space<vmem>> -> memref<1x128xi32, #tpu.memory_space<vmem>>
        %dma_wait3A_80 = tpu.memref_squeeze %dma_wait3A_79 : memref<1x128xi32, #tpu.memory_space<vmem>> -> memref<128xi32, #tpu.memory_space<vmem>>
        %dma_wait3A_81 = arith.constant 0 : i32
        %dma_wait3A_82 = arith.constant 0 : i32
        %dma_wait3A_83 = tpu.memref_slice %arg2[%dma_wait3A_81, %dma_wait3A_82] : memref<10000x128xf32, #tpu.memory_space<hbm>> -> memref<10000x128xf32, #tpu.memory_space<hbm>>
        tpu.wait_indirect_dma semaphore(%arg12 : memref<!tpu.dma_semaphore, #tpu.memory_space<semaphore_mem>>) src(%dma_wait3A_83 : memref<10000x128xf32, #tpu.memory_space<hbm>>) dst(%arg9 : memref<128x128xf32, #tpu.memory_space<vmem>>)
        %dma_start3A_84 = arith.constant 0 : i32
        %dma_start3A_85 = tpu.memref_slice %arg8[%add3A_77, %dma_start3A_84] : memref<64x128xi32, #tpu.memory_space<vmem>> -> memref<1x128xi32, #tpu.memory_space<vmem>>
        %dma_start3A_86 = tpu.memref_squeeze %dma_start3A_85 : memref<1x128xi32, #tpu.memory_space<vmem>> -> memref<128xi32, #tpu.memory_space<vmem>>
        %dma_start3A_87 = arith.constant 0 : i32
        %dma_start3A_88 = arith.constant 0 : i32
        %dma_start3A_89 = tpu.memref_slice %arg11[%dma_start3A_87, %dma_start3A_88] : memref<10112x128xf32, #tpu.memory_space<vmem_shared>> -> memref<10112x128xf32, #tpu.memory_space<vmem_shared>>
        tpu.enqueue_indirect_dma source(%arg9 : memref<128x128xf32, #tpu.memory_space<vmem>>) target(%dma_start3A_89 : memref<10112x128xf32, #tpu.memory_space<vmem_shared>>) offsets(%dma_start3A_86 : memref<128xi32, #tpu.memory_space<vmem>>) semaphore(%arg14 : memref<!tpu.dma_semaphore, #tpu.memory_space<semaphore_mem>>) {add = true}
        %gt3A = arith.constant 0 : i32
        %gt3A_90 = arith.cmpi sgt, %scan3A_73, %gt3A : i32
        %convert_element_type3A_91 = arith.extui %gt3A_90 : i1 to i32
        %cond3A_92 = arith.constant 0 : i32
        %cond3A_93 = arith.cmpi ne, %convert_element_type3A_91, %cond3A_92 : i32
        scf.if %cond3A_93 {
          %dma_wait3A_123 = arith.constant 0 : i32
          %dma_wait3A_124 = arith.constant 0 : i32
          %dma_wait3A_125 = tpu.memref_slice %arg8[%dma_wait3A_123, %dma_wait3A_124] : memref<64x128xi32, #tpu.memory_space<vmem>> -> memref<1x128xi32, #tpu.memory_space<vmem>>
          %dma_wait3A_126 = tpu.memref_squeeze %dma_wait3A_125 : memref<1x128xi32, #tpu.memory_space<vmem>> -> memref<128xi32, #tpu.memory_space<vmem>>
          %dma_wait3A_127 = arith.constant 0 : i32
          %dma_wait3A_128 = arith.constant 0 : i32
          %dma_wait3A_129 = tpu.memref_slice %arg11[%dma_wait3A_127, %dma_wait3A_128] : memref<10112x128xf32, #tpu.memory_space<vmem_shared>> -> memref<10112x128xf32, #tpu.memory_space<vmem_shared>>
          tpu.wait_indirect_dma semaphore(%arg15 : memref<!tpu.dma_semaphore, #tpu.memory_space<semaphore_mem>>) src(%arg10 : memref<128x128xf32, #tpu.memory_space<vmem>>) dst(%dma_wait3A_129 : memref<10112x128xf32, #tpu.memory_space<vmem_shared>>)
        } else {
        }
        %add3A_94 = arith.constant 2 : i32
        %add3A_95 = arith.addi %add3A_77, %add3A_94 : i32
        %sub3A = arith.constant 1 : i32
        %sub3A_96 = arith.subi %add3A_95, %sub3A : i32
        %dma_start3A_97 = arith.constant 0 : i32
        %dma_start3A_98 = tpu.memref_slice %arg7[%sub3A_96, %dma_start3A_97] : memref<64x128xi32, #tpu.memory_space<vmem>> -> memref<1x128xi32, #tpu.memory_space<vmem>>
        %dma_start3A_99 = tpu.memref_squeeze %dma_start3A_98 : memref<1x128xi32, #tpu.memory_space<vmem>> -> memref<128xi32, #tpu.memory_space<vmem>>
        %dma_start3A_100 = arith.constant 0 : i32
        %dma_start3A_101 = arith.constant 0 : i32
        %dma_start3A_102 = tpu.memref_slice %arg2[%dma_start3A_100, %dma_start3A_101] : memref<10000x128xf32, #tpu.memory_space<hbm>> -> memref<10000x128xf32, #tpu.memory_space<hbm>>
        tpu.enqueue_indirect_dma source(%dma_start3A_102 : memref<10000x128xf32, #tpu.memory_space<hbm>>) target(%arg10 : memref<128x128xf32, #tpu.memory_space<vmem>>) offsets(%dma_start3A_99 : memref<128xi32, #tpu.memory_space<vmem>>) semaphore(%arg13 : memref<!tpu.dma_semaphore, #tpu.memory_space<semaphore_mem>>)
        %mul3A_103 = arith.constant 2 : i32
        %mul3A_104 = arith.muli %scan3A_73, %mul3A_103 : i32
        %add3A_105 = arith.constant 1 : i32
        %add3A_106 = arith.addi %mul3A_104, %add3A_105 : i32
        %dma_wait3A_107 = arith.constant 0 : i32
        %dma_wait3A_108 = tpu.memref_slice %arg7[%add3A_106, %dma_wait3A_107] : memref<64x128xi32, #tpu.memory_space<vmem>> -> memref<1x128xi32, #tpu.memory_space<vmem>>
        %dma_wait3A_109 = tpu.memref_squeeze %dma_wait3A_108 : memref<1x128xi32, #tpu.memory_space<vmem>> -> memref<128xi32, #tpu.memory_space<vmem>>
        %dma_wait3A_110 = arith.constant 0 : i32
        %dma_wait3A_111 = arith.constant 0 : i32
        %dma_wait3A_112 = tpu.memref_slice %arg2[%dma_wait3A_110, %dma_wait3A_111] : memref<10000x128xf32, #tpu.memory_space<hbm>> -> memref<10000x128xf32, #tpu.memory_space<hbm>>
        tpu.wait_indirect_dma semaphore(%arg13 : memref<!tpu.dma_semaphore, #tpu.memory_space<semaphore_mem>>) src(%dma_wait3A_112 : memref<10000x128xf32, #tpu.memory_space<hbm>>) dst(%arg10 : memref<128x128xf32, #tpu.memory_space<vmem>>)
        %dma_start3A_113 = arith.constant 0 : i32
        %dma_start3A_114 = tpu.memref_slice %arg8[%add3A_106, %dma_start3A_113] : memref<64x128xi32, #tpu.memory_space<vmem>> -> memref<1x128xi32, #tpu.memory_space<vmem>>
        %dma_start3A_115 = tpu.memref_squeeze %dma_start3A_114 : memref<1x128xi32, #tpu.memory_space<vmem>> -> memref<128xi32, #tpu.memory_space<vmem>>
        %dma_start3A_116 = arith.constant 0 : i32
        %dma_start3A_117 = arith.constant 0 : i32
        %dma_start3A_118 = tpu.memref_slice %arg11[%dma_start3A_116, %dma_start3A_117] : memref<10112x128xf32, #tpu.memory_space<vmem_shared>> -> memref<10112x128xf32, #tpu.memory_space<vmem_shared>>
        tpu.enqueue_indirect_dma source(%arg10 : memref<128x128xf32, #tpu.memory_space<vmem>>) target(%dma_start3A_118 : memref<10112x128xf32, #tpu.memory_space<vmem_shared>>) offsets(%dma_start3A_115 : memref<128xi32, #tpu.memory_space<vmem>>) semaphore(%arg15 : memref<!tpu.dma_semaphore, #tpu.memory_space<semaphore_mem>>) {add = true}
        %lt3A = arith.constant 7 : i32
        %lt3A_119 = arith.cmpi slt, %scan3A_73, %lt3A : i32
        %convert_element_type3A_120 = arith.extui %lt3A_119 : i1 to i32
        %cond3A_121 = arith.constant 0 : i32
        %cond3A_122 = arith.cmpi ne, %convert_element_type3A_120, %cond3A_121 : i32
        scf.if %cond3A_122 {
          %dma_wait3A_123 = arith.constant 0 : i32
          %dma_wait3A_124 = arith.constant 0 : i32
          %dma_wait3A_125 = tpu.memref_slice %arg8[%dma_wait3A_123, %dma_wait3A_124] : memref<64x128xi32, #tpu.memory_space<vmem>> -> memref<1x128xi32, #tpu.memory_space<vmem>>
          %dma_wait3A_126 = tpu.memref_squeeze %dma_wait3A_125 : memref<1x128xi32, #tpu.memory_space<vmem>> -> memref<128xi32, #tpu.memory_space<vmem>>
          %dma_wait3A_127 = arith.constant 0 : i32
          %dma_wait3A_128 = arith.constant 0 : i32
          %dma_wait3A_129 = tpu.memref_slice %arg11[%dma_wait3A_127, %dma_wait3A_128] : memref<10112x128xf32, #tpu.memory_space<vmem_shared>> -> memref<10112x128xf32, #tpu.memory_space<vmem_shared>>
          tpu.wait_indirect_dma semaphore(%arg14 : memref<!tpu.dma_semaphore, #tpu.memory_space<semaphore_mem>>) src(%arg9 : memref<128x128xf32, #tpu.memory_space<vmem>>) dst(%dma_wait3A_129 : memref<10112x128xf32, #tpu.memory_space<vmem_shared>>)
          %add3A_130 = arith.constant 2 : i32
          %add3A_131 = arith.addi %add3A_106, %add3A_130 : i32
          %sub3A_132 = arith.constant 1 : i32
          %sub3A_133 = arith.subi %add3A_131, %sub3A_132 : i32
          %dma_start3A_134 = arith.constant 0 : i32
          %dma_start3A_135 = tpu.memref_slice %arg7[%sub3A_133, %dma_start3A_134] : memref<64x128xi32, #tpu.memory_space<vmem>> -> memref<1x128xi32, #tpu.memory_space<vmem>>
          %dma_start3A_136 = tpu.memref_squeeze %dma_start3A_135 : memref<1x128xi32, #tpu.memory_space<vmem>> -> memref<128xi32, #tpu.memory_space<vmem>>
          %dma_start3A_137 = arith.constant 0 : i32
          %dma_start3A_138 = arith.constant 0 : i32
          %dma_start3A_139 = tpu.memref_slice %arg2[%dma_start3A_137, %dma_start3A_138] : memref<10000x128xf32, #tpu.memory_space<hbm>> -> memref<10000x128xf32, #tpu.memory_space<hbm>>
          tpu.enqueue_indirect_dma source(%dma_start3A_139 : memref<10000x128xf32, #tpu.memory_space<hbm>>) target(%arg9 : memref<128x128xf32, #tpu.memory_space<vmem>>) offsets(%dma_start3A_136 : memref<128xi32, #tpu.memory_space<vmem>>) semaphore(%arg12 : memref<!tpu.dma_semaphore, #tpu.memory_space<semaphore_mem>>)
        } else {
        }
      }
      %scan3A_30 = arith.constant 8 : i32
      %dma_wait3A = arith.constant 0 : i32
      %dma_wait3A_31 = arith.constant 0 : i32
      %dma_wait3A_32 = tpu.memref_slice %arg8[%dma_wait3A, %dma_wait3A_31] : memref<64x128xi32, #tpu.memory_space<vmem>> -> memref<1x128xi32, #tpu.memory_space<vmem>>
      %dma_wait3A_33 = tpu.memref_squeeze %dma_wait3A_32 : memref<1x128xi32, #tpu.memory_space<vmem>> -> memref<128xi32, #tpu.memory_space<vmem>>
      %dma_wait3A_34 = arith.constant 0 : i32
      %dma_wait3A_35 = arith.constant 0 : i32
      %dma_wait3A_36 = tpu.memref_slice %arg11[%dma_wait3A_34, %dma_wait3A_35] : memref<10112x128xf32, #tpu.memory_space<vmem_shared>> -> memref<10112x128xf32, #tpu.memory_space<vmem_shared>>
      tpu.wait_indirect_dma semaphore(%arg14 : memref<!tpu.dma_semaphore, #tpu.memory_space<semaphore_mem>>) src(%arg9 : memref<128x128xf32, #tpu.memory_space<vmem>>) dst(%dma_wait3A_36 : memref<10112x128xf32, #tpu.memory_space<vmem_shared>>)
      %dma_wait3A_37 = arith.constant 0 : i32
      %dma_wait3A_38 = arith.constant 0 : i32
      %dma_wait3A_39 = tpu.memref_slice %arg8[%dma_wait3A_37, %dma_wait3A_38] : memref<64x128xi32, #tpu.memory_space<vmem>> -> memref<1x128xi32, #tpu.memory_space<vmem>>
      %dma_wait3A_40 = tpu.memref_squeeze %dma_wait3A_39 : memref<1x128xi32, #tpu.memory_space<vmem>> -> memref<128xi32, #tpu.memory_space<vmem>>
      %dma_wait3A_41 = arith.constant 0 : i32
      %dma_wait3A_42 = arith.constant 0 : i32
      %dma_wait3A_43 = tpu.memref_slice %arg11[%dma_wait3A_41, %dma_wait3A_42] : memref<10112x128xf32, #tpu.memory_space<vmem_shared>> -> memref<10112x128xf32, #tpu.memory_space<vmem_shared>>
      tpu.wait_indirect_dma semaphore(%arg15 : memref<!tpu.dma_semaphore, #tpu.memory_space<semaphore_mem>>) src(%arg10 : memref<128x128xf32, #tpu.memory_space<vmem>>) dst(%dma_wait3A_43 : memref<10112x128xf32, #tpu.memory_space<vmem_shared>>)
      %add3A_44 = arith.constant 16 : i32
      %add3A_45 = arith.addi %add3A_17, %add3A_44 : i32
      "tpu.region"() ({
        %run_scoped3A = tpu.sem_alloc : memref<!tpu.dma_semaphore, #tpu.memory_space<semaphore_mem>>
        %dma_start3A_73 = arith.constant 0 : i32
        %dma_start3A_74 = arith.constant 0 : i32
        %dma_start3A_75 = tpu.memref_slice %arg7[%dma_start3A_73, %dma_start3A_74] : memref<64x128xi32, #tpu.memory_space<vmem>> -> memref<16x128xi32, #tpu.memory_space<vmem>>
        %dma_start3A_76 = arith.constant 0 : i32
        %dma_start3A_77 = tpu.memref_slice %arg3[%add3A_45, %dma_start3A_76] : memref<2560x128xi32, #tpu.memory_space<hbm>> -> memref<16x128xi32, #tpu.memory_space<hbm>>
        %dma_start3A_78 = arith.constant 0 : i32
        %dma_start3A_79 = arith.constant 0 : i32
        %dma_start3A_80 = tpu.memref_slice %arg7[%dma_start3A_78, %dma_start3A_79] : memref<64x128xi32, #tpu.memory_space<vmem>> -> memref<16x128xi32, #tpu.memory_space<vmem>>
        %dma_start3A_81 = arith.constant 0 : i32
        %dma_start3A_82 = tpu.memref_slice %arg3[%add3A_45, %dma_start3A_81] : memref<2560x128xi32, #tpu.memory_space<hbm>> -> memref<16x128xi32, #tpu.memory_space<hbm>>
        tpu.enqueue_dma source(%dma_start3A_82 : memref<16x128xi32, #tpu.memory_space<hbm>>) target(%dma_start3A_80 : memref<16x128xi32, #tpu.memory_space<vmem>>) target_semaphore(%run_scoped3A : memref<!tpu.dma_semaphore, #tpu.memory_space<semaphore_mem>>)
        %dma_wait3A_83 = arith.constant 0 : i32
        %dma_wait3A_84 = arith.constant 0 : i32
        %dma_wait3A_85 = tpu.memref_slice %arg7[%dma_wait3A_83, %dma_wait3A_84] : memref<64x128xi32, #tpu.memory_space<vmem>> -> memref<16x128xi32, #tpu.memory_space<vmem>>
        %dma_wait3A_86 = arith.constant 0 : i32
        %dma_wait3A_87 = tpu.memref_slice %arg3[%add3A_45, %dma_wait3A_86] : memref<2560x128xi32, #tpu.memory_space<hbm>> -> memref<16x128xi32, #tpu.memory_space<hbm>>
        %dma_wait3A_88 = arith.constant 0 : i32
        %dma_wait3A_89 = arith.constant 0 : i32
        %dma_wait3A_90 = tpu.memref_slice %arg7[%dma_wait3A_88, %dma_wait3A_89] : memref<64x128xi32, #tpu.memory_space<vmem>> -> memref<16x128xi32, #tpu.memory_space<vmem>>
        %dma_wait3A_91 = arith.constant 0 : i32
        %dma_wait3A_92 = tpu.memref_slice %arg3[%add3A_45, %dma_wait3A_91] : memref<2560x128xi32, #tpu.memory_space<hbm>> -> memref<16x128xi32, #tpu.memory_space<hbm>>
        tpu.wait_dma2 semaphore(%run_scoped3A : memref<!tpu.dma_semaphore, #tpu.memory_space<semaphore_mem>>) src(%dma_wait3A_92 : memref<16x128xi32, #tpu.memory_space<hbm>>) dst(%dma_wait3A_90 : memref<16x128xi32, #tpu.memory_space<vmem>>)
        tpu.yield
      }) : () -> ()
      "tpu.region"() ({
        %run_scoped3A = tpu.sem_alloc : memref<!tpu.dma_semaphore, #tpu.memory_space<semaphore_mem>>
        %dma_start3A_73 = arith.constant 0 : i32
        %dma_start3A_74 = arith.constant 0 : i32
        %dma_start3A_75 = tpu.memref_slice %arg8[%dma_start3A_73, %dma_start3A_74] : memref<64x128xi32, #tpu.memory_space<vmem>> -> memref<16x128xi32, #tpu.memory_space<vmem>>
        %dma_start3A_76 = arith.constant 0 : i32
        %dma_start3A_77 = tpu.memref_slice %arg4[%add3A_45, %dma_start3A_76] : memref<2560x128xi32, #tpu.memory_space<hbm>> -> memref<16x128xi32, #tpu.memory_space<hbm>>
        %dma_start3A_78 = arith.constant 0 : i32
        %dma_start3A_79 = arith.constant 0 : i32
        %dma_start3A_80 = tpu.memref_slice %arg8[%dma_start3A_78, %dma_start3A_79] : memref<64x128xi32, #tpu.memory_space<vmem>> -> memref<16x128xi32, #tpu.memory_space<vmem>>
        %dma_start3A_81 = arith.constant 0 : i32
        %dma_start3A_82 = tpu.memref_slice %arg4[%add3A_45, %dma_start3A_81] : memref<2560x128xi32, #tpu.memory_space<hbm>> -> memref<16x128xi32, #tpu.memory_space<hbm>>
        tpu.enqueue_dma source(%dma_start3A_82 : memref<16x128xi32, #tpu.memory_space<hbm>>) target(%dma_start3A_80 : memref<16x128xi32, #tpu.memory_space<vmem>>) target_semaphore(%run_scoped3A : memref<!tpu.dma_semaphore, #tpu.memory_space<semaphore_mem>>)
        %dma_wait3A_83 = arith.constant 0 : i32
        %dma_wait3A_84 = arith.constant 0 : i32
        %dma_wait3A_85 = tpu.memref_slice %arg8[%dma_wait3A_83, %dma_wait3A_84] : memref<64x128xi32, #tpu.memory_space<vmem>> -> memref<16x128xi32, #tpu.memory_space<vmem>>
        %dma_wait3A_86 = arith.constant 0 : i32
        %dma_wait3A_87 = tpu.memref_slice %arg4[%add3A_45, %dma_wait3A_86] : memref<2560x128xi32, #tpu.memory_space<hbm>> -> memref<16x128xi32, #tpu.memory_space<hbm>>
        %dma_wait3A_88 = arith.constant 0 : i32
        %dma_wait3A_89 = arith.constant 0 : i32
        %dma_wait3A_90 = tpu.memref_slice %arg8[%dma_wait3A_88, %dma_wait3A_89] : memref<64x128xi32, #tpu.memory_space<vmem>> -> memref<16x128xi32, #tpu.memory_space<vmem>>
        %dma_wait3A_91 = arith.constant 0 : i32
        %dma_wait3A_92 = tpu.memref_slice %arg4[%add3A_45, %dma_wait3A_91] : memref<2560x128xi32, #tpu.memory_space<hbm>> -> memref<16x128xi32, #tpu.memory_space<hbm>>
        tpu.wait_dma2 semaphore(%run_scoped3A : memref<!tpu.dma_semaphore, #tpu.memory_space<semaphore_mem>>) src(%dma_wait3A_92 : memref<16x128xi32, #tpu.memory_space<hbm>>) dst(%dma_wait3A_90 : memref<16x128xi32, #tpu.memory_space<vmem>>)
        tpu.yield
      }) : () -> ()
      %dma_start3A_46 = arith.constant 0 : i32
      %dma_start3A_47 = arith.constant 0 : i32
      %dma_start3A_48 = tpu.memref_slice %arg7[%dma_start3A_46, %dma_start3A_47] : memref<64x128xi32, #tpu.memory_space<vmem>> -> memref<1x128xi32, #tpu.memory_space<vmem>>
      %dma_start3A_49 = tpu.memref_squeeze %dma_start3A_48 : memref<1x128xi32, #tpu.memory_space<vmem>> -> memref<128xi32, #tpu.memory_space<vmem>>
      %dma_start3A_50 = arith.constant 0 : i32
      %dma_start3A_51 = arith.constant 0 : i32
      %dma_start3A_52 = tpu.memref_slice %arg2[%dma_start3A_50, %dma_start3A_51] : memref<10000x128xf32, #tpu.memory_space<hbm>> -> memref<10000x128xf32, #tpu.memory_space<hbm>>
      tpu.enqueue_indirect_dma source(%dma_start3A_52 : memref<10000x128xf32, #tpu.memory_space<hbm>>) target(%arg9 : memref<128x128xf32, #tpu.memory_space<vmem>>) offsets(%dma_start3A_49 : memref<128xi32, #tpu.memory_space<vmem>>) semaphore(%arg12 : memref<!tpu.dma_semaphore, #tpu.memory_space<semaphore_mem>>)
      %scan3A_53 = arith.constant 0 : i32
      %scan3A_54 = arith.constant 0 : i32
      %scan3A_55 = arith.constant 8 : i32
      %scan3A_56 = arith.addi %scan3A_54, %scan3A_55 : i32
      %scan3A_57 = arith.constant 1 : i32
      scf.for %scan3A_73 = %scan3A_54 to %scan3A_56 step %scan3A_57  : i32 {
        %mul3A_74 = arith.constant 2 : i32
        %mul3A_75 = arith.muli %scan3A_73, %mul3A_74 : i32
        %add3A_76 = arith.constant 0 : i32
        %add3A_77 = arith.addi %mul3A_75, %add3A_76 : i32
        %dma_wait3A_78 = arith.constant 0 : i32
        %dma_wait3A_79 = tpu.memref_slice %arg7[%add3A_77, %dma_wait3A_78] : memref<64x128xi32, #tpu.memory_space<vmem>> -> memref<1x128xi32, #tpu.memory_space<vmem>>
        %dma_wait3A_80 = tpu.memref_squeeze %dma_wait3A_79 : memref<1x128xi32, #tpu.memory_space<vmem>> -> memref<128xi32, #tpu.memory_space<vmem>>
        %dma_wait3A_81 = arith.constant 0 : i32
        %dma_wait3A_82 = arith.constant 0 : i32
        %dma_wait3A_83 = tpu.memref_slice %arg2[%dma_wait3A_81, %dma_wait3A_82] : memref<10000x128xf32, #tpu.memory_space<hbm>> -> memref<10000x128xf32, #tpu.memory_space<hbm>>
        tpu.wait_indirect_dma semaphore(%arg12 : memref<!tpu.dma_semaphore, #tpu.memory_space<semaphore_mem>>) src(%dma_wait3A_83 : memref<10000x128xf32, #tpu.memory_space<hbm>>) dst(%arg9 : memref<128x128xf32, #tpu.memory_space<vmem>>)
        %dma_start3A_84 = arith.constant 0 : i32
        %dma_start3A_85 = tpu.memref_slice %arg8[%add3A_77, %dma_start3A_84] : memref<64x128xi32, #tpu.memory_space<vmem>> -> memref<1x128xi32, #tpu.memory_space<vmem>>
        %dma_start3A_86 = tpu.memref_squeeze %dma_start3A_85 : memref<1x128xi32, #tpu.memory_space<vmem>> -> memref<128xi32, #tpu.memory_space<vmem>>
        %dma_start3A_87 = arith.constant 0 : i32
        %dma_start3A_88 = arith.constant 0 : i32
        %dma_start3A_89 = tpu.memref_slice %arg11[%dma_start3A_87, %dma_start3A_88] : memref<10112x128xf32, #tpu.memory_space<vmem_shared>> -> memref<10112x128xf32, #tpu.memory_space<vmem_shared>>
        tpu.enqueue_indirect_dma source(%arg9 : memref<128x128xf32, #tpu.memory_space<vmem>>) target(%dma_start3A_89 : memref<10112x128xf32, #tpu.memory_space<vmem_shared>>) offsets(%dma_start3A_86 : memref<128xi32, #tpu.memory_space<vmem>>) semaphore(%arg14 : memref<!tpu.dma_semaphore, #tpu.memory_space<semaphore_mem>>) {add = true}
        %gt3A = arith.constant 0 : i32
        %gt3A_90 = arith.cmpi sgt, %scan3A_73, %gt3A : i32
        %convert_element_type3A_91 = arith.extui %gt3A_90 : i1 to i32
        %cond3A_92 = arith.constant 0 : i32
        %cond3A_93 = arith.cmpi ne, %convert_element_type3A_91, %cond3A_92 : i32
        scf.if %cond3A_93 {
          %dma_wait3A_123 = arith.constant 0 : i32
          %dma_wait3A_124 = arith.constant 0 : i32
          %dma_wait3A_125 = tpu.memref_slice %arg8[%dma_wait3A_123, %dma_wait3A_124] : memref<64x128xi32, #tpu.memory_space<vmem>> -> memref<1x128xi32, #tpu.memory_space<vmem>>
          %dma_wait3A_126 = tpu.memref_squeeze %dma_wait3A_125 : memref<1x128xi32, #tpu.memory_space<vmem>> -> memref<128xi32, #tpu.memory_space<vmem>>
          %dma_wait3A_127 = arith.constant 0 : i32
          %dma_wait3A_128 = arith.constant 0 : i32
          %dma_wait3A_129 = tpu.memref_slice %arg11[%dma_wait3A_127, %dma_wait3A_128] : memref<10112x128xf32, #tpu.memory_space<vmem_shared>> -> memref<10112x128xf32, #tpu.memory_space<vmem_shared>>
          tpu.wait_indirect_dma semaphore(%arg15 : memref<!tpu.dma_semaphore, #tpu.memory_space<semaphore_mem>>) src(%arg10 : memref<128x128xf32, #tpu.memory_space<vmem>>) dst(%dma_wait3A_129 : memref<10112x128xf32, #tpu.memory_space<vmem_shared>>)
        } else {
        }
        %add3A_94 = arith.constant 2 : i32
        %add3A_95 = arith.addi %add3A_77, %add3A_94 : i32
        %sub3A = arith.constant 1 : i32
        %sub3A_96 = arith.subi %add3A_95, %sub3A : i32
        %dma_start3A_97 = arith.constant 0 : i32
        %dma_start3A_98 = tpu.memref_slice %arg7[%sub3A_96, %dma_start3A_97] : memref<64x128xi32, #tpu.memory_space<vmem>> -> memref<1x128xi32, #tpu.memory_space<vmem>>
        %dma_start3A_99 = tpu.memref_squeeze %dma_start3A_98 : memref<1x128xi32, #tpu.memory_space<vmem>> -> memref<128xi32, #tpu.memory_space<vmem>>
        %dma_start3A_100 = arith.constant 0 : i32
        %dma_start3A_101 = arith.constant 0 : i32
        %dma_start3A_102 = tpu.memref_slice %arg2[%dma_start3A_100, %dma_start3A_101] : memref<10000x128xf32, #tpu.memory_space<hbm>> -> memref<10000x128xf32, #tpu.memory_space<hbm>>
        tpu.enqueue_indirect_dma source(%dma_start3A_102 : memref<10000x128xf32, #tpu.memory_space<hbm>>) target(%arg10 : memref<128x128xf32, #tpu.memory_space<vmem>>) offsets(%dma_start3A_99 : memref<128xi32, #tpu.memory_space<vmem>>) semaphore(%arg13 : memref<!tpu.dma_semaphore, #tpu.memory_space<semaphore_mem>>)
        %mul3A_103 = arith.constant 2 : i32
        %mul3A_104 = arith.muli %scan3A_73, %mul3A_103 : i32
        %add3A_105 = arith.constant 1 : i32
        %add3A_106 = arith.addi %mul3A_104, %add3A_105 : i32
        %dma_wait3A_107 = arith.constant 0 : i32
        %dma_wait3A_108 = tpu.memref_slice %arg7[%add3A_106, %dma_wait3A_107] : memref<64x128xi32, #tpu.memory_space<vmem>> -> memref<1x128xi32, #tpu.memory_space<vmem>>
        %dma_wait3A_109 = tpu.memref_squeeze %dma_wait3A_108 : memref<1x128xi32, #tpu.memory_space<vmem>> -> memref<128xi32, #tpu.memory_space<vmem>>
        %dma_wait3A_110 = arith.constant 0 : i32
        %dma_wait3A_111 = arith.constant 0 : i32
        %dma_wait3A_112 = tpu.memref_slice %arg2[%dma_wait3A_110, %dma_wait3A_111] : memref<10000x128xf32, #tpu.memory_space<hbm>> -> memref<10000x128xf32, #tpu.memory_space<hbm>>
        tpu.wait_indirect_dma semaphore(%arg13 : memref<!tpu.dma_semaphore, #tpu.memory_space<semaphore_mem>>) src(%dma_wait3A_112 : memref<10000x128xf32, #tpu.memory_space<hbm>>) dst(%arg10 : memref<128x128xf32, #tpu.memory_space<vmem>>)
        %dma_start3A_113 = arith.constant 0 : i32
        %dma_start3A_114 = tpu.memref_slice %arg8[%add3A_106, %dma_start3A_113] : memref<64x128xi32, #tpu.memory_space<vmem>> -> memref<1x128xi32, #tpu.memory_space<vmem>>
        %dma_start3A_115 = tpu.memref_squeeze %dma_start3A_114 : memref<1x128xi32, #tpu.memory_space<vmem>> -> memref<128xi32, #tpu.memory_space<vmem>>
        %dma_start3A_116 = arith.constant 0 : i32
        %dma_start3A_117 = arith.constant 0 : i32
        %dma_start3A_118 = tpu.memref_slice %arg11[%dma_start3A_116, %dma_start3A_117] : memref<10112x128xf32, #tpu.memory_space<vmem_shared>> -> memref<10112x128xf32, #tpu.memory_space<vmem_shared>>
        tpu.enqueue_indirect_dma source(%arg10 : memref<128x128xf32, #tpu.memory_space<vmem>>) target(%dma_start3A_118 : memref<10112x128xf32, #tpu.memory_space<vmem_shared>>) offsets(%dma_start3A_115 : memref<128xi32, #tpu.memory_space<vmem>>) semaphore(%arg15 : memref<!tpu.dma_semaphore, #tpu.memory_space<semaphore_mem>>) {add = true}
        %lt3A = arith.constant 7 : i32
        %lt3A_119 = arith.cmpi slt, %scan3A_73, %lt3A : i32
        %convert_element_type3A_120 = arith.extui %lt3A_119 : i1 to i32
        %cond3A_121 = arith.constant 0 : i32
        %cond3A_122 = arith.cmpi ne, %convert_element_type3A_120, %cond3A_121 : i32
        scf.if %cond3A_122 {
          %dma_wait3A_123 = arith.constant 0 : i32
          %dma_wait3A_124 = arith.constant 0 : i32
          %dma_wait3A_125 = tpu.memref_slice %arg8[%dma_wait3A_123, %dma_wait3A_124] : memref<64x128xi32, #tpu.memory_space<vmem>> -> memref<1x128xi32, #tpu.memory_space<vmem>>
          %dma_wait3A_126 = tpu.memref_squeeze %dma_wait3A_125 : memref<1x128xi32, #tpu.memory_space<vmem>> -> memref<128xi32, #tpu.memory_space<vmem>>
          %dma_wait3A_127 = arith.constant 0 : i32
          %dma_wait3A_128 = arith.constant 0 : i32
          %dma_wait3A_129 = tpu.memref_slice %arg11[%dma_wait3A_127, %dma_wait3A_128] : memref<10112x128xf32, #tpu.memory_space<vmem_shared>> -> memref<10112x128xf32, #tpu.memory_space<vmem_shared>>
          tpu.wait_indirect_dma semaphore(%arg14 : memref<!tpu.dma_semaphore, #tpu.memory_space<semaphore_mem>>) src(%arg9 : memref<128x128xf32, #tpu.memory_space<vmem>>) dst(%dma_wait3A_129 : memref<10112x128xf32, #tpu.memory_space<vmem_shared>>)
          %add3A_130 = arith.constant 2 : i32
          %add3A_131 = arith.addi %add3A_106, %add3A_130 : i32
          %sub3A_132 = arith.constant 1 : i32
          %sub3A_133 = arith.subi %add3A_131, %sub3A_132 : i32
          %dma_start3A_134 = arith.constant 0 : i32
          %dma_start3A_135 = tpu.memref_slice %arg7[%sub3A_133, %dma_start3A_134] : memref<64x128xi32, #tpu.memory_space<vmem>> -> memref<1x128xi32, #tpu.memory_space<vmem>>
          %dma_start3A_136 = tpu.memref_squeeze %dma_start3A_135 : memref<1x128xi32, #tpu.memory_space<vmem>> -> memref<128xi32, #tpu.memory_space<vmem>>
          %dma_start3A_137 = arith.constant 0 : i32
          %dma_start3A_138 = arith.constant 0 : i32
          %dma_start3A_139 = tpu.memref_slice %arg2[%dma_start3A_137, %dma_start3A_138] : memref<10000x128xf32, #tpu.memory_space<hbm>> -> memref<10000x128xf32, #tpu.memory_space<hbm>>
          tpu.enqueue_indirect_dma source(%dma_start3A_139 : memref<10000x128xf32, #tpu.memory_space<hbm>>) target(%arg9 : memref<128x128xf32, #tpu.memory_space<vmem>>) offsets(%dma_start3A_136 : memref<128xi32, #tpu.memory_space<vmem>>) semaphore(%arg12 : memref<!tpu.dma_semaphore, #tpu.memory_space<semaphore_mem>>)
        } else {
        }
      }
      %scan3A_58 = arith.constant 8 : i32
      %dma_wait3A_59 = arith.constant 0 : i32
      %dma_wait3A_60 = arith.constant 0 : i32
      %dma_wait3A_61 = tpu.memref_slice %arg8[%dma_wait3A_59, %dma_wait3A_60] : memref<64x128xi32, #tpu.memory_space<vmem>> -> memref<1x128xi32, #tpu.memory_space<vmem>>
      %dma_wait3A_62 = tpu.memref_squeeze %dma_wait3A_61 : memref<1x128xi32, #tpu.memory_space<vmem>> -> memref<128xi32, #tpu.memory_space<vmem>>
      %dma_wait3A_63 = arith.constant 0 : i32
      %dma_wait3A_64 = arith.constant 0 : i32
      %dma_wait3A_65 = tpu.memref_slice %arg11[%dma_wait3A_63, %dma_wait3A_64] : memref<10112x128xf32, #tpu.memory_space<vmem_shared>> -> memref<10112x128xf32, #tpu.memory_space<vmem_shared>>
      tpu.wait_indirect_dma semaphore(%arg14 : memref<!tpu.dma_semaphore, #tpu.memory_space<semaphore_mem>>) src(%arg9 : memref<128x128xf32, #tpu.memory_space<vmem>>) dst(%dma_wait3A_65 : memref<10112x128xf32, #tpu.memory_space<vmem_shared>>)
      %dma_wait3A_66 = arith.constant 0 : i32
      %dma_wait3A_67 = arith.constant 0 : i32
      %dma_wait3A_68 = tpu.memref_slice %arg8[%dma_wait3A_66, %dma_wait3A_67] : memref<64x128xi32, #tpu.memory_space<vmem>> -> memref<1x128xi32, #tpu.memory_space<vmem>>
      %dma_wait3A_69 = tpu.memref_squeeze %dma_wait3A_68 : memref<1x128xi32, #tpu.memory_space<vmem>> -> memref<128xi32, #tpu.memory_space<vmem>>
      %dma_wait3A_70 = arith.constant 0 : i32
      %dma_wait3A_71 = arith.constant 0 : i32
      %dma_wait3A_72 = tpu.memref_slice %arg11[%dma_wait3A_70, %dma_wait3A_71] : memref<10112x128xf32, #tpu.memory_space<vmem_shared>> -> memref<10112x128xf32, #tpu.memory_space<vmem_shared>>
      tpu.wait_indirect_dma semaphore(%arg15 : memref<!tpu.dma_semaphore, #tpu.memory_space<semaphore_mem>>) src(%arg10 : memref<128x128xf32, #tpu.memory_space<vmem>>) dst(%dma_wait3A_72 : memref<10112x128xf32, #tpu.memory_space<vmem_shared>>)
    } else {
    }
    %barrier3A_10 = arith.constant 0 : index
    tpu.barrier barrier_id(%barrier3A_10)
    %mul3A_11 = arith.constant 632 : i32
    %mul3A_12 = arith.muli %arg1, %mul3A_11 : i32
    %mul3A_13 = arith.constant 632 : i32
    %mul3A_14 = arith.muli %arg1, %mul3A_13 : i32
    "tpu.region"() ({
      %run_scoped3A = tpu.sem_alloc : memref<!tpu.dma_semaphore, #tpu.memory_space<semaphore_mem>>
      %dma_start3A = arith.constant 0 : i32
      %dma_start3A_15 = tpu.memref_slice %arg6[%arg0, %mul3A_14, %dma_start3A] : memref<2x10112x128xf32, #tpu.memory_space<hbm>> -> memref<1x632x128xf32, #tpu.memory_space<hbm>>
      %dma_start3A_16 = tpu.memref_squeeze %dma_start3A_15 : memref<1x632x128xf32, #tpu.memory_space<hbm>> -> memref<632x128xf32, #tpu.memory_space<hbm>>
      %dma_start3A_17 = arith.constant 0 : i32
      %dma_start3A_18 = tpu.memref_slice %arg11[%mul3A_12, %dma_start3A_17] : memref<10112x128xf32, #tpu.memory_space<vmem_shared>> -> memref<632x128xf32, #tpu.memory_space<vmem_shared>>
      tpu.enqueue_dma source(%dma_start3A_18 : memref<632x128xf32, #tpu.memory_space<vmem_shared>>) target(%dma_start3A_16 : memref<632x128xf32, #tpu.memory_space<hbm>>) target_semaphore(%run_scoped3A : memref<!tpu.dma_semaphore, #tpu.memory_space<semaphore_mem>>)
      %dma_wait3A = arith.constant 0 : i32
      %dma_wait3A_19 = tpu.memref_slice %arg6[%arg0, %mul3A_14, %dma_wait3A] : memref<2x10112x128xf32, #tpu.memory_space<hbm>> -> memref<1x632x128xf32, #tpu.memory_space<hbm>>
      %dma_wait3A_20 = tpu.memref_squeeze %dma_wait3A_19 : memref<1x632x128xf32, #tpu.memory_space<hbm>> -> memref<632x128xf32, #tpu.memory_space<hbm>>
      %dma_wait3A_21 = arith.constant 0 : i32
      %dma_wait3A_22 = tpu.memref_slice %arg11[%mul3A_12, %dma_wait3A_21] : memref<10112x128xf32, #tpu.memory_space<vmem_shared>> -> memref<632x128xf32, #tpu.memory_space<vmem_shared>>
      tpu.wait_dma2 semaphore(%run_scoped3A : memref<!tpu.dma_semaphore, #tpu.memory_space<semaphore_mem>>) src(%dma_wait3A_22 : memref<632x128xf32, #tpu.memory_space<vmem_shared>>) dst(%dma_wait3A_20 : memref<632x128xf32, #tpu.memory_space<hbm>>)
      tpu.yield
    }) : () -> ()
    return
  }
}

#map = affine_map<(d0, d1) -> (0, 0)>
#map1 = affine_map<(d0, d1) -> (0, 0, 0)>
module attributes {stable_mosaic.version = 14 : i64} {
  func.func @sc_spmm(%arg0: i32, %arg1: i32, %arg2: memref<10000x128xf32, #tpu.memory_space<hbm>>, %arg3: memref<2560x128xi32, #tpu.memory_space<hbm>>, %arg4: memref<2560x128xi32, #tpu.memory_space<hbm>>, %arg5: memref<10112x128xf32, #tpu.memory_space<hbm>>, %arg6: memref<2x10112x128xf32, #tpu.memory_space<hbm>>, %arg7: memref<64x128xi32, #tpu.memory_space<vmem>>, %arg8: memref<64x128xi32, #tpu.memory_space<vmem>>, %arg9: memref<128x128xf32, #tpu.memory_space<vmem>>, %arg10: memref<128x128xf32, #tpu.memory_space<vmem>>, %arg11: memref<10112x128xf32, #tpu.memory_space<vmem_shared>>, %arg12: memref<!tpu.dma_semaphore, #tpu.memory_space<semaphore_mem>>, %arg13: memref<!tpu.dma_semaphore, #tpu.memory_space<semaphore_mem>>, %arg14: memref<!tpu.dma_semaphore, #tpu.memory_space<semaphore_mem>>, %arg15: memref<!tpu.dma_semaphore, #tpu.memory_space<semaphore_mem>>) attributes {dimension_semantics = [#tpu.dimension_semantics<core_parallel>, #tpu.dimension_semantics<subcore_parallel>], iteration_bounds = array<i64: 2, 16>, scalar_prefetch = 0 : i64, scratch_operands = 9 : i64, tpu.core_type = #tpu.core_type<sc_vector_subcore>, window_params = [{transform_indices = #map}, {transform_indices = #map}, {transform_indices = #map}, {transform_indices = #map}, {transform_indices = #map1}]} {
    %mul3A = arith.constant 632 : i32
    %mul3A_0 = arith.muli %arg1, %mul3A : i32
    %mul3A_1 = arith.constant 632 : i32
    %mul3A_2 = arith.muli %arg1, %mul3A_1 : i32
    "tpu.region"() ({
      %run_scoped3A = tpu.sem_alloc : memref<!tpu.dma_semaphore, #tpu.memory_space<semaphore_mem>>
      %dma_start3A = arith.constant 0 : i32
      %dma_start3A_15 = tpu.memref_slice %arg11[%mul3A_2, %dma_start3A] : memref<10112x128xf32, #tpu.memory_space<vmem_shared>> -> memref<632x128xf32, #tpu.memory_space<vmem_shared>>
      %dma_start3A_16 = arith.constant 0 : i32
      %dma_start3A_17 = tpu.memref_slice %arg5[%mul3A_0, %dma_start3A_16] : memref<10112x128xf32, #tpu.memory_space<hbm>> -> memref<632x128xf32, #tpu.memory_space<hbm>>
      tpu.enqueue_dma source(%dma_start3A_17 : memref<632x128xf32, #tpu.memory_space<hbm>>) target(%dma_start3A_15 : memref<632x128xf32, #tpu.memory_space<vmem_shared>>) target_semaphore(%run_scoped3A : memref<!tpu.dma_semaphore, #tpu.memory_space<semaphore_mem>>)
      %dma_wait3A = arith.constant 0 : i32
      %dma_wait3A_18 = tpu.memref_slice %arg11[%mul3A_2, %dma_wait3A] : memref<10112x128xf32, #tpu.memory_space<vmem_shared>> -> memref<632x128xf32, #tpu.memory_space<vmem_shared>>
      %dma_wait3A_19 = arith.constant 0 : i32
      %dma_wait3A_20 = tpu.memref_slice %arg5[%mul3A_0, %dma_wait3A_19] : memref<10112x128xf32, #tpu.memory_space<hbm>> -> memref<632x128xf32, #tpu.memory_space<hbm>>
      tpu.wait_dma2 semaphore(%run_scoped3A : memref<!tpu.dma_semaphore, #tpu.memory_space<semaphore_mem>>) src(%dma_wait3A_20 : memref<632x128xf32, #tpu.memory_space<hbm>>) dst(%dma_wait3A_18 : memref<632x128xf32, #tpu.memory_space<vmem_shared>>)
      tpu.yield
    }) : () -> ()
    %barrier3A = arith.constant 0 : index
    tpu.barrier barrier_id(%barrier3A)
    %eq3A = arith.constant 0 : i32
    %eq3A_3 = arith.cmpi eq, %arg0, %eq3A : i32
    %convert_element_type3A = arith.extui %eq3A_3 : i1 to i32
    %cond3A = arith.constant 0 : i32
    %cond3A_4 = arith.cmpi ne, %convert_element_type3A, %cond3A : i32
    scf.if %cond3A_4 {
      %mul3A_15 = arith.constant 128 : i32
      %mul3A_16 = arith.muli %arg1, %mul3A_15 : i32
      %add3A = arith.constant 0 : i32
      %add3A_17 = arith.addi %mul3A_16, %add3A : i32
      "tpu.region"() ({
        %run_scoped3A = tpu.sem_alloc : memref<!tpu.dma_semaphore, #tpu.memory_space<semaphore_mem>>
        %dma_start3A_71 = arith.constant 0 : i32
        %dma_start3A_72 = arith.constant 0 : i32
        %dma_start3A_73 = tpu.memref_slice %arg7[%dma_start3A_71, %dma_start3A_72] : memref<64x128xi32, #tpu.memory_space<vmem>> -> memref<64x128xi32, #tpu.memory_space<vmem>>
        %dma_start3A_74 = arith.constant 0 : i32
        %dma_start3A_75 = tpu.memref_slice %arg3[%add3A_17, %dma_start3A_74] : memref<2560x128xi32, #tpu.memory_space<hbm>> -> memref<64x128xi32, #tpu.memory_space<hbm>>
        %dma_start3A_76 = arith.constant 0 : i32
        %dma_start3A_77 = arith.constant 0 : i32
        %dma_start3A_78 = tpu.memref_slice %arg7[%dma_start3A_76, %dma_start3A_77] : memref<64x128xi32, #tpu.memory_space<vmem>> -> memref<64x128xi32, #tpu.memory_space<vmem>>
        %dma_start3A_79 = arith.constant 0 : i32
        %dma_start3A_80 = tpu.memref_slice %arg3[%add3A_17, %dma_start3A_79] : memref<2560x128xi32, #tpu.memory_space<hbm>> -> memref<64x128xi32, #tpu.memory_space<hbm>>
        tpu.enqueue_dma source(%dma_start3A_80 : memref<64x128xi32, #tpu.memory_space<hbm>>) target(%dma_start3A_78 : memref<64x128xi32, #tpu.memory_space<vmem>>) target_semaphore(%run_scoped3A : memref<!tpu.dma_semaphore, #tpu.memory_space<semaphore_mem>>)
        %dma_wait3A_81 = arith.constant 0 : i32
        %dma_wait3A_82 = arith.constant 0 : i32
        %dma_wait3A_83 = tpu.memref_slice %arg7[%dma_wait3A_81, %dma_wait3A_82] : memref<64x128xi32, #tpu.memory_space<vmem>> -> memref<64x128xi32, #tpu.memory_space<vmem>>
        %dma_wait3A_84 = arith.constant 0 : i32
        %dma_wait3A_85 = tpu.memref_slice %arg3[%add3A_17, %dma_wait3A_84] : memref<2560x128xi32, #tpu.memory_space<hbm>> -> memref<64x128xi32, #tpu.memory_space<hbm>>
        %dma_wait3A_86 = arith.constant 0 : i32
        %dma_wait3A_87 = arith.constant 0 : i32
        %dma_wait3A_88 = tpu.memref_slice %arg7[%dma_wait3A_86, %dma_wait3A_87] : memref<64x128xi32, #tpu.memory_space<vmem>> -> memref<64x128xi32, #tpu.memory_space<vmem>>
        %dma_wait3A_89 = arith.constant 0 : i32
        %dma_wait3A_90 = tpu.memref_slice %arg3[%add3A_17, %dma_wait3A_89] : memref<2560x128xi32, #tpu.memory_space<hbm>> -> memref<64x128xi32, #tpu.memory_space<hbm>>
        tpu.wait_dma2 semaphore(%run_scoped3A : memref<!tpu.dma_semaphore, #tpu.memory_space<semaphore_mem>>) src(%dma_wait3A_90 : memref<64x128xi32, #tpu.memory_space<hbm>>) dst(%dma_wait3A_88 : memref<64x128xi32, #tpu.memory_space<vmem>>)
        tpu.yield
      }) : () -> ()
      "tpu.region"() ({
        %run_scoped3A = tpu.sem_alloc : memref<!tpu.dma_semaphore, #tpu.memory_space<semaphore_mem>>
        %dma_start3A_71 = arith.constant 0 : i32
        %dma_start3A_72 = arith.constant 0 : i32
        %dma_start3A_73 = tpu.memref_slice %arg8[%dma_start3A_71, %dma_start3A_72] : memref<64x128xi32, #tpu.memory_space<vmem>> -> memref<64x128xi32, #tpu.memory_space<vmem>>
        %dma_start3A_74 = arith.constant 0 : i32
        %dma_start3A_75 = tpu.memref_slice %arg4[%add3A_17, %dma_start3A_74] : memref<2560x128xi32, #tpu.memory_space<hbm>> -> memref<64x128xi32, #tpu.memory_space<hbm>>
        %dma_start3A_76 = arith.constant 0 : i32
        %dma_start3A_77 = arith.constant 0 : i32
        %dma_start3A_78 = tpu.memref_slice %arg8[%dma_start3A_76, %dma_start3A_77] : memref<64x128xi32, #tpu.memory_space<vmem>> -> memref<64x128xi32, #tpu.memory_space<vmem>>
        %dma_start3A_79 = arith.constant 0 : i32
        %dma_start3A_80 = tpu.memref_slice %arg4[%add3A_17, %dma_start3A_79] : memref<2560x128xi32, #tpu.memory_space<hbm>> -> memref<64x128xi32, #tpu.memory_space<hbm>>
        tpu.enqueue_dma source(%dma_start3A_80 : memref<64x128xi32, #tpu.memory_space<hbm>>) target(%dma_start3A_78 : memref<64x128xi32, #tpu.memory_space<vmem>>) target_semaphore(%run_scoped3A : memref<!tpu.dma_semaphore, #tpu.memory_space<semaphore_mem>>)
        %dma_wait3A_81 = arith.constant 0 : i32
        %dma_wait3A_82 = arith.constant 0 : i32
        %dma_wait3A_83 = tpu.memref_slice %arg8[%dma_wait3A_81, %dma_wait3A_82] : memref<64x128xi32, #tpu.memory_space<vmem>> -> memref<64x128xi32, #tpu.memory_space<vmem>>
        %dma_wait3A_84 = arith.constant 0 : i32
        %dma_wait3A_85 = tpu.memref_slice %arg4[%add3A_17, %dma_wait3A_84] : memref<2560x128xi32, #tpu.memory_space<hbm>> -> memref<64x128xi32, #tpu.memory_space<hbm>>
        %dma_wait3A_86 = arith.constant 0 : i32
        %dma_wait3A_87 = arith.constant 0 : i32
        %dma_wait3A_88 = tpu.memref_slice %arg8[%dma_wait3A_86, %dma_wait3A_87] : memref<64x128xi32, #tpu.memory_space<vmem>> -> memref<64x128xi32, #tpu.memory_space<vmem>>
        %dma_wait3A_89 = arith.constant 0 : i32
        %dma_wait3A_90 = tpu.memref_slice %arg4[%add3A_17, %dma_wait3A_89] : memref<2560x128xi32, #tpu.memory_space<hbm>> -> memref<64x128xi32, #tpu.memory_space<hbm>>
        tpu.wait_dma2 semaphore(%run_scoped3A : memref<!tpu.dma_semaphore, #tpu.memory_space<semaphore_mem>>) src(%dma_wait3A_90 : memref<64x128xi32, #tpu.memory_space<hbm>>) dst(%dma_wait3A_88 : memref<64x128xi32, #tpu.memory_space<vmem>>)
        tpu.yield
      }) : () -> ()
      %dma_start3A = arith.constant 0 : i32
      %dma_start3A_18 = arith.constant 0 : i32
      %dma_start3A_19 = tpu.memref_slice %arg7[%dma_start3A, %dma_start3A_18] : memref<64x128xi32, #tpu.memory_space<vmem>> -> memref<1x128xi32, #tpu.memory_space<vmem>>
      %dma_start3A_20 = tpu.memref_squeeze %dma_start3A_19 : memref<1x128xi32, #tpu.memory_space<vmem>> -> memref<128xi32, #tpu.memory_space<vmem>>
      %dma_start3A_21 = arith.constant 0 : i32
      %dma_start3A_22 = arith.constant 0 : i32
      %dma_start3A_23 = tpu.memref_slice %arg2[%dma_start3A_21, %dma_start3A_22] : memref<10000x128xf32, #tpu.memory_space<hbm>> -> memref<10000x128xf32, #tpu.memory_space<hbm>>
      tpu.enqueue_indirect_dma source(%dma_start3A_23 : memref<10000x128xf32, #tpu.memory_space<hbm>>) target(%arg9 : memref<128x128xf32, #tpu.memory_space<vmem>>) offsets(%dma_start3A_20 : memref<128xi32, #tpu.memory_space<vmem>>) semaphore(%arg12 : memref<!tpu.dma_semaphore, #tpu.memory_space<semaphore_mem>>)
      %scan3A = arith.constant 0 : i32
      %scan3A_24 = arith.constant 0 : i32
      %scan3A_25 = arith.constant 32 : i32
      %scan3A_26 = arith.addi %scan3A_24, %scan3A_25 : i32
      %scan3A_27 = arith.constant 1 : i32
      scf.for %scan3A_71 = %scan3A_24 to %scan3A_26 step %scan3A_27  : i32 {
        %mul3A_72 = arith.constant 2 : i32
        %mul3A_73 = arith.muli %scan3A_71, %mul3A_72 : i32
        %add3A_74 = arith.constant 0 : i32
        %add3A_75 = arith.addi %mul3A_73, %add3A_74 : i32
        %dma_wait3A_76 = arith.constant 0 : i32
        %dma_wait3A_77 = tpu.memref_slice %arg7[%add3A_75, %dma_wait3A_76] : memref<64x128xi32, #tpu.memory_space<vmem>> -> memref<1x128xi32, #tpu.memory_space<vmem>>
        %dma_wait3A_78 = tpu.memref_squeeze %dma_wait3A_77 : memref<1x128xi32, #tpu.memory_space<vmem>> -> memref<128xi32, #tpu.memory_space<vmem>>
        %dma_wait3A_79 = arith.constant 0 : i32
        %dma_wait3A_80 = arith.constant 0 : i32
        %dma_wait3A_81 = tpu.memref_slice %arg2[%dma_wait3A_79, %dma_wait3A_80] : memref<10000x128xf32, #tpu.memory_space<hbm>> -> memref<10000x128xf32, #tpu.memory_space<hbm>>
        tpu.wait_indirect_dma semaphore(%arg12 : memref<!tpu.dma_semaphore, #tpu.memory_space<semaphore_mem>>) src(%dma_wait3A_81 : memref<10000x128xf32, #tpu.memory_space<hbm>>) dst(%arg9 : memref<128x128xf32, #tpu.memory_space<vmem>>)
        %dma_start3A_82 = arith.constant 0 : i32
        %dma_start3A_83 = tpu.memref_slice %arg8[%add3A_75, %dma_start3A_82] : memref<64x128xi32, #tpu.memory_space<vmem>> -> memref<1x128xi32, #tpu.memory_space<vmem>>
        %dma_start3A_84 = tpu.memref_squeeze %dma_start3A_83 : memref<1x128xi32, #tpu.memory_space<vmem>> -> memref<128xi32, #tpu.memory_space<vmem>>
        %dma_start3A_85 = arith.constant 0 : i32
        %dma_start3A_86 = arith.constant 0 : i32
        %dma_start3A_87 = tpu.memref_slice %arg11[%dma_start3A_85, %dma_start3A_86] : memref<10112x128xf32, #tpu.memory_space<vmem_shared>> -> memref<10112x128xf32, #tpu.memory_space<vmem_shared>>
        tpu.enqueue_indirect_dma source(%arg9 : memref<128x128xf32, #tpu.memory_space<vmem>>) target(%dma_start3A_87 : memref<10112x128xf32, #tpu.memory_space<vmem_shared>>) offsets(%dma_start3A_84 : memref<128xi32, #tpu.memory_space<vmem>>) semaphore(%arg14 : memref<!tpu.dma_semaphore, #tpu.memory_space<semaphore_mem>>) {add = true}
        %gt3A = arith.constant 0 : i32
        %gt3A_88 = arith.cmpi sgt, %scan3A_71, %gt3A : i32
        %convert_element_type3A_89 = arith.extui %gt3A_88 : i1 to i32
        %cond3A_90 = arith.constant 0 : i32
        %cond3A_91 = arith.cmpi ne, %convert_element_type3A_89, %cond3A_90 : i32
        scf.if %cond3A_91 {
          %dma_wait3A_121 = arith.constant 0 : i32
          %dma_wait3A_122 = arith.constant 0 : i32
          %dma_wait3A_123 = tpu.memref_slice %arg8[%dma_wait3A_121, %dma_wait3A_122] : memref<64x128xi32, #tpu.memory_space<vmem>> -> memref<1x128xi32, #tpu.memory_space<vmem>>
          %dma_wait3A_124 = tpu.memref_squeeze %dma_wait3A_123 : memref<1x128xi32, #tpu.memory_space<vmem>> -> memref<128xi32, #tpu.memory_space<vmem>>
          %dma_wait3A_125 = arith.constant 0 : i32
          %dma_wait3A_126 = arith.constant 0 : i32
          %dma_wait3A_127 = tpu.memref_slice %arg11[%dma_wait3A_125, %dma_wait3A_126] : memref<10112x128xf32, #tpu.memory_space<vmem_shared>> -> memref<10112x128xf32, #tpu.memory_space<vmem_shared>>
          tpu.wait_indirect_dma semaphore(%arg15 : memref<!tpu.dma_semaphore, #tpu.memory_space<semaphore_mem>>) src(%arg10 : memref<128x128xf32, #tpu.memory_space<vmem>>) dst(%dma_wait3A_127 : memref<10112x128xf32, #tpu.memory_space<vmem_shared>>)
        } else {
        }
        %add3A_92 = arith.constant 2 : i32
        %add3A_93 = arith.addi %add3A_75, %add3A_92 : i32
        %sub3A = arith.constant 1 : i32
        %sub3A_94 = arith.subi %add3A_93, %sub3A : i32
        %dma_start3A_95 = arith.constant 0 : i32
        %dma_start3A_96 = tpu.memref_slice %arg7[%sub3A_94, %dma_start3A_95] : memref<64x128xi32, #tpu.memory_space<vmem>> -> memref<1x128xi32, #tpu.memory_space<vmem>>
        %dma_start3A_97 = tpu.memref_squeeze %dma_start3A_96 : memref<1x128xi32, #tpu.memory_space<vmem>> -> memref<128xi32, #tpu.memory_space<vmem>>
        %dma_start3A_98 = arith.constant 0 : i32
        %dma_start3A_99 = arith.constant 0 : i32
        %dma_start3A_100 = tpu.memref_slice %arg2[%dma_start3A_98, %dma_start3A_99] : memref<10000x128xf32, #tpu.memory_space<hbm>> -> memref<10000x128xf32, #tpu.memory_space<hbm>>
        tpu.enqueue_indirect_dma source(%dma_start3A_100 : memref<10000x128xf32, #tpu.memory_space<hbm>>) target(%arg10 : memref<128x128xf32, #tpu.memory_space<vmem>>) offsets(%dma_start3A_97 : memref<128xi32, #tpu.memory_space<vmem>>) semaphore(%arg13 : memref<!tpu.dma_semaphore, #tpu.memory_space<semaphore_mem>>)
        %mul3A_101 = arith.constant 2 : i32
        %mul3A_102 = arith.muli %scan3A_71, %mul3A_101 : i32
        %add3A_103 = arith.constant 1 : i32
        %add3A_104 = arith.addi %mul3A_102, %add3A_103 : i32
        %dma_wait3A_105 = arith.constant 0 : i32
        %dma_wait3A_106 = tpu.memref_slice %arg7[%add3A_104, %dma_wait3A_105] : memref<64x128xi32, #tpu.memory_space<vmem>> -> memref<1x128xi32, #tpu.memory_space<vmem>>
        %dma_wait3A_107 = tpu.memref_squeeze %dma_wait3A_106 : memref<1x128xi32, #tpu.memory_space<vmem>> -> memref<128xi32, #tpu.memory_space<vmem>>
        %dma_wait3A_108 = arith.constant 0 : i32
        %dma_wait3A_109 = arith.constant 0 : i32
        %dma_wait3A_110 = tpu.memref_slice %arg2[%dma_wait3A_108, %dma_wait3A_109] : memref<10000x128xf32, #tpu.memory_space<hbm>> -> memref<10000x128xf32, #tpu.memory_space<hbm>>
        tpu.wait_indirect_dma semaphore(%arg13 : memref<!tpu.dma_semaphore, #tpu.memory_space<semaphore_mem>>) src(%dma_wait3A_110 : memref<10000x128xf32, #tpu.memory_space<hbm>>) dst(%arg10 : memref<128x128xf32, #tpu.memory_space<vmem>>)
        %dma_start3A_111 = arith.constant 0 : i32
        %dma_start3A_112 = tpu.memref_slice %arg8[%add3A_104, %dma_start3A_111] : memref<64x128xi32, #tpu.memory_space<vmem>> -> memref<1x128xi32, #tpu.memory_space<vmem>>
        %dma_start3A_113 = tpu.memref_squeeze %dma_start3A_112 : memref<1x128xi32, #tpu.memory_space<vmem>> -> memref<128xi32, #tpu.memory_space<vmem>>
        %dma_start3A_114 = arith.constant 0 : i32
        %dma_start3A_115 = arith.constant 0 : i32
        %dma_start3A_116 = tpu.memref_slice %arg11[%dma_start3A_114, %dma_start3A_115] : memref<10112x128xf32, #tpu.memory_space<vmem_shared>> -> memref<10112x128xf32, #tpu.memory_space<vmem_shared>>
        tpu.enqueue_indirect_dma source(%arg10 : memref<128x128xf32, #tpu.memory_space<vmem>>) target(%dma_start3A_116 : memref<10112x128xf32, #tpu.memory_space<vmem_shared>>) offsets(%dma_start3A_113 : memref<128xi32, #tpu.memory_space<vmem>>) semaphore(%arg15 : memref<!tpu.dma_semaphore, #tpu.memory_space<semaphore_mem>>) {add = true}
        %lt3A = arith.constant 31 : i32
        %lt3A_117 = arith.cmpi slt, %scan3A_71, %lt3A : i32
        %convert_element_type3A_118 = arith.extui %lt3A_117 : i1 to i32
        %cond3A_119 = arith.constant 0 : i32
        %cond3A_120 = arith.cmpi ne, %convert_element_type3A_118, %cond3A_119 : i32
        scf.if %cond3A_120 {
          %dma_wait3A_121 = arith.constant 0 : i32
          %dma_wait3A_122 = arith.constant 0 : i32
          %dma_wait3A_123 = tpu.memref_slice %arg8[%dma_wait3A_121, %dma_wait3A_122] : memref<64x128xi32, #tpu.memory_space<vmem>> -> memref<1x128xi32, #tpu.memory_space<vmem>>
          %dma_wait3A_124 = tpu.memref_squeeze %dma_wait3A_123 : memref<1x128xi32, #tpu.memory_space<vmem>> -> memref<128xi32, #tpu.memory_space<vmem>>
          %dma_wait3A_125 = arith.constant 0 : i32
          %dma_wait3A_126 = arith.constant 0 : i32
          %dma_wait3A_127 = tpu.memref_slice %arg11[%dma_wait3A_125, %dma_wait3A_126] : memref<10112x128xf32, #tpu.memory_space<vmem_shared>> -> memref<10112x128xf32, #tpu.memory_space<vmem_shared>>
          tpu.wait_indirect_dma semaphore(%arg14 : memref<!tpu.dma_semaphore, #tpu.memory_space<semaphore_mem>>) src(%arg9 : memref<128x128xf32, #tpu.memory_space<vmem>>) dst(%dma_wait3A_127 : memref<10112x128xf32, #tpu.memory_space<vmem_shared>>)
          %add3A_128 = arith.constant 2 : i32
          %add3A_129 = arith.addi %add3A_104, %add3A_128 : i32
          %sub3A_130 = arith.constant 1 : i32
          %sub3A_131 = arith.subi %add3A_129, %sub3A_130 : i32
          %dma_start3A_132 = arith.constant 0 : i32
          %dma_start3A_133 = tpu.memref_slice %arg7[%sub3A_131, %dma_start3A_132] : memref<64x128xi32, #tpu.memory_space<vmem>> -> memref<1x128xi32, #tpu.memory_space<vmem>>
          %dma_start3A_134 = tpu.memref_squeeze %dma_start3A_133 : memref<1x128xi32, #tpu.memory_space<vmem>> -> memref<128xi32, #tpu.memory_space<vmem>>
          %dma_start3A_135 = arith.constant 0 : i32
          %dma_start3A_136 = arith.constant 0 : i32
          %dma_start3A_137 = tpu.memref_slice %arg2[%dma_start3A_135, %dma_start3A_136] : memref<10000x128xf32, #tpu.memory_space<hbm>> -> memref<10000x128xf32, #tpu.memory_space<hbm>>
          tpu.enqueue_indirect_dma source(%dma_start3A_137 : memref<10000x128xf32, #tpu.memory_space<hbm>>) target(%arg9 : memref<128x128xf32, #tpu.memory_space<vmem>>) offsets(%dma_start3A_134 : memref<128xi32, #tpu.memory_space<vmem>>) semaphore(%arg12 : memref<!tpu.dma_semaphore, #tpu.memory_space<semaphore_mem>>)
        } else {
        }
      }
      %scan3A_28 = arith.constant 32 : i32
      %dma_wait3A = arith.constant 0 : i32
      %dma_wait3A_29 = arith.constant 0 : i32
      %dma_wait3A_30 = tpu.memref_slice %arg8[%dma_wait3A, %dma_wait3A_29] : memref<64x128xi32, #tpu.memory_space<vmem>> -> memref<1x128xi32, #tpu.memory_space<vmem>>
      %dma_wait3A_31 = tpu.memref_squeeze %dma_wait3A_30 : memref<1x128xi32, #tpu.memory_space<vmem>> -> memref<128xi32, #tpu.memory_space<vmem>>
      %dma_wait3A_32 = arith.constant 0 : i32
      %dma_wait3A_33 = arith.constant 0 : i32
      %dma_wait3A_34 = tpu.memref_slice %arg11[%dma_wait3A_32, %dma_wait3A_33] : memref<10112x128xf32, #tpu.memory_space<vmem_shared>> -> memref<10112x128xf32, #tpu.memory_space<vmem_shared>>
      tpu.wait_indirect_dma semaphore(%arg14 : memref<!tpu.dma_semaphore, #tpu.memory_space<semaphore_mem>>) src(%arg9 : memref<128x128xf32, #tpu.memory_space<vmem>>) dst(%dma_wait3A_34 : memref<10112x128xf32, #tpu.memory_space<vmem_shared>>)
      %dma_wait3A_35 = arith.constant 0 : i32
      %dma_wait3A_36 = arith.constant 0 : i32
      %dma_wait3A_37 = tpu.memref_slice %arg8[%dma_wait3A_35, %dma_wait3A_36] : memref<64x128xi32, #tpu.memory_space<vmem>> -> memref<1x128xi32, #tpu.memory_space<vmem>>
      %dma_wait3A_38 = tpu.memref_squeeze %dma_wait3A_37 : memref<1x128xi32, #tpu.memory_space<vmem>> -> memref<128xi32, #tpu.memory_space<vmem>>
      %dma_wait3A_39 = arith.constant 0 : i32
      %dma_wait3A_40 = arith.constant 0 : i32
      %dma_wait3A_41 = tpu.memref_slice %arg11[%dma_wait3A_39, %dma_wait3A_40] : memref<10112x128xf32, #tpu.memory_space<vmem_shared>> -> memref<10112x128xf32, #tpu.memory_space<vmem_shared>>
      tpu.wait_indirect_dma semaphore(%arg15 : memref<!tpu.dma_semaphore, #tpu.memory_space<semaphore_mem>>) src(%arg10 : memref<128x128xf32, #tpu.memory_space<vmem>>) dst(%dma_wait3A_41 : memref<10112x128xf32, #tpu.memory_space<vmem_shared>>)
      %add3A_42 = arith.constant 64 : i32
      %add3A_43 = arith.addi %mul3A_16, %add3A_42 : i32
      "tpu.region"() ({
        %run_scoped3A = tpu.sem_alloc : memref<!tpu.dma_semaphore, #tpu.memory_space<semaphore_mem>>
        %dma_start3A_71 = arith.constant 0 : i32
        %dma_start3A_72 = arith.constant 0 : i32
        %dma_start3A_73 = tpu.memref_slice %arg7[%dma_start3A_71, %dma_start3A_72] : memref<64x128xi32, #tpu.memory_space<vmem>> -> memref<64x128xi32, #tpu.memory_space<vmem>>
        %dma_start3A_74 = arith.constant 0 : i32
        %dma_start3A_75 = tpu.memref_slice %arg3[%add3A_43, %dma_start3A_74] : memref<2560x128xi32, #tpu.memory_space<hbm>> -> memref<64x128xi32, #tpu.memory_space<hbm>>
        %dma_start3A_76 = arith.constant 0 : i32
        %dma_start3A_77 = arith.constant 0 : i32
        %dma_start3A_78 = tpu.memref_slice %arg7[%dma_start3A_76, %dma_start3A_77] : memref<64x128xi32, #tpu.memory_space<vmem>> -> memref<64x128xi32, #tpu.memory_space<vmem>>
        %dma_start3A_79 = arith.constant 0 : i32
        %dma_start3A_80 = tpu.memref_slice %arg3[%add3A_43, %dma_start3A_79] : memref<2560x128xi32, #tpu.memory_space<hbm>> -> memref<64x128xi32, #tpu.memory_space<hbm>>
        tpu.enqueue_dma source(%dma_start3A_80 : memref<64x128xi32, #tpu.memory_space<hbm>>) target(%dma_start3A_78 : memref<64x128xi32, #tpu.memory_space<vmem>>) target_semaphore(%run_scoped3A : memref<!tpu.dma_semaphore, #tpu.memory_space<semaphore_mem>>)
        %dma_wait3A_81 = arith.constant 0 : i32
        %dma_wait3A_82 = arith.constant 0 : i32
        %dma_wait3A_83 = tpu.memref_slice %arg7[%dma_wait3A_81, %dma_wait3A_82] : memref<64x128xi32, #tpu.memory_space<vmem>> -> memref<64x128xi32, #tpu.memory_space<vmem>>
        %dma_wait3A_84 = arith.constant 0 : i32
        %dma_wait3A_85 = tpu.memref_slice %arg3[%add3A_43, %dma_wait3A_84] : memref<2560x128xi32, #tpu.memory_space<hbm>> -> memref<64x128xi32, #tpu.memory_space<hbm>>
        %dma_wait3A_86 = arith.constant 0 : i32
        %dma_wait3A_87 = arith.constant 0 : i32
        %dma_wait3A_88 = tpu.memref_slice %arg7[%dma_wait3A_86, %dma_wait3A_87] : memref<64x128xi32, #tpu.memory_space<vmem>> -> memref<64x128xi32, #tpu.memory_space<vmem>>
        %dma_wait3A_89 = arith.constant 0 : i32
        %dma_wait3A_90 = tpu.memref_slice %arg3[%add3A_43, %dma_wait3A_89] : memref<2560x128xi32, #tpu.memory_space<hbm>> -> memref<64x128xi32, #tpu.memory_space<hbm>>
        tpu.wait_dma2 semaphore(%run_scoped3A : memref<!tpu.dma_semaphore, #tpu.memory_space<semaphore_mem>>) src(%dma_wait3A_90 : memref<64x128xi32, #tpu.memory_space<hbm>>) dst(%dma_wait3A_88 : memref<64x128xi32, #tpu.memory_space<vmem>>)
        tpu.yield
      }) : () -> ()
      "tpu.region"() ({
        %run_scoped3A = tpu.sem_alloc : memref<!tpu.dma_semaphore, #tpu.memory_space<semaphore_mem>>
        %dma_start3A_71 = arith.constant 0 : i32
        %dma_start3A_72 = arith.constant 0 : i32
        %dma_start3A_73 = tpu.memref_slice %arg8[%dma_start3A_71, %dma_start3A_72] : memref<64x128xi32, #tpu.memory_space<vmem>> -> memref<64x128xi32, #tpu.memory_space<vmem>>
        %dma_start3A_74 = arith.constant 0 : i32
        %dma_start3A_75 = tpu.memref_slice %arg4[%add3A_43, %dma_start3A_74] : memref<2560x128xi32, #tpu.memory_space<hbm>> -> memref<64x128xi32, #tpu.memory_space<hbm>>
        %dma_start3A_76 = arith.constant 0 : i32
        %dma_start3A_77 = arith.constant 0 : i32
        %dma_start3A_78 = tpu.memref_slice %arg8[%dma_start3A_76, %dma_start3A_77] : memref<64x128xi32, #tpu.memory_space<vmem>> -> memref<64x128xi32, #tpu.memory_space<vmem>>
        %dma_start3A_79 = arith.constant 0 : i32
        %dma_start3A_80 = tpu.memref_slice %arg4[%add3A_43, %dma_start3A_79] : memref<2560x128xi32, #tpu.memory_space<hbm>> -> memref<64x128xi32, #tpu.memory_space<hbm>>
        tpu.enqueue_dma source(%dma_start3A_80 : memref<64x128xi32, #tpu.memory_space<hbm>>) target(%dma_start3A_78 : memref<64x128xi32, #tpu.memory_space<vmem>>) target_semaphore(%run_scoped3A : memref<!tpu.dma_semaphore, #tpu.memory_space<semaphore_mem>>)
        %dma_wait3A_81 = arith.constant 0 : i32
        %dma_wait3A_82 = arith.constant 0 : i32
        %dma_wait3A_83 = tpu.memref_slice %arg8[%dma_wait3A_81, %dma_wait3A_82] : memref<64x128xi32, #tpu.memory_space<vmem>> -> memref<64x128xi32, #tpu.memory_space<vmem>>
        %dma_wait3A_84 = arith.constant 0 : i32
        %dma_wait3A_85 = tpu.memref_slice %arg4[%add3A_43, %dma_wait3A_84] : memref<2560x128xi32, #tpu.memory_space<hbm>> -> memref<64x128xi32, #tpu.memory_space<hbm>>
        %dma_wait3A_86 = arith.constant 0 : i32
        %dma_wait3A_87 = arith.constant 0 : i32
        %dma_wait3A_88 = tpu.memref_slice %arg8[%dma_wait3A_86, %dma_wait3A_87] : memref<64x128xi32, #tpu.memory_space<vmem>> -> memref<64x128xi32, #tpu.memory_space<vmem>>
        %dma_wait3A_89 = arith.constant 0 : i32
        %dma_wait3A_90 = tpu.memref_slice %arg4[%add3A_43, %dma_wait3A_89] : memref<2560x128xi32, #tpu.memory_space<hbm>> -> memref<64x128xi32, #tpu.memory_space<hbm>>
        tpu.wait_dma2 semaphore(%run_scoped3A : memref<!tpu.dma_semaphore, #tpu.memory_space<semaphore_mem>>) src(%dma_wait3A_90 : memref<64x128xi32, #tpu.memory_space<hbm>>) dst(%dma_wait3A_88 : memref<64x128xi32, #tpu.memory_space<vmem>>)
        tpu.yield
      }) : () -> ()
      %dma_start3A_44 = arith.constant 0 : i32
      %dma_start3A_45 = arith.constant 0 : i32
      %dma_start3A_46 = tpu.memref_slice %arg7[%dma_start3A_44, %dma_start3A_45] : memref<64x128xi32, #tpu.memory_space<vmem>> -> memref<1x128xi32, #tpu.memory_space<vmem>>
      %dma_start3A_47 = tpu.memref_squeeze %dma_start3A_46 : memref<1x128xi32, #tpu.memory_space<vmem>> -> memref<128xi32, #tpu.memory_space<vmem>>
      %dma_start3A_48 = arith.constant 0 : i32
      %dma_start3A_49 = arith.constant 0 : i32
      %dma_start3A_50 = tpu.memref_slice %arg2[%dma_start3A_48, %dma_start3A_49] : memref<10000x128xf32, #tpu.memory_space<hbm>> -> memref<10000x128xf32, #tpu.memory_space<hbm>>
      tpu.enqueue_indirect_dma source(%dma_start3A_50 : memref<10000x128xf32, #tpu.memory_space<hbm>>) target(%arg9 : memref<128x128xf32, #tpu.memory_space<vmem>>) offsets(%dma_start3A_47 : memref<128xi32, #tpu.memory_space<vmem>>) semaphore(%arg12 : memref<!tpu.dma_semaphore, #tpu.memory_space<semaphore_mem>>)
      %scan3A_51 = arith.constant 0 : i32
      %scan3A_52 = arith.constant 0 : i32
      %scan3A_53 = arith.constant 32 : i32
      %scan3A_54 = arith.addi %scan3A_52, %scan3A_53 : i32
      %scan3A_55 = arith.constant 1 : i32
      scf.for %scan3A_71 = %scan3A_52 to %scan3A_54 step %scan3A_55  : i32 {
        %mul3A_72 = arith.constant 2 : i32
        %mul3A_73 = arith.muli %scan3A_71, %mul3A_72 : i32
        %add3A_74 = arith.constant 0 : i32
        %add3A_75 = arith.addi %mul3A_73, %add3A_74 : i32
        %dma_wait3A_76 = arith.constant 0 : i32
        %dma_wait3A_77 = tpu.memref_slice %arg7[%add3A_75, %dma_wait3A_76] : memref<64x128xi32, #tpu.memory_space<vmem>> -> memref<1x128xi32, #tpu.memory_space<vmem>>
        %dma_wait3A_78 = tpu.memref_squeeze %dma_wait3A_77 : memref<1x128xi32, #tpu.memory_space<vmem>> -> memref<128xi32, #tpu.memory_space<vmem>>
        %dma_wait3A_79 = arith.constant 0 : i32
        %dma_wait3A_80 = arith.constant 0 : i32
        %dma_wait3A_81 = tpu.memref_slice %arg2[%dma_wait3A_79, %dma_wait3A_80] : memref<10000x128xf32, #tpu.memory_space<hbm>> -> memref<10000x128xf32, #tpu.memory_space<hbm>>
        tpu.wait_indirect_dma semaphore(%arg12 : memref<!tpu.dma_semaphore, #tpu.memory_space<semaphore_mem>>) src(%dma_wait3A_81 : memref<10000x128xf32, #tpu.memory_space<hbm>>) dst(%arg9 : memref<128x128xf32, #tpu.memory_space<vmem>>)
        %dma_start3A_82 = arith.constant 0 : i32
        %dma_start3A_83 = tpu.memref_slice %arg8[%add3A_75, %dma_start3A_82] : memref<64x128xi32, #tpu.memory_space<vmem>> -> memref<1x128xi32, #tpu.memory_space<vmem>>
        %dma_start3A_84 = tpu.memref_squeeze %dma_start3A_83 : memref<1x128xi32, #tpu.memory_space<vmem>> -> memref<128xi32, #tpu.memory_space<vmem>>
        %dma_start3A_85 = arith.constant 0 : i32
        %dma_start3A_86 = arith.constant 0 : i32
        %dma_start3A_87 = tpu.memref_slice %arg11[%dma_start3A_85, %dma_start3A_86] : memref<10112x128xf32, #tpu.memory_space<vmem_shared>> -> memref<10112x128xf32, #tpu.memory_space<vmem_shared>>
        tpu.enqueue_indirect_dma source(%arg9 : memref<128x128xf32, #tpu.memory_space<vmem>>) target(%dma_start3A_87 : memref<10112x128xf32, #tpu.memory_space<vmem_shared>>) offsets(%dma_start3A_84 : memref<128xi32, #tpu.memory_space<vmem>>) semaphore(%arg14 : memref<!tpu.dma_semaphore, #tpu.memory_space<semaphore_mem>>) {add = true}
        %gt3A = arith.constant 0 : i32
        %gt3A_88 = arith.cmpi sgt, %scan3A_71, %gt3A : i32
        %convert_element_type3A_89 = arith.extui %gt3A_88 : i1 to i32
        %cond3A_90 = arith.constant 0 : i32
        %cond3A_91 = arith.cmpi ne, %convert_element_type3A_89, %cond3A_90 : i32
        scf.if %cond3A_91 {
          %dma_wait3A_121 = arith.constant 0 : i32
          %dma_wait3A_122 = arith.constant 0 : i32
          %dma_wait3A_123 = tpu.memref_slice %arg8[%dma_wait3A_121, %dma_wait3A_122] : memref<64x128xi32, #tpu.memory_space<vmem>> -> memref<1x128xi32, #tpu.memory_space<vmem>>
          %dma_wait3A_124 = tpu.memref_squeeze %dma_wait3A_123 : memref<1x128xi32, #tpu.memory_space<vmem>> -> memref<128xi32, #tpu.memory_space<vmem>>
          %dma_wait3A_125 = arith.constant 0 : i32
          %dma_wait3A_126 = arith.constant 0 : i32
          %dma_wait3A_127 = tpu.memref_slice %arg11[%dma_wait3A_125, %dma_wait3A_126] : memref<10112x128xf32, #tpu.memory_space<vmem_shared>> -> memref<10112x128xf32, #tpu.memory_space<vmem_shared>>
          tpu.wait_indirect_dma semaphore(%arg15 : memref<!tpu.dma_semaphore, #tpu.memory_space<semaphore_mem>>) src(%arg10 : memref<128x128xf32, #tpu.memory_space<vmem>>) dst(%dma_wait3A_127 : memref<10112x128xf32, #tpu.memory_space<vmem_shared>>)
        } else {
        }
        %add3A_92 = arith.constant 2 : i32
        %add3A_93 = arith.addi %add3A_75, %add3A_92 : i32
        %sub3A = arith.constant 1 : i32
        %sub3A_94 = arith.subi %add3A_93, %sub3A : i32
        %dma_start3A_95 = arith.constant 0 : i32
        %dma_start3A_96 = tpu.memref_slice %arg7[%sub3A_94, %dma_start3A_95] : memref<64x128xi32, #tpu.memory_space<vmem>> -> memref<1x128xi32, #tpu.memory_space<vmem>>
        %dma_start3A_97 = tpu.memref_squeeze %dma_start3A_96 : memref<1x128xi32, #tpu.memory_space<vmem>> -> memref<128xi32, #tpu.memory_space<vmem>>
        %dma_start3A_98 = arith.constant 0 : i32
        %dma_start3A_99 = arith.constant 0 : i32
        %dma_start3A_100 = tpu.memref_slice %arg2[%dma_start3A_98, %dma_start3A_99] : memref<10000x128xf32, #tpu.memory_space<hbm>> -> memref<10000x128xf32, #tpu.memory_space<hbm>>
        tpu.enqueue_indirect_dma source(%dma_start3A_100 : memref<10000x128xf32, #tpu.memory_space<hbm>>) target(%arg10 : memref<128x128xf32, #tpu.memory_space<vmem>>) offsets(%dma_start3A_97 : memref<128xi32, #tpu.memory_space<vmem>>) semaphore(%arg13 : memref<!tpu.dma_semaphore, #tpu.memory_space<semaphore_mem>>)
        %mul3A_101 = arith.constant 2 : i32
        %mul3A_102 = arith.muli %scan3A_71, %mul3A_101 : i32
        %add3A_103 = arith.constant 1 : i32
        %add3A_104 = arith.addi %mul3A_102, %add3A_103 : i32
        %dma_wait3A_105 = arith.constant 0 : i32
        %dma_wait3A_106 = tpu.memref_slice %arg7[%add3A_104, %dma_wait3A_105] : memref<64x128xi32, #tpu.memory_space<vmem>> -> memref<1x128xi32, #tpu.memory_space<vmem>>
        %dma_wait3A_107 = tpu.memref_squeeze %dma_wait3A_106 : memref<1x128xi32, #tpu.memory_space<vmem>> -> memref<128xi32, #tpu.memory_space<vmem>>
        %dma_wait3A_108 = arith.constant 0 : i32
        %dma_wait3A_109 = arith.constant 0 : i32
        %dma_wait3A_110 = tpu.memref_slice %arg2[%dma_wait3A_108, %dma_wait3A_109] : memref<10000x128xf32, #tpu.memory_space<hbm>> -> memref<10000x128xf32, #tpu.memory_space<hbm>>
        tpu.wait_indirect_dma semaphore(%arg13 : memref<!tpu.dma_semaphore, #tpu.memory_space<semaphore_mem>>) src(%dma_wait3A_110 : memref<10000x128xf32, #tpu.memory_space<hbm>>) dst(%arg10 : memref<128x128xf32, #tpu.memory_space<vmem>>)
        %dma_start3A_111 = arith.constant 0 : i32
        %dma_start3A_112 = tpu.memref_slice %arg8[%add3A_104, %dma_start3A_111] : memref<64x128xi32, #tpu.memory_space<vmem>> -> memref<1x128xi32, #tpu.memory_space<vmem>>
        %dma_start3A_113 = tpu.memref_squeeze %dma_start3A_112 : memref<1x128xi32, #tpu.memory_space<vmem>> -> memref<128xi32, #tpu.memory_space<vmem>>
        %dma_start3A_114 = arith.constant 0 : i32
        %dma_start3A_115 = arith.constant 0 : i32
        %dma_start3A_116 = tpu.memref_slice %arg11[%dma_start3A_114, %dma_start3A_115] : memref<10112x128xf32, #tpu.memory_space<vmem_shared>> -> memref<10112x128xf32, #tpu.memory_space<vmem_shared>>
        tpu.enqueue_indirect_dma source(%arg10 : memref<128x128xf32, #tpu.memory_space<vmem>>) target(%dma_start3A_116 : memref<10112x128xf32, #tpu.memory_space<vmem_shared>>) offsets(%dma_start3A_113 : memref<128xi32, #tpu.memory_space<vmem>>) semaphore(%arg15 : memref<!tpu.dma_semaphore, #tpu.memory_space<semaphore_mem>>) {add = true}
        %lt3A = arith.constant 31 : i32
        %lt3A_117 = arith.cmpi slt, %scan3A_71, %lt3A : i32
        %convert_element_type3A_118 = arith.extui %lt3A_117 : i1 to i32
        %cond3A_119 = arith.constant 0 : i32
        %cond3A_120 = arith.cmpi ne, %convert_element_type3A_118, %cond3A_119 : i32
        scf.if %cond3A_120 {
          %dma_wait3A_121 = arith.constant 0 : i32
          %dma_wait3A_122 = arith.constant 0 : i32
          %dma_wait3A_123 = tpu.memref_slice %arg8[%dma_wait3A_121, %dma_wait3A_122] : memref<64x128xi32, #tpu.memory_space<vmem>> -> memref<1x128xi32, #tpu.memory_space<vmem>>
          %dma_wait3A_124 = tpu.memref_squeeze %dma_wait3A_123 : memref<1x128xi32, #tpu.memory_space<vmem>> -> memref<128xi32, #tpu.memory_space<vmem>>
          %dma_wait3A_125 = arith.constant 0 : i32
          %dma_wait3A_126 = arith.constant 0 : i32
          %dma_wait3A_127 = tpu.memref_slice %arg11[%dma_wait3A_125, %dma_wait3A_126] : memref<10112x128xf32, #tpu.memory_space<vmem_shared>> -> memref<10112x128xf32, #tpu.memory_space<vmem_shared>>
          tpu.wait_indirect_dma semaphore(%arg14 : memref<!tpu.dma_semaphore, #tpu.memory_space<semaphore_mem>>) src(%arg9 : memref<128x128xf32, #tpu.memory_space<vmem>>) dst(%dma_wait3A_127 : memref<10112x128xf32, #tpu.memory_space<vmem_shared>>)
          %add3A_128 = arith.constant 2 : i32
          %add3A_129 = arith.addi %add3A_104, %add3A_128 : i32
          %sub3A_130 = arith.constant 1 : i32
          %sub3A_131 = arith.subi %add3A_129, %sub3A_130 : i32
          %dma_start3A_132 = arith.constant 0 : i32
          %dma_start3A_133 = tpu.memref_slice %arg7[%sub3A_131, %dma_start3A_132] : memref<64x128xi32, #tpu.memory_space<vmem>> -> memref<1x128xi32, #tpu.memory_space<vmem>>
          %dma_start3A_134 = tpu.memref_squeeze %dma_start3A_133 : memref<1x128xi32, #tpu.memory_space<vmem>> -> memref<128xi32, #tpu.memory_space<vmem>>
          %dma_start3A_135 = arith.constant 0 : i32
          %dma_start3A_136 = arith.constant 0 : i32
          %dma_start3A_137 = tpu.memref_slice %arg2[%dma_start3A_135, %dma_start3A_136] : memref<10000x128xf32, #tpu.memory_space<hbm>> -> memref<10000x128xf32, #tpu.memory_space<hbm>>
          tpu.enqueue_indirect_dma source(%dma_start3A_137 : memref<10000x128xf32, #tpu.memory_space<hbm>>) target(%arg9 : memref<128x128xf32, #tpu.memory_space<vmem>>) offsets(%dma_start3A_134 : memref<128xi32, #tpu.memory_space<vmem>>) semaphore(%arg12 : memref<!tpu.dma_semaphore, #tpu.memory_space<semaphore_mem>>)
        } else {
        }
      }
      %scan3A_56 = arith.constant 32 : i32
      %dma_wait3A_57 = arith.constant 0 : i32
      %dma_wait3A_58 = arith.constant 0 : i32
      %dma_wait3A_59 = tpu.memref_slice %arg8[%dma_wait3A_57, %dma_wait3A_58] : memref<64x128xi32, #tpu.memory_space<vmem>> -> memref<1x128xi32, #tpu.memory_space<vmem>>
      %dma_wait3A_60 = tpu.memref_squeeze %dma_wait3A_59 : memref<1x128xi32, #tpu.memory_space<vmem>> -> memref<128xi32, #tpu.memory_space<vmem>>
      %dma_wait3A_61 = arith.constant 0 : i32
      %dma_wait3A_62 = arith.constant 0 : i32
      %dma_wait3A_63 = tpu.memref_slice %arg11[%dma_wait3A_61, %dma_wait3A_62] : memref<10112x128xf32, #tpu.memory_space<vmem_shared>> -> memref<10112x128xf32, #tpu.memory_space<vmem_shared>>
      tpu.wait_indirect_dma semaphore(%arg14 : memref<!tpu.dma_semaphore, #tpu.memory_space<semaphore_mem>>) src(%arg9 : memref<128x128xf32, #tpu.memory_space<vmem>>) dst(%dma_wait3A_63 : memref<10112x128xf32, #tpu.memory_space<vmem_shared>>)
      %dma_wait3A_64 = arith.constant 0 : i32
      %dma_wait3A_65 = arith.constant 0 : i32
      %dma_wait3A_66 = tpu.memref_slice %arg8[%dma_wait3A_64, %dma_wait3A_65] : memref<64x128xi32, #tpu.memory_space<vmem>> -> memref<1x128xi32, #tpu.memory_space<vmem>>
      %dma_wait3A_67 = tpu.memref_squeeze %dma_wait3A_66 : memref<1x128xi32, #tpu.memory_space<vmem>> -> memref<128xi32, #tpu.memory_space<vmem>>
      %dma_wait3A_68 = arith.constant 0 : i32
      %dma_wait3A_69 = arith.constant 0 : i32
      %dma_wait3A_70 = tpu.memref_slice %arg11[%dma_wait3A_68, %dma_wait3A_69] : memref<10112x128xf32, #tpu.memory_space<vmem_shared>> -> memref<10112x128xf32, #tpu.memory_space<vmem_shared>>
      tpu.wait_indirect_dma semaphore(%arg15 : memref<!tpu.dma_semaphore, #tpu.memory_space<semaphore_mem>>) src(%arg10 : memref<128x128xf32, #tpu.memory_space<vmem>>) dst(%dma_wait3A_70 : memref<10112x128xf32, #tpu.memory_space<vmem_shared>>)
    } else {
    }
    %eq3A_5 = arith.constant 1 : i32
    %eq3A_6 = arith.cmpi eq, %arg0, %eq3A_5 : i32
    %convert_element_type3A_7 = arith.extui %eq3A_6 : i1 to i32
    %cond3A_8 = arith.constant 0 : i32
    %cond3A_9 = arith.cmpi ne, %convert_element_type3A_7, %cond3A_8 : i32
    scf.if %cond3A_9 {
      %mul3A_15 = arith.constant 32 : i32
      %mul3A_16 = arith.muli %arg1, %mul3A_15 : i32
      %add3A = arith.constant 2048 : i32
      %add3A_17 = arith.addi %add3A, %mul3A_16 : i32
      %add3A_18 = arith.constant 0 : i32
      %add3A_19 = arith.addi %add3A_17, %add3A_18 : i32
      "tpu.region"() ({
        %run_scoped3A = tpu.sem_alloc : memref<!tpu.dma_semaphore, #tpu.memory_space<semaphore_mem>>
        %dma_start3A_73 = arith.constant 0 : i32
        %dma_start3A_74 = arith.constant 0 : i32
        %dma_start3A_75 = tpu.memref_slice %arg7[%dma_start3A_73, %dma_start3A_74] : memref<64x128xi32, #tpu.memory_space<vmem>> -> memref<16x128xi32, #tpu.memory_space<vmem>>
        %dma_start3A_76 = arith.constant 0 : i32
        %dma_start3A_77 = tpu.memref_slice %arg3[%add3A_19, %dma_start3A_76] : memref<2560x128xi32, #tpu.memory_space<hbm>> -> memref<16x128xi32, #tpu.memory_space<hbm>>
        %dma_start3A_78 = arith.constant 0 : i32
        %dma_start3A_79 = arith.constant 0 : i32
        %dma_start3A_80 = tpu.memref_slice %arg7[%dma_start3A_78, %dma_start3A_79] : memref<64x128xi32, #tpu.memory_space<vmem>> -> memref<16x128xi32, #tpu.memory_space<vmem>>
        %dma_start3A_81 = arith.constant 0 : i32
        %dma_start3A_82 = tpu.memref_slice %arg3[%add3A_19, %dma_start3A_81] : memref<2560x128xi32, #tpu.memory_space<hbm>> -> memref<16x128xi32, #tpu.memory_space<hbm>>
        tpu.enqueue_dma source(%dma_start3A_82 : memref<16x128xi32, #tpu.memory_space<hbm>>) target(%dma_start3A_80 : memref<16x128xi32, #tpu.memory_space<vmem>>) target_semaphore(%run_scoped3A : memref<!tpu.dma_semaphore, #tpu.memory_space<semaphore_mem>>)
        %dma_wait3A_83 = arith.constant 0 : i32
        %dma_wait3A_84 = arith.constant 0 : i32
        %dma_wait3A_85 = tpu.memref_slice %arg7[%dma_wait3A_83, %dma_wait3A_84] : memref<64x128xi32, #tpu.memory_space<vmem>> -> memref<16x128xi32, #tpu.memory_space<vmem>>
        %dma_wait3A_86 = arith.constant 0 : i32
        %dma_wait3A_87 = tpu.memref_slice %arg3[%add3A_19, %dma_wait3A_86] : memref<2560x128xi32, #tpu.memory_space<hbm>> -> memref<16x128xi32, #tpu.memory_space<hbm>>
        %dma_wait3A_88 = arith.constant 0 : i32
        %dma_wait3A_89 = arith.constant 0 : i32
        %dma_wait3A_90 = tpu.memref_slice %arg7[%dma_wait3A_88, %dma_wait3A_89] : memref<64x128xi32, #tpu.memory_space<vmem>> -> memref<16x128xi32, #tpu.memory_space<vmem>>
        %dma_wait3A_91 = arith.constant 0 : i32
        %dma_wait3A_92 = tpu.memref_slice %arg3[%add3A_19, %dma_wait3A_91] : memref<2560x128xi32, #tpu.memory_space<hbm>> -> memref<16x128xi32, #tpu.memory_space<hbm>>
        tpu.wait_dma2 semaphore(%run_scoped3A : memref<!tpu.dma_semaphore, #tpu.memory_space<semaphore_mem>>) src(%dma_wait3A_92 : memref<16x128xi32, #tpu.memory_space<hbm>>) dst(%dma_wait3A_90 : memref<16x128xi32, #tpu.memory_space<vmem>>)
        tpu.yield
      }) : () -> ()
      "tpu.region"() ({
        %run_scoped3A = tpu.sem_alloc : memref<!tpu.dma_semaphore, #tpu.memory_space<semaphore_mem>>
        %dma_start3A_73 = arith.constant 0 : i32
        %dma_start3A_74 = arith.constant 0 : i32
        %dma_start3A_75 = tpu.memref_slice %arg8[%dma_start3A_73, %dma_start3A_74] : memref<64x128xi32, #tpu.memory_space<vmem>> -> memref<16x128xi32, #tpu.memory_space<vmem>>
        %dma_start3A_76 = arith.constant 0 : i32
        %dma_start3A_77 = tpu.memref_slice %arg4[%add3A_19, %dma_start3A_76] : memref<2560x128xi32, #tpu.memory_space<hbm>> -> memref<16x128xi32, #tpu.memory_space<hbm>>
        %dma_start3A_78 = arith.constant 0 : i32
        %dma_start3A_79 = arith.constant 0 : i32
        %dma_start3A_80 = tpu.memref_slice %arg8[%dma_start3A_78, %dma_start3A_79] : memref<64x128xi32, #tpu.memory_space<vmem>> -> memref<16x128xi32, #tpu.memory_space<vmem>>
        %dma_start3A_81 = arith.constant 0 : i32
        %dma_start3A_82 = tpu.memref_slice %arg4[%add3A_19, %dma_start3A_81] : memref<2560x128xi32, #tpu.memory_space<hbm>> -> memref<16x128xi32, #tpu.memory_space<hbm>>
        tpu.enqueue_dma source(%dma_start3A_82 : memref<16x128xi32, #tpu.memory_space<hbm>>) target(%dma_start3A_80 : memref<16x128xi32, #tpu.memory_space<vmem>>) target_semaphore(%run_scoped3A : memref<!tpu.dma_semaphore, #tpu.memory_space<semaphore_mem>>)
        %dma_wait3A_83 = arith.constant 0 : i32
        %dma_wait3A_84 = arith.constant 0 : i32
        %dma_wait3A_85 = tpu.memref_slice %arg8[%dma_wait3A_83, %dma_wait3A_84] : memref<64x128xi32, #tpu.memory_space<vmem>> -> memref<16x128xi32, #tpu.memory_space<vmem>>
        %dma_wait3A_86 = arith.constant 0 : i32
        %dma_wait3A_87 = tpu.memref_slice %arg4[%add3A_19, %dma_wait3A_86] : memref<2560x128xi32, #tpu.memory_space<hbm>> -> memref<16x128xi32, #tpu.memory_space<hbm>>
        %dma_wait3A_88 = arith.constant 0 : i32
        %dma_wait3A_89 = arith.constant 0 : i32
        %dma_wait3A_90 = tpu.memref_slice %arg8[%dma_wait3A_88, %dma_wait3A_89] : memref<64x128xi32, #tpu.memory_space<vmem>> -> memref<16x128xi32, #tpu.memory_space<vmem>>
        %dma_wait3A_91 = arith.constant 0 : i32
        %dma_wait3A_92 = tpu.memref_slice %arg4[%add3A_19, %dma_wait3A_91] : memref<2560x128xi32, #tpu.memory_space<hbm>> -> memref<16x128xi32, #tpu.memory_space<hbm>>
        tpu.wait_dma2 semaphore(%run_scoped3A : memref<!tpu.dma_semaphore, #tpu.memory_space<semaphore_mem>>) src(%dma_wait3A_92 : memref<16x128xi32, #tpu.memory_space<hbm>>) dst(%dma_wait3A_90 : memref<16x128xi32, #tpu.memory_space<vmem>>)
        tpu.yield
      }) : () -> ()
      %dma_start3A = arith.constant 0 : i32
      %dma_start3A_20 = arith.constant 0 : i32
      %dma_start3A_21 = tpu.memref_slice %arg7[%dma_start3A, %dma_start3A_20] : memref<64x128xi32, #tpu.memory_space<vmem>> -> memref<1x128xi32, #tpu.memory_space<vmem>>
      %dma_start3A_22 = tpu.memref_squeeze %dma_start3A_21 : memref<1x128xi32, #tpu.memory_space<vmem>> -> memref<128xi32, #tpu.memory_space<vmem>>
      %dma_start3A_23 = arith.constant 0 : i32
      %dma_start3A_24 = arith.constant 0 : i32
      %dma_start3A_25 = tpu.memref_slice %arg2[%dma_start3A_23, %dma_start3A_24] : memref<10000x128xf32, #tpu.memory_space<hbm>> -> memref<10000x128xf32, #tpu.memory_space<hbm>>
      tpu.enqueue_indirect_dma source(%dma_start3A_25 : memref<10000x128xf32, #tpu.memory_space<hbm>>) target(%arg9 : memref<128x128xf32, #tpu.memory_space<vmem>>) offsets(%dma_start3A_22 : memref<128xi32, #tpu.memory_space<vmem>>) semaphore(%arg12 : memref<!tpu.dma_semaphore, #tpu.memory_space<semaphore_mem>>)
      %scan3A = arith.constant 0 : i32
      %scan3A_26 = arith.constant 0 : i32
      %scan3A_27 = arith.constant 8 : i32
      %scan3A_28 = arith.addi %scan3A_26, %scan3A_27 : i32
      %scan3A_29 = arith.constant 1 : i32
      scf.for %scan3A_73 = %scan3A_26 to %scan3A_28 step %scan3A_29  : i32 {
        %mul3A_74 = arith.constant 2 : i32
        %mul3A_75 = arith.muli %scan3A_73, %mul3A_74 : i32
        %add3A_76 = arith.constant 0 : i32
        %add3A_77 = arith.addi %mul3A_75, %add3A_76 : i32
        %dma_wait3A_78 = arith.constant 0 : i32
        %dma_wait3A_79 = tpu.memref_slice %arg7[%add3A_77, %dma_wait3A_78] : memref<64x128xi32, #tpu.memory_space<vmem>> -> memref<1x128xi32, #tpu.memory_space<vmem>>
        %dma_wait3A_80 = tpu.memref_squeeze %dma_wait3A_79 : memref<1x128xi32, #tpu.memory_space<vmem>> -> memref<128xi32, #tpu.memory_space<vmem>>
        %dma_wait3A_81 = arith.constant 0 : i32
        %dma_wait3A_82 = arith.constant 0 : i32
        %dma_wait3A_83 = tpu.memref_slice %arg2[%dma_wait3A_81, %dma_wait3A_82] : memref<10000x128xf32, #tpu.memory_space<hbm>> -> memref<10000x128xf32, #tpu.memory_space<hbm>>
        tpu.wait_indirect_dma semaphore(%arg12 : memref<!tpu.dma_semaphore, #tpu.memory_space<semaphore_mem>>) src(%dma_wait3A_83 : memref<10000x128xf32, #tpu.memory_space<hbm>>) dst(%arg9 : memref<128x128xf32, #tpu.memory_space<vmem>>)
        %dma_start3A_84 = arith.constant 0 : i32
        %dma_start3A_85 = tpu.memref_slice %arg8[%add3A_77, %dma_start3A_84] : memref<64x128xi32, #tpu.memory_space<vmem>> -> memref<1x128xi32, #tpu.memory_space<vmem>>
        %dma_start3A_86 = tpu.memref_squeeze %dma_start3A_85 : memref<1x128xi32, #tpu.memory_space<vmem>> -> memref<128xi32, #tpu.memory_space<vmem>>
        %dma_start3A_87 = arith.constant 0 : i32
        %dma_start3A_88 = arith.constant 0 : i32
        %dma_start3A_89 = tpu.memref_slice %arg11[%dma_start3A_87, %dma_start3A_88] : memref<10112x128xf32, #tpu.memory_space<vmem_shared>> -> memref<10112x128xf32, #tpu.memory_space<vmem_shared>>
        tpu.enqueue_indirect_dma source(%arg9 : memref<128x128xf32, #tpu.memory_space<vmem>>) target(%dma_start3A_89 : memref<10112x128xf32, #tpu.memory_space<vmem_shared>>) offsets(%dma_start3A_86 : memref<128xi32, #tpu.memory_space<vmem>>) semaphore(%arg14 : memref<!tpu.dma_semaphore, #tpu.memory_space<semaphore_mem>>) {add = true}
        %gt3A = arith.constant 0 : i32
        %gt3A_90 = arith.cmpi sgt, %scan3A_73, %gt3A : i32
        %convert_element_type3A_91 = arith.extui %gt3A_90 : i1 to i32
        %cond3A_92 = arith.constant 0 : i32
        %cond3A_93 = arith.cmpi ne, %convert_element_type3A_91, %cond3A_92 : i32
        scf.if %cond3A_93 {
          %dma_wait3A_123 = arith.constant 0 : i32
          %dma_wait3A_124 = arith.constant 0 : i32
          %dma_wait3A_125 = tpu.memref_slice %arg8[%dma_wait3A_123, %dma_wait3A_124] : memref<64x128xi32, #tpu.memory_space<vmem>> -> memref<1x128xi32, #tpu.memory_space<vmem>>
          %dma_wait3A_126 = tpu.memref_squeeze %dma_wait3A_125 : memref<1x128xi32, #tpu.memory_space<vmem>> -> memref<128xi32, #tpu.memory_space<vmem>>
          %dma_wait3A_127 = arith.constant 0 : i32
          %dma_wait3A_128 = arith.constant 0 : i32
          %dma_wait3A_129 = tpu.memref_slice %arg11[%dma_wait3A_127, %dma_wait3A_128] : memref<10112x128xf32, #tpu.memory_space<vmem_shared>> -> memref<10112x128xf32, #tpu.memory_space<vmem_shared>>
          tpu.wait_indirect_dma semaphore(%arg15 : memref<!tpu.dma_semaphore, #tpu.memory_space<semaphore_mem>>) src(%arg10 : memref<128x128xf32, #tpu.memory_space<vmem>>) dst(%dma_wait3A_129 : memref<10112x128xf32, #tpu.memory_space<vmem_shared>>)
        } else {
        }
        %add3A_94 = arith.constant 2 : i32
        %add3A_95 = arith.addi %add3A_77, %add3A_94 : i32
        %sub3A = arith.constant 1 : i32
        %sub3A_96 = arith.subi %add3A_95, %sub3A : i32
        %dma_start3A_97 = arith.constant 0 : i32
        %dma_start3A_98 = tpu.memref_slice %arg7[%sub3A_96, %dma_start3A_97] : memref<64x128xi32, #tpu.memory_space<vmem>> -> memref<1x128xi32, #tpu.memory_space<vmem>>
        %dma_start3A_99 = tpu.memref_squeeze %dma_start3A_98 : memref<1x128xi32, #tpu.memory_space<vmem>> -> memref<128xi32, #tpu.memory_space<vmem>>
        %dma_start3A_100 = arith.constant 0 : i32
        %dma_start3A_101 = arith.constant 0 : i32
        %dma_start3A_102 = tpu.memref_slice %arg2[%dma_start3A_100, %dma_start3A_101] : memref<10000x128xf32, #tpu.memory_space<hbm>> -> memref<10000x128xf32, #tpu.memory_space<hbm>>
        tpu.enqueue_indirect_dma source(%dma_start3A_102 : memref<10000x128xf32, #tpu.memory_space<hbm>>) target(%arg10 : memref<128x128xf32, #tpu.memory_space<vmem>>) offsets(%dma_start3A_99 : memref<128xi32, #tpu.memory_space<vmem>>) semaphore(%arg13 : memref<!tpu.dma_semaphore, #tpu.memory_space<semaphore_mem>>)
        %mul3A_103 = arith.constant 2 : i32
        %mul3A_104 = arith.muli %scan3A_73, %mul3A_103 : i32
        %add3A_105 = arith.constant 1 : i32
        %add3A_106 = arith.addi %mul3A_104, %add3A_105 : i32
        %dma_wait3A_107 = arith.constant 0 : i32
        %dma_wait3A_108 = tpu.memref_slice %arg7[%add3A_106, %dma_wait3A_107] : memref<64x128xi32, #tpu.memory_space<vmem>> -> memref<1x128xi32, #tpu.memory_space<vmem>>
        %dma_wait3A_109 = tpu.memref_squeeze %dma_wait3A_108 : memref<1x128xi32, #tpu.memory_space<vmem>> -> memref<128xi32, #tpu.memory_space<vmem>>
        %dma_wait3A_110 = arith.constant 0 : i32
        %dma_wait3A_111 = arith.constant 0 : i32
        %dma_wait3A_112 = tpu.memref_slice %arg2[%dma_wait3A_110, %dma_wait3A_111] : memref<10000x128xf32, #tpu.memory_space<hbm>> -> memref<10000x128xf32, #tpu.memory_space<hbm>>
        tpu.wait_indirect_dma semaphore(%arg13 : memref<!tpu.dma_semaphore, #tpu.memory_space<semaphore_mem>>) src(%dma_wait3A_112 : memref<10000x128xf32, #tpu.memory_space<hbm>>) dst(%arg10 : memref<128x128xf32, #tpu.memory_space<vmem>>)
        %dma_start3A_113 = arith.constant 0 : i32
        %dma_start3A_114 = tpu.memref_slice %arg8[%add3A_106, %dma_start3A_113] : memref<64x128xi32, #tpu.memory_space<vmem>> -> memref<1x128xi32, #tpu.memory_space<vmem>>
        %dma_start3A_115 = tpu.memref_squeeze %dma_start3A_114 : memref<1x128xi32, #tpu.memory_space<vmem>> -> memref<128xi32, #tpu.memory_space<vmem>>
        %dma_start3A_116 = arith.constant 0 : i32
        %dma_start3A_117 = arith.constant 0 : i32
        %dma_start3A_118 = tpu.memref_slice %arg11[%dma_start3A_116, %dma_start3A_117] : memref<10112x128xf32, #tpu.memory_space<vmem_shared>> -> memref<10112x128xf32, #tpu.memory_space<vmem_shared>>
        tpu.enqueue_indirect_dma source(%arg10 : memref<128x128xf32, #tpu.memory_space<vmem>>) target(%dma_start3A_118 : memref<10112x128xf32, #tpu.memory_space<vmem_shared>>) offsets(%dma_start3A_115 : memref<128xi32, #tpu.memory_space<vmem>>) semaphore(%arg15 : memref<!tpu.dma_semaphore, #tpu.memory_space<semaphore_mem>>) {add = true}
        %lt3A = arith.constant 7 : i32
        %lt3A_119 = arith.cmpi slt, %scan3A_73, %lt3A : i32
        %convert_element_type3A_120 = arith.extui %lt3A_119 : i1 to i32
        %cond3A_121 = arith.constant 0 : i32
        %cond3A_122 = arith.cmpi ne, %convert_element_type3A_120, %cond3A_121 : i32
        scf.if %cond3A_122 {
          %dma_wait3A_123 = arith.constant 0 : i32
          %dma_wait3A_124 = arith.constant 0 : i32
          %dma_wait3A_125 = tpu.memref_slice %arg8[%dma_wait3A_123, %dma_wait3A_124] : memref<64x128xi32, #tpu.memory_space<vmem>> -> memref<1x128xi32, #tpu.memory_space<vmem>>
          %dma_wait3A_126 = tpu.memref_squeeze %dma_wait3A_125 : memref<1x128xi32, #tpu.memory_space<vmem>> -> memref<128xi32, #tpu.memory_space<vmem>>
          %dma_wait3A_127 = arith.constant 0 : i32
          %dma_wait3A_128 = arith.constant 0 : i32
          %dma_wait3A_129 = tpu.memref_slice %arg11[%dma_wait3A_127, %dma_wait3A_128] : memref<10112x128xf32, #tpu.memory_space<vmem_shared>> -> memref<10112x128xf32, #tpu.memory_space<vmem_shared>>
          tpu.wait_indirect_dma semaphore(%arg14 : memref<!tpu.dma_semaphore, #tpu.memory_space<semaphore_mem>>) src(%arg9 : memref<128x128xf32, #tpu.memory_space<vmem>>) dst(%dma_wait3A_129 : memref<10112x128xf32, #tpu.memory_space<vmem_shared>>)
          %add3A_130 = arith.constant 2 : i32
          %add3A_131 = arith.addi %add3A_106, %add3A_130 : i32
          %sub3A_132 = arith.constant 1 : i32
          %sub3A_133 = arith.subi %add3A_131, %sub3A_132 : i32
          %dma_start3A_134 = arith.constant 0 : i32
          %dma_start3A_135 = tpu.memref_slice %arg7[%sub3A_133, %dma_start3A_134] : memref<64x128xi32, #tpu.memory_space<vmem>> -> memref<1x128xi32, #tpu.memory_space<vmem>>
          %dma_start3A_136 = tpu.memref_squeeze %dma_start3A_135 : memref<1x128xi32, #tpu.memory_space<vmem>> -> memref<128xi32, #tpu.memory_space<vmem>>
          %dma_start3A_137 = arith.constant 0 : i32
          %dma_start3A_138 = arith.constant 0 : i32
          %dma_start3A_139 = tpu.memref_slice %arg2[%dma_start3A_137, %dma_start3A_138] : memref<10000x128xf32, #tpu.memory_space<hbm>> -> memref<10000x128xf32, #tpu.memory_space<hbm>>
          tpu.enqueue_indirect_dma source(%dma_start3A_139 : memref<10000x128xf32, #tpu.memory_space<hbm>>) target(%arg9 : memref<128x128xf32, #tpu.memory_space<vmem>>) offsets(%dma_start3A_136 : memref<128xi32, #tpu.memory_space<vmem>>) semaphore(%arg12 : memref<!tpu.dma_semaphore, #tpu.memory_space<semaphore_mem>>)
        } else {
        }
      }
      %scan3A_30 = arith.constant 8 : i32
      %dma_wait3A = arith.constant 0 : i32
      %dma_wait3A_31 = arith.constant 0 : i32
      %dma_wait3A_32 = tpu.memref_slice %arg8[%dma_wait3A, %dma_wait3A_31] : memref<64x128xi32, #tpu.memory_space<vmem>> -> memref<1x128xi32, #tpu.memory_space<vmem>>
      %dma_wait3A_33 = tpu.memref_squeeze %dma_wait3A_32 : memref<1x128xi32, #tpu.memory_space<vmem>> -> memref<128xi32, #tpu.memory_space<vmem>>
      %dma_wait3A_34 = arith.constant 0 : i32
      %dma_wait3A_35 = arith.constant 0 : i32
      %dma_wait3A_36 = tpu.memref_slice %arg11[%dma_wait3A_34, %dma_wait3A_35] : memref<10112x128xf32, #tpu.memory_space<vmem_shared>> -> memref<10112x128xf32, #tpu.memory_space<vmem_shared>>
      tpu.wait_indirect_dma semaphore(%arg14 : memref<!tpu.dma_semaphore, #tpu.memory_space<semaphore_mem>>) src(%arg9 : memref<128x128xf32, #tpu.memory_space<vmem>>) dst(%dma_wait3A_36 : memref<10112x128xf32, #tpu.memory_space<vmem_shared>>)
      %dma_wait3A_37 = arith.constant 0 : i32
      %dma_wait3A_38 = arith.constant 0 : i32
      %dma_wait3A_39 = tpu.memref_slice %arg8[%dma_wait3A_37, %dma_wait3A_38] : memref<64x128xi32, #tpu.memory_space<vmem>> -> memref<1x128xi32, #tpu.memory_space<vmem>>
      %dma_wait3A_40 = tpu.memref_squeeze %dma_wait3A_39 : memref<1x128xi32, #tpu.memory_space<vmem>> -> memref<128xi32, #tpu.memory_space<vmem>>
      %dma_wait3A_41 = arith.constant 0 : i32
      %dma_wait3A_42 = arith.constant 0 : i32
      %dma_wait3A_43 = tpu.memref_slice %arg11[%dma_wait3A_41, %dma_wait3A_42] : memref<10112x128xf32, #tpu.memory_space<vmem_shared>> -> memref<10112x128xf32, #tpu.memory_space<vmem_shared>>
      tpu.wait_indirect_dma semaphore(%arg15 : memref<!tpu.dma_semaphore, #tpu.memory_space<semaphore_mem>>) src(%arg10 : memref<128x128xf32, #tpu.memory_space<vmem>>) dst(%dma_wait3A_43 : memref<10112x128xf32, #tpu.memory_space<vmem_shared>>)
      %add3A_44 = arith.constant 16 : i32
      %add3A_45 = arith.addi %add3A_17, %add3A_44 : i32
      "tpu.region"() ({
        %run_scoped3A = tpu.sem_alloc : memref<!tpu.dma_semaphore, #tpu.memory_space<semaphore_mem>>
        %dma_start3A_73 = arith.constant 0 : i32
        %dma_start3A_74 = arith.constant 0 : i32
        %dma_start3A_75 = tpu.memref_slice %arg7[%dma_start3A_73, %dma_start3A_74] : memref<64x128xi32, #tpu.memory_space<vmem>> -> memref<16x128xi32, #tpu.memory_space<vmem>>
        %dma_start3A_76 = arith.constant 0 : i32
        %dma_start3A_77 = tpu.memref_slice %arg3[%add3A_45, %dma_start3A_76] : memref<2560x128xi32, #tpu.memory_space<hbm>> -> memref<16x128xi32, #tpu.memory_space<hbm>>
        %dma_start3A_78 = arith.constant 0 : i32
        %dma_start3A_79 = arith.constant 0 : i32
        %dma_start3A_80 = tpu.memref_slice %arg7[%dma_start3A_78, %dma_start3A_79] : memref<64x128xi32, #tpu.memory_space<vmem>> -> memref<16x128xi32, #tpu.memory_space<vmem>>
        %dma_start3A_81 = arith.constant 0 : i32
        %dma_start3A_82 = tpu.memref_slice %arg3[%add3A_45, %dma_start3A_81] : memref<2560x128xi32, #tpu.memory_space<hbm>> -> memref<16x128xi32, #tpu.memory_space<hbm>>
        tpu.enqueue_dma source(%dma_start3A_82 : memref<16x128xi32, #tpu.memory_space<hbm>>) target(%dma_start3A_80 : memref<16x128xi32, #tpu.memory_space<vmem>>) target_semaphore(%run_scoped3A : memref<!tpu.dma_semaphore, #tpu.memory_space<semaphore_mem>>)
        %dma_wait3A_83 = arith.constant 0 : i32
        %dma_wait3A_84 = arith.constant 0 : i32
        %dma_wait3A_85 = tpu.memref_slice %arg7[%dma_wait3A_83, %dma_wait3A_84] : memref<64x128xi32, #tpu.memory_space<vmem>> -> memref<16x128xi32, #tpu.memory_space<vmem>>
        %dma_wait3A_86 = arith.constant 0 : i32
        %dma_wait3A_87 = tpu.memref_slice %arg3[%add3A_45, %dma_wait3A_86] : memref<2560x128xi32, #tpu.memory_space<hbm>> -> memref<16x128xi32, #tpu.memory_space<hbm>>
        %dma_wait3A_88 = arith.constant 0 : i32
        %dma_wait3A_89 = arith.constant 0 : i32
        %dma_wait3A_90 = tpu.memref_slice %arg7[%dma_wait3A_88, %dma_wait3A_89] : memref<64x128xi32, #tpu.memory_space<vmem>> -> memref<16x128xi32, #tpu.memory_space<vmem>>
        %dma_wait3A_91 = arith.constant 0 : i32
        %dma_wait3A_92 = tpu.memref_slice %arg3[%add3A_45, %dma_wait3A_91] : memref<2560x128xi32, #tpu.memory_space<hbm>> -> memref<16x128xi32, #tpu.memory_space<hbm>>
        tpu.wait_dma2 semaphore(%run_scoped3A : memref<!tpu.dma_semaphore, #tpu.memory_space<semaphore_mem>>) src(%dma_wait3A_92 : memref<16x128xi32, #tpu.memory_space<hbm>>) dst(%dma_wait3A_90 : memref<16x128xi32, #tpu.memory_space<vmem>>)
        tpu.yield
      }) : () -> ()
      "tpu.region"() ({
        %run_scoped3A = tpu.sem_alloc : memref<!tpu.dma_semaphore, #tpu.memory_space<semaphore_mem>>
        %dma_start3A_73 = arith.constant 0 : i32
        %dma_start3A_74 = arith.constant 0 : i32
        %dma_start3A_75 = tpu.memref_slice %arg8[%dma_start3A_73, %dma_start3A_74] : memref<64x128xi32, #tpu.memory_space<vmem>> -> memref<16x128xi32, #tpu.memory_space<vmem>>
        %dma_start3A_76 = arith.constant 0 : i32
        %dma_start3A_77 = tpu.memref_slice %arg4[%add3A_45, %dma_start3A_76] : memref<2560x128xi32, #tpu.memory_space<hbm>> -> memref<16x128xi32, #tpu.memory_space<hbm>>
        %dma_start3A_78 = arith.constant 0 : i32
        %dma_start3A_79 = arith.constant 0 : i32
        %dma_start3A_80 = tpu.memref_slice %arg8[%dma_start3A_78, %dma_start3A_79] : memref<64x128xi32, #tpu.memory_space<vmem>> -> memref<16x128xi32, #tpu.memory_space<vmem>>
        %dma_start3A_81 = arith.constant 0 : i32
        %dma_start3A_82 = tpu.memref_slice %arg4[%add3A_45, %dma_start3A_81] : memref<2560x128xi32, #tpu.memory_space<hbm>> -> memref<16x128xi32, #tpu.memory_space<hbm>>
        tpu.enqueue_dma source(%dma_start3A_82 : memref<16x128xi32, #tpu.memory_space<hbm>>) target(%dma_start3A_80 : memref<16x128xi32, #tpu.memory_space<vmem>>) target_semaphore(%run_scoped3A : memref<!tpu.dma_semaphore, #tpu.memory_space<semaphore_mem>>)
        %dma_wait3A_83 = arith.constant 0 : i32
        %dma_wait3A_84 = arith.constant 0 : i32
        %dma_wait3A_85 = tpu.memref_slice %arg8[%dma_wait3A_83, %dma_wait3A_84] : memref<64x128xi32, #tpu.memory_space<vmem>> -> memref<16x128xi32, #tpu.memory_space<vmem>>
        %dma_wait3A_86 = arith.constant 0 : i32
        %dma_wait3A_87 = tpu.memref_slice %arg4[%add3A_45, %dma_wait3A_86] : memref<2560x128xi32, #tpu.memory_space<hbm>> -> memref<16x128xi32, #tpu.memory_space<hbm>>
        %dma_wait3A_88 = arith.constant 0 : i32
        %dma_wait3A_89 = arith.constant 0 : i32
        %dma_wait3A_90 = tpu.memref_slice %arg8[%dma_wait3A_88, %dma_wait3A_89] : memref<64x128xi32, #tpu.memory_space<vmem>> -> memref<16x128xi32, #tpu.memory_space<vmem>>
        %dma_wait3A_91 = arith.constant 0 : i32
        %dma_wait3A_92 = tpu.memref_slice %arg4[%add3A_45, %dma_wait3A_91] : memref<2560x128xi32, #tpu.memory_space<hbm>> -> memref<16x128xi32, #tpu.memory_space<hbm>>
        tpu.wait_dma2 semaphore(%run_scoped3A : memref<!tpu.dma_semaphore, #tpu.memory_space<semaphore_mem>>) src(%dma_wait3A_92 : memref<16x128xi32, #tpu.memory_space<hbm>>) dst(%dma_wait3A_90 : memref<16x128xi32, #tpu.memory_space<vmem>>)
        tpu.yield
      }) : () -> ()
      %dma_start3A_46 = arith.constant 0 : i32
      %dma_start3A_47 = arith.constant 0 : i32
      %dma_start3A_48 = tpu.memref_slice %arg7[%dma_start3A_46, %dma_start3A_47] : memref<64x128xi32, #tpu.memory_space<vmem>> -> memref<1x128xi32, #tpu.memory_space<vmem>>
      %dma_start3A_49 = tpu.memref_squeeze %dma_start3A_48 : memref<1x128xi32, #tpu.memory_space<vmem>> -> memref<128xi32, #tpu.memory_space<vmem>>
      %dma_start3A_50 = arith.constant 0 : i32
      %dma_start3A_51 = arith.constant 0 : i32
      %dma_start3A_52 = tpu.memref_slice %arg2[%dma_start3A_50, %dma_start3A_51] : memref<10000x128xf32, #tpu.memory_space<hbm>> -> memref<10000x128xf32, #tpu.memory_space<hbm>>
      tpu.enqueue_indirect_dma source(%dma_start3A_52 : memref<10000x128xf32, #tpu.memory_space<hbm>>) target(%arg9 : memref<128x128xf32, #tpu.memory_space<vmem>>) offsets(%dma_start3A_49 : memref<128xi32, #tpu.memory_space<vmem>>) semaphore(%arg12 : memref<!tpu.dma_semaphore, #tpu.memory_space<semaphore_mem>>)
      %scan3A_53 = arith.constant 0 : i32
      %scan3A_54 = arith.constant 0 : i32
      %scan3A_55 = arith.constant 8 : i32
      %scan3A_56 = arith.addi %scan3A_54, %scan3A_55 : i32
      %scan3A_57 = arith.constant 1 : i32
      scf.for %scan3A_73 = %scan3A_54 to %scan3A_56 step %scan3A_57  : i32 {
        %mul3A_74 = arith.constant 2 : i32
        %mul3A_75 = arith.muli %scan3A_73, %mul3A_74 : i32
        %add3A_76 = arith.constant 0 : i32
        %add3A_77 = arith.addi %mul3A_75, %add3A_76 : i32
        %dma_wait3A_78 = arith.constant 0 : i32
        %dma_wait3A_79 = tpu.memref_slice %arg7[%add3A_77, %dma_wait3A_78] : memref<64x128xi32, #tpu.memory_space<vmem>> -> memref<1x128xi32, #tpu.memory_space<vmem>>
        %dma_wait3A_80 = tpu.memref_squeeze %dma_wait3A_79 : memref<1x128xi32, #tpu.memory_space<vmem>> -> memref<128xi32, #tpu.memory_space<vmem>>
        %dma_wait3A_81 = arith.constant 0 : i32
        %dma_wait3A_82 = arith.constant 0 : i32
        %dma_wait3A_83 = tpu.memref_slice %arg2[%dma_wait3A_81, %dma_wait3A_82] : memref<10000x128xf32, #tpu.memory_space<hbm>> -> memref<10000x128xf32, #tpu.memory_space<hbm>>
        tpu.wait_indirect_dma semaphore(%arg12 : memref<!tpu.dma_semaphore, #tpu.memory_space<semaphore_mem>>) src(%dma_wait3A_83 : memref<10000x128xf32, #tpu.memory_space<hbm>>) dst(%arg9 : memref<128x128xf32, #tpu.memory_space<vmem>>)
        %dma_start3A_84 = arith.constant 0 : i32
        %dma_start3A_85 = tpu.memref_slice %arg8[%add3A_77, %dma_start3A_84] : memref<64x128xi32, #tpu.memory_space<vmem>> -> memref<1x128xi32, #tpu.memory_space<vmem>>
        %dma_start3A_86 = tpu.memref_squeeze %dma_start3A_85 : memref<1x128xi32, #tpu.memory_space<vmem>> -> memref<128xi32, #tpu.memory_space<vmem>>
        %dma_start3A_87 = arith.constant 0 : i32
        %dma_start3A_88 = arith.constant 0 : i32
        %dma_start3A_89 = tpu.memref_slice %arg11[%dma_start3A_87, %dma_start3A_88] : memref<10112x128xf32, #tpu.memory_space<vmem_shared>> -> memref<10112x128xf32, #tpu.memory_space<vmem_shared>>
        tpu.enqueue_indirect_dma source(%arg9 : memref<128x128xf32, #tpu.memory_space<vmem>>) target(%dma_start3A_89 : memref<10112x128xf32, #tpu.memory_space<vmem_shared>>) offsets(%dma_start3A_86 : memref<128xi32, #tpu.memory_space<vmem>>) semaphore(%arg14 : memref<!tpu.dma_semaphore, #tpu.memory_space<semaphore_mem>>) {add = true}
        %gt3A = arith.constant 0 : i32
        %gt3A_90 = arith.cmpi sgt, %scan3A_73, %gt3A : i32
        %convert_element_type3A_91 = arith.extui %gt3A_90 : i1 to i32
        %cond3A_92 = arith.constant 0 : i32
        %cond3A_93 = arith.cmpi ne, %convert_element_type3A_91, %cond3A_92 : i32
        scf.if %cond3A_93 {
          %dma_wait3A_123 = arith.constant 0 : i32
          %dma_wait3A_124 = arith.constant 0 : i32
          %dma_wait3A_125 = tpu.memref_slice %arg8[%dma_wait3A_123, %dma_wait3A_124] : memref<64x128xi32, #tpu.memory_space<vmem>> -> memref<1x128xi32, #tpu.memory_space<vmem>>
          %dma_wait3A_126 = tpu.memref_squeeze %dma_wait3A_125 : memref<1x128xi32, #tpu.memory_space<vmem>> -> memref<128xi32, #tpu.memory_space<vmem>>
          %dma_wait3A_127 = arith.constant 0 : i32
          %dma_wait3A_128 = arith.constant 0 : i32
          %dma_wait3A_129 = tpu.memref_slice %arg11[%dma_wait3A_127, %dma_wait3A_128] : memref<10112x128xf32, #tpu.memory_space<vmem_shared>> -> memref<10112x128xf32, #tpu.memory_space<vmem_shared>>
          tpu.wait_indirect_dma semaphore(%arg15 : memref<!tpu.dma_semaphore, #tpu.memory_space<semaphore_mem>>) src(%arg10 : memref<128x128xf32, #tpu.memory_space<vmem>>) dst(%dma_wait3A_129 : memref<10112x128xf32, #tpu.memory_space<vmem_shared>>)
        } else {
        }
        %add3A_94 = arith.constant 2 : i32
        %add3A_95 = arith.addi %add3A_77, %add3A_94 : i32
        %sub3A = arith.constant 1 : i32
        %sub3A_96 = arith.subi %add3A_95, %sub3A : i32
        %dma_start3A_97 = arith.constant 0 : i32
        %dma_start3A_98 = tpu.memref_slice %arg7[%sub3A_96, %dma_start3A_97] : memref<64x128xi32, #tpu.memory_space<vmem>> -> memref<1x128xi32, #tpu.memory_space<vmem>>
        %dma_start3A_99 = tpu.memref_squeeze %dma_start3A_98 : memref<1x128xi32, #tpu.memory_space<vmem>> -> memref<128xi32, #tpu.memory_space<vmem>>
        %dma_start3A_100 = arith.constant 0 : i32
        %dma_start3A_101 = arith.constant 0 : i32
        %dma_start3A_102 = tpu.memref_slice %arg2[%dma_start3A_100, %dma_start3A_101] : memref<10000x128xf32, #tpu.memory_space<hbm>> -> memref<10000x128xf32, #tpu.memory_space<hbm>>
        tpu.enqueue_indirect_dma source(%dma_start3A_102 : memref<10000x128xf32, #tpu.memory_space<hbm>>) target(%arg10 : memref<128x128xf32, #tpu.memory_space<vmem>>) offsets(%dma_start3A_99 : memref<128xi32, #tpu.memory_space<vmem>>) semaphore(%arg13 : memref<!tpu.dma_semaphore, #tpu.memory_space<semaphore_mem>>)
        %mul3A_103 = arith.constant 2 : i32
        %mul3A_104 = arith.muli %scan3A_73, %mul3A_103 : i32
        %add3A_105 = arith.constant 1 : i32
        %add3A_106 = arith.addi %mul3A_104, %add3A_105 : i32
        %dma_wait3A_107 = arith.constant 0 : i32
        %dma_wait3A_108 = tpu.memref_slice %arg7[%add3A_106, %dma_wait3A_107] : memref<64x128xi32, #tpu.memory_space<vmem>> -> memref<1x128xi32, #tpu.memory_space<vmem>>
        %dma_wait3A_109 = tpu.memref_squeeze %dma_wait3A_108 : memref<1x128xi32, #tpu.memory_space<vmem>> -> memref<128xi32, #tpu.memory_space<vmem>>
        %dma_wait3A_110 = arith.constant 0 : i32
        %dma_wait3A_111 = arith.constant 0 : i32
        %dma_wait3A_112 = tpu.memref_slice %arg2[%dma_wait3A_110, %dma_wait3A_111] : memref<10000x128xf32, #tpu.memory_space<hbm>> -> memref<10000x128xf32, #tpu.memory_space<hbm>>
        tpu.wait_indirect_dma semaphore(%arg13 : memref<!tpu.dma_semaphore, #tpu.memory_space<semaphore_mem>>) src(%dma_wait3A_112 : memref<10000x128xf32, #tpu.memory_space<hbm>>) dst(%arg10 : memref<128x128xf32, #tpu.memory_space<vmem>>)
        %dma_start3A_113 = arith.constant 0 : i32
        %dma_start3A_114 = tpu.memref_slice %arg8[%add3A_106, %dma_start3A_113] : memref<64x128xi32, #tpu.memory_space<vmem>> -> memref<1x128xi32, #tpu.memory_space<vmem>>
        %dma_start3A_115 = tpu.memref_squeeze %dma_start3A_114 : memref<1x128xi32, #tpu.memory_space<vmem>> -> memref<128xi32, #tpu.memory_space<vmem>>
        %dma_start3A_116 = arith.constant 0 : i32
        %dma_start3A_117 = arith.constant 0 : i32
        %dma_start3A_118 = tpu.memref_slice %arg11[%dma_start3A_116, %dma_start3A_117] : memref<10112x128xf32, #tpu.memory_space<vmem_shared>> -> memref<10112x128xf32, #tpu.memory_space<vmem_shared>>
        tpu.enqueue_indirect_dma source(%arg10 : memref<128x128xf32, #tpu.memory_space<vmem>>) target(%dma_start3A_118 : memref<10112x128xf32, #tpu.memory_space<vmem_shared>>) offsets(%dma_start3A_115 : memref<128xi32, #tpu.memory_space<vmem>>) semaphore(%arg15 : memref<!tpu.dma_semaphore, #tpu.memory_space<semaphore_mem>>) {add = true}
        %lt3A = arith.constant 7 : i32
        %lt3A_119 = arith.cmpi slt, %scan3A_73, %lt3A : i32
        %convert_element_type3A_120 = arith.extui %lt3A_119 : i1 to i32
        %cond3A_121 = arith.constant 0 : i32
        %cond3A_122 = arith.cmpi ne, %convert_element_type3A_120, %cond3A_121 : i32
        scf.if %cond3A_122 {
          %dma_wait3A_123 = arith.constant 0 : i32
          %dma_wait3A_124 = arith.constant 0 : i32
          %dma_wait3A_125 = tpu.memref_slice %arg8[%dma_wait3A_123, %dma_wait3A_124] : memref<64x128xi32, #tpu.memory_space<vmem>> -> memref<1x128xi32, #tpu.memory_space<vmem>>
          %dma_wait3A_126 = tpu.memref_squeeze %dma_wait3A_125 : memref<1x128xi32, #tpu.memory_space<vmem>> -> memref<128xi32, #tpu.memory_space<vmem>>
          %dma_wait3A_127 = arith.constant 0 : i32
          %dma_wait3A_128 = arith.constant 0 : i32
          %dma_wait3A_129 = tpu.memref_slice %arg11[%dma_wait3A_127, %dma_wait3A_128] : memref<10112x128xf32, #tpu.memory_space<vmem_shared>> -> memref<10112x128xf32, #tpu.memory_space<vmem_shared>>
          tpu.wait_indirect_dma semaphore(%arg14 : memref<!tpu.dma_semaphore, #tpu.memory_space<semaphore_mem>>) src(%arg9 : memref<128x128xf32, #tpu.memory_space<vmem>>) dst(%dma_wait3A_129 : memref<10112x128xf32, #tpu.memory_space<vmem_shared>>)
          %add3A_130 = arith.constant 2 : i32
          %add3A_131 = arith.addi %add3A_106, %add3A_130 : i32
          %sub3A_132 = arith.constant 1 : i32
          %sub3A_133 = arith.subi %add3A_131, %sub3A_132 : i32
          %dma_start3A_134 = arith.constant 0 : i32
          %dma_start3A_135 = tpu.memref_slice %arg7[%sub3A_133, %dma_start3A_134] : memref<64x128xi32, #tpu.memory_space<vmem>> -> memref<1x128xi32, #tpu.memory_space<vmem>>
          %dma_start3A_136 = tpu.memref_squeeze %dma_start3A_135 : memref<1x128xi32, #tpu.memory_space<vmem>> -> memref<128xi32, #tpu.memory_space<vmem>>
          %dma_start3A_137 = arith.constant 0 : i32
          %dma_start3A_138 = arith.constant 0 : i32
          %dma_start3A_139 = tpu.memref_slice %arg2[%dma_start3A_137, %dma_start3A_138] : memref<10000x128xf32, #tpu.memory_space<hbm>> -> memref<10000x128xf32, #tpu.memory_space<hbm>>
          tpu.enqueue_indirect_dma source(%dma_start3A_139 : memref<10000x128xf32, #tpu.memory_space<hbm>>) target(%arg9 : memref<128x128xf32, #tpu.memory_space<vmem>>) offsets(%dma_start3A_136 : memref<128xi32, #tpu.memory_space<vmem>>) semaphore(%arg12 : memref<!tpu.dma_semaphore, #tpu.memory_space<semaphore_mem>>)
        } else {
        }
      }
      %scan3A_58 = arith.constant 8 : i32
      %dma_wait3A_59 = arith.constant 0 : i32
      %dma_wait3A_60 = arith.constant 0 : i32
      %dma_wait3A_61 = tpu.memref_slice %arg8[%dma_wait3A_59, %dma_wait3A_60] : memref<64x128xi32, #tpu.memory_space<vmem>> -> memref<1x128xi32, #tpu.memory_space<vmem>>
      %dma_wait3A_62 = tpu.memref_squeeze %dma_wait3A_61 : memref<1x128xi32, #tpu.memory_space<vmem>> -> memref<128xi32, #tpu.memory_space<vmem>>
      %dma_wait3A_63 = arith.constant 0 : i32
      %dma_wait3A_64 = arith.constant 0 : i32
      %dma_wait3A_65 = tpu.memref_slice %arg11[%dma_wait3A_63, %dma_wait3A_64] : memref<10112x128xf32, #tpu.memory_space<vmem_shared>> -> memref<10112x128xf32, #tpu.memory_space<vmem_shared>>
      tpu.wait_indirect_dma semaphore(%arg14 : memref<!tpu.dma_semaphore, #tpu.memory_space<semaphore_mem>>) src(%arg9 : memref<128x128xf32, #tpu.memory_space<vmem>>) dst(%dma_wait3A_65 : memref<10112x128xf32, #tpu.memory_space<vmem_shared>>)
      %dma_wait3A_66 = arith.constant 0 : i32
      %dma_wait3A_67 = arith.constant 0 : i32
      %dma_wait3A_68 = tpu.memref_slice %arg8[%dma_wait3A_66, %dma_wait3A_67] : memref<64x128xi32, #tpu.memory_space<vmem>> -> memref<1x128xi32, #tpu.memory_space<vmem>>
      %dma_wait3A_69 = tpu.memref_squeeze %dma_wait3A_68 : memref<1x128xi32, #tpu.memory_space<vmem>> -> memref<128xi32, #tpu.memory_space<vmem>>
      %dma_wait3A_70 = arith.constant 0 : i32
      %dma_wait3A_71 = arith.constant 0 : i32
      %dma_wait3A_72 = tpu.memref_slice %arg11[%dma_wait3A_70, %dma_wait3A_71] : memref<10112x128xf32, #tpu.memory_space<vmem_shared>> -> memref<10112x128xf32, #tpu.memory_space<vmem_shared>>
      tpu.wait_indirect_dma semaphore(%arg15 : memref<!tpu.dma_semaphore, #tpu.memory_space<semaphore_mem>>) src(%arg10 : memref<128x128xf32, #tpu.memory_space<vmem>>) dst(%dma_wait3A_72 : memref<10112x128xf32, #tpu.memory_space<vmem_shared>>)
    } else {
    }
    %barrier3A_10 = arith.constant 0 : index
    tpu.barrier barrier_id(%barrier3A_10)
    %mul3A_11 = arith.constant 632 : i32
    %mul3A_12 = arith.muli %arg1, %mul3A_11 : i32
    %mul3A_13 = arith.constant 632 : i32
    %mul3A_14 = arith.muli %arg1, %mul3A_13 : i32
    "tpu.region"() ({
      %run_scoped3A = tpu.sem_alloc : memref<!tpu.dma_semaphore, #tpu.memory_space<semaphore_mem>>
      %dma_start3A = arith.constant 0 : i32
      %dma_start3A_15 = tpu.memref_slice %arg6[%arg0, %mul3A_14, %dma_start3A] : memref<2x10112x128xf32, #tpu.memory_space<hbm>> -> memref<1x632x128xf32, #tpu.memory_space<hbm>>
      %dma_start3A_16 = tpu.memref_squeeze %dma_start3A_15 : memref<1x632x128xf32, #tpu.memory_space<hbm>> -> memref<632x128xf32, #tpu.memory_space<hbm>>
      %dma_start3A_17 = arith.constant 0 : i32
      %dma_start3A_18 = tpu.memref_slice %arg11[%mul3A_12, %dma_start3A_17] : memref<10112x128xf32, #tpu.memory_space<vmem_shared>> -> memref<632x128xf32, #tpu.memory_space<vmem_shared>>
      tpu.enqueue_dma source(%dma_start3A_18 : memref<632x128xf32, #tpu.memory_space<vmem_shared>>) target(%dma_start3A_16 : memref<632x128xf32, #tpu.memory_space<hbm>>) target_semaphore(%run_scoped3A : memref<!tpu.dma_semaphore, #tpu.memory_space<semaphore_mem>>)
      %dma_wait3A = arith.constant 0 : i32
      %dma_wait3A_19 = tpu.memref_slice %arg6[%arg0, %mul3A_14, %dma_wait3A] : memref<2x10112x128xf32, #tpu.memory_space<hbm>> -> memref<1x632x128xf32, #tpu.memory_space<hbm>>
      %dma_wait3A_20 = tpu.memref_squeeze %dma_wait3A_19 : memref<1x632x128xf32, #tpu.memory_space<hbm>> -> memref<632x128xf32, #tpu.memory_space<hbm>>
      %dma_wait3A_21 = arith.constant 0 : i32
      %dma_wait3A_22 = tpu.memref_slice %arg11[%mul3A_12, %dma_wait3A_21] : memref<10112x128xf32, #tpu.memory_space<vmem_shared>> -> memref<632x128xf32, #tpu.memory_space<vmem_shared>>
      tpu.wait_dma2 semaphore(%run_scoped3A : memref<!tpu.dma_semaphore, #tpu.memory_space<semaphore_mem>>) src(%dma_wait3A_22 : memref<632x128xf32, #tpu.memory_space<vmem_shared>>) dst(%dma_wait3A_20 : memref<632x128xf32, #tpu.memory_space<hbm>>)
      tpu.yield
    }) : () -> ()
    return
  }
}

module attributes {stable_mosaic.version = 14 : i64} {
  func.func @body(%arg0: i32, %arg1: memref<1000x1xf32, #tpu.memory_space<vmem>>, %arg2: memref<1000x1xf32, #tpu.memory_space<vmem>>, %arg3: memref<1000x128xf32, #tpu.memory_space<vmem>>, %arg4: memref<128x128xf32, #tpu.memory_space<vmem>>, %arg5: memref<1000x128xf32, #tpu.memory_space<vmem>>) attributes {dimension_semantics = [#tpu.dimension_semantics<arbitrary>], iteration_bounds = array<i64: 10>, scalar_prefetch = 0 : i64, scratch_operands = 0 : i64, tpu.core_type = #tpu.core_type<tc>, window_params = [{transform_indices = @transform_0, window_bounds = array<i64: 1000, 1>}, {transform_indices = @transform_1, window_bounds = array<i64: 1000, 1>}, {transform_indices = @transform_2, window_bounds = array<i64: 1000, 128>}, {pipeline_mode = #tpu.pipeline_mode<synchronous>, transform_indices = @transform_3, window_bounds = array<i64: 128, 128>}, {transform_indices = @transform_4, window_bounds = array<i64: 1000, 128>}]} {
    %get3A = arith.constant 0 : index
    %get3A_0 = arith.constant 0 : index
    %get3A_1 = vector.load %arg1[%get3A, %get3A_0] : memref<1000x1xf32, #tpu.memory_space<vmem>>, vector<1000x1xf32>
    %get3A_2 = arith.constant 0 : index
    %get3A_3 = arith.constant 0 : index
    %get3A_4 = vector.load %arg2[%get3A_2, %get3A_3] : memref<1000x1xf32, #tpu.memory_space<vmem>>, vector<1000x1xf32>
    %add3A = arith.addf %get3A_1, %get3A_4 : vector<1000x1xf32>
    %add3A_5 = arith.constant 1.000000e+00 : f32
    %add3A_6 = vector.broadcast %add3A_5 : f32 to vector<1000x1xf32>
    %add3A_7 = arith.addf %add3A, %add3A_6 : vector<1000x1xf32>
    %sqrt3A = math.sqrt %add3A_7 : vector<1000x1xf32>
    %div3A = arith.constant 1.000000e+00 : f32
    %div3A_8 = vector.broadcast %div3A : f32 to vector<1000x1xf32>
    %div3A_9 = arith.divf %div3A_8, %sqrt3A : vector<1000x1xf32>
    %get3A_10 = arith.constant 0 : index
    %get3A_11 = arith.constant 0 : index
    %get3A_12 = vector.load %arg3[%get3A_10, %get3A_11] : memref<1000x128xf32, #tpu.memory_space<vmem>>, vector<1000x128xf32>
    %get3A_13 = arith.constant 0 : index
    %get3A_14 = arith.constant 0 : index
    %get3A_15 = vector.load %arg4[%get3A_13, %get3A_14] : memref<128x128xf32, #tpu.memory_space<vmem>>, vector<128x128xf32>
    %dot_general3A = arith.constant dense<0.000000e+00> : vector<1000x128xf32>
    %dot_general3A_16 = tpu.matmul %get3A_12, %get3A_15, %dot_general3A {dimension_numbers = #tpu.dot_dimension_numbers<[1], [0], [0], [1], [0, 0, 1, 1], [], []>, transpose_lhs_hint = false} : vector<1000x128xf32>, vector<128x128xf32>, vector<1000x128xf32> -> vector<1000x128xf32>
    %mul3A = vector.broadcast %div3A_9 : vector<1000x1xf32> to vector<1000x128xf32>
    %mul3A_17 = arith.mulf %dot_general3A_16, %mul3A : vector<1000x128xf32>
    %swap3A = arith.constant 0 : index
    %swap3A_18 = arith.constant 0 : index
    %swap3A_19 = vector.load %arg5[%swap3A, %swap3A_18] : memref<1000x128xf32, #tpu.memory_space<vmem>>, vector<1000x128xf32>
    tpu.vector_store %arg5[%swap3A, %swap3A_18], %mul3A_17 {strides = array<i32>} : memref<1000x128xf32, #tpu.memory_space<vmem>>, vector<1000x128xf32>,
    return
  }
  func.func @transform_0(%arg0: i32) -> (i32, i32) {
    %c0_i32 = arith.constant 0 : i32
    %c0_i32_0 = arith.constant 0 : i32
    return %arg0, %c0_i32 : i32, i32
  }
  func.func @transform_1(%arg0: i32) -> (i32, i32) {
    %c0_i32 = arith.constant 0 : i32
    %c0_i32_0 = arith.constant 0 : i32
    return %arg0, %c0_i32 : i32, i32
  }
  func.func @transform_2(%arg0: i32) -> (i32, i32) {
    %c0_i32 = arith.constant 0 : i32
    %c0_i32_0 = arith.constant 0 : i32
    return %arg0, %c0_i32 : i32, i32
  }
  func.func @transform_3(%arg0: i32) -> (i32, i32) {
    %c0_i32 = arith.constant 0 : i32
    %c0_i32_0 = arith.constant 0 : i32
    %c0_i32_1 = arith.constant 0 : i32
    return %c0_i32, %c0_i32_0 : i32, i32
  }
  func.func @transform_4(%arg0: i32) -> (i32, i32) {
    %c0_i32 = arith.constant 0 : i32
    %c0_i32_0 = arith.constant 0 : i32
    return %arg0, %c0_i32 : i32, i32
  }
}

module attributes {stable_mosaic.version = 14 : i64} {
  func.func @body(%arg0: i32, %arg1: memref<1000x1xf32, #tpu.memory_space<vmem>>, %arg2: memref<1000x1xf32, #tpu.memory_space<vmem>>, %arg3: memref<1000x128xf32, #tpu.memory_space<vmem>>, %arg4: memref<1000x128xf32, #tpu.memory_space<vmem>>, %arg5: memref<1000x128xf32, #tpu.memory_space<vmem>>, %arg6: memref<1x128xf32, #tpu.memory_space<vmem>>, %arg7: memref<128x128xf32, #tpu.memory_space<vmem>>, %arg8: memref<1000x128xf32, #tpu.memory_space<vmem>>) attributes {dimension_semantics = [#tpu.dimension_semantics<arbitrary>], iteration_bounds = array<i64: 10>, scalar_prefetch = 0 : i64, scratch_operands = 0 : i64, tpu.core_type = #tpu.core_type<tc>, window_params = [{transform_indices = @transform_0, window_bounds = array<i64: 1000, 1>}, {transform_indices = @transform_1, window_bounds = array<i64: 1000, 1>}, {transform_indices = @transform_2, window_bounds = array<i64: 1000, 128>}, {transform_indices = @transform_3, window_bounds = array<i64: 1000, 128>}, {transform_indices = @transform_4, window_bounds = array<i64: 1000, 128>}, {pipeline_mode = #tpu.pipeline_mode<synchronous>, transform_indices = @transform_5, window_bounds = array<i64: 1, 128>}, {pipeline_mode = #tpu.pipeline_mode<synchronous>, transform_indices = @transform_6, window_bounds = array<i64: 128, 128>}, {transform_indices = @transform_7, window_bounds = array<i64: 1000, 128>}]} {
    %get3A = arith.constant 0 : index
    %get3A_0 = arith.constant 0 : index
    %get3A_1 = vector.load %arg1[%get3A, %get3A_0] : memref<1000x1xf32, #tpu.memory_space<vmem>>, vector<1000x1xf32>
    %get3A_2 = arith.constant 0 : index
    %get3A_3 = arith.constant 0 : index
    %get3A_4 = vector.load %arg2[%get3A_2, %get3A_3] : memref<1000x1xf32, #tpu.memory_space<vmem>>, vector<1000x1xf32>
    %add3A = arith.addf %get3A_1, %get3A_4 : vector<1000x1xf32>
    %add3A_5 = arith.constant 1.000000e+00 : f32
    %add3A_6 = vector.broadcast %add3A_5 : f32 to vector<1000x1xf32>
    %add3A_7 = arith.addf %add3A, %add3A_6 : vector<1000x1xf32>
    %sqrt3A = math.sqrt %add3A_7 : vector<1000x1xf32>
    %div3A = arith.constant 1.000000e+00 : f32
    %div3A_8 = vector.broadcast %div3A : f32 to vector<1000x1xf32>
    %div3A_9 = arith.divf %div3A_8, %sqrt3A : vector<1000x1xf32>
    %get3A_10 = arith.constant 0 : index
    %get3A_11 = arith.constant 0 : index
    %get3A_12 = vector.load %arg3[%get3A_10, %get3A_11] : memref<1000x128xf32, #tpu.memory_space<vmem>>, vector<1000x128xf32>
    %get3A_13 = arith.constant 0 : index
    %get3A_14 = arith.constant 0 : index
    %get3A_15 = vector.load %arg4[%get3A_13, %get3A_14] : memref<1000x128xf32, #tpu.memory_space<vmem>>, vector<1000x128xf32>
    %add3A_16 = arith.addf %get3A_12, %get3A_15 : vector<1000x128xf32>
    %get3A_17 = arith.constant 0 : index
    %get3A_18 = arith.constant 0 : index
    %get3A_19 = vector.load %arg5[%get3A_17, %get3A_18] : memref<1000x128xf32, #tpu.memory_space<vmem>>, vector<1000x128xf32>
    %add3A_20 = arith.addf %add3A_16, %get3A_19 : vector<1000x128xf32>
    %mul3A = vector.broadcast %div3A_9 : vector<1000x1xf32> to vector<1000x128xf32>
    %mul3A_21 = arith.mulf %mul3A, %add3A_20 : vector<1000x128xf32>
    %get3A_22 = arith.constant 0 : index
    %get3A_23 = arith.constant 0 : index
    %get3A_24 = vector.load %arg6[%get3A_22, %get3A_23] : memref<1x128xf32, #tpu.memory_space<vmem>>, vector<1x128xf32>
    %add3A_25 = vector.broadcast %get3A_24 : vector<1x128xf32> to vector<1000x128xf32>
    %add3A_26 = arith.addf %mul3A_21, %add3A_25 : vector<1000x128xf32>
    %max3A = arith.constant 0.000000e+00 : f32
    %max3A_27 = vector.broadcast %max3A : f32 to vector<1000x128xf32>
    %max3A_28 = arith.maximumf %add3A_26, %max3A_27 : vector<1000x128xf32>
    %get3A_29 = arith.constant 0 : index
    %get3A_30 = arith.constant 0 : index
    %get3A_31 = vector.load %arg7[%get3A_29, %get3A_30] : memref<128x128xf32, #tpu.memory_space<vmem>>, vector<128x128xf32>
    %dot_general3A = arith.constant dense<0.000000e+00> : vector<1000x128xf32>
    %dot_general3A_32 = tpu.matmul %max3A_28, %get3A_31, %dot_general3A {dimension_numbers = #tpu.dot_dimension_numbers<[1], [0], [0], [1], [0, 0, 1, 1], [], []>, transpose_lhs_hint = false} : vector<1000x128xf32>, vector<128x128xf32>, vector<1000x128xf32> -> vector<1000x128xf32>
    %mul3A_33 = vector.broadcast %div3A_9 : vector<1000x1xf32> to vector<1000x128xf32>
    %mul3A_34 = arith.mulf %dot_general3A_32, %mul3A_33 : vector<1000x128xf32>
    %swap3A = arith.constant 0 : index
    %swap3A_35 = arith.constant 0 : index
    %swap3A_36 = vector.load %arg8[%swap3A, %swap3A_35] : memref<1000x128xf32, #tpu.memory_space<vmem>>, vector<1000x128xf32>
    tpu.vector_store %arg8[%swap3A, %swap3A_35], %mul3A_34 {strides = array<i32>} : memref<1000x128xf32, #tpu.memory_space<vmem>>, vector<1000x128xf32>,
    return
  }
  func.func @transform_0(%arg0: i32) -> (i32, i32) {
    %c0_i32 = arith.constant 0 : i32
    %c0_i32_0 = arith.constant 0 : i32
    return %arg0, %c0_i32 : i32, i32
  }
  func.func @transform_1(%arg0: i32) -> (i32, i32) {
    %c0_i32 = arith.constant 0 : i32
    %c0_i32_0 = arith.constant 0 : i32
    return %arg0, %c0_i32 : i32, i32
  }
  func.func @transform_2(%arg0: i32) -> (i32, i32) {
    %c0_i32 = arith.constant 0 : i32
    %c0_i32_0 = arith.constant 0 : i32
    return %arg0, %c0_i32 : i32, i32
  }
  func.func @transform_3(%arg0: i32) -> (i32, i32) {
    %c0_i32 = arith.constant 0 : i32
    %c0_i32_0 = arith.constant 0 : i32
    return %arg0, %c0_i32 : i32, i32
  }
  func.func @transform_4(%arg0: i32) -> (i32, i32) {
    %c0_i32 = arith.constant 0 : i32
    %c0_i32_0 = arith.constant 0 : i32
    return %arg0, %c0_i32 : i32, i32
  }
  func.func @transform_5(%arg0: i32) -> (i32, i32) {
    %c0_i32 = arith.constant 0 : i32
    %c0_i32_0 = arith.constant 0 : i32
    %c0_i32_1 = arith.constant 0 : i32
    return %c0_i32, %c0_i32_0 : i32, i32
  }
  func.func @transform_6(%arg0: i32) -> (i32, i32) {
    %c0_i32 = arith.constant 0 : i32
    %c0_i32_0 = arith.constant 0 : i32
    %c0_i32_1 = arith.constant 0 : i32
    return %c0_i32, %c0_i32_0 : i32, i32
  }
  func.func @transform_7(%arg0: i32) -> (i32, i32) {
    %c0_i32 = arith.constant 0 : i32
    %c0_i32_0 = arith.constant 0 : i32
    return %arg0, %c0_i32 : i32, i32
  }
}

module attributes {stable_mosaic.version = 14 : i64} {
  func.func @body(%arg0: i32, %arg1: memref<1000x1xf32, #tpu.memory_space<vmem>>, %arg2: memref<1000x1xf32, #tpu.memory_space<vmem>>, %arg3: memref<1000x128xf32, #tpu.memory_space<vmem>>, %arg4: memref<1000x128xf32, #tpu.memory_space<vmem>>, %arg5: memref<1000x128xf32, #tpu.memory_space<vmem>>, %arg6: memref<1x128xf32, #tpu.memory_space<vmem>>, %arg7: memref<1x1x1000xi32, #tpu.memory_space<vmem>>, %arg8: memref<128x64xf32, #tpu.memory_space<vmem>>, %arg9: memref<1x64xf32, #tpu.memory_space<vmem>>, %arg10: memref<64x1xf32, #tpu.memory_space<vmem>>, %arg11: memref<1x1xf32, #tpu.memory_space<vmem>>, %arg12: memref<64x1xf32, #tpu.memory_space<vmem>>, %arg13: memref<64x128xf32, #tpu.memory_space<vmem>>, %arg14: memref<64x1xf32, #tpu.memory_space<vmem>>) attributes {dimension_semantics = [#tpu.dimension_semantics<arbitrary>], iteration_bounds = array<i64: 10>, scalar_prefetch = 0 : i64, scratch_operands = 2 : i64, tpu.core_type = #tpu.core_type<tc>, window_params = [{transform_indices = @transform_0, window_bounds = array<i64: 1000, 1>}, {transform_indices = @transform_1, window_bounds = array<i64: 1000, 1>}, {transform_indices = @transform_2, window_bounds = array<i64: 1000, 128>}, {transform_indices = @transform_3, window_bounds = array<i64: 1000, 128>}, {transform_indices = @transform_4, window_bounds = array<i64: 1000, 128>}, {pipeline_mode = #tpu.pipeline_mode<synchronous>, transform_indices = @transform_5, window_bounds = array<i64: 1, 128>}, {transform_indices = @transform_6, window_bounds = array<i64: 1, 1, 1000>}, {pipeline_mode = #tpu.pipeline_mode<synchronous>, transform_indices = @transform_7, window_bounds = array<i64: 128, 64>}, {pipeline_mode = #tpu.pipeline_mode<synchronous>, transform_indices = @transform_8, window_bounds = array<i64: 1, 64>}, {pipeline_mode = #tpu.pipeline_mode<synchronous>, transform_indices = @transform_9, window_bounds = array<i64: 64, 1>}, {pipeline_mode = #tpu.pipeline_mode<synchronous>, transform_indices = @transform_10, window_bounds = array<i64: 1, 1>}, {pipeline_mode = #tpu.pipeline_mode<synchronous>, transform_indices = @transform_11, window_bounds = array<i64: 64, 1>}]} {
    %eq3A = arith.constant 0 : i32
    %eq3A_0 = arith.cmpi eq, %arg0, %eq3A : i32
    %convert_element_type3A = arith.extui %eq3A_0 : i1 to i32
    %cond3A = arith.constant 0 : i32
    %cond3A_1 = arith.cmpi ne, %convert_element_type3A, %cond3A : i32
    scf.if %cond3A_1 {
      %broadcast_in_dim3A_61 = arith.constant 0.000000e+00 : f32
      %broadcast_in_dim3A_62 = vector.broadcast %broadcast_in_dim3A_61 : f32 to vector<64x128xf32>
      %swap3A_63 = arith.constant 0 : index
      %swap3A_64 = arith.constant 0 : index
      %swap3A_65 = vector.load %arg13[%swap3A_63, %swap3A_64] : memref<64x128xf32, #tpu.memory_space<vmem>>, vector<64x128xf32>
      tpu.vector_store %arg13[%swap3A_63, %swap3A_64], %broadcast_in_dim3A_62 {strides = array<i32>} : memref<64x128xf32, #tpu.memory_space<vmem>>, vector<64x128xf32>,
      %broadcast_in_dim3A_66 = arith.constant 0.000000e+00 : f32
      %broadcast_in_dim3A_67 = vector.broadcast %broadcast_in_dim3A_66 : f32 to vector<64x1xf32>
      %swap3A_68 = arith.constant 0 : index
      %swap3A_69 = arith.constant 0 : index
      %swap3A_70 = vector.load %arg14[%swap3A_68, %swap3A_69] : memref<64x1xf32, #tpu.memory_space<vmem>>, vector<64x1xf32>
      tpu.vector_store %arg14[%swap3A_68, %swap3A_69], %broadcast_in_dim3A_67 {strides = array<i32>} : memref<64x1xf32, #tpu.memory_space<vmem>>, vector<64x1xf32>,
    } else {
    }
    %get3A = arith.constant 0 : index
    %get3A_2 = arith.constant 0 : index
    %get3A_3 = vector.load %arg1[%get3A, %get3A_2] : memref<1000x1xf32, #tpu.memory_space<vmem>>, vector<1000x1xf32>
    %get3A_4 = arith.constant 0 : index
    %get3A_5 = arith.constant 0 : index
    %get3A_6 = vector.load %arg2[%get3A_4, %get3A_5] : memref<1000x1xf32, #tpu.memory_space<vmem>>, vector<1000x1xf32>
    %add3A = arith.addf %get3A_3, %get3A_6 : vector<1000x1xf32>
    %add3A_7 = arith.constant 1.000000e+00 : f32
    %add3A_8 = vector.broadcast %add3A_7 : f32 to vector<1000x1xf32>
    %add3A_9 = arith.addf %add3A, %add3A_8 : vector<1000x1xf32>
    %sqrt3A = math.sqrt %add3A_9 : vector<1000x1xf32>
    %div3A = arith.constant 1.000000e+00 : f32
    %div3A_10 = vector.broadcast %div3A : f32 to vector<1000x1xf32>
    %div3A_11 = arith.divf %div3A_10, %sqrt3A : vector<1000x1xf32>
    %get3A_12 = arith.constant 0 : index
    %get3A_13 = arith.constant 0 : index
    %get3A_14 = vector.load %arg3[%get3A_12, %get3A_13] : memref<1000x128xf32, #tpu.memory_space<vmem>>, vector<1000x128xf32>
    %get3A_15 = arith.constant 0 : index
    %get3A_16 = arith.constant 0 : index
    %get3A_17 = vector.load %arg4[%get3A_15, %get3A_16] : memref<1000x128xf32, #tpu.memory_space<vmem>>, vector<1000x128xf32>
    %add3A_18 = arith.addf %get3A_14, %get3A_17 : vector<1000x128xf32>
    %get3A_19 = arith.constant 0 : index
    %get3A_20 = arith.constant 0 : index
    %get3A_21 = vector.load %arg5[%get3A_19, %get3A_20] : memref<1000x128xf32, #tpu.memory_space<vmem>>, vector<1000x128xf32>
    %add3A_22 = arith.addf %add3A_18, %get3A_21 : vector<1000x128xf32>
    %mul3A = vector.broadcast %div3A_11 : vector<1000x1xf32> to vector<1000x128xf32>
    %mul3A_23 = arith.mulf %mul3A, %add3A_22 : vector<1000x128xf32>
    %get3A_24 = arith.constant 0 : index
    %get3A_25 = arith.constant 0 : index
    %get3A_26 = vector.load %arg6[%get3A_24, %get3A_25] : memref<1x128xf32, #tpu.memory_space<vmem>>, vector<1x128xf32>
    %add3A_27 = vector.broadcast %get3A_26 : vector<1x128xf32> to vector<1000x128xf32>
    %add3A_28 = arith.addf %mul3A_23, %add3A_27 : vector<1000x128xf32>
    %max3A = arith.constant 0.000000e+00 : f32
    %max3A_29 = vector.broadcast %max3A : f32 to vector<1000x128xf32>
    %max3A_30 = arith.maximumf %add3A_28, %max3A_29 : vector<1000x128xf32>
    %get3A_31 = arith.constant 0 : index
    %get3A_32 = arith.constant 0 : index
    %get3A_33 = arith.constant 0 : index
    %get3A_34 = vector.load %arg7[%get3A_31, %get3A_32, %get3A_33] : memref<1x1x1000xi32, #tpu.memory_space<vmem>>, vector<1x1x1000xi32>
    %get3A_35 = vector.shape_cast %get3A_34 : vector<1x1x1000xi32> to vector<1000xi32>
    %broadcast_in_dim3A = vector.shape_cast %get3A_35 : vector<1000xi32> to vector<1x1000xi32>
    %iota3A = tpu.iota {dimensions = array<i32: 0>} : vector<64x1000xi32>
    %eq3A_36 = vector.broadcast %broadcast_in_dim3A : vector<1x1000xi32> to vector<64x1000xi32>
    %eq3A_37 = arith.cmpi eq, %eq3A_36, %iota3A : vector<64x1000xi32>
    %convert_element_type3A_38 = arith.extui %eq3A_37 : vector<64x1000xi1> to vector<64x1000xi32>
    %convert_element_type3A_39 = arith.sitofp %convert_element_type3A_38 : vector<64x1000xi32> to vector<64x1000xf32>
    %get3A_40 = arith.constant 0 : index
    %get3A_41 = arith.constant 0 : index
    %get3A_42 = vector.load %arg13[%get3A_40, %get3A_41] : memref<64x128xf32, #tpu.memory_space<vmem>>, vector<64x128xf32>
    %dot_general3A = arith.constant dense<0.000000e+00> : vector<64x128xf32>
    %dot_general3A_43 = tpu.matmul %convert_element_type3A_39, %max3A_30, %dot_general3A {dimension_numbers = #tpu.dot_dimension_numbers<[1], [0], [0], [1], [0, 0, 1, 1], [], []>, transpose_lhs_hint = false} : vector<64x1000xf32>, vector<1000x128xf32>, vector<64x128xf32> -> vector<64x128xf32>
    %add3A_44 = arith.addf %get3A_42, %dot_general3A_43 : vector<64x128xf32>
    %swap3A = arith.constant 0 : index
    %swap3A_45 = arith.constant 0 : index
    %swap3A_46 = vector.load %arg13[%swap3A, %swap3A_45] : memref<64x128xf32, #tpu.memory_space<vmem>>, vector<64x128xf32>
    tpu.vector_store %arg13[%swap3A, %swap3A_45], %add3A_44 {strides = array<i32>} : memref<64x128xf32, #tpu.memory_space<vmem>>, vector<64x128xf32>,
    %get3A_47 = arith.constant 0 : index
    %get3A_48 = arith.constant 0 : index
    %get3A_49 = vector.load %arg14[%get3A_47, %get3A_48] : memref<64x1xf32, #tpu.memory_space<vmem>>, vector<64x1xf32>
    %reduce_sum3A = arith.constant dense<0.000000e+00> : vector<64xf32>
    %reduce_sum3A_50 = vector.multi_reduction <add>, %convert_element_type3A_39, %reduce_sum3A [1] : vector<64x1000xf32> to vector<64xf32>
    %broadcast_in_dim3A_51 = vector.shape_cast %reduce_sum3A_50 : vector<64xf32> to vector<64x1xf32>
    %add3A_52 = arith.addf %get3A_49, %broadcast_in_dim3A_51 : vector<64x1xf32>
    %swap3A_53 = arith.constant 0 : index
    %swap3A_54 = arith.constant 0 : index
    %swap3A_55 = vector.load %arg14[%swap3A_53, %swap3A_54] : memref<64x1xf32, #tpu.memory_space<vmem>>, vector<64x1xf32>
    tpu.vector_store %arg14[%swap3A_53, %swap3A_54], %add3A_52 {strides = array<i32>} : memref<64x1xf32, #tpu.memory_space<vmem>>, vector<64x1xf32>,
    %eq3A_56 = arith.constant 9 : i32
    %eq3A_57 = arith.cmpi eq, %arg0, %eq3A_56 : i32
    %convert_element_type3A_58 = arith.extui %eq3A_57 : i1 to i32
    %cond3A_59 = arith.constant 0 : i32
    %cond3A_60 = arith.cmpi ne, %convert_element_type3A_58, %cond3A_59 : i32
    scf.if %cond3A_60 {
      %get3A_61 = arith.constant 0 : index
      %get3A_62 = arith.constant 0 : index
      %get3A_63 = vector.load %arg13[%get3A_61, %get3A_62] : memref<64x128xf32, #tpu.memory_space<vmem>>, vector<64x128xf32>
      %get3A_64 = arith.constant 0 : index
      %get3A_65 = arith.constant 0 : index
      %get3A_66 = vector.load %arg14[%get3A_64, %get3A_65] : memref<64x1xf32, #tpu.memory_space<vmem>>, vector<64x1xf32>
      %max3A_67 = arith.constant 1.000000e+00 : f32
      %max3A_68 = vector.broadcast %max3A_67 : f32 to vector<64x1xf32>
      %max3A_69 = arith.maximumf %get3A_66, %max3A_68 : vector<64x1xf32>
      %div3A_70 = vector.broadcast %max3A_69 : vector<64x1xf32> to vector<64x128xf32>
      %div3A_71 = arith.divf %get3A_63, %div3A_70 : vector<64x128xf32>
      %get3A_72 = arith.constant 0 : index
      %get3A_73 = arith.constant 0 : index
      %get3A_74 = vector.load %arg8[%get3A_72, %get3A_73] : memref<128x64xf32, #tpu.memory_space<vmem>>, vector<128x64xf32>
      %dot_general3A_75 = arith.constant dense<0.000000e+00> : vector<64x64xf32>
      %dot_general3A_76 = tpu.matmul %div3A_71, %get3A_74, %dot_general3A_75 {dimension_numbers = #tpu.dot_dimension_numbers<[1], [0], [0], [1], [0, 0, 1, 1], [], []>, transpose_lhs_hint = false} : vector<64x128xf32>, vector<128x64xf32>, vector<64x64xf32> -> vector<64x64xf32>
      %get3A_77 = arith.constant 0 : index
      %get3A_78 = arith.constant 0 : index
      %get3A_79 = vector.load %arg9[%get3A_77, %get3A_78] : memref<1x64xf32, #tpu.memory_space<vmem>>, vector<1x64xf32>
      %add3A_80 = vector.broadcast %get3A_79 : vector<1x64xf32> to vector<64x64xf32>
      %add3A_81 = arith.addf %dot_general3A_76, %add3A_80 : vector<64x64xf32>
      %max3A_82 = arith.constant 0.000000e+00 : f32
      %max3A_83 = vector.broadcast %max3A_82 : f32 to vector<64x64xf32>
      %max3A_84 = arith.maximumf %add3A_81, %max3A_83 : vector<64x64xf32>
      %get3A_85 = arith.constant 0 : index
      %get3A_86 = arith.constant 0 : index
      %get3A_87 = vector.load %arg10[%get3A_85, %get3A_86] : memref<64x1xf32, #tpu.memory_space<vmem>>, vector<64x1xf32>
      %dot_general3A_88 = arith.constant dense<0.000000e+00> : vector<64x1xf32>
      %dot_general3A_89 = tpu.matmul %max3A_84, %get3A_87, %dot_general3A_88 {dimension_numbers = #tpu.dot_dimension_numbers<[1], [0], [0], [1], [0, 0, 1, 1], [], []>, transpose_lhs_hint = false} : vector<64x64xf32>, vector<64x1xf32>, vector<64x1xf32> -> vector<64x1xf32>
      %get3A_90 = arith.constant 0 : index
      %get3A_91 = arith.constant 0 : index
      %get3A_92 = vector.load %arg11[%get3A_90, %get3A_91] : memref<1x1xf32, #tpu.memory_space<vmem>>, vector<1x1xf32>
      %add3A_93 = vector.broadcast %get3A_92 : vector<1x1xf32> to vector<64x1xf32>
      %add3A_94 = arith.addf %dot_general3A_89, %add3A_93 : vector<64x1xf32>
      %swap3A_95 = arith.constant 0 : index
      %swap3A_96 = arith.constant 0 : index
      %swap3A_97 = vector.load %arg12[%swap3A_95, %swap3A_96] : memref<64x1xf32, #tpu.memory_space<vmem>>, vector<64x1xf32>
      tpu.vector_store %arg12[%swap3A_95, %swap3A_96], %add3A_94 {strides = array<i32>} : memref<64x1xf32, #tpu.memory_space<vmem>>, vector<64x1xf32>,
    } else {
    }
    return
  }
  func.func @transform_0(%arg0: i32) -> (i32, i32) {
    %c0_i32 = arith.constant 0 : i32
    %c0_i32_0 = arith.constant 0 : i32
    return %arg0, %c0_i32 : i32, i32
  }
  func.func @transform_1(%arg0: i32) -> (i32, i32) {
    %c0_i32 = arith.constant 0 : i32
    %c0_i32_0 = arith.constant 0 : i32
    return %arg0, %c0_i32 : i32, i32
  }
  func.func @transform_2(%arg0: i32) -> (i32, i32) {
    %c0_i32 = arith.constant 0 : i32
    %c0_i32_0 = arith.constant 0 : i32
    return %arg0, %c0_i32 : i32, i32
  }
  func.func @transform_3(%arg0: i32) -> (i32, i32) {
    %c0_i32 = arith.constant 0 : i32
    %c0_i32_0 = arith.constant 0 : i32
    return %arg0, %c0_i32 : i32, i32
  }
  func.func @transform_4(%arg0: i32) -> (i32, i32) {
    %c0_i32 = arith.constant 0 : i32
    %c0_i32_0 = arith.constant 0 : i32
    return %arg0, %c0_i32 : i32, i32
  }
  func.func @transform_5(%arg0: i32) -> (i32, i32) {
    %c0_i32 = arith.constant 0 : i32
    %c0_i32_0 = arith.constant 0 : i32
    %c0_i32_1 = arith.constant 0 : i32
    return %c0_i32, %c0_i32_0 : i32, i32
  }
  func.func @transform_6(%arg0: i32) -> (i32, i32, i32) {
    %c0_i32 = arith.constant 0 : i32
    %c0_i32_0 = arith.constant 0 : i32
    %c0_i32_1 = arith.constant 0 : i32
    return %arg0, %c0_i32, %c0_i32_0 : i32, i32, i32
  }
  func.func @transform_7(%arg0: i32) -> (i32, i32) {
    %c0_i32 = arith.constant 0 : i32
    %c0_i32_0 = arith.constant 0 : i32
    %c0_i32_1 = arith.constant 0 : i32
    return %c0_i32, %c0_i32_0 : i32, i32
  }
  func.func @transform_8(%arg0: i32) -> (i32, i32) {
    %c0_i32 = arith.constant 0 : i32
    %c0_i32_0 = arith.constant 0 : i32
    %c0_i32_1 = arith.constant 0 : i32
    return %c0_i32, %c0_i32_0 : i32, i32
  }
  func.func @transform_9(%arg0: i32) -> (i32, i32) {
    %c0_i32 = arith.constant 0 : i32
    %c0_i32_0 = arith.constant 0 : i32
    %c0_i32_1 = arith.constant 0 : i32
    return %c0_i32, %c0_i32_0 : i32, i32
  }
  func.func @transform_10(%arg0: i32) -> (i32, i32) {
    %c0_i32 = arith.constant 0 : i32
    %c0_i32_0 = arith.constant 0 : i32
    %c0_i32_1 = arith.constant 0 : i32
    return %c0_i32, %c0_i32_0 : i32, i32
  }
  func.func @transform_11(%arg0: i32) -> (i32, i32) {
    %c0_i32 = arith.constant 0 : i32
    %c0_i32_0 = arith.constant 0 : i32
    %c0_i32_1 = arith.constant 0 : i32
    return %c0_i32, %c0_i32_0 : i32, i32
  }
}

</mosaic_0001>

<sc_bundles>
// kernel: kernel.10.cloned.1.call-start
scs
__scs_entry_jumppad:
0x0: {  	(pc) =	sbr.rel $0x88, $3  }
0x1: {  	(tag) =	ssettag $0x0;
	lr =	simm.s32 $0x1  }
0x2: {  	[smem:$0x3F94] =	sst lr;
	_ =	strace $0xD0000000  }
0x3: {  	_ = 	snop  }
0x4: {  	_ = 	snop  }
0x5: {  	_ = 	snop  }
0x6: {  	_ = 	snop  }
0x7: {  	_ = 	snop  }
__scs_overlays_trampoline_lowered:
0x8: {  	[smem:$0x3FA3] =	sst s0  }
0x9: {  	[smem:$0x3FA4] =	sst s1  }
0xa: {  	[smem:$0x3FA5] =	sst s2  }
0xb: {  	[smem:$0x3FA6] =	sst s3  }
0xc: {  	[smem:$0x3FA7] =	sst s4  }
0xd: {  	[smem:$0x3FA8] =	sst s5  }
0xe: {  	[smem:$0x3FA9] =	sst s6  }
0xf: {  	[smem:$0x3FAA] =	sst s7  }
0x10: {  	[smem:$0x3FAB] =	sst s8  }
0x11: {  	[smem:$0x3FAC] =	sst s9;
	s0 =	simm.s32 @!p0 $0x0  }
0x12: {  	s1 =	sld [smem:$0x3F92];
	s0 =	simm.s32 @p0 $0x1  }
0x13: {  	[smem:$0x3FAD] =	sst s0;
	s0 =	simm.s32 @!p1 $0x0  }
0x14: {  	s2 =	sld [smem:$0x3F91];
	s0 =	simm.s32 @p1 $0x1  }
0x15: {  	[smem:$0x3FAE] =	sst s0;
	s0 =	simm.s32 @!p2 $0x0  }
0x16: {  	s3 =	sld [smem:$0x3FDB];
	s0 =	simm.s32 @p2 $0x1  }
0x17: {  	s4 =	simm.s32 $0x1BF5;
	[smem:$0x3FB0] =	sst s0  }
0x18: {  	s0 =	sld [smem:$0x3F93];
	_ =	swait.ge [sflag:s4], $0x0  }
0x19: {  	s7 =	sld [smem:$0x3F94]  }
0x1a: {  	s8 =	sadd.s32 $0xFFFFE003, lr  }
0x1b: {  	s9 =	sadd.s32 $0xFFFFFEF7, lr;
	s5 =	simm.s32 $0xFFFFFFFF;
	p2 =	slt.u32 s8, $0xFFFFF086  }
0x1c: {  	p1 =	slt.u32 s9, $0xF7A;
	s5 =	simm.s32 @!p2 $0x0  }
0x1d: {  	s5 =	simm.s32 @p1 $0x1;
	p0 =	seq.s32 s7, s2  }
0x1e: {  	s7 =	smul.u32 @!p0 $0xF7A, s2;
	p2 =	seq.s32 @!p0 s5, $0x0  }
0x1f: {  	s9 =	smul.u32 $0xF7A, s1;
	s8 =	simm.s32 @!p0 $0x1BF5;
	p2 =	por !p2, p0  }
0x20: {  	[sflag:s8] =	ssyncset.s32 @!p0 $0xFFFFF086;
	s6 =	sadd.s32 @!p0 s3, s7;
	s7 =	simm.s32 @!p0 $0x108  }
0x21: {  	s3 =	sadd.s32 s3, s9;
	s6 =	sadd.s32 @!p0 $0x88, s6;
	s7 =	simm.s32 @p2 $0x1082  }
0x22: {  	[simem:s7], [sflag:s8] =	dma.local @!p0 [hbm:s6], $0xF7A  }
0x23: {  	s9 =	sor.u32 $0xD0000000, s2;
	s6 =	simm.s32 $0x108;
	_ =	swait.ge @!p0 [sflag:s8], $0x0  }
0x24: {  	s3 =	sadd.s32 $0x88, s3;
	s6 =	simm.s32 @!p1 $0x1082;
	[sflag:s4] =	ssyncset.s32 $0xFFFFF086  }
0x25: {  	[simem:s6], [sflag:s4] =	dma.local [hbm:s3], $0xF7A  }
0x26: {  	[smem:$0x3F94] =	sst s1;
	(tag) =	ssettag s2;
	_ =	strace s9  }
0x27: {  	s1 =	sld [smem:$0x3FA4]  }
0x28: {  	s2 =	sld [smem:$0x3FA5]  }
0x29: {  	s4 =	sld [smem:$0x3FA7]  }
0x2a: {  	p0 =	seq.s32 s5, $0x0;
	s5 =	sld [smem:$0x3FA8]  }
0x2b: {  	s6 =	sld [smem:$0x3FA9]  }
0x2c: {  	s7 =	sld [smem:$0x3FAA]  }
0x2d: {  	s3 =	simm.s32 $0x108;
	s8 =	sld [smem:$0x3FAB]  }
0x2e: {  	s3 =	simm.s32 @!p0 $0x1082;
	s9 =	sld [smem:$0x3FAC]  }
0x2f: {  	lr =	sadd.s32 s0, s3;
	s0 =	sld [smem:$0x3FA3]  }
0x30: {  	s3 =	sld [smem:$0x3FA6]  }
0x31: {  	[smem:$0x3FAF] =	sst s10  }
0x32: {  	s10 =	sld [smem:$0x3FAD];
	_ =	sdelay $0x3  }
0x33: {  	p0 =	seq.s32 s10, $0x1;
	s10 =	sld [smem:$0x3FAF];
	_ =	sdelay $0x3  }
0x34: {  	[smem:$0x3FAF] =	sst s10  }
0x35: {  	s10 =	sld [smem:$0x3FAE];
	_ =	sdelay $0x3  }
0x36: {  	p1 =	seq.s32 s10, $0x1;
	s10 =	sld [smem:$0x3FAF];
	_ =	sdelay $0x3  }
0x37: {  	[smem:$0x3FAF] =	sst s10  }
0x38: {  	s10 =	sld [smem:$0x3FB0]  }
0x39: {  	_ = 	snop;
	(pc) =	sbr.ind lr, $3  }
0x3a: {  	_ = 	snop  }
0x3b: {  	_ = 	snop  }
0x3c: {  	p2 =	seq.s32 s10, $0x1;
	s10 =	sld [smem:$0x3FAF]  }
0x3d: {  	_ =	shalt  }
0x3e: {  	_ =	shalt  }
0x3f: {  	_ =	shalt  }
0x40: {  	_ =	shalt  }
0x41: {  	_ =	shalt  }
0x42: {  	_ =	shalt  }
0x43: {  	_ =	shalt  }
0x44: {  	_ =	shalt  }
0x45: {  	_ =	shalt  }
0x46: {  	_ =	shalt  }
0x47: {  	_ =	shalt  }
0x48: {  	_ =	shalt  }
0x49: {  	_ =	shalt  }
0x4a: {  	_ =	shalt  }
0x4b: {  	_ =	shalt  }
0x4c: {  	_ =	shalt  }
0x4d: {  	_ =	shalt  }
0x4e: {  	_ =	shalt  }
0x4f: {  	_ =	shalt  }
0x50: {  	_ =	shalt  }
0x51: {  	_ =	shalt  }
0x52: {  	_ =	shalt  }
0x53: {  	_ =	shalt  }
0x54: {  	_ =	shalt  }
0x55: {  	_ =	shalt  }
0x56: {  	_ =	shalt  }
0x57: {  	_ =	shalt  }
0x58: {  	_ =	shalt  }
0x59: {  	_ =	shalt  }
0x5a: {  	_ =	shalt  }
0x5b: {  	_ =	shalt  }
0x5c: {  	_ =	shalt  }
0x5d: {  	_ =	shalt  }
0x5e: {  	_ =	shalt  }
0x5f: {  	_ =	shalt  }
0x60: {  	_ =	shalt  }
0x61: {  	_ =	shalt  }
0x62: {  	_ =	shalt  }
0x63: {  	_ =	shalt  }
0x64: {  	_ =	shalt  }
0x65: {  	_ =	shalt  }
0x66: {  	_ =	shalt  }
0x67: {  	_ =	shalt  }
0x68: {  	_ =	shalt  }
0x69: {  	_ =	shalt  }
0x6a: {  	_ =	shalt  }
0x6b: {  	_ =	shalt  }
0x6c: {  	_ =	shalt  }
0x6d: {  	_ =	shalt  }
0x6e: {  	_ =	shalt  }
0x6f: {  	_ =	shalt  }
0x70: {  	_ =	shalt  }
0x71: {  	_ =	shalt  }
0x72: {  	_ =	shalt  }
0x73: {  	_ =	shalt  }
0x74: {  	_ =	shalt  }
0x75: {  	_ =	shalt  }
0x76: {  	_ =	shalt  }
0x77: {  	_ =	shalt  }
0x78: {  	_ =	shalt  }
0x79: {  	_ =	shalt  }
0x7a: {  	_ =	shalt  }
0x7b: {  	_ =	shalt  }
0x7c: {  	_ =	shalt  }
0x7d: {  	_ =	shalt  }
0x7e: {  	_ =	shalt  }
0x7f: {  	_ =	shalt  }
0x80: {  	_ =	shalt  }
0x81: {  	_ =	shalt  }
0x82: {  	_ =	shalt  }
0x83: {  	_ =	shalt  }
0x84: {  	_ =	shalt  }
0x85: {  	_ =	shalt  }
0x86: {  	_ =	shalt  }
0x87: {  	_ =	shalt  }
.Lfunc_end0:
.L_simem_size_0:
called_computation_lowered:
.L_overlay_start_0:
0x88: {  	s2 =	sld [smem:$0x3FD9]  }
0x89: {  	s3 =	sld [smem:$0x3FFE];
	_ =	sdelay $0x1  }
0x8a: {  	s1 =	srdreg.scid  }
0x8b: {  	s0 =	sand.u32 $0x1, s1  }
0x8c: {  	s16 =	sshll.u32 s0, $0xA;
	s2 =	sadd.s32 s3, s2  }
0x8d: {  	s2 =	sadd.s32 s2, s16  }
0x8e: {  	[smem:$0x3FBB] =	sst s2  }
0x8f: {  	_ = 	snop  }
0x90: {  	(tm) =	ssettm $0x1  }
0x91: {  	s17 =	sld [smem:$0x3FFB];
	_ =	sdelay $0x3  }
0x92: {  	_ =	strace s17  }
0x93: {  	s2 =	sld [smem:$0x3FFC];
	_ =	sdelay $0x3  }
0x94: {  	_ =	strace s2  }
0x95: {  	s2 =	sld [smem:$0x3FFD];
	_ =	sdelay $0x3  }
0x96: {  	_ =	strace s2  }
0x97: {  	_ =	strace $0x8FFFFFFF  }
0x98: {  	s18 =	sld [smem:$0x3FDB];
	_ =	sdelay $0x1  }
0x99: {  	s19 =	simm.s32 $_scs_section_size  }
0x9a: {  	s4 =	simm.s32 $_size__tile_overlayer_lowered;
	s5 =	simm.s32 $_tile_overlayer_lowered  }
0x9b: {  	s22 =	simm.s32 $0x1BFF;
	s21 =	sshll.u32 s5, $0x1;
	s2 =	sadd.s32 s19, s18  }
0x9c: {  	s6 =	simm.s32 $0x0;
	s20 =	sshll.u32 s4, $0x1;
	s4 =	sadd.s32 s21, s2  }
0x9d: {  	[timem:s6], [sflag:s22] =	dma.local [hbm:s4], s20  }
0x9e: {  	_ =	swait.ge [sflag:s22], s20  }
0x9f: {  	s3 =	ssub.s32 $0x0, s20;
	[sflag:s22] =	ssyncset.done $0x0  }
0xa0: {  	[sflag:s22] =	ssyncadd.s32 s3;
	_ =	sdelay $0x1  }
0xa1: {  	s23 =	simm.s32 $0x1B8B  }
0xa2: {  	_ =	swait.ge [sflag:s23], $0x1  }
0xa3: {  	[sflag:s23] =	ssyncset.done $0x0  }
0xa4: {  	s25 =	simm.s32 $0x1B8E;
	s24 =	sld [smem:$0x3FFE];
	[sflag:s23] =	ssyncadd.s32 $0xFFFFFFFF  }
0xa5: {  	s26 =	simm.s32 $execute0_lowered;
	[smem:$0x3FD2] =	sst s25  }
0xa6: {  	s4 =	sshll.u32 s26, $0x1;
	_ =	strace $0x80000046;
	[dreg:$0x1] =	wrdreg $0xFFFFFFFF  }
0xa7: {  	s28 =	simm.s32 $_size_execute0_lowered;
	s2 =	sadd.s32 s2, s4;
	[dreg:$0x0] =	wrdreg $0x0  }
0xa8: {  	s4 =	sshll.u32 s28, $0x1;
	[dreg:$0x2] =	wrdreg s2  }
0xa9: {  	[dreg:$0x3] =	wrdreg s4  }
0xaa: {  	[dreg:$0x4] =	wrdreg $0xC0  }
0xab: {  	_ =	task [dreg:s6], $0x5FFFF  }
0xac: {  	[dreg:$0x1] =	wrdreg $0xFFFFFFFF  }
0xad: {  	[dreg:$0x0] =	wrdreg $0x60  }
0xae: {  	[dreg:$0x2] =	wrdreg s24  }
0xaf: {  	[dreg:$0x3] =	wrdreg $0x68000  }
0xb0: {  	[dreg:$0x4] =	wrdreg $0x9  }
0xb1: {  	_ =	task.clear_ibuf [dreg:s6], $0x5FFFF;
	_ =	strace $0x90000046  }
0xb2: {  	s29 =	simm.s32 $0x9;
	_ =	strace $0x80000048  }
0xb3: {  	_ =	swait.ge [sflag:s29], $0x1  }
0xb4: {  	[sflag:s29] =	ssyncadd.s32 $0xFFFFFFFF  }
0xb5: {  	_ =	strace $0x90000048  }
0xb6: {  	_ =	sfence  }
0xb7: {  	s30 =	sld [smem:$0x0];
	_ =	sdelay $0x2  }
0xb8: {  	s31 =	sshll.u32 s1, $0xD;
	s1 =	sshrl.u32 s1, $0x2  }
0xb9: {  	s3 =	sand.u32 $0x4000, s31;
	s1 =	sadd.s32 s1, s30  }
0xba: {  	s0 =	sor.u32 s3, s0;
	s1 =	sshll.u32 s1, $0x11  }
0xbb: {  	s0 =	sor.u32 s1, s0  }
0xbc: {  	s0 =	sadd.s32 $0x8F2B, s0  }
0xbd: {  	[sflag:s0] =	ssyncadd.remote.s32 $0x1  }
0xbe: {  	_ =	sfence.sel $0xFFFF  }
0xbf: {  	[dreg:$0x0] =	wrdreg $0xFFFFFFFF;
	(pc) =	sbr.abs _section_cstart, $3  }
0xc0: {  	[dreg:$0x1] =	wrdreg $0xFFFFFFFF  }
0xc1: {  	_ =	task.clear_ibuf [dreg:s6], $0x2FFFF;
	_ =	strace $0x9FFFFFFF  }
0xc2: {  	(tm) =	ssettm $0x7FFFFFFF  }
0xc3: {  	_ =	shalt  }
tec
execute0_lowered:
.L_overlay_start_1:
0x0: {  	(tag) =	ssettag $0x1  }
0x1: {  	s1 =	srdreg.scid;
	s5 =	rddreg [dreg:$0x0]  }
0x2: {  	s0 =	stileid.u32;
	s2 =	rddreg [dreg:$0x1];
	s3 =	simm.s32 $0x0  }
0x3: {  	s14 =	simm.s32 $0x0;
	s6 =	sand.u32 $0x1, s1;
	s1 =	rddreg [dreg:$0x2]  }
0x4: {  	s28 =	sshll.u32 s0, $0x1;
	[smem:$0x7FF] =	sst s3;
	s7 =	smul.u32 $0x13C00, s0  }
0x5: {  	s29 =	smul.u32 $0x4F000, s0;
	s31 =	sshll.u32 s0, $0x6;
	s4 =	sor.u32 s6, s28  }
0x6: {  	_ =	strace $0x80000047;
	s8 =	smul.u32 $0x13C000, s6;
	s6 =	ssub.s32 $0x2, s6  }
0x7: {  	s4 =	smul.u32 $0x500, s4;
	s10 =	sshrl.u32 s7, $0x3;
	s11 =	sshrl.u32 s6, $0x1  }
0x8: {  	s30 =	sshrl.u32 s29, $0x2;
	s7 =	sadd.s32 s7, s8;
	s10 =	sadd.s32 s10, s5  }
0x9: {  	s11 =	ssub.s32 s6, s11;
	s13 =	sadd.s32 s30, s2;
	s6 =	sor.u32 $0x1C01, s31  }
0xa: {  	s9 =	sadd.s32 s4, s5;
	s4 =	sadd.s32 $0x3FE00, s5;
	s7 =	sshrl.u32 s7, $0x3  }
0xb: {  	s12 =	sadd.s32 s7, s5;
	s5 =	sadd.s32 $0x18600, s10;
	s7 =	sadd.s32 $0xE600, s9  }
0xc: {  	s9 =	smax.u32 s11, $0x1;
	s10 =	sshrl.u32 s13, $0x3;
	s11 =	simm.s32 $0x1  }
0xd: {  	s13 =	simm.s32 $0x80;
	s8 =	sadd.s32 $0x40600, s12;
	s12 =	simm.s32 $0x2800  }
.LBB2_1:
0xe: {  	[spmem:s10], [sflag:s6] =	dma.local [hbm:s5], $0x2780  }
0xf: {  	_ =	swait.ge [sflag:s11], $0x2780  }
0x10: {  	[sflag:s11] =	ssyncset.done $0x0  }
0x11: {  	[sflag:s11] =	ssyncadd.s32 $0xFFFFD880  }
0x12: {  	[tilespmem:s12], [sflag:$0x1] =	stream.linear.gather [hbm4b:s4+s3], $0x4000, $0x38;
	[tilespmem:$0x1A400] =	vst v63  }
0x13: {  	_ =	swait.ge [sflag:s11], $0x4000  }
0x14: {  	[sflag:s11] =	ssyncset.done $0x0  }
0x15: {  	[sflag:s11] =	ssyncadd.s32 $0xFFFFC000  }
0x16: {  	[tilespmem:s3], [sflag:$0x1] =	stream.linear.gather [hbm4b:s7+s3], $0x2800, $0x38;
	[tilespmem:$0x1A400] =	vst v63  }
0x17: {  	_ =	swait.ge [sflag:s11], $0x2800  }
0x18: {  	[sflag:s11] =	ssyncset.done $0x0  }
0x19: {  	[sflag:s11] =	ssyncadd.s32 $0xFFFFD800  }
0x1a: {  	s15 =	simm.s32 $0x0;
	[bflag:$0x0] =	sbarrier.arrive $0xFFFF  }
0x1b: {  	[spmem:s2] =	stream.indirect.scatter.add.f32 [tilespmem:s12], [sflag:$0x1], $0x80, s15, s13, $0xb8;
	[tilespmem:$0x1A400] =	vst v63  }
0x1c: {  	_ =	swait.ge [sflag:s11], $0x4000  }
0x1d: {  	s15 =	simm.s32 $0x200;
	[sflag:s11] =	ssyncset.done $0x0  }
.LBB2_2:
0x1e: {  	s16 =	sshra.s32 s15, $0x2;
	[sflag:s11] =	ssyncadd.s32 $0xFFFFC000;
	p0 =	sne.s32 s15, $0x9E00  }
0x1f: {  	[spmem:s2] =	stream.indirect.scatter.add.f32 [tilespmem:s12], [sflag:$0x1], $0x80, s16, s13, $0xb8;
	[tilespmem:$0x1A400] =	vst v63  }
.Ltmp0:
0x20: {  	_ = 	snop;
	(pc) =	sbr.rel @p0 .LBB2_2-.Ltmp0, $4  }
0x21: {  	_ = 	snop  }
0x22: {  	s15 =	sadd.s32 $0x200, s15  }
0x23: {  	_ =	swait.ge [sflag:s11], $0x4000  }
0x24: {  	[sflag:s11] =	ssyncset.done $0x0  }
0x25: {  	s14 =	sadd.s32 $0x1, s14  }
0x26: {  	[sflag:s11] =	ssyncadd.s32 $0xFFFFC000;
	p0 =	sne.s32 s14, s9  }
.Ltmp1:
0x27: {  	[bflag:$0x0] =	sbarrier.arrive $0xFFFF;
	(pc) =	sbr.rel @p0 .LBB2_1-.Ltmp1, $4  }
0x28: {  	[hbm:s8], [sflag:s6] =	dma.local [spmem:s10], $0x2780  }
0x29: {  	_ =	swait.ge [sflag:s11], $0x2780  }
0x2a: {  	[sflag:s11] =	ssyncset.done $0x0  }
0x2b: {  	[sflag:s11] =	ssyncadd.s32 $0xFFFFD880  }
0x2c: {  	_ =	sfence.sel $0x180000  }
0x2d: {  	[bflag:$0x0] =	sbarrier.arrive $0xFFFF  }
0x2e: {  	p0 =	sne.s32 s0, $0x0;
	_ =	strace $0x90000047  }
0x2f: {  	s0 =	sadd.s32 @!p0 $0x100000, s1;
	[bflag:$0x2] =	sbarrier.arrive $0xFFFF  }
0x30: {  	[sflag:s0] =	ssyncadd.tile.s32 @!p0 $0x1;
	_ =	shalt  }
.Lfunc_end2:
_tile_overlayer_lowered:
.L_overlay_start_2:
0x31: {  	(tag) =	ssettag $0x2  }
0x32: {  	s0 =	rddreg [dreg:$0x0];
	s2 =	stileid.u32  }
0x33: {  	s1 =	rddreg [dreg:$0x1];
	p0 =	sne.s32 s2, $0x0  }
0x34: {  	s3 =	rddreg [dreg:$0x2];
	[bflag:$0x3] =	sbarrier.arrive $0xFFFF;
	s2 =	simm.s32 @!p0 $0x1C01  }
0x35: {  	[timem:s3], [sflag:s2] =	dma.local @!p0 [hbm:s0], s1  }
0x36: {  	s0 =	simm.s32 @!p0 $0x1  }
0x37: {  	_ =	swait.ge @!p0 [sflag:s0], s1  }
0x38: {  	s1 =	ssub.s32 @!p0 $0x0, s1;
	[sflag:s0] =	ssyncset.done @!p0 $0x0  }
0x39: {  	[sflag:s0] =	ssyncadd.s32 @!p0 s1  }
0x3a: {  	[bflag:$0x3] =	sbarrier.arrive $0xFFFF  }
0x3b: {  	_ =	shalt  }

// kernel: kernel.13.cloned.1.call-start
scs
__scs_entry_jumppad:
0x0: {  	(pc) =	sbr.rel $0x88, $3  }
0x1: {  	(tag) =	ssettag $0x0;
	lr =	simm.s32 $0x1  }
0x2: {  	[smem:$0x3F94] =	sst lr;
	_ =	strace $0xD0000000  }
0x3: {  	_ = 	snop  }
0x4: {  	_ = 	snop  }
0x5: {  	_ = 	snop  }
0x6: {  	_ = 	snop  }
0x7: {  	_ = 	snop  }
__scs_overlays_trampoline_lowered:
0x8: {  	[smem:$0x3FA3] =	sst s0  }
0x9: {  	[smem:$0x3FA4] =	sst s1  }
0xa: {  	[smem:$0x3FA5] =	sst s2  }
0xb: {  	[smem:$0x3FA6] =	sst s3  }
0xc: {  	[smem:$0x3FA7] =	sst s4  }
0xd: {  	[smem:$0x3FA8] =	sst s5  }
0xe: {  	[smem:$0x3FA9] =	sst s6  }
0xf: {  	[smem:$0x3FAA] =	sst s7  }
0x10: {  	[smem:$0x3FAB] =	sst s8  }
0x11: {  	[smem:$0x3FAC] =	sst s9;
	s0 =	simm.s32 @!p0 $0x0  }
0x12: {  	s1 =	sld [smem:$0x3F92];
	s0 =	simm.s32 @p0 $0x1  }
0x13: {  	[smem:$0x3FAD] =	sst s0;
	s0 =	simm.s32 @!p1 $0x0  }
0x14: {  	s2 =	sld [smem:$0x3F91];
	s0 =	simm.s32 @p1 $0x1  }
0x15: {  	[smem:$0x3FAE] =	sst s0;
	s0 =	simm.s32 @!p2 $0x0  }
0x16: {  	s3 =	sld [smem:$0x3FDB];
	s0 =	simm.s32 @p2 $0x1  }
0x17: {  	s4 =	simm.s32 $0x1BF5;
	[smem:$0x3FB0] =	sst s0  }
0x18: {  	s0 =	sld [smem:$0x3F93];
	_ =	swait.ge [sflag:s4], $0x0  }
0x19: {  	s7 =	sld [smem:$0x3F94]  }
0x1a: {  	s8 =	sadd.s32 $0xFFFFE003, lr  }
0x1b: {  	s9 =	sadd.s32 $0xFFFFFEF7, lr;
	s5 =	simm.s32 $0xFFFFFFFF;
	p2 =	slt.u32 s8, $0xFFFFF086  }
0x1c: {  	p1 =	slt.u32 s9, $0xF7A;
	s5 =	simm.s32 @!p2 $0x0  }
0x1d: {  	s5 =	simm.s32 @p1 $0x1;
	p0 =	seq.s32 s7, s2  }
0x1e: {  	s7 =	smul.u32 @!p0 $0xF7A, s2;
	p2 =	seq.s32 @!p0 s5, $0x0  }
0x1f: {  	s9 =	smul.u32 $0xF7A, s1;
	s8 =	simm.s32 @!p0 $0x1BF5;
	p2 =	por !p2, p0  }
0x20: {  	[sflag:s8] =	ssyncset.s32 @!p0 $0xFFFFF086;
	s6 =	sadd.s32 @!p0 s3, s7;
	s7 =	simm.s32 @!p0 $0x108  }
0x21: {  	s3 =	sadd.s32 s3, s9;
	s6 =	sadd.s32 @!p0 $0x88, s6;
	s7 =	simm.s32 @p2 $0x1082  }
0x22: {  	[simem:s7], [sflag:s8] =	dma.local @!p0 [hbm:s6], $0xF7A  }
0x23: {  	s9 =	sor.u32 $0xD0000000, s2;
	s6 =	simm.s32 $0x108;
	_ =	swait.ge @!p0 [sflag:s8], $0x0  }
0x24: {  	s3 =	sadd.s32 $0x88, s3;
	s6 =	simm.s32 @!p1 $0x1082;
	[sflag:s4] =	ssyncset.s32 $0xFFFFF086  }
0x25: {  	[simem:s6], [sflag:s4] =	dma.local [hbm:s3], $0xF7A  }
0x26: {  	[smem:$0x3F94] =	sst s1;
	(tag) =	ssettag s2;
	_ =	strace s9  }
0x27: {  	s1 =	sld [smem:$0x3FA4]  }
0x28: {  	s2 =	sld [smem:$0x3FA5]  }
0x29: {  	s4 =	sld [smem:$0x3FA7]  }
0x2a: {  	p0 =	seq.s32 s5, $0x0;
	s5 =	sld [smem:$0x3FA8]  }
0x2b: {  	s6 =	sld [smem:$0x3FA9]  }
0x2c: {  	s7 =	sld [smem:$0x3FAA]  }
0x2d: {  	s3 =	simm.s32 $0x108;
	s8 =	sld [smem:$0x3FAB]  }
0x2e: {  	s3 =	simm.s32 @!p0 $0x1082;
	s9 =	sld [smem:$0x3FAC]  }
0x2f: {  	lr =	sadd.s32 s0, s3;
	s0 =	sld [smem:$0x3FA3]  }
0x30: {  	s3 =	sld [smem:$0x3FA6]  }
0x31: {  	[smem:$0x3FAF] =	sst s10  }
0x32: {  	s10 =	sld [smem:$0x3FAD];
	_ =	sdelay $0x3  }
0x33: {  	p0 =	seq.s32 s10, $0x1;
	s10 =	sld [smem:$0x3FAF];
	_ =	sdelay $0x3  }
0x34: {  	[smem:$0x3FAF] =	sst s10  }
0x35: {  	s10 =	sld [smem:$0x3FAE];
	_ =	sdelay $0x3  }
0x36: {  	p1 =	seq.s32 s10, $0x1;
	s10 =	sld [smem:$0x3FAF];
	_ =	sdelay $0x3  }
0x37: {  	[smem:$0x3FAF] =	sst s10  }
0x38: {  	s10 =	sld [smem:$0x3FB0]  }
0x39: {  	_ = 	snop;
	(pc) =	sbr.ind lr, $3  }
0x3a: {  	_ = 	snop  }
0x3b: {  	_ = 	snop  }
0x3c: {  	p2 =	seq.s32 s10, $0x1;
	s10 =	sld [smem:$0x3FAF]  }
0x3d: {  	_ =	shalt  }
0x3e: {  	_ =	shalt  }
0x3f: {  	_ =	shalt  }
0x40: {  	_ =	shalt  }
0x41: {  	_ =	shalt  }
0x42: {  	_ =	shalt  }
0x43: {  	_ =	shalt  }
0x44: {  	_ =	shalt  }
0x45: {  	_ =	shalt  }
0x46: {  	_ =	shalt  }
0x47: {  	_ =	shalt  }
0x48: {  	_ =	shalt  }
0x49: {  	_ =	shalt  }
0x4a: {  	_ =	shalt  }
0x4b: {  	_ =	shalt  }
0x4c: {  	_ =	shalt  }
0x4d: {  	_ =	shalt  }
0x4e: {  	_ =	shalt  }
0x4f: {  	_ =	shalt  }
0x50: {  	_ =	shalt  }
0x51: {  	_ =	shalt  }
0x52: {  	_ =	shalt  }
0x53: {  	_ =	shalt  }
0x54: {  	_ =	shalt  }
0x55: {  	_ =	shalt  }
0x56: {  	_ =	shalt  }
0x57: {  	_ =	shalt  }
0x58: {  	_ =	shalt  }
0x59: {  	_ =	shalt  }
0x5a: {  	_ =	shalt  }
0x5b: {  	_ =	shalt  }
0x5c: {  	_ =	shalt  }
0x5d: {  	_ =	shalt  }
0x5e: {  	_ =	shalt  }
0x5f: {  	_ =	shalt  }
0x60: {  	_ =	shalt  }
0x61: {  	_ =	shalt  }
0x62: {  	_ =	shalt  }
0x63: {  	_ =	shalt  }
0x64: {  	_ =	shalt  }
0x65: {  	_ =	shalt  }
0x66: {  	_ =	shalt  }
0x67: {  	_ =	shalt  }
0x68: {  	_ =	shalt  }
0x69: {  	_ =	shalt  }
0x6a: {  	_ =	shalt  }
0x6b: {  	_ =	shalt  }
0x6c: {  	_ =	shalt  }
0x6d: {  	_ =	shalt  }
0x6e: {  	_ =	shalt  }
0x6f: {  	_ =	shalt  }
0x70: {  	_ =	shalt  }
0x71: {  	_ =	shalt  }
0x72: {  	_ =	shalt  }
0x73: {  	_ =	shalt  }
0x74: {  	_ =	shalt  }
0x75: {  	_ =	shalt  }
0x76: {  	_ =	shalt  }
0x77: {  	_ =	shalt  }
0x78: {  	_ =	shalt  }
0x79: {  	_ =	shalt  }
0x7a: {  	_ =	shalt  }
0x7b: {  	_ =	shalt  }
0x7c: {  	_ =	shalt  }
0x7d: {  	_ =	shalt  }
0x7e: {  	_ =	shalt  }
0x7f: {  	_ =	shalt  }
0x80: {  	_ =	shalt  }
0x81: {  	_ =	shalt  }
0x82: {  	_ =	shalt  }
0x83: {  	_ =	shalt  }
0x84: {  	_ =	shalt  }
0x85: {  	_ =	shalt  }
0x86: {  	_ =	shalt  }
0x87: {  	_ =	shalt  }
.Lfunc_end0:
.L_simem_size_0:
called_computation.1_lowered:
.L_overlay_start_0:
0x88: {  	s2 =	sld [smem:$0x3FD9]  }
0x89: {  	s3 =	sld [smem:$0x3FFE];
	_ =	sdelay $0x1  }
0x8a: {  	s1 =	srdreg.scid  }
0x8b: {  	s0 =	sand.u32 $0x1, s1  }
0x8c: {  	s16 =	sshll.u32 s0, $0xA;
	s2 =	sadd.s32 s3, s2  }
0x8d: {  	s2 =	sadd.s32 s2, s16  }
0x8e: {  	[smem:$0x3FBB] =	sst s2  }
0x8f: {  	_ = 	snop  }
0x90: {  	(tm) =	ssettm $0x1  }
0x91: {  	s17 =	sld [smem:$0x3FFB];
	_ =	sdelay $0x3  }
0x92: {  	_ =	strace s17  }
0x93: {  	s2 =	sld [smem:$0x3FFC];
	_ =	sdelay $0x3  }
0x94: {  	_ =	strace s2  }
0x95: {  	s2 =	sld [smem:$0x3FFD];
	_ =	sdelay $0x3  }
0x96: {  	_ =	strace s2  }
0x97: {  	_ =	strace $0x8FFFFFFF  }
0x98: {  	s18 =	sld [smem:$0x3FDB];
	_ =	sdelay $0x1  }
0x99: {  	s19 =	simm.s32 $_scs_section_size  }
0x9a: {  	s4 =	simm.s32 $_size__tile_overlayer_lowered;
	s5 =	simm.s32 $_tile_overlayer_lowered  }
0x9b: {  	s22 =	simm.s32 $0x1BFF;
	s21 =	sshll.u32 s5, $0x1;
	s2 =	sadd.s32 s19, s18  }
0x9c: {  	s6 =	simm.s32 $0x0;
	s20 =	sshll.u32 s4, $0x1;
	s4 =	sadd.s32 s21, s2  }
0x9d: {  	[timem:s6], [sflag:s22] =	dma.local [hbm:s4], s20  }
0x9e: {  	_ =	swait.ge [sflag:s22], s20  }
0x9f: {  	s3 =	ssub.s32 $0x0, s20;
	[sflag:s22] =	ssyncset.done $0x0  }
0xa0: {  	[sflag:s22] =	ssyncadd.s32 s3;
	_ =	sdelay $0x1  }
0xa1: {  	s23 =	simm.s32 $0x1B8B  }
0xa2: {  	_ =	swait.ge [sflag:s23], $0x1  }
0xa3: {  	[sflag:s23] =	ssyncset.done $0x0  }
0xa4: {  	s25 =	simm.s32 $0x1B8E;
	s24 =	sld [smem:$0x3FFE];
	[sflag:s23] =	ssyncadd.s32 $0xFFFFFFFF  }
0xa5: {  	s26 =	simm.s32 $execute0_lowered;
	[smem:$0x3FD2] =	sst s25  }
0xa6: {  	s4 =	sshll.u32 s26, $0x1;
	_ =	strace $0x80000049;
	[dreg:$0x1] =	wrdreg $0xFFFFFFFF  }
0xa7: {  	s28 =	simm.s32 $_size_execute0_lowered;
	s2 =	sadd.s32 s2, s4;
	[dreg:$0x0] =	wrdreg $0x0  }
0xa8: {  	s4 =	sshll.u32 s28, $0x1;
	[dreg:$0x2] =	wrdreg s2  }
0xa9: {  	[dreg:$0x3] =	wrdreg s4  }
0xaa: {  	[dreg:$0x4] =	wrdreg $0xC0  }
0xab: {  	_ =	task [dreg:s6], $0x5FFFF  }
0xac: {  	[dreg:$0x1] =	wrdreg $0xFFFFFFFF  }
0xad: {  	[dreg:$0x0] =	wrdreg $0x60  }
0xae: {  	[dreg:$0x2] =	wrdreg s24  }
0xaf: {  	[dreg:$0x3] =	wrdreg $0xC0000  }
0xb0: {  	[dreg:$0x4] =	wrdreg $0x9  }
0xb1: {  	_ =	task.clear_ibuf [dreg:s6], $0x5FFFF;
	_ =	strace $0x90000049  }
0xb2: {  	s29 =	simm.s32 $0x9;
	_ =	strace $0x8000004B  }
0xb3: {  	_ =	swait.ge [sflag:s29], $0x1  }
0xb4: {  	[sflag:s29] =	ssyncadd.s32 $0xFFFFFFFF  }
0xb5: {  	_ =	strace $0x9000004B  }
0xb6: {  	_ =	sfence  }
0xb7: {  	s30 =	sld [smem:$0x0];
	_ =	sdelay $0x2  }
0xb8: {  	s31 =	sshll.u32 s1, $0xD;
	s1 =	sshrl.u32 s1, $0x2  }
0xb9: {  	s3 =	sand.u32 $0x4000, s31;
	s1 =	sadd.s32 s1, s30  }
0xba: {  	s0 =	sor.u32 s3, s0;
	s1 =	sshll.u32 s1, $0x11  }
0xbb: {  	s0 =	sor.u32 s1, s0  }
0xbc: {  	s0 =	sadd.s32 $0x8F2B, s0  }
0xbd: {  	[sflag:s0] =	ssyncadd.remote.s32 $0x1  }
0xbe: {  	_ =	sfence.sel $0xFFFF  }
0xbf: {  	[dreg:$0x0] =	wrdreg $0xFFFFFFFF;
	(pc) =	sbr.abs _section_cstart, $3  }
0xc0: {  	[dreg:$0x1] =	wrdreg $0xFFFFFFFF  }
0xc1: {  	_ =	task.clear_ibuf [dreg:s6], $0x2FFFF;
	_ =	strace $0x9FFFFFFF  }
0xc2: {  	(tm) =	ssettm $0x7FFFFFFF  }
0xc3: {  	_ =	shalt  }
tec
execute0_lowered:
.L_overlay_start_1:
0x0: {  	(tag) =	ssettag $0x1  }
0x1: {  	s0 =	rddreg [dreg:$0x0]  }
0x2: {  	s2 =	rddreg [dreg:$0x1];
	s3 =	simm.s32 $0x0;
	s12 =	stileid.u32  }
0x3: {  	s1 =	srdreg.scid;
	s28 =	simm.s32 $0x100;
	s30 =	simm.s32 $0x4  }
0x4: {  	s14 =	simm.s32 $0x2280;
	s29 =	simm.s32 $0x300;
	s31 =	simm.s32 $0x2300  }
0x5: {  	[smem:$0x7FF] =	sst s3;
	s5 =	smul.u32 $0x13C00, s12;
	s1 =	sand.u32 $0x1, s1  }
0x6: {  	s4 =	sadd.s32 $0x3FE00, s0;
	s7 =	sadd.s32 $0x4600, s0;
	s8 =	sadd.s32 $0xE600, s0  }
0x7: {  	s10 =	smul.u32 $0x4F000, s12;
	s17 =	sshll.u32 s12, $0x6;
	s18 =	sshll.u32 s12, $0xB  }
0x8: {  	s12 =	sshll.u32 s12, $0x9;
	_ =	strace $0x8000004A;
	s6 =	smul.u32 $0x13C000, s1  }
0x9: {  	s15 =	ssub.s32 $0x2, s1;
	p0 =	seq.s32 s1, $0x1;
	s19 =	sadd.s32 s7, s18  }
0xa: {  	s20 =	sor.u32 $0x400, s18;
	s1 =	sadd.s32 s8, s18;
	s22 =	sor.u32 $0x8000, s12  }
0xb: {  	s24 =	sor.u32 $0x8100, s12;
	s18 =	simm.s32 $0x5;
	s12 =	simm.s32 $0x2000  }
0xc: {  	s9 =	sshrl.u32 s5, $0x3;
	s11 =	sshrl.u32 s15, $0x1;
	[dreg:$0x3] =	wrdreg s19  }
0xd: {  	s16 =	sshrl.u32 s10, $0x2;
	[dreg:$0x4] =	wrdreg s1;
	s21 =	sadd.s32 s7, s20  }
0xe: {  	s23 =	sadd.s32 s7, s22;
	s1 =	sadd.s32 s8, s22;
	s25 =	sadd.s32 s7, s24  }
0xf: {  	s26 =	sadd.s32 s8, s24;
	s22 =	simm.s32 $0x1;
	[dreg:$0x5] =	wrdreg s21  }
0x10: {  	s24 =	simm.s32 $0x2;
	s19 =	simm.s32 $0x400;
	[dreg:$0x7] =	wrdreg s23  }
0x11: {  	s5 =	sadd.s32 s5, s6;
	s9 =	sadd.s32 s9, s0;
	[dreg:$0x8] =	wrdreg s1  }
0x12: {  	s11 =	ssub.s32 s15, s11;
	s10 =	sadd.s32 s16, s2;
	[dreg:$0x9] =	wrdreg s25  }
0x13: {  	s6 =	sor.u32 $0x1C05, s17;
	[dreg:$0xa] =	wrdreg s26;
	s21 =	simm.s32 $0x4000  }
0x14: {  	s23 =	simm.s32 $0x8000;
	s26 =	simm.s32 $0x3;
	s1 =	simm.s32 $0x0  }
.Ltmp0:
0x15: {  	s25 =	simm.s32 $0x200;
	s17 =	simm.s32 $0x2000;
	(pc) =	sbr.rel .LBB2_1-.Ltmp0, $4  }
0x16: {  	s16 =	simm.s32 $0x380;
	s15 =	simm.s32 $0x2380;
	s5 =	sshrl.u32 s5, $0x3  }
0x17: {  	s11 =	smax.u32 s11, $0x1;
	s13 =	sshrl.u32 s10, $0x3;
	s10 =	simm.s32 $0x2080  }
0x18: {  	s0 =	sadd.s32 s5, s0;
	s5 =	sadd.s32 $0x18600, s9;
	s9 =	sadd.s32 s8, s20  }
0x19: {  	s20 =	simm.s32 $0x80;
	[dreg:$0x6] =	wrdreg s9;
	s0 =	sadd.s32 $0x67000, s0  }
.LBB2_8:
0x1a: {  	s7 =	rddreg [dreg:$0x7]  }
0x1b: {  	[tilespmem:s3], [sflag:$0x5] =	stream.linear.gather [hbm4b:s7+s3], $0x800, $0x38;
	[tilespmem:$0x1FC00] =	vst v63  }
0x1c: {  	_ =	swait.ge [sflag:s18], $0x800  }
0x1d: {  	[sflag:s18] =	ssyncset.done $0x0  }
0x1e: {  	s9 =	rddreg [dreg:$0x8];
	[sflag:s18] =	ssyncadd.s32 $0xFFFFF800  }
0x1f: {  	[tilespmem:s12], [sflag:$0x5] =	stream.linear.gather [hbm4b:s9+s3], $0x800, $0x38;
	[tilespmem:$0x1FC00] =	vst v63  }
0x20: {  	_ =	swait.ge [sflag:s18], $0x800  }
0x21: {  	[sflag:s18] =	ssyncset.done $0x0  }
0x22: {  	[sflag:s18] =	ssyncadd.s32 $0xFFFFF800  }
0x23: {  	[tilespmem:s21], [sflag:$0x1] =	stream.indirect.gather [hbm4b:s4+s20], $0x80, s3, s20, $0xb8;
	[tilespmem:$0x1FC00] =	vst v63  }
0x24: {  	_ =	swait.ge [sflag:s22], $0x4000  }
0x25: {  	[sflag:s22] =	ssyncset.done $0x0  }
0x26: {  	[sflag:s22] =	ssyncadd.s32 $0xFFFFC000  }
0x27: {  	[spmem:s2] =	stream.indirect.scatter.add.f32 [tilespmem:s21], [sflag:$0x3], $0x80, s12, s20, $0xb8;
	[tilespmem:$0x1FC00] =	vst v63  }
0x28: {  	_ = 	snop  }
0x29: {  	[tilespmem:s23], [sflag:$0x2] =	stream.indirect.gather [hbm4b:s4+s20], $0x80, s20, s20, $0xb8;
	[tilespmem:$0x1FC00] =	vst v63  }
0x2a: {  	_ =	swait.ge [sflag:s24], $0x4000  }
0x2b: {  	[sflag:s24] =	ssyncset.done $0x0  }
0x2c: {  	[sflag:s24] =	ssyncadd.s32 $0xFFFFC000  }
0x2d: {  	[spmem:s2] =	stream.indirect.scatter.add.f32 [tilespmem:s23], [sflag:$0x4], $0x80, s10, s20, $0xb8;
	[tilespmem:$0x1FC00] =	vst v63  }
0x2e: {  	_ =	swait.ge [sflag:s26], $0x4000  }
0x2f: {  	[sflag:s26] =	ssyncset.done $0x0  }
0x30: {  	[sflag:s26] =	ssyncadd.s32 $0xFFFFC000  }
0x31: {  	[tilespmem:s21], [sflag:$0x1] =	stream.indirect.gather [hbm4b:s4+s20], $0x80, s28, s20, $0xb8;
	[tilespmem:$0x1FC00] =	vst v63  }
0x32: {  	_ =	swait.ge [sflag:s22], $0x4000  }
0x33: {  	[sflag:s22] =	ssyncset.done $0x0  }
0x34: {  	s8 =	simm.s32 $0x2100;
	[sflag:s22] =	ssyncadd.s32 $0xFFFFC000  }
0x35: {  	[spmem:s2] =	stream.indirect.scatter.add.f32 [tilespmem:s21], [sflag:$0x3], $0x80, s8, s20, $0xb8;
	[tilespmem:$0x1FC00] =	vst v63  }
0x36: {  	_ =	swait.ge [sflag:s30], $0x4000  }
0x37: {  	[sflag:s30] =	ssyncset.done $0x0  }
0x38: {  	s9 =	simm.s32 $0x180;
	[sflag:s30] =	ssyncadd.s32 $0xFFFFC000  }
0x39: {  	[tilespmem:s23], [sflag:$0x2] =	stream.indirect.gather [hbm4b:s4+s20], $0x80, s9, s20, $0xb8;
	[tilespmem:$0x1FC00] =	vst v63  }
0x3a: {  	_ =	swait.ge [sflag:s24], $0x4000  }
0x3b: {  	[sflag:s24] =	ssyncset.done $0x0  }
0x3c: {  	s10 =	simm.s32 $0x2180;
	[sflag:s24] =	ssyncadd.s32 $0xFFFFC000  }
0x3d: {  	[spmem:s2] =	stream.indirect.scatter.add.f32 [tilespmem:s23], [sflag:$0x4], $0x80, s10, s20, $0xb8;
	[tilespmem:$0x1FC00] =	vst v63  }
0x3e: {  	_ =	swait.ge [sflag:s26], $0x4000  }
0x3f: {  	[sflag:s26] =	ssyncset.done $0x0  }
0x40: {  	[sflag:s26] =	ssyncadd.s32 $0xFFFFC000  }
0x41: {  	[tilespmem:s21], [sflag:$0x1] =	stream.indirect.gather [hbm4b:s4+s20], $0x80, s25, s20, $0xb8;
	[tilespmem:$0x1FC00] =	vst v63  }
0x42: {  	_ =	swait.ge [sflag:s22], $0x4000  }
0x43: {  	[sflag:s22] =	ssyncset.done $0x0  }
0x44: {  	s12 =	simm.s32 $0x2200;
	[sflag:s22] =	ssyncadd.s32 $0xFFFFC000  }
0x45: {  	[spmem:s2] =	stream.indirect.scatter.add.f32 [tilespmem:s21], [sflag:$0x3], $0x80, s12, s20, $0xb8;
	[tilespmem:$0x1FC00] =	vst v63  }
0x46: {  	_ =	swait.ge [sflag:s30], $0x4000  }
0x47: {  	[sflag:s30] =	ssyncset.done $0x0  }
0x48: {  	s7 =	simm.s32 $0x280;
	[sflag:s30] =	ssyncadd.s32 $0xFFFFC000  }
0x49: {  	[tilespmem:s23], [sflag:$0x2] =	stream.indirect.gather [hbm4b:s4+s20], $0x80, s7, s20, $0xb8;
	[tilespmem:$0x1FC00] =	vst v63  }
0x4a: {  	_ =	swait.ge [sflag:s24], $0x4000  }
0x4b: {  	[sflag:s24] =	ssyncset.done $0x0  }
0x4c: {  	[sflag:s24] =	ssyncadd.s32 $0xFFFFC000  }
0x4d: {  	[spmem:s2] =	stream.indirect.scatter.add.f32 [tilespmem:s23], [sflag:$0x4], $0x80, s14, s20, $0xb8;
	[tilespmem:$0x1FC00] =	vst v63  }
0x4e: {  	_ =	swait.ge [sflag:s26], $0x4000  }
0x4f: {  	[sflag:s26] =	ssyncset.done $0x0  }
0x50: {  	[sflag:s26] =	ssyncadd.s32 $0xFFFFC000  }
0x51: {  	[tilespmem:s21], [sflag:$0x1] =	stream.indirect.gather [hbm4b:s4+s20], $0x80, s29, s20, $0xb8;
	[tilespmem:$0x1FC00] =	vst v63  }
0x52: {  	_ =	swait.ge [sflag:s22], $0x4000  }
0x53: {  	[sflag:s22] =	ssyncset.done $0x0  }
0x54: {  	[sflag:s22] =	ssyncadd.s32 $0xFFFFC000  }
0x55: {  	[spmem:s2] =	stream.indirect.scatter.add.f32 [tilespmem:s21], [sflag:$0x3], $0x80, s31, s20, $0xb8;
	[tilespmem:$0x1FC00] =	vst v63  }
0x56: {  	_ =	swait.ge [sflag:s30], $0x4000  }
0x57: {  	[sflag:s30] =	ssyncset.done $0x0  }
0x58: {  	[sflag:s30] =	ssyncadd.s32 $0xFFFFC000  }
0x59: {  	[tilespmem:s23], [sflag:$0x2] =	stream.indirect.gather [hbm4b:s4+s20], $0x80, s16, s20, $0xb8;
	[tilespmem:$0x1FC00] =	vst v63  }
0x5a: {  	_ =	swait.ge [sflag:s24], $0x4000  }
0x5b: {  	[sflag:s24] =	ssyncset.done $0x0  }
0x5c: {  	[sflag:s24] =	ssyncadd.s32 $0xFFFFC000  }
0x5d: {  	[spmem:s2] =	stream.indirect.scatter.add.f32 [tilespmem:s23], [sflag:$0x4], $0x80, s15, s20, $0xb8;
	[tilespmem:$0x1FC00] =	vst v63  }
0x5e: {  	_ =	swait.ge [sflag:s26], $0x4000  }
0x5f: {  	[sflag:s26] =	ssyncset.done $0x0  }
0x60: {  	[sflag:s26] =	ssyncadd.s32 $0xFFFFC000  }
0x61: {  	[tilespmem:s21], [sflag:$0x1] =	stream.indirect.gather [hbm4b:s4+s20], $0x80, s19, s20, $0xb8;
	[tilespmem:$0x1FC00] =	vst v63  }
0x62: {  	_ =	swait.ge [sflag:s22], $0x4000  }
0x63: {  	[sflag:s22] =	ssyncset.done $0x0  }
0x64: {  	s7 =	simm.s32 $0x2400;
	[sflag:s22] =	ssyncadd.s32 $0xFFFFC000  }
0x65: {  	[spmem:s2] =	stream.indirect.scatter.add.f32 [tilespmem:s21], [sflag:$0x3], $0x80, s7, s20, $0xb8;
	[tilespmem:$0x1FC00] =	vst v63  }
0x66: {  	_ =	swait.ge [sflag:s30], $0x4000  }
0x67: {  	[sflag:s30] =	ssyncset.done $0x0  }
0x68: {  	s7 =	simm.s32 $0x480;
	[sflag:s30] =	ssyncadd.s32 $0xFFFFC000  }
0x69: {  	[tilespmem:s23], [sflag:$0x2] =	stream.indirect.gather [hbm4b:s4+s20], $0x80, s7, s20, $0xb8;
	[tilespmem:$0x1FC00] =	vst v63  }
0x6a: {  	_ =	swait.ge [sflag:s24], $0x4000  }
0x6b: {  	[sflag:s24] =	ssyncset.done $0x0  }
0x6c: {  	s7 =	simm.s32 $0x2480;
	[sflag:s24] =	ssyncadd.s32 $0xFFFFC000  }
0x6d: {  	[spmem:s2] =	stream.indirect.scatter.add.f32 [tilespmem:s23], [sflag:$0x4], $0x80, s7, s20, $0xb8;
	[tilespmem:$0x1FC00] =	vst v63  }
0x6e: {  	_ =	swait.ge [sflag:s26], $0x4000  }
0x6f: {  	[sflag:s26] =	ssyncset.done $0x0  }
0x70: {  	s7 =	simm.s32 $0x500;
	[sflag:s26] =	ssyncadd.s32 $0xFFFFC000  }
0x71: {  	[tilespmem:s21], [sflag:$0x1] =	stream.indirect.gather [hbm4b:s4+s20], $0x80, s7, s20, $0xb8;
	[tilespmem:$0x1FC00] =	vst v63  }
0x72: {  	_ =	swait.ge [sflag:s22], $0x4000  }
0x73: {  	[sflag:s22] =	ssyncset.done $0x0  }
0x74: {  	s7 =	simm.s32 $0x2500;
	[sflag:s22] =	ssyncadd.s32 $0xFFFFC000  }
0x75: {  	[spmem:s2] =	stream.indirect.scatter.add.f32 [tilespmem:s21], [sflag:$0x3], $0x80, s7, s20, $0xb8;
	[tilespmem:$0x1FC00] =	vst v63  }
0x76: {  	_ =	swait.ge [sflag:s30], $0x4000  }
0x77: {  	[sflag:s30] =	ssyncset.done $0x0  }
0x78: {  	s7 =	simm.s32 $0x580;
	[sflag:s30] =	ssyncadd.s32 $0xFFFFC000  }
0x79: {  	[tilespmem:s23], [sflag:$0x2] =	stream.indirect.gather [hbm4b:s4+s20], $0x80, s7, s20, $0xb8;
	[tilespmem:$0x1FC00] =	vst v63  }
0x7a: {  	_ =	swait.ge [sflag:s24], $0x4000  }
0x7b: {  	[sflag:s24] =	ssyncset.done $0x0  }
0x7c: {  	s7 =	simm.s32 $0x2580;
	[sflag:s24] =	ssyncadd.s32 $0xFFFFC000  }
0x7d: {  	[spmem:s2] =	stream.indirect.scatter.add.f32 [tilespmem:s23], [sflag:$0x4], $0x80, s7, s20, $0xb8;
	[tilespmem:$0x1FC00] =	vst v63  }
0x7e: {  	_ =	swait.ge [sflag:s26], $0x4000  }
0x7f: {  	[sflag:s26] =	ssyncset.done $0x0  }
0x80: {  	s7 =	simm.s32 $0x600;
	[sflag:s26] =	ssyncadd.s32 $0xFFFFC000  }
0x81: {  	[tilespmem:s21], [sflag:$0x1] =	stream.indirect.gather [hbm4b:s4+s20], $0x80, s7, s20, $0xb8;
	[tilespmem:$0x1FC00] =	vst v63  }
0x82: {  	_ =	swait.ge [sflag:s22], $0x4000  }
0x83: {  	[sflag:s22] =	ssyncset.done $0x0  }
0x84: {  	s7 =	simm.s32 $0x2600;
	[sflag:s22] =	ssyncadd.s32 $0xFFFFC000  }
0x85: {  	[spmem:s2] =	stream.indirect.scatter.add.f32 [tilespmem:s21], [sflag:$0x3], $0x80, s7, s20, $0xb8;
	[tilespmem:$0x1FC00] =	vst v63  }
0x86: {  	_ =	swait.ge [sflag:s30], $0x4000  }
0x87: {  	[sflag:s30] =	ssyncset.done $0x0  }
0x88: {  	s7 =	simm.s32 $0x680;
	[sflag:s30] =	ssyncadd.s32 $0xFFFFC000  }
0x89: {  	[tilespmem:s23], [sflag:$0x2] =	stream.indirect.gather [hbm4b:s4+s20], $0x80, s7, s20, $0xb8;
	[tilespmem:$0x1FC00] =	vst v63  }
0x8a: {  	_ =	swait.ge [sflag:s24], $0x4000  }
0x8b: {  	[sflag:s24] =	ssyncset.done $0x0  }
0x8c: {  	s7 =	simm.s32 $0x2680;
	[sflag:s24] =	ssyncadd.s32 $0xFFFFC000  }
0x8d: {  	[spmem:s2] =	stream.indirect.scatter.add.f32 [tilespmem:s23], [sflag:$0x4], $0x80, s7, s20, $0xb8;
	[tilespmem:$0x1FC00] =	vst v63  }
0x8e: {  	_ =	swait.ge [sflag:s26], $0x4000  }
0x8f: {  	[sflag:s26] =	ssyncset.done $0x0  }
0x90: {  	s7 =	simm.s32 $0x700;
	[sflag:s26] =	ssyncadd.s32 $0xFFFFC000  }
0x91: {  	[tilespmem:s21], [sflag:$0x1] =	stream.indirect.gather [hbm4b:s4+s20], $0x80, s7, s20, $0xb8;
	[tilespmem:$0x1FC00] =	vst v63  }
0x92: {  	_ =	swait.ge [sflag:s22], $0x4000  }
0x93: {  	[sflag:s22] =	ssyncset.done $0x0  }
0x94: {  	s7 =	simm.s32 $0x2700;
	[sflag:s22] =	ssyncadd.s32 $0xFFFFC000  }
0x95: {  	[spmem:s2] =	stream.indirect.scatter.add.f32 [tilespmem:s21], [sflag:$0x3], $0x80, s7, s20, $0xb8;
	[tilespmem:$0x1FC00] =	vst v63  }
0x96: {  	_ =	swait.ge [sflag:s30], $0x4000  }
0x97: {  	[sflag:s30] =	ssyncset.done $0x0  }
0x98: {  	s7 =	simm.s32 $0x780;
	[sflag:s30] =	ssyncadd.s32 $0xFFFFC000  }
0x99: {  	[tilespmem:s23], [sflag:$0x2] =	stream.indirect.gather [hbm4b:s4+s20], $0x80, s7, s20, $0xb8;
	[tilespmem:$0x1FC00] =	vst v63  }
0x9a: {  	_ =	swait.ge [sflag:s24], $0x4000  }
0x9b: {  	[sflag:s24] =	ssyncset.done $0x0  }
0x9c: {  	s7 =	simm.s32 $0x2780;
	[sflag:s24] =	ssyncadd.s32 $0xFFFFC000  }
0x9d: {  	[spmem:s2] =	stream.indirect.scatter.add.f32 [tilespmem:s23], [sflag:$0x4], $0x80, s7, s20, $0xb8;
	[tilespmem:$0x1FC00] =	vst v63  }
0x9e: {  	_ =	swait.ge [sflag:s26], $0x4000  }
0x9f: {  	[sflag:s26] =	ssyncset.done $0x0  }
0xa0: {  	[sflag:s26] =	ssyncadd.s32 $0xFFFFC000  }
0xa1: {  	_ =	swait.ge [sflag:s30], $0x4000  }
0xa2: {  	[sflag:s30] =	ssyncset.done $0x0  }
0xa3: {  	s7 =	rddreg [dreg:$0x9];
	[sflag:s30] =	ssyncadd.s32 $0xFFFFC000  }
0xa4: {  	[tilespmem:s3], [sflag:$0x5] =	stream.linear.gather [hbm4b:s7+s3], $0x800, $0x38;
	[tilespmem:$0x1FC00] =	vst v63  }
0xa5: {  	_ =	swait.ge [sflag:s18], $0x800  }
0xa6: {  	[sflag:s18] =	ssyncset.done $0x0  }
0xa7: {  	s7 =	rddreg [dreg:$0xa];
	[sflag:s18] =	ssyncadd.s32 $0xFFFFF800  }
0xa8: {  	[tilespmem:s17], [sflag:$0x5] =	stream.linear.gather [hbm4b:s7+s3], $0x800, $0x38;
	[tilespmem:$0x1FC00] =	vst v63  }
0xa9: {  	_ =	swait.ge [sflag:s18], $0x800  }
0xaa: {  	[sflag:s18] =	ssyncset.done $0x0  }
0xab: {  	[sflag:s18] =	ssyncadd.s32 $0xFFFFF800  }
0xac: {  	[tilespmem:s21], [sflag:$0x1] =	stream.indirect.gather [hbm4b:s4+s20], $0x80, s3, s20, $0xb8;
	[tilespmem:$0x1FC00] =	vst v63  }
0xad: {  	_ =	swait.ge [sflag:s22], $0x4000  }
0xae: {  	[sflag:s22] =	ssyncset.done $0x0  }
0xaf: {  	[sflag:s22] =	ssyncadd.s32 $0xFFFFC000  }
0xb0: {  	[spmem:s2] =	stream.indirect.scatter.add.f32 [tilespmem:s21], [sflag:$0x3], $0x80, s17, s20, $0xb8;
	[tilespmem:$0x1FC00] =	vst v63  }
0xb1: {  	_ = 	snop  }
0xb2: {  	[tilespmem:s23], [sflag:$0x2] =	stream.indirect.gather [hbm4b:s4+s20], $0x80, s20, s20, $0xb8;
	[tilespmem:$0x1FC00] =	vst v63  }
0xb3: {  	_ =	swait.ge [sflag:s24], $0x4000  }
0xb4: {  	[sflag:s24] =	ssyncset.done $0x0  }
0xb5: {  	s28 =	simm.s32 $0x2080;
	[sflag:s24] =	ssyncadd.s32 $0xFFFFC000  }
0xb6: {  	[spmem:s2] =	stream.indirect.scatter.add.f32 [tilespmem:s23], [sflag:$0x4], $0x80, s28, s20, $0xb8;
	[tilespmem:$0x1FC00] =	vst v63  }
0xb7: {  	_ =	swait.ge [sflag:s26], $0x4000  }
0xb8: {  	[sflag:s26] =	ssyncset.done $0x0  }
0xb9: {  	s28 =	simm.s32 $0x100;
	[sflag:s26] =	ssyncadd.s32 $0xFFFFC000  }
0xba: {  	[tilespmem:s21], [sflag:$0x1] =	stream.indirect.gather [hbm4b:s4+s20], $0x80, s28, s20, $0xb8;
	[tilespmem:$0x1FC00] =	vst v63  }
0xbb: {  	_ =	swait.ge [sflag:s22], $0x4000  }
0xbc: {  	[sflag:s22] =	ssyncset.done $0x0  }
0xbd: {  	[sflag:s22] =	ssyncadd.s32 $0xFFFFC000  }
0xbe: {  	[spmem:s2] =	stream.indirect.scatter.add.f32 [tilespmem:s21], [sflag:$0x3], $0x80, s8, s20, $0xb8;
	[tilespmem:$0x1FC00] =	vst v63  }
0xbf: {  	_ =	swait.ge [sflag:s30], $0x4000  }
0xc0: {  	[sflag:s30] =	ssyncset.done $0x0  }
0xc1: {  	[sflag:s30] =	ssyncadd.s32 $0xFFFFC000  }
0xc2: {  	[tilespmem:s23], [sflag:$0x2] =	stream.indirect.gather [hbm4b:s4+s20], $0x80, s9, s20, $0xb8;
	[tilespmem:$0x1FC00] =	vst v63  }
0xc3: {  	_ =	swait.ge [sflag:s24], $0x4000  }
0xc4: {  	[sflag:s24] =	ssyncset.done $0x0  }
0xc5: {  	[sflag:s24] =	ssyncadd.s32 $0xFFFFC000  }
0xc6: {  	[spmem:s2] =	stream.indirect.scatter.add.f32 [tilespmem:s23], [sflag:$0x4], $0x80, s10, s20, $0xb8;
	[tilespmem:$0x1FC00] =	vst v63  }
0xc7: {  	_ =	swait.ge [sflag:s26], $0x4000  }
0xc8: {  	[sflag:s26] =	ssyncset.done $0x0  }
0xc9: {  	[sflag:s26] =	ssyncadd.s32 $0xFFFFC000  }
0xca: {  	[tilespmem:s21], [sflag:$0x1] =	stream.indirect.gather [hbm4b:s4+s20], $0x80, s25, s20, $0xb8;
	[tilespmem:$0x1FC00] =	vst v63  }
0xcb: {  	_ =	swait.ge [sflag:s22], $0x4000  }
0xcc: {  	[sflag:s22] =	ssyncset.done $0x0  }
0xcd: {  	[sflag:s22] =	ssyncadd.s32 $0xFFFFC000  }
0xce: {  	[spmem:s2] =	stream.indirect.scatter.add.f32 [tilespmem:s21], [sflag:$0x3], $0x80, s12, s20, $0xb8;
	[tilespmem:$0x1FC00] =	vst v63  }
0xcf: {  	_ =	swait.ge [sflag:s30], $0x4000  }
0xd0: {  	[sflag:s30] =	ssyncset.done $0x0  }
0xd1: {  	s8 =	simm.s32 $0x280;
	[sflag:s30] =	ssyncadd.s32 $0xFFFFC000  }
0xd2: {  	[tilespmem:s23], [sflag:$0x2] =	stream.indirect.gather [hbm4b:s4+s20], $0x80, s8, s20, $0xb8;
	[tilespmem:$0x1FC00] =	vst v63  }
0xd3: {  	_ =	swait.ge [sflag:s24], $0x4000  }
0xd4: {  	[sflag:s24] =	ssyncset.done $0x0  }
0xd5: {  	[sflag:s24] =	ssyncadd.s32 $0xFFFFC000  }
0xd6: {  	[spmem:s2] =	stream.indirect.scatter.add.f32 [tilespmem:s23], [sflag:$0x4], $0x80, s14, s20, $0xb8;
	[tilespmem:$0x1FC00] =	vst v63  }
0xd7: {  	_ =	swait.ge [sflag:s26], $0x4000  }
0xd8: {  	[sflag:s26] =	ssyncset.done $0x0  }
0xd9: {  	[sflag:s26] =	ssyncadd.s32 $0xFFFFC000  }
0xda: {  	[tilespmem:s21], [sflag:$0x1] =	stream.indirect.gather [hbm4b:s4+s20], $0x80, s29, s20, $0xb8;
	[tilespmem:$0x1FC00] =	vst v63  }
0xdb: {  	_ =	swait.ge [sflag:s22], $0x4000  }
0xdc: {  	[sflag:s22] =	ssyncset.done $0x0  }
0xdd: {  	[sflag:s22] =	ssyncadd.s32 $0xFFFFC000  }
0xde: {  	[spmem:s2] =	stream.indirect.scatter.add.f32 [tilespmem:s21], [sflag:$0x3], $0x80, s31, s20, $0xb8;
	[tilespmem:$0x1FC00] =	vst v63  }
0xdf: {  	_ =	swait.ge [sflag:s30], $0x4000  }
0xe0: {  	[sflag:s30] =	ssyncset.done $0x0  }
0xe1: {  	[sflag:s30] =	ssyncadd.s32 $0xFFFFC000  }
0xe2: {  	[tilespmem:s23], [sflag:$0x2] =	stream.indirect.gather [hbm4b:s4+s20], $0x80, s16, s20, $0xb8;
	[tilespmem:$0x1FC00] =	vst v63  }
0xe3: {  	_ =	swait.ge [sflag:s24], $0x4000  }
0xe4: {  	[sflag:s24] =	ssyncset.done $0x0  }
0xe5: {  	[sflag:s24] =	ssyncadd.s32 $0xFFFFC000  }
0xe6: {  	[spmem:s2] =	stream.indirect.scatter.add.f32 [tilespmem:s23], [sflag:$0x4], $0x80, s15, s20, $0xb8;
	[tilespmem:$0x1FC00] =	vst v63  }
0xe7: {  	_ =	swait.ge [sflag:s26], $0x4000  }
0xe8: {  	[sflag:s26] =	ssyncset.done $0x0  }
0xe9: {  	[sflag:s26] =	ssyncadd.s32 $0xFFFFC000  }
0xea: {  	[tilespmem:s21], [sflag:$0x1] =	stream.indirect.gather [hbm4b:s4+s20], $0x80, s19, s20, $0xb8;
	[tilespmem:$0x1FC00] =	vst v63  }
0xeb: {  	_ =	swait.ge [sflag:s22], $0x4000  }
0xec: {  	[sflag:s22] =	ssyncset.done $0x0  }
0xed: {  	s9 =	simm.s32 $0x2400;
	[sflag:s22] =	ssyncadd.s32 $0xFFFFC000  }
0xee: {  	[spmem:s2] =	stream.indirect.scatter.add.f32 [tilespmem:s21], [sflag:$0x3], $0x80, s9, s20, $0xb8;
	[tilespmem:$0x1FC00] =	vst v63  }
0xef: {  	_ =	swait.ge [sflag:s30], $0x4000  }
0xf0: {  	[sflag:s30] =	ssyncset.done $0x0  }
0xf1: {  	s8 =	simm.s32 $0x480;
	[sflag:s30] =	ssyncadd.s32 $0xFFFFC000  }
0xf2: {  	[tilespmem:s23], [sflag:$0x2] =	stream.indirect.gather [hbm4b:s4+s20], $0x80, s8, s20, $0xb8;
	[tilespmem:$0x1FC00] =	vst v63  }
0xf3: {  	_ =	swait.ge [sflag:s24], $0x4000  }
0xf4: {  	[sflag:s24] =	ssyncset.done $0x0  }
0xf5: {  	s9 =	simm.s32 $0x2480;
	[sflag:s24] =	ssyncadd.s32 $0xFFFFC000  }
0xf6: {  	[spmem:s2] =	stream.indirect.scatter.add.f32 [tilespmem:s23], [sflag:$0x4], $0x80, s9, s20, $0xb8;
	[tilespmem:$0x1FC00] =	vst v63  }
0xf7: {  	_ =	swait.ge [sflag:s26], $0x4000  }
0xf8: {  	[sflag:s26] =	ssyncset.done $0x0  }
0xf9: {  	s8 =	simm.s32 $0x500;
	[sflag:s26] =	ssyncadd.s32 $0xFFFFC000  }
0xfa: {  	[tilespmem:s21], [sflag:$0x1] =	stream.indirect.gather [hbm4b:s4+s20], $0x80, s8, s20, $0xb8;
	[tilespmem:$0x1FC00] =	vst v63  }
0xfb: {  	_ =	swait.ge [sflag:s22], $0x4000  }
0xfc: {  	[sflag:s22] =	ssyncset.done $0x0  }
0xfd: {  	s9 =	simm.s32 $0x2500;
	[sflag:s22] =	ssyncadd.s32 $0xFFFFC000  }
0xfe: {  	[spmem:s2] =	stream.indirect.scatter.add.f32 [tilespmem:s21], [sflag:$0x3], $0x80, s9, s20, $0xb8;
	[tilespmem:$0x1FC00] =	vst v63  }
0xff: {  	_ =	swait.ge [sflag:s30], $0x4000  }
0x100: {  	[sflag:s30] =	ssyncset.done $0x0  }
0x101: {  	s8 =	simm.s32 $0x580;
	[sflag:s30] =	ssyncadd.s32 $0xFFFFC000  }
0x102: {  	[tilespmem:s23], [sflag:$0x2] =	stream.indirect.gather [hbm4b:s4+s20], $0x80, s8, s20, $0xb8;
	[tilespmem:$0x1FC00] =	vst v63  }
0x103: {  	_ =	swait.ge [sflag:s24], $0x4000  }
0x104: {  	[sflag:s24] =	ssyncset.done $0x0  }
0x105: {  	s9 =	simm.s32 $0x2580;
	[sflag:s24] =	ssyncadd.s32 $0xFFFFC000  }
0x106: {  	[spmem:s2] =	stream.indirect.scatter.add.f32 [tilespmem:s23], [sflag:$0x4], $0x80, s9, s20, $0xb8;
	[tilespmem:$0x1FC00] =	vst v63  }
0x107: {  	_ =	swait.ge [sflag:s26], $0x4000  }
0x108: {  	[sflag:s26] =	ssyncset.done $0x0  }
0x109: {  	s8 =	simm.s32 $0x600;
	[sflag:s26] =	ssyncadd.s32 $0xFFFFC000  }
0x10a: {  	[tilespmem:s21], [sflag:$0x1] =	stream.indirect.gather [hbm4b:s4+s20], $0x80, s8, s20, $0xb8;
	[tilespmem:$0x1FC00] =	vst v63  }
0x10b: {  	_ =	swait.ge [sflag:s22], $0x4000  }
0x10c: {  	[sflag:s22] =	ssyncset.done $0x0  }
0x10d: {  	s9 =	simm.s32 $0x2600;
	[sflag:s22] =	ssyncadd.s32 $0xFFFFC000  }
0x10e: {  	[spmem:s2] =	stream.indirect.scatter.add.f32 [tilespmem:s21], [sflag:$0x3], $0x80, s9, s20, $0xb8;
	[tilespmem:$0x1FC00] =	vst v63  }
0x10f: {  	_ =	swait.ge [sflag:s30], $0x4000  }
0x110: {  	[sflag:s30] =	ssyncset.done $0x0  }
0x111: {  	s8 =	simm.s32 $0x680;
	[sflag:s30] =	ssyncadd.s32 $0xFFFFC000  }
0x112: {  	[tilespmem:s23], [sflag:$0x2] =	stream.indirect.gather [hbm4b:s4+s20], $0x80, s8, s20, $0xb8;
	[tilespmem:$0x1FC00] =	vst v63  }
0x113: {  	_ =	swait.ge [sflag:s24], $0x4000  }
0x114: {  	[sflag:s24] =	ssyncset.done $0x0  }
0x115: {  	s9 =	simm.s32 $0x2680;
	[sflag:s24] =	ssyncadd.s32 $0xFFFFC000  }
0x116: {  	[spmem:s2] =	stream.indirect.scatter.add.f32 [tilespmem:s23], [sflag:$0x4], $0x80, s9, s20, $0xb8;
	[tilespmem:$0x1FC00] =	vst v63  }
0x117: {  	_ =	swait.ge [sflag:s26], $0x4000  }
0x118: {  	[sflag:s26] =	ssyncset.done $0x0  }
0x119: {  	s8 =	simm.s32 $0x700;
	[sflag:s26] =	ssyncadd.s32 $0xFFFFC000  }
0x11a: {  	[tilespmem:s21], [sflag:$0x1] =	stream.indirect.gather [hbm4b:s4+s20], $0x80, s8, s20, $0xb8;
	[tilespmem:$0x1FC00] =	vst v63  }
0x11b: {  	_ =	swait.ge [sflag:s22], $0x4000  }
0x11c: {  	[sflag:s22] =	ssyncset.done $0x0  }
0x11d: {  	s9 =	simm.s32 $0x2700;
	[sflag:s22] =	ssyncadd.s32 $0xFFFFC000  }
0x11e: {  	[spmem:s2] =	stream.indirect.scatter.add.f32 [tilespmem:s21], [sflag:$0x3], $0x80, s9, s20, $0xb8;
	[tilespmem:$0x1FC00] =	vst v63  }
0x11f: {  	_ =	swait.ge [sflag:s30], $0x4000  }
0x120: {  	[sflag:s30] =	ssyncset.done $0x0  }
0x121: {  	s8 =	simm.s32 $0x780;
	[sflag:s30] =	ssyncadd.s32 $0xFFFFC000  }
0x122: {  	[tilespmem:s23], [sflag:$0x2] =	stream.indirect.gather [hbm4b:s4+s20], $0x80, s8, s20, $0xb8;
	[tilespmem:$0x1FC00] =	vst v63  }
0x123: {  	_ =	swait.ge [sflag:s24], $0x4000  }
0x124: {  	[sflag:s24] =	ssyncset.done $0x0  }
0x125: {  	s9 =	simm.s32 $0x2780;
	[sflag:s24] =	ssyncadd.s32 $0xFFFFC000  }
0x126: {  	[spmem:s2] =	stream.indirect.scatter.add.f32 [tilespmem:s23], [sflag:$0x4], $0x80, s9, s20, $0xb8;
	[tilespmem:$0x1FC00] =	vst v63  }
0x127: {  	_ =	swait.ge [sflag:s26], $0x4000  }
0x128: {  	[sflag:s26] =	ssyncset.done $0x0  }
0x129: {  	s10 =	simm.s32 $0x2080;
	s12 =	simm.s32 $0x2000;
	[sflag:s26] =	ssyncadd.s32 $0xFFFFC000  }
.LBB2_9:
0x12a: {  	_ =	swait.ge [sflag:s30], $0x4000  }
0x12b: {  	s1 =	sadd.s32 $0x1, s1;
	[sflag:s30] =	ssyncset.done $0x0  }
0x12c: {  	p1 =	sne.s32 s1, s11;
	[sflag:s30] =	ssyncadd.s32 $0xFFFFC000  }
.Ltmp1:
0x12d: {  	[bflag:$0x0] =	sbarrier.arrive $0xFFFF;
	(pc) =	sbr.rel @!p1 .LBB2_10-.Ltmp1, $4  }
0x12e: {  	[hbm:s0], [sflag:s6] =	dma.local [spmem:s13], $0x2780  }
0x12f: {  	_ =	swait.ge [sflag:s18], $0x2780  }
0x130: {  	[sflag:s18] =	ssyncset.done $0x0  }
0x131: {  	[sflag:s18] =	ssyncadd.s32 $0xFFFFD880  }
.LBB2_1:
0x132: {  	[spmem:s13], [sflag:s6] =	dma.local [hbm:s5], $0x2780  }
.Ltmp2:
0x133: {  	_ =	swait.ge [sflag:s18], $0x2780;
	(pc) =	sbr.rel @p0 .LBB2_8-.Ltmp2, $3  }
0x134: {  	[sflag:s18] =	ssyncset.done $0x0  }
0x135: {  	[sflag:s18] =	ssyncadd.s32 $0xFFFFD880  }
0x136: {  	[bflag:$0x0] =	sbarrier.arrive $0xFFFF;
	_ =	sdelay $0x1  }
0x137: {  	s7 =	rddreg [dreg:$0x3]  }
0x138: {  	[tilespmem:s3], [sflag:$0x5] =	stream.linear.gather [hbm4b:s7+s3], $0x2000, $0x38;
	[tilespmem:$0x1FC00] =	vst v63  }
0x139: {  	_ =	swait.ge [sflag:s18], $0x2000  }
0x13a: {  	[sflag:s18] =	ssyncset.done $0x0  }
0x13b: {  	s9 =	rddreg [dreg:$0x4];
	[sflag:s18] =	ssyncadd.s32 $0xFFFFE000  }
0x13c: {  	[tilespmem:s12], [sflag:$0x5] =	stream.linear.gather [hbm4b:s9+s3], $0x2000, $0x38;
	[tilespmem:$0x1FC00] =	vst v63  }
0x13d: {  	_ =	swait.ge [sflag:s18], $0x2000  }
0x13e: {  	[sflag:s18] =	ssyncset.done $0x0  }
0x13f: {  	[sflag:s18] =	ssyncadd.s32 $0xFFFFE000  }
0x140: {  	[tilespmem:s21], [sflag:$0x1] =	stream.indirect.gather [hbm4b:s4+s20], $0x80, s3, s20, $0xb8;
	[tilespmem:$0x1FC00] =	vst v63  }
0x141: {  	_ =	swait.ge [sflag:s22], $0x4000  }
0x142: {  	[sflag:s22] =	ssyncset.done $0x0  }
0x143: {  	[sflag:s22] =	ssyncadd.s32 $0xFFFFC000  }
0x144: {  	[spmem:s2] =	stream.indirect.scatter.add.f32 [tilespmem:s21], [sflag:$0x3], $0x80, s12, s20, $0xb8;
	[tilespmem:$0x1FC00] =	vst v63  }
0x145: {  	_ = 	snop  }
0x146: {  	[tilespmem:s23], [sflag:$0x2] =	stream.indirect.gather [hbm4b:s4+s20], $0x80, s20, s20, $0xb8;
	[tilespmem:$0x1FC00] =	vst v63  }
0x147: {  	_ =	swait.ge [sflag:s24], $0x4000  }
0x148: {  	[sflag:s24] =	ssyncset.done $0x0  }
0x149: {  	[sflag:s24] =	ssyncadd.s32 $0xFFFFC000  }
0x14a: {  	[spmem:s2] =	stream.indirect.scatter.add.f32 [tilespmem:s23], [sflag:$0x4], $0x80, s10, s20, $0xb8;
	[tilespmem:$0x1FC00] =	vst v63  }
0x14b: {  	_ =	swait.ge [sflag:s26], $0x4000  }
0x14c: {  	[sflag:s26] =	ssyncset.done $0x0  }
0x14d: {  	s7 =	simm.s32 $0xFFFF8800;
	[sflag:s26] =	ssyncadd.s32 $0xFFFFC000  }
0x14e: {  	[tilespmem:s21], [sflag:$0x1] =	stream.indirect.gather [hbm4b:s4+s20], $0x80, s28, s20, $0xb8;
	[tilespmem:$0x1FC00] =	vst v63  }
.LBB2_3:
0x14f: {  	_ =	swait.ge [sflag:s22], $0x4000  }
0x150: {  	s8 =	sshra.s32 s7, $0x2;
	[sflag:s22] =	ssyncset.done $0x0  }
0x151: {  	s9 =	sadd.s32 $0x3F00, s8;
	[sflag:s22] =	ssyncadd.s32 $0xFFFFC000  }
0x152: {  	[spmem:s2] =	stream.indirect.scatter.add.f32 [tilespmem:s21], [sflag:$0x3], $0x80, s9, s20, $0xb8;
	[tilespmem:$0x1FC00] =	vst v63  }
0x153: {  	_ =	swait.ge [sflag:s30], $0x4000  }
0x154: {  	[sflag:s30] =	ssyncset.done $0x0  }
0x155: {  	s9 =	sadd.s32 $0x1F80, s8;
	[sflag:s30] =	ssyncadd.s32 $0xFFFFC000  }
0x156: {  	[tilespmem:s23], [sflag:$0x2] =	stream.indirect.gather [hbm4b:s4+s20], $0x80, s9, s20, $0xb8;
	[tilespmem:$0x1FC00] =	vst v63  }
0x157: {  	_ =	swait.ge [sflag:s24], $0x4000  }
0x158: {  	p1 =	seq.s32 s7, $0x0;
	[sflag:s24] =	ssyncset.done $0x0  }
.Ltmp3:
0x159: {  	s9 =	sadd.s32 $0x3F80, s8;
	[sflag:s24] =	ssyncadd.s32 $0xFFFFC000;
	(pc) =	sbr.rel @p1 .LBB2_5-.Ltmp3, $4  }
0x15a: {  	[spmem:s2] =	stream.indirect.scatter.add.f32 [tilespmem:s23], [sflag:$0x4], $0x80, s9, s20, $0xb8;
	[tilespmem:$0x1FC00] =	vst v63  }
0x15b: {  	_ =	swait.ge [sflag:s26], $0x4000  }
0x15c: {  	[sflag:s26] =	ssyncset.done $0x0  }
0x15d: {  	[sflag:s26] =	ssyncadd.s32 $0xFFFFC000  }
.Ltmp4:
0x15e: {  	(pc) =	sbr.rel .LBB2_3-.Ltmp4, $3  }
0x15f: {  	_ =	sdelay $0x1  }
0x160: {  	s8 =	sadd.s32 $0x2000, s8;
	s7 =	sadd.s32 $0x400, s7  }
0x161: {  	[tilespmem:s21], [sflag:$0x1] =	stream.indirect.gather [hbm4b:s4+s20], $0x80, s8, s20, $0xb8;
	[tilespmem:$0x1FC00] =	vst v63  }
.LBB2_5:
0x162: {  	_ =	swait.ge [sflag:s30], $0x4000  }
0x163: {  	[sflag:s30] =	ssyncset.done $0x0  }
0x164: {  	s7 =	rddreg [dreg:$0x5];
	[sflag:s30] =	ssyncadd.s32 $0xFFFFC000  }
0x165: {  	[tilespmem:s3], [sflag:$0x5] =	stream.linear.gather [hbm4b:s7+s3], $0x2000, $0x38;
	[tilespmem:$0x1FC00] =	vst v63  }
0x166: {  	_ =	swait.ge [sflag:s18], $0x2000  }
0x167: {  	[sflag:s18] =	ssyncset.done $0x0  }
0x168: {  	s9 =	rddreg [dreg:$0x6];
	[sflag:s18] =	ssyncadd.s32 $0xFFFFE000  }
0x169: {  	[tilespmem:s12], [sflag:$0x5] =	stream.linear.gather [hbm4b:s9+s3], $0x2000, $0x38;
	[tilespmem:$0x1FC00] =	vst v63  }
0x16a: {  	_ =	swait.ge [sflag:s18], $0x2000  }
0x16b: {  	[sflag:s18] =	ssyncset.done $0x0  }
0x16c: {  	[sflag:s18] =	ssyncadd.s32 $0xFFFFE000  }
0x16d: {  	[tilespmem:s21], [sflag:$0x1] =	stream.indirect.gather [hbm4b:s4+s20], $0x80, s3, s20, $0xb8;
	[tilespmem:$0x1FC00] =	vst v63  }
0x16e: {  	_ =	swait.ge [sflag:s22], $0x4000  }
0x16f: {  	[sflag:s22] =	ssyncset.done $0x0  }
0x170: {  	[sflag:s22] =	ssyncadd.s32 $0xFFFFC000  }
0x171: {  	[spmem:s2] =	stream.indirect.scatter.add.f32 [tilespmem:s21], [sflag:$0x3], $0x80, s12, s20, $0xb8;
	[tilespmem:$0x1FC00] =	vst v63  }
0x172: {  	_ = 	snop  }
0x173: {  	[tilespmem:s23], [sflag:$0x2] =	stream.indirect.gather [hbm4b:s4+s20], $0x80, s20, s20, $0xb8;
	[tilespmem:$0x1FC00] =	vst v63  }
0x174: {  	_ =	swait.ge [sflag:s24], $0x4000  }
0x175: {  	[sflag:s24] =	ssyncset.done $0x0  }
0x176: {  	[sflag:s24] =	ssyncadd.s32 $0xFFFFC000  }
0x177: {  	[spmem:s2] =	stream.indirect.scatter.add.f32 [tilespmem:s23], [sflag:$0x4], $0x80, s10, s20, $0xb8;
	[tilespmem:$0x1FC00] =	vst v63  }
0x178: {  	_ =	swait.ge [sflag:s26], $0x4000  }
0x179: {  	[sflag:s26] =	ssyncset.done $0x0  }
0x17a: {  	s7 =	simm.s32 $0xFFFF8800;
	[sflag:s26] =	ssyncadd.s32 $0xFFFFC000  }
0x17b: {  	[tilespmem:s21], [sflag:$0x1] =	stream.indirect.gather [hbm4b:s4+s20], $0x80, s28, s20, $0xb8;
	[tilespmem:$0x1FC00] =	vst v63  }
.LBB2_6:
0x17c: {  	_ =	swait.ge [sflag:s22], $0x4000  }
0x17d: {  	s8 =	sshra.s32 s7, $0x2;
	[sflag:s22] =	ssyncset.done $0x0  }
0x17e: {  	s9 =	sadd.s32 $0x3F00, s8;
	[sflag:s22] =	ssyncadd.s32 $0xFFFFC000  }
0x17f: {  	[spmem:s2] =	stream.indirect.scatter.add.f32 [tilespmem:s21], [sflag:$0x3], $0x80, s9, s20, $0xb8;
	[tilespmem:$0x1FC00] =	vst v63  }
0x180: {  	_ =	swait.ge [sflag:s30], $0x4000  }
0x181: {  	[sflag:s30] =	ssyncset.done $0x0  }
0x182: {  	s9 =	sadd.s32 $0x1F80, s8;
	[sflag:s30] =	ssyncadd.s32 $0xFFFFC000  }
0x183: {  	[tilespmem:s23], [sflag:$0x2] =	stream.indirect.gather [hbm4b:s4+s20], $0x80, s9, s20, $0xb8;
	[tilespmem:$0x1FC00] =	vst v63  }
0x184: {  	_ =	swait.ge [sflag:s24], $0x4000  }
0x185: {  	p1 =	seq.s32 s7, $0x0;
	[sflag:s24] =	ssyncset.done $0x0  }
.Ltmp5:
0x186: {  	s9 =	sadd.s32 $0x3F80, s8;
	[sflag:s24] =	ssyncadd.s32 $0xFFFFC000;
	(pc) =	sbr.rel @p1 .LBB2_9-.Ltmp5, $4  }
0x187: {  	[spmem:s2] =	stream.indirect.scatter.add.f32 [tilespmem:s23], [sflag:$0x4], $0x80, s9, s20, $0xb8;
	[tilespmem:$0x1FC00] =	vst v63  }
0x188: {  	_ =	swait.ge [sflag:s26], $0x4000  }
0x189: {  	[sflag:s26] =	ssyncset.done $0x0  }
0x18a: {  	[sflag:s26] =	ssyncadd.s32 $0xFFFFC000  }
.Ltmp6:
0x18b: {  	(pc) =	sbr.rel .LBB2_6-.Ltmp6, $3  }
0x18c: {  	_ =	sdelay $0x1  }
0x18d: {  	s8 =	sadd.s32 $0x2000, s8;
	s7 =	sadd.s32 $0x400, s7  }
0x18e: {  	[tilespmem:s21], [sflag:$0x1] =	stream.indirect.gather [hbm4b:s4+s20], $0x80, s8, s20, $0xb8;
	[tilespmem:$0x1FC00] =	vst v63  }
.LBB2_10:
0x18f: {  	_ =	sfence.sel $0x180000  }
0x190: {  	[bflag:$0x0] =	sbarrier.arrive $0xFFFF  }
0x191: {  	_ =	strace $0x9000004A  }
0x192: {  	s0 =	stileid.u32;
	[bflag:$0x2] =	sbarrier.arrive $0xFFFF  }
0x193: {  	p0 =	sne.s32 s0, $0x0;
	s0 =	rddreg [dreg:$0x2]  }
0x194: {  	s0 =	sadd.s32 @!p0 $0x100000, s0  }
0x195: {  	[sflag:s0] =	ssyncadd.tile.s32 @!p0 $0x1;
	_ =	shalt  }
.Lfunc_end2:
_tile_overlayer_lowered:
.L_overlay_start_2:
0x196: {  	(tag) =	ssettag $0x2  }
0x197: {  	s0 =	rddreg [dreg:$0x0];
	s2 =	stileid.u32  }
0x198: {  	s1 =	rddreg [dreg:$0x1];
	p0 =	sne.s32 s2, $0x0  }
0x199: {  	s3 =	rddreg [dreg:$0x2];
	[bflag:$0x3] =	sbarrier.arrive $0xFFFF;
	s2 =	simm.s32 @!p0 $0x1C05  }
0x19a: {  	[timem:s3], [sflag:s2] =	dma.local @!p0 [hbm:s0], s1  }
0x19b: {  	s0 =	simm.s32 @!p0 $0x5  }
0x19c: {  	_ =	swait.ge @!p0 [sflag:s0], s1  }
0x19d: {  	s1 =	ssub.s32 @!p0 $0x0, s1;
	[sflag:s0] =	ssyncset.done @!p0 $0x0  }
0x19e: {  	[sflag:s0] =	ssyncadd.s32 @!p0 s1  }
0x19f: {  	[bflag:$0x3] =	sbarrier.arrive $0xFFFF  }
0x1a0: {  	_ =	shalt  }

// kernel: kernel.16.cloned.1.call-start
scs
__scs_entry_jumppad:
0x0: {  	(pc) =	sbr.rel $0x88, $3  }
0x1: {  	(tag) =	ssettag $0x0;
	lr =	simm.s32 $0x1  }
0x2: {  	[smem:$0x3F94] =	sst lr;
	_ =	strace $0xD0000000  }
0x3: {  	_ = 	snop  }
0x4: {  	_ = 	snop  }
0x5: {  	_ = 	snop  }
0x6: {  	_ = 	snop  }
0x7: {  	_ = 	snop  }
__scs_overlays_trampoline_lowered:
0x8: {  	[smem:$0x3FA3] =	sst s0  }
0x9: {  	[smem:$0x3FA4] =	sst s1  }
0xa: {  	[smem:$0x3FA5] =	sst s2  }
0xb: {  	[smem:$0x3FA6] =	sst s3  }
0xc: {  	[smem:$0x3FA7] =	sst s4  }
0xd: {  	[smem:$0x3FA8] =	sst s5  }
0xe: {  	[smem:$0x3FA9] =	sst s6  }
0xf: {  	[smem:$0x3FAA] =	sst s7  }
0x10: {  	[smem:$0x3FAB] =	sst s8  }
0x11: {  	[smem:$0x3FAC] =	sst s9;
	s0 =	simm.s32 @!p0 $0x0  }
0x12: {  	s1 =	sld [smem:$0x3F92];
	s0 =	simm.s32 @p0 $0x1  }
0x13: {  	[smem:$0x3FAD] =	sst s0;
	s0 =	simm.s32 @!p1 $0x0  }
0x14: {  	s2 =	sld [smem:$0x3F91];
	s0 =	simm.s32 @p1 $0x1  }
0x15: {  	[smem:$0x3FAE] =	sst s0;
	s0 =	simm.s32 @!p2 $0x0  }
0x16: {  	s3 =	sld [smem:$0x3FDB];
	s0 =	simm.s32 @p2 $0x1  }
0x17: {  	s4 =	simm.s32 $0x1BF5;
	[smem:$0x3FB0] =	sst s0  }
0x18: {  	s0 =	sld [smem:$0x3F93];
	_ =	swait.ge [sflag:s4], $0x0  }
0x19: {  	s7 =	sld [smem:$0x3F94]  }
0x1a: {  	s8 =	sadd.s32 $0xFFFFE003, lr  }
0x1b: {  	s9 =	sadd.s32 $0xFFFFFEF7, lr;
	s5 =	simm.s32 $0xFFFFFFFF;
	p2 =	slt.u32 s8, $0xFFFFF086  }
0x1c: {  	p1 =	slt.u32 s9, $0xF7A;
	s5 =	simm.s32 @!p2 $0x0  }
0x1d: {  	s5 =	simm.s32 @p1 $0x1;
	p0 =	seq.s32 s7, s2  }
0x1e: {  	s7 =	smul.u32 @!p0 $0xF7A, s2;
	p2 =	seq.s32 @!p0 s5, $0x0  }
0x1f: {  	s9 =	smul.u32 $0xF7A, s1;
	s8 =	simm.s32 @!p0 $0x1BF5;
	p2 =	por !p2, p0  }
0x20: {  	[sflag:s8] =	ssyncset.s32 @!p0 $0xFFFFF086;
	s6 =	sadd.s32 @!p0 s3, s7;
	s7 =	simm.s32 @!p0 $0x108  }
0x21: {  	s3 =	sadd.s32 s3, s9;
	s6 =	sadd.s32 @!p0 $0x88, s6;
	s7 =	simm.s32 @p2 $0x1082  }
0x22: {  	[simem:s7], [sflag:s8] =	dma.local @!p0 [hbm:s6], $0xF7A  }
0x23: {  	s9 =	sor.u32 $0xD0000000, s2;
	s6 =	simm.s32 $0x108;
	_ =	swait.ge @!p0 [sflag:s8], $0x0  }
0x24: {  	s3 =	sadd.s32 $0x88, s3;
	s6 =	simm.s32 @!p1 $0x1082;
	[sflag:s4] =	ssyncset.s32 $0xFFFFF086  }
0x25: {  	[simem:s6], [sflag:s4] =	dma.local [hbm:s3], $0xF7A  }
0x26: {  	[smem:$0x3F94] =	sst s1;
	(tag) =	ssettag s2;
	_ =	strace s9  }
0x27: {  	s1 =	sld [smem:$0x3FA4]  }
0x28: {  	s2 =	sld [smem:$0x3FA5]  }
0x29: {  	s4 =	sld [smem:$0x3FA7]  }
0x2a: {  	p0 =	seq.s32 s5, $0x0;
	s5 =	sld [smem:$0x3FA8]  }
0x2b: {  	s6 =	sld [smem:$0x3FA9]  }
0x2c: {  	s7 =	sld [smem:$0x3FAA]  }
0x2d: {  	s3 =	simm.s32 $0x108;
	s8 =	sld [smem:$0x3FAB]  }
0x2e: {  	s3 =	simm.s32 @!p0 $0x1082;
	s9 =	sld [smem:$0x3FAC]  }
0x2f: {  	lr =	sadd.s32 s0, s3;
	s0 =	sld [smem:$0x3FA3]  }
0x30: {  	s3 =	sld [smem:$0x3FA6]  }
0x31: {  	[smem:$0x3FAF] =	sst s10  }
0x32: {  	s10 =	sld [smem:$0x3FAD];
	_ =	sdelay $0x3  }
0x33: {  	p0 =	seq.s32 s10, $0x1;
	s10 =	sld [smem:$0x3FAF];
	_ =	sdelay $0x3  }
0x34: {  	[smem:$0x3FAF] =	sst s10  }
0x35: {  	s10 =	sld [smem:$0x3FAE];
	_ =	sdelay $0x3  }
0x36: {  	p1 =	seq.s32 s10, $0x1;
	s10 =	sld [smem:$0x3FAF];
	_ =	sdelay $0x3  }
0x37: {  	[smem:$0x3FAF] =	sst s10  }
0x38: {  	s10 =	sld [smem:$0x3FB0]  }
0x39: {  	_ = 	snop;
	(pc) =	sbr.ind lr, $3  }
0x3a: {  	_ = 	snop  }
0x3b: {  	_ = 	snop  }
0x3c: {  	p2 =	seq.s32 s10, $0x1;
	s10 =	sld [smem:$0x3FAF]  }
0x3d: {  	_ =	shalt  }
0x3e: {  	_ =	shalt  }
0x3f: {  	_ =	shalt  }
0x40: {  	_ =	shalt  }
0x41: {  	_ =	shalt  }
0x42: {  	_ =	shalt  }
0x43: {  	_ =	shalt  }
0x44: {  	_ =	shalt  }
0x45: {  	_ =	shalt  }
0x46: {  	_ =	shalt  }
0x47: {  	_ =	shalt  }
0x48: {  	_ =	shalt  }
0x49: {  	_ =	shalt  }
0x4a: {  	_ =	shalt  }
0x4b: {  	_ =	shalt  }
0x4c: {  	_ =	shalt  }
0x4d: {  	_ =	shalt  }
0x4e: {  	_ =	shalt  }
0x4f: {  	_ =	shalt  }
0x50: {  	_ =	shalt  }
0x51: {  	_ =	shalt  }
0x52: {  	_ =	shalt  }
0x53: {  	_ =	shalt  }
0x54: {  	_ =	shalt  }
0x55: {  	_ =	shalt  }
0x56: {  	_ =	shalt  }
0x57: {  	_ =	shalt  }
0x58: {  	_ =	shalt  }
0x59: {  	_ =	shalt  }
0x5a: {  	_ =	shalt  }
0x5b: {  	_ =	shalt  }
0x5c: {  	_ =	shalt  }
0x5d: {  	_ =	shalt  }
0x5e: {  	_ =	shalt  }
0x5f: {  	_ =	shalt  }
0x60: {  	_ =	shalt  }
0x61: {  	_ =	shalt  }
0x62: {  	_ =	shalt  }
0x63: {  	_ =	shalt  }
0x64: {  	_ =	shalt  }
0x65: {  	_ =	shalt  }
0x66: {  	_ =	shalt  }
0x67: {  	_ =	shalt  }
0x68: {  	_ =	shalt  }
0x69: {  	_ =	shalt  }
0x6a: {  	_ =	shalt  }
0x6b: {  	_ =	shalt  }
0x6c: {  	_ =	shalt  }
0x6d: {  	_ =	shalt  }
0x6e: {  	_ =	shalt  }
0x6f: {  	_ =	shalt  }
0x70: {  	_ =	shalt  }
0x71: {  	_ =	shalt  }
0x72: {  	_ =	shalt  }
0x73: {  	_ =	shalt  }
0x74: {  	_ =	shalt  }
0x75: {  	_ =	shalt  }
0x76: {  	_ =	shalt  }
0x77: {  	_ =	shalt  }
0x78: {  	_ =	shalt  }
0x79: {  	_ =	shalt  }
0x7a: {  	_ =	shalt  }
0x7b: {  	_ =	shalt  }
0x7c: {  	_ =	shalt  }
0x7d: {  	_ =	shalt  }
0x7e: {  	_ =	shalt  }
0x7f: {  	_ =	shalt  }
0x80: {  	_ =	shalt  }
0x81: {  	_ =	shalt  }
0x82: {  	_ =	shalt  }
0x83: {  	_ =	shalt  }
0x84: {  	_ =	shalt  }
0x85: {  	_ =	shalt  }
0x86: {  	_ =	shalt  }
0x87: {  	_ =	shalt  }
.Lfunc_end0:
.L_simem_size_0:
called_computation.2_lowered:
.L_overlay_start_0:
0x88: {  	s2 =	sld [smem:$0x3FD9]  }
0x89: {  	s3 =	sld [smem:$0x3FFE];
	_ =	sdelay $0x1  }
0x8a: {  	s1 =	srdreg.scid  }
0x8b: {  	s0 =	sand.u32 $0x1, s1  }
0x8c: {  	s16 =	sshll.u32 s0, $0xA;
	s2 =	sadd.s32 s3, s2  }
0x8d: {  	s2 =	sadd.s32 s2, s16  }
0x8e: {  	[smem:$0x3FBB] =	sst s2  }
0x8f: {  	_ = 	snop  }
0x90: {  	(tm) =	ssettm $0x1  }
0x91: {  	s17 =	sld [smem:$0x3FFB];
	_ =	sdelay $0x3  }
0x92: {  	_ =	strace s17  }
0x93: {  	s2 =	sld [smem:$0x3FFC];
	_ =	sdelay $0x3  }
0x94: {  	_ =	strace s2  }
0x95: {  	s2 =	sld [smem:$0x3FFD];
	_ =	sdelay $0x3  }
0x96: {  	_ =	strace s2  }
0x97: {  	_ =	strace $0x8FFFFFFF  }
0x98: {  	s18 =	sld [smem:$0x3FDB];
	_ =	sdelay $0x1  }
0x99: {  	s19 =	simm.s32 $_scs_section_size  }
0x9a: {  	s4 =	simm.s32 $_size__tile_overlayer_lowered;
	s5 =	simm.s32 $_tile_overlayer_lowered  }
0x9b: {  	s22 =	simm.s32 $0x1BFF;
	s21 =	sshll.u32 s5, $0x1;
	s2 =	sadd.s32 s19, s18  }
0x9c: {  	s6 =	simm.s32 $0x0;
	s20 =	sshll.u32 s4, $0x1;
	s4 =	sadd.s32 s21, s2  }
0x9d: {  	[timem:s6], [sflag:s22] =	dma.local [hbm:s4], s20  }
0x9e: {  	_ =	swait.ge [sflag:s22], s20  }
0x9f: {  	s3 =	ssub.s32 $0x0, s20;
	[sflag:s22] =	ssyncset.done $0x0  }
0xa0: {  	[sflag:s22] =	ssyncadd.s32 s3;
	_ =	sdelay $0x1  }
0xa1: {  	s23 =	simm.s32 $0x1B8B  }
0xa2: {  	_ =	swait.ge [sflag:s23], $0x1  }
0xa3: {  	[sflag:s23] =	ssyncset.done $0x0  }
0xa4: {  	s25 =	simm.s32 $0x1B8E;
	s24 =	sld [smem:$0x3FFE];
	[sflag:s23] =	ssyncadd.s32 $0xFFFFFFFF  }
0xa5: {  	s26 =	simm.s32 $execute0_lowered;
	[smem:$0x3FD2] =	sst s25  }
0xa6: {  	s4 =	sshll.u32 s26, $0x1;
	_ =	strace $0x8000004C;
	[dreg:$0x1] =	wrdreg $0xFFFFFFFF  }
0xa7: {  	s28 =	simm.s32 $_size_execute0_lowered;
	s2 =	sadd.s32 s2, s4;
	[dreg:$0x0] =	wrdreg $0x0  }
0xa8: {  	s4 =	sshll.u32 s28, $0x1;
	[dreg:$0x2] =	wrdreg s2  }
0xa9: {  	[dreg:$0x3] =	wrdreg s4  }
0xaa: {  	[dreg:$0x4] =	wrdreg $0xC0  }
0xab: {  	_ =	task [dreg:s6], $0x5FFFF  }
0xac: {  	[dreg:$0x1] =	wrdreg $0xFFFFFFFF  }
0xad: {  	[dreg:$0x0] =	wrdreg $0x60  }
0xae: {  	[dreg:$0x2] =	wrdreg s24  }
0xaf: {  	[dreg:$0x3] =	wrdreg $0xC0000  }
0xb0: {  	[dreg:$0x4] =	wrdreg $0x9  }
0xb1: {  	_ =	task.clear_ibuf [dreg:s6], $0x5FFFF;
	_ =	strace $0x9000004C  }
0xb2: {  	s29 =	simm.s32 $0x9;
	_ =	strace $0x8000004E  }
0xb3: {  	_ =	swait.ge [sflag:s29], $0x1  }
0xb4: {  	[sflag:s29] =	ssyncadd.s32 $0xFFFFFFFF  }
0xb5: {  	_ =	strace $0x9000004E  }
0xb6: {  	_ =	sfence  }
0xb7: {  	s30 =	sld [smem:$0x0];
	_ =	sdelay $0x2  }
0xb8: {  	s31 =	sshll.u32 s1, $0xD;
	s1 =	sshrl.u32 s1, $0x2  }
0xb9: {  	s3 =	sand.u32 $0x4000, s31;
	s1 =	sadd.s32 s1, s30  }
0xba: {  	s0 =	sor.u32 s3, s0;
	s1 =	sshll.u32 s1, $0x11  }
0xbb: {  	s0 =	sor.u32 s1, s0  }
0xbc: {  	s0 =	sadd.s32 $0x8F2B, s0  }
0xbd: {  	[sflag:s0] =	ssyncadd.remote.s32 $0x1  }
0xbe: {  	_ =	sfence.sel $0xFFFF  }
0xbf: {  	[dreg:$0x0] =	wrdreg $0xFFFFFFFF;
	(pc) =	sbr.abs _section_cstart, $3  }
0xc0: {  	[dreg:$0x1] =	wrdreg $0xFFFFFFFF  }
0xc1: {  	_ =	task.clear_ibuf [dreg:s6], $0x2FFFF;
	_ =	strace $0x9FFFFFFF  }
0xc2: {  	(tm) =	ssettm $0x7FFFFFFF  }
0xc3: {  	_ =	shalt  }
tec
execute0_lowered:
.L_overlay_start_1:
0x0: {  	(tag) =	ssettag $0x1  }
0x1: {  	s0 =	rddreg [dreg:$0x0]  }
0x2: {  	s2 =	rddreg [dreg:$0x1];
	s3 =	simm.s32 $0x0;
	s12 =	stileid.u32  }
0x3: {  	s1 =	srdreg.scid;
	s28 =	simm.s32 $0x100;
	s30 =	simm.s32 $0x4  }
0x4: {  	s14 =	simm.s32 $0x2280;
	s29 =	simm.s32 $0x300;
	s31 =	simm.s32 $0x2300  }
0x5: {  	[smem:$0x7FF] =	sst s3;
	s5 =	smul.u32 $0x13C00, s12;
	s1 =	sand.u32 $0x1, s1  }
0x6: {  	s4 =	sadd.s32 $0x3FE00, s0;
	s7 =	sadd.s32 $0x4600, s0;
	s8 =	sadd.s32 $0xE600, s0  }
0x7: {  	s10 =	smul.u32 $0x4F000, s12;
	s17 =	sshll.u32 s12, $0x6;
	s18 =	sshll.u32 s12, $0xB  }
0x8: {  	s12 =	sshll.u32 s12, $0x9;
	_ =	strace $0x8000004D;
	s6 =	smul.u32 $0x13C000, s1  }
0x9: {  	s15 =	ssub.s32 $0x2, s1;
	p0 =	seq.s32 s1, $0x1;
	s19 =	sadd.s32 s7, s18  }
0xa: {  	s20 =	sor.u32 $0x400, s18;
	s1 =	sadd.s32 s8, s18;
	s22 =	sor.u32 $0x8000, s12  }
0xb: {  	s24 =	sor.u32 $0x8100, s12;
	s18 =	simm.s32 $0x5;
	s12 =	simm.s32 $0x2000  }
0xc: {  	s9 =	sshrl.u32 s5, $0x3;
	s11 =	sshrl.u32 s15, $0x1;
	[dreg:$0x3] =	wrdreg s19  }
0xd: {  	s16 =	sshrl.u32 s10, $0x2;
	[dreg:$0x4] =	wrdreg s1;
	s21 =	sadd.s32 s7, s20  }
0xe: {  	s23 =	sadd.s32 s7, s22;
	s1 =	sadd.s32 s8, s22;
	s25 =	sadd.s32 s7, s24  }
0xf: {  	s26 =	sadd.s32 s8, s24;
	s22 =	simm.s32 $0x1;
	[dreg:$0x5] =	wrdreg s21  }
0x10: {  	s24 =	simm.s32 $0x2;
	s19 =	simm.s32 $0x400;
	[dreg:$0x7] =	wrdreg s23  }
0x11: {  	s5 =	sadd.s32 s5, s6;
	s9 =	sadd.s32 s9, s0;
	[dreg:$0x8] =	wrdreg s1  }
0x12: {  	s11 =	ssub.s32 s15, s11;
	s10 =	sadd.s32 s16, s2;
	[dreg:$0x9] =	wrdreg s25  }
0x13: {  	s6 =	sor.u32 $0x1C05, s17;
	[dreg:$0xa] =	wrdreg s26;
	s21 =	simm.s32 $0x4000  }
0x14: {  	s23 =	simm.s32 $0x8000;
	s26 =	simm.s32 $0x3;
	s1 =	simm.s32 $0x0  }
.Ltmp0:
0x15: {  	s25 =	simm.s32 $0x200;
	s17 =	simm.s32 $0x2000;
	(pc) =	sbr.rel .LBB2_1-.Ltmp0, $4  }
0x16: {  	s16 =	simm.s32 $0x380;
	s15 =	simm.s32 $0x2380;
	s5 =	sshrl.u32 s5, $0x3  }
0x17: {  	s11 =	smax.u32 s11, $0x1;
	s13 =	sshrl.u32 s10, $0x3;
	s10 =	simm.s32 $0x2080  }
0x18: {  	s0 =	sadd.s32 s5, s0;
	s5 =	sadd.s32 $0x18600, s9;
	s9 =	sadd.s32 s8, s20  }
0x19: {  	s20 =	simm.s32 $0x80;
	[dreg:$0x6] =	wrdreg s9;
	s0 =	sadd.s32 $0x67000, s0  }
.LBB2_8:
0x1a: {  	s7 =	rddreg [dreg:$0x7]  }
0x1b: {  	[tilespmem:s3], [sflag:$0x5] =	stream.linear.gather [hbm4b:s7+s3], $0x800, $0x38;
	[tilespmem:$0x1FC00] =	vst v63  }
0x1c: {  	_ =	swait.ge [sflag:s18], $0x800  }
0x1d: {  	[sflag:s18] =	ssyncset.done $0x0  }
0x1e: {  	s9 =	rddreg [dreg:$0x8];
	[sflag:s18] =	ssyncadd.s32 $0xFFFFF800  }
0x1f: {  	[tilespmem:s12], [sflag:$0x5] =	stream.linear.gather [hbm4b:s9+s3], $0x800, $0x38;
	[tilespmem:$0x1FC00] =	vst v63  }
0x20: {  	_ =	swait.ge [sflag:s18], $0x800  }
0x21: {  	[sflag:s18] =	ssyncset.done $0x0  }
0x22: {  	[sflag:s18] =	ssyncadd.s32 $0xFFFFF800  }
0x23: {  	[tilespmem:s21], [sflag:$0x1] =	stream.indirect.gather [hbm4b:s4+s20], $0x80, s3, s20, $0xb8;
	[tilespmem:$0x1FC00] =	vst v63  }
0x24: {  	_ =	swait.ge [sflag:s22], $0x4000  }
0x25: {  	[sflag:s22] =	ssyncset.done $0x0  }
0x26: {  	[sflag:s22] =	ssyncadd.s32 $0xFFFFC000  }
0x27: {  	[spmem:s2] =	stream.indirect.scatter.add.f32 [tilespmem:s21], [sflag:$0x3], $0x80, s12, s20, $0xb8;
	[tilespmem:$0x1FC00] =	vst v63  }
0x28: {  	_ = 	snop  }
0x29: {  	[tilespmem:s23], [sflag:$0x2] =	stream.indirect.gather [hbm4b:s4+s20], $0x80, s20, s20, $0xb8;
	[tilespmem:$0x1FC00] =	vst v63  }
0x2a: {  	_ =	swait.ge [sflag:s24], $0x4000  }
0x2b: {  	[sflag:s24] =	ssyncset.done $0x0  }
0x2c: {  	[sflag:s24] =	ssyncadd.s32 $0xFFFFC000  }
0x2d: {  	[spmem:s2] =	stream.indirect.scatter.add.f32 [tilespmem:s23], [sflag:$0x4], $0x80, s10, s20, $0xb8;
	[tilespmem:$0x1FC00] =	vst v63  }
0x2e: {  	_ =	swait.ge [sflag:s26], $0x4000  }
0x2f: {  	[sflag:s26] =	ssyncset.done $0x0  }
0x30: {  	[sflag:s26] =	ssyncadd.s32 $0xFFFFC000  }
0x31: {  	[tilespmem:s21], [sflag:$0x1] =	stream.indirect.gather [hbm4b:s4+s20], $0x80, s28, s20, $0xb8;
	[tilespmem:$0x1FC00] =	vst v63  }
0x32: {  	_ =	swait.ge [sflag:s22], $0x4000  }
0x33: {  	[sflag:s22] =	ssyncset.done $0x0  }
0x34: {  	s8 =	simm.s32 $0x2100;
	[sflag:s22] =	ssyncadd.s32 $0xFFFFC000  }
0x35: {  	[spmem:s2] =	stream.indirect.scatter.add.f32 [tilespmem:s21], [sflag:$0x3], $0x80, s8, s20, $0xb8;
	[tilespmem:$0x1FC00] =	vst v63  }
0x36: {  	_ =	swait.ge [sflag:s30], $0x4000  }
0x37: {  	[sflag:s30] =	ssyncset.done $0x0  }
0x38: {  	s9 =	simm.s32 $0x180;
	[sflag:s30] =	ssyncadd.s32 $0xFFFFC000  }
0x39: {  	[tilespmem:s23], [sflag:$0x2] =	stream.indirect.gather [hbm4b:s4+s20], $0x80, s9, s20, $0xb8;
	[tilespmem:$0x1FC00] =	vst v63  }
0x3a: {  	_ =	swait.ge [sflag:s24], $0x4000  }
0x3b: {  	[sflag:s24] =	ssyncset.done $0x0  }
0x3c: {  	s10 =	simm.s32 $0x2180;
	[sflag:s24] =	ssyncadd.s32 $0xFFFFC000  }
0x3d: {  	[spmem:s2] =	stream.indirect.scatter.add.f32 [tilespmem:s23], [sflag:$0x4], $0x80, s10, s20, $0xb8;
	[tilespmem:$0x1FC00] =	vst v63  }
0x3e: {  	_ =	swait.ge [sflag:s26], $0x4000  }
0x3f: {  	[sflag:s26] =	ssyncset.done $0x0  }
0x40: {  	[sflag:s26] =	ssyncadd.s32 $0xFFFFC000  }
0x41: {  	[tilespmem:s21], [sflag:$0x1] =	stream.indirect.gather [hbm4b:s4+s20], $0x80, s25, s20, $0xb8;
	[tilespmem:$0x1FC00] =	vst v63  }
0x42: {  	_ =	swait.ge [sflag:s22], $0x4000  }
0x43: {  	[sflag:s22] =	ssyncset.done $0x0  }
0x44: {  	s12 =	simm.s32 $0x2200;
	[sflag:s22] =	ssyncadd.s32 $0xFFFFC000  }
0x45: {  	[spmem:s2] =	stream.indirect.scatter.add.f32 [tilespmem:s21], [sflag:$0x3], $0x80, s12, s20, $0xb8;
	[tilespmem:$0x1FC00] =	vst v63  }
0x46: {  	_ =	swait.ge [sflag:s30], $0x4000  }
0x47: {  	[sflag:s30] =	ssyncset.done $0x0  }
0x48: {  	s7 =	simm.s32 $0x280;
	[sflag:s30] =	ssyncadd.s32 $0xFFFFC000  }
0x49: {  	[tilespmem:s23], [sflag:$0x2] =	stream.indirect.gather [hbm4b:s4+s20], $0x80, s7, s20, $0xb8;
	[tilespmem:$0x1FC00] =	vst v63  }
0x4a: {  	_ =	swait.ge [sflag:s24], $0x4000  }
0x4b: {  	[sflag:s24] =	ssyncset.done $0x0  }
0x4c: {  	[sflag:s24] =	ssyncadd.s32 $0xFFFFC000  }
0x4d: {  	[spmem:s2] =	stream.indirect.scatter.add.f32 [tilespmem:s23], [sflag:$0x4], $0x80, s14, s20, $0xb8;
	[tilespmem:$0x1FC00] =	vst v63  }
0x4e: {  	_ =	swait.ge [sflag:s26], $0x4000  }
0x4f: {  	[sflag:s26] =	ssyncset.done $0x0  }
0x50: {  	[sflag:s26] =	ssyncadd.s32 $0xFFFFC000  }
0x51: {  	[tilespmem:s21], [sflag:$0x1] =	stream.indirect.gather [hbm4b:s4+s20], $0x80, s29, s20, $0xb8;
	[tilespmem:$0x1FC00] =	vst v63  }
0x52: {  	_ =	swait.ge [sflag:s22], $0x4000  }
0x53: {  	[sflag:s22] =	ssyncset.done $0x0  }
0x54: {  	[sflag:s22] =	ssyncadd.s32 $0xFFFFC000  }
0x55: {  	[spmem:s2] =	stream.indirect.scatter.add.f32 [tilespmem:s21], [sflag:$0x3], $0x80, s31, s20, $0xb8;
	[tilespmem:$0x1FC00] =	vst v63  }
0x56: {  	_ =	swait.ge [sflag:s30], $0x4000  }
0x57: {  	[sflag:s30] =	ssyncset.done $0x0  }
0x58: {  	[sflag:s30] =	ssyncadd.s32 $0xFFFFC000  }
0x59: {  	[tilespmem:s23], [sflag:$0x2] =	stream.indirect.gather [hbm4b:s4+s20], $0x80, s16, s20, $0xb8;
	[tilespmem:$0x1FC00] =	vst v63  }
0x5a: {  	_ =	swait.ge [sflag:s24], $0x4000  }
0x5b: {  	[sflag:s24] =	ssyncset.done $0x0  }
0x5c: {  	[sflag:s24] =	ssyncadd.s32 $0xFFFFC000  }
0x5d: {  	[spmem:s2] =	stream.indirect.scatter.add.f32 [tilespmem:s23], [sflag:$0x4], $0x80, s15, s20, $0xb8;
	[tilespmem:$0x1FC00] =	vst v63  }
0x5e: {  	_ =	swait.ge [sflag:s26], $0x4000  }
0x5f: {  	[sflag:s26] =	ssyncset.done $0x0  }
0x60: {  	[sflag:s26] =	ssyncadd.s32 $0xFFFFC000  }
0x61: {  	[tilespmem:s21], [sflag:$0x1] =	stream.indirect.gather [hbm4b:s4+s20], $0x80, s19, s20, $0xb8;
	[tilespmem:$0x1FC00] =	vst v63  }
0x62: {  	_ =	swait.ge [sflag:s22], $0x4000  }
0x63: {  	[sflag:s22] =	ssyncset.done $0x0  }
0x64: {  	s7 =	simm.s32 $0x2400;
	[sflag:s22] =	ssyncadd.s32 $0xFFFFC000  }
0x65: {  	[spmem:s2] =	stream.indirect.scatter.add.f32 [tilespmem:s21], [sflag:$0x3], $0x80, s7, s20, $0xb8;
	[tilespmem:$0x1FC00] =	vst v63  }
0x66: {  	_ =	swait.ge [sflag:s30], $0x4000  }
0x67: {  	[sflag:s30] =	ssyncset.done $0x0  }
0x68: {  	s7 =	simm.s32 $0x480;
	[sflag:s30] =	ssyncadd.s32 $0xFFFFC000  }
0x69: {  	[tilespmem:s23], [sflag:$0x2] =	stream.indirect.gather [hbm4b:s4+s20], $0x80, s7, s20, $0xb8;
	[tilespmem:$0x1FC00] =	vst v63  }
0x6a: {  	_ =	swait.ge [sflag:s24], $0x4000  }
0x6b: {  	[sflag:s24] =	ssyncset.done $0x0  }
0x6c: {  	s7 =	simm.s32 $0x2480;
	[sflag:s24] =	ssyncadd.s32 $0xFFFFC000  }
0x6d: {  	[spmem:s2] =	stream.indirect.scatter.add.f32 [tilespmem:s23], [sflag:$0x4], $0x80, s7, s20, $0xb8;
	[tilespmem:$0x1FC00] =	vst v63  }
0x6e: {  	_ =	swait.ge [sflag:s26], $0x4000  }
0x6f: {  	[sflag:s26] =	ssyncset.done $0x0  }
0x70: {  	s7 =	simm.s32 $0x500;
	[sflag:s26] =	ssyncadd.s32 $0xFFFFC000  }
0x71: {  	[tilespmem:s21], [sflag:$0x1] =	stream.indirect.gather [hbm4b:s4+s20], $0x80, s7, s20, $0xb8;
	[tilespmem:$0x1FC00] =	vst v63  }
0x72: {  	_ =	swait.ge [sflag:s22], $0x4000  }
0x73: {  	[sflag:s22] =	ssyncset.done $0x0  }
0x74: {  	s7 =	simm.s32 $0x2500;
	[sflag:s22] =	ssyncadd.s32 $0xFFFFC000  }
0x75: {  	[spmem:s2] =	stream.indirect.scatter.add.f32 [tilespmem:s21], [sflag:$0x3], $0x80, s7, s20, $0xb8;
	[tilespmem:$0x1FC00] =	vst v63  }
0x76: {  	_ =	swait.ge [sflag:s30], $0x4000  }
0x77: {  	[sflag:s30] =	ssyncset.done $0x0  }
0x78: {  	s7 =	simm.s32 $0x580;
	[sflag:s30] =	ssyncadd.s32 $0xFFFFC000  }
0x79: {  	[tilespmem:s23], [sflag:$0x2] =	stream.indirect.gather [hbm4b:s4+s20], $0x80, s7, s20, $0xb8;
	[tilespmem:$0x1FC00] =	vst v63  }
0x7a: {  	_ =	swait.ge [sflag:s24], $0x4000  }
0x7b: {  	[sflag:s24] =	ssyncset.done $0x0  }
0x7c: {  	s7 =	simm.s32 $0x2580;
	[sflag:s24] =	ssyncadd.s32 $0xFFFFC000  }
0x7d: {  	[spmem:s2] =	stream.indirect.scatter.add.f32 [tilespmem:s23], [sflag:$0x4], $0x80, s7, s20, $0xb8;
	[tilespmem:$0x1FC00] =	vst v63  }
0x7e: {  	_ =	swait.ge [sflag:s26], $0x4000  }
0x7f: {  	[sflag:s26] =	ssyncset.done $0x0  }
0x80: {  	s7 =	simm.s32 $0x600;
	[sflag:s26] =	ssyncadd.s32 $0xFFFFC000  }
0x81: {  	[tilespmem:s21], [sflag:$0x1] =	stream.indirect.gather [hbm4b:s4+s20], $0x80, s7, s20, $0xb8;
	[tilespmem:$0x1FC00] =	vst v63  }
0x82: {  	_ =	swait.ge [sflag:s22], $0x4000  }
0x83: {  	[sflag:s22] =	ssyncset.done $0x0  }
0x84: {  	s7 =	simm.s32 $0x2600;
	[sflag:s22] =	ssyncadd.s32 $0xFFFFC000  }
0x85: {  	[spmem:s2] =	stream.indirect.scatter.add.f32 [tilespmem:s21], [sflag:$0x3], $0x80, s7, s20, $0xb8;
	[tilespmem:$0x1FC00] =	vst v63  }
0x86: {  	_ =	swait.ge [sflag:s30], $0x4000  }
0x87: {  	[sflag:s30] =	ssyncset.done $0x0  }
0x88: {  	s7 =	simm.s32 $0x680;
	[sflag:s30] =	ssyncadd.s32 $0xFFFFC000  }
0x89: {  	[tilespmem:s23], [sflag:$0x2] =	stream.indirect.gather [hbm4b:s4+s20], $0x80, s7, s20, $0xb8;
	[tilespmem:$0x1FC00] =	vst v63  }
0x8a: {  	_ =	swait.ge [sflag:s24], $0x4000  }
0x8b: {  	[sflag:s24] =	ssyncset.done $0x0  }
0x8c: {  	s7 =	simm.s32 $0x2680;
	[sflag:s24] =	ssyncadd.s32 $0xFFFFC000  }
0x8d: {  	[spmem:s2] =	stream.indirect.scatter.add.f32 [tilespmem:s23], [sflag:$0x4], $0x80, s7, s20, $0xb8;
	[tilespmem:$0x1FC00] =	vst v63  }
0x8e: {  	_ =	swait.ge [sflag:s26], $0x4000  }
0x8f: {  	[sflag:s26] =	ssyncset.done $0x0  }
0x90: {  	s7 =	simm.s32 $0x700;
	[sflag:s26] =	ssyncadd.s32 $0xFFFFC000  }
0x91: {  	[tilespmem:s21], [sflag:$0x1] =	stream.indirect.gather [hbm4b:s4+s20], $0x80, s7, s20, $0xb8;
	[tilespmem:$0x1FC00] =	vst v63  }
0x92: {  	_ =	swait.ge [sflag:s22], $0x4000  }
0x93: {  	[sflag:s22] =	ssyncset.done $0x0  }
0x94: {  	s7 =	simm.s32 $0x2700;
	[sflag:s22] =	ssyncadd.s32 $0xFFFFC000  }
0x95: {  	[spmem:s2] =	stream.indirect.scatter.add.f32 [tilespmem:s21], [sflag:$0x3], $0x80, s7, s20, $0xb8;
	[tilespmem:$0x1FC00] =	vst v63  }
0x96: {  	_ =	swait.ge [sflag:s30], $0x4000  }
0x97: {  	[sflag:s30] =	ssyncset.done $0x0  }
0x98: {  	s7 =	simm.s32 $0x780;
	[sflag:s30] =	ssyncadd.s32 $0xFFFFC000  }
0x99: {  	[tilespmem:s23], [sflag:$0x2] =	stream.indirect.gather [hbm4b:s4+s20], $0x80, s7, s20, $0xb8;
	[tilespmem:$0x1FC00] =	vst v63  }
0x9a: {  	_ =	swait.ge [sflag:s24], $0x4000  }
0x9b: {  	[sflag:s24] =	ssyncset.done $0x0  }
0x9c: {  	s7 =	simm.s32 $0x2780;
	[sflag:s24] =	ssyncadd.s32 $0xFFFFC000  }
0x9d: {  	[spmem:s2] =	stream.indirect.scatter.add.f32 [tilespmem:s23], [sflag:$0x4], $0x80, s7, s20, $0xb8;
	[tilespmem:$0x1FC00] =	vst v63  }
0x9e: {  	_ =	swait.ge [sflag:s26], $0x4000  }
0x9f: {  	[sflag:s26] =	ssyncset.done $0x0  }
0xa0: {  	[sflag:s26] =	ssyncadd.s32 $0xFFFFC000  }
0xa1: {  	_ =	swait.ge [sflag:s30], $0x4000  }
0xa2: {  	[sflag:s30] =	ssyncset.done $0x0  }
0xa3: {  	s7 =	rddreg [dreg:$0x9];
	[sflag:s30] =	ssyncadd.s32 $0xFFFFC000  }
0xa4: {  	[tilespmem:s3], [sflag:$0x5] =	stream.linear.gather [hbm4b:s7+s3], $0x800, $0x38;
	[tilespmem:$0x1FC00] =	vst v63  }
0xa5: {  	_ =	swait.ge [sflag:s18], $0x800  }
0xa6: {  	[sflag:s18] =	ssyncset.done $0x0  }
0xa7: {  	s7 =	rddreg [dreg:$0xa];
	[sflag:s18] =	ssyncadd.s32 $0xFFFFF800  }
0xa8: {  	[tilespmem:s17], [sflag:$0x5] =	stream.linear.gather [hbm4b:s7+s3], $0x800, $0x38;
	[tilespmem:$0x1FC00] =	vst v63  }
0xa9: {  	_ =	swait.ge [sflag:s18], $0x800  }
0xaa: {  	[sflag:s18] =	ssyncset.done $0x0  }
0xab: {  	[sflag:s18] =	ssyncadd.s32 $0xFFFFF800  }
0xac: {  	[tilespmem:s21], [sflag:$0x1] =	stream.indirect.gather [hbm4b:s4+s20], $0x80, s3, s20, $0xb8;
	[tilespmem:$0x1FC00] =	vst v63  }
0xad: {  	_ =	swait.ge [sflag:s22], $0x4000  }
0xae: {  	[sflag:s22] =	ssyncset.done $0x0  }
0xaf: {  	[sflag:s22] =	ssyncadd.s32 $0xFFFFC000  }
0xb0: {  	[spmem:s2] =	stream.indirect.scatter.add.f32 [tilespmem:s21], [sflag:$0x3], $0x80, s17, s20, $0xb8;
	[tilespmem:$0x1FC00] =	vst v63  }
0xb1: {  	_ = 	snop  }
0xb2: {  	[tilespmem:s23], [sflag:$0x2] =	stream.indirect.gather [hbm4b:s4+s20], $0x80, s20, s20, $0xb8;
	[tilespmem:$0x1FC00] =	vst v63  }
0xb3: {  	_ =	swait.ge [sflag:s24], $0x4000  }
0xb4: {  	[sflag:s24] =	ssyncset.done $0x0  }
0xb5: {  	s28 =	simm.s32 $0x2080;
	[sflag:s24] =	ssyncadd.s32 $0xFFFFC000  }
0xb6: {  	[spmem:s2] =	stream.indirect.scatter.add.f32 [tilespmem:s23], [sflag:$0x4], $0x80, s28, s20, $0xb8;
	[tilespmem:$0x1FC00] =	vst v63  }
0xb7: {  	_ =	swait.ge [sflag:s26], $0x4000  }
0xb8: {  	[sflag:s26] =	ssyncset.done $0x0  }
0xb9: {  	s28 =	simm.s32 $0x100;
	[sflag:s26] =	ssyncadd.s32 $0xFFFFC000  }
0xba: {  	[tilespmem:s21], [sflag:$0x1] =	stream.indirect.gather [hbm4b:s4+s20], $0x80, s28, s20, $0xb8;
	[tilespmem:$0x1FC00] =	vst v63  }
0xbb: {  	_ =	swait.ge [sflag:s22], $0x4000  }
0xbc: {  	[sflag:s22] =	ssyncset.done $0x0  }
0xbd: {  	[sflag:s22] =	ssyncadd.s32 $0xFFFFC000  }
0xbe: {  	[spmem:s2] =	stream.indirect.scatter.add.f32 [tilespmem:s21], [sflag:$0x3], $0x80, s8, s20, $0xb8;
	[tilespmem:$0x1FC00] =	vst v63  }
0xbf: {  	_ =	swait.ge [sflag:s30], $0x4000  }
0xc0: {  	[sflag:s30] =	ssyncset.done $0x0  }
0xc1: {  	[sflag:s30] =	ssyncadd.s32 $0xFFFFC000  }
0xc2: {  	[tilespmem:s23], [sflag:$0x2] =	stream.indirect.gather [hbm4b:s4+s20], $0x80, s9, s20, $0xb8;
	[tilespmem:$0x1FC00] =	vst v63  }
0xc3: {  	_ =	swait.ge [sflag:s24], $0x4000  }
0xc4: {  	[sflag:s24] =	ssyncset.done $0x0  }
0xc5: {  	[sflag:s24] =	ssyncadd.s32 $0xFFFFC000  }
0xc6: {  	[spmem:s2] =	stream.indirect.scatter.add.f32 [tilespmem:s23], [sflag:$0x4], $0x80, s10, s20, $0xb8;
	[tilespmem:$0x1FC00] =	vst v63  }
0xc7: {  	_ =	swait.ge [sflag:s26], $0x4000  }
0xc8: {  	[sflag:s26] =	ssyncset.done $0x0  }
0xc9: {  	[sflag:s26] =	ssyncadd.s32 $0xFFFFC000  }
0xca: {  	[tilespmem:s21], [sflag:$0x1] =	stream.indirect.gather [hbm4b:s4+s20], $0x80, s25, s20, $0xb8;
	[tilespmem:$0x1FC00] =	vst v63  }
0xcb: {  	_ =	swait.ge [sflag:s22], $0x4000  }
0xcc: {  	[sflag:s22] =	ssyncset.done $0x0  }
0xcd: {  	[sflag:s22] =	ssyncadd.s32 $0xFFFFC000  }
0xce: {  	[spmem:s2] =	stream.indirect.scatter.add.f32 [tilespmem:s21], [sflag:$0x3], $0x80, s12, s20, $0xb8;
	[tilespmem:$0x1FC00] =	vst v63  }
0xcf: {  	_ =	swait.ge [sflag:s30], $0x4000  }
0xd0: {  	[sflag:s30] =	ssyncset.done $0x0  }
0xd1: {  	s8 =	simm.s32 $0x280;
	[sflag:s30] =	ssyncadd.s32 $0xFFFFC000  }
0xd2: {  	[tilespmem:s23], [sflag:$0x2] =	stream.indirect.gather [hbm4b:s4+s20], $0x80, s8, s20, $0xb8;
	[tilespmem:$0x1FC00] =	vst v63  }
0xd3: {  	_ =	swait.ge [sflag:s24], $0x4000  }
0xd4: {  	[sflag:s24] =	ssyncset.done $0x0  }
0xd5: {  	[sflag:s24] =	ssyncadd.s32 $0xFFFFC000  }
0xd6: {  	[spmem:s2] =	stream.indirect.scatter.add.f32 [tilespmem:s23], [sflag:$0x4], $0x80, s14, s20, $0xb8;
	[tilespmem:$0x1FC00] =	vst v63  }
0xd7: {  	_ =	swait.ge [sflag:s26], $0x4000  }
0xd8: {  	[sflag:s26] =	ssyncset.done $0x0  }
0xd9: {  	[sflag:s26] =	ssyncadd.s32 $0xFFFFC000  }
0xda: {  	[tilespmem:s21], [sflag:$0x1] =	stream.indirect.gather [hbm4b:s4+s20], $0x80, s29, s20, $0xb8;
	[tilespmem:$0x1FC00] =	vst v63  }
0xdb: {  	_ =	swait.ge [sflag:s22], $0x4000  }
0xdc: {  	[sflag:s22] =	ssyncset.done $0x0  }
0xdd: {  	[sflag:s22] =	ssyncadd.s32 $0xFFFFC000  }
0xde: {  	[spmem:s2] =	stream.indirect.scatter.add.f32 [tilespmem:s21], [sflag:$0x3], $0x80, s31, s20, $0xb8;
	[tilespmem:$0x1FC00] =	vst v63  }
0xdf: {  	_ =	swait.ge [sflag:s30], $0x4000  }
0xe0: {  	[sflag:s30] =	ssyncset.done $0x0  }
0xe1: {  	[sflag:s30] =	ssyncadd.s32 $0xFFFFC000  }
0xe2: {  	[tilespmem:s23], [sflag:$0x2] =	stream.indirect.gather [hbm4b:s4+s20], $0x80, s16, s20, $0xb8;
	[tilespmem:$0x1FC00] =	vst v63  }
0xe3: {  	_ =	swait.ge [sflag:s24], $0x4000  }
0xe4: {  	[sflag:s24] =	ssyncset.done $0x0  }
0xe5: {  	[sflag:s24] =	ssyncadd.s32 $0xFFFFC000  }
0xe6: {  	[spmem:s2] =	stream.indirect.scatter.add.f32 [tilespmem:s23], [sflag:$0x4], $0x80, s15, s20, $0xb8;
	[tilespmem:$0x1FC00] =	vst v63  }
0xe7: {  	_ =	swait.ge [sflag:s26], $0x4000  }
0xe8: {  	[sflag:s26] =	ssyncset.done $0x0  }
0xe9: {  	[sflag:s26] =	ssyncadd.s32 $0xFFFFC000  }
0xea: {  	[tilespmem:s21], [sflag:$0x1] =	stream.indirect.gather [hbm4b:s4+s20], $0x80, s19, s20, $0xb8;
	[tilespmem:$0x1FC00] =	vst v63  }
0xeb: {  	_ =	swait.ge [sflag:s22], $0x4000  }
0xec: {  	[sflag:s22] =	ssyncset.done $0x0  }
0xed: {  	s9 =	simm.s32 $0x2400;
	[sflag:s22] =	ssyncadd.s32 $0xFFFFC000  }
0xee: {  	[spmem:s2] =	stream.indirect.scatter.add.f32 [tilespmem:s21], [sflag:$0x3], $0x80, s9, s20, $0xb8;
	[tilespmem:$0x1FC00] =	vst v63  }
0xef: {  	_ =	swait.ge [sflag:s30], $0x4000  }
0xf0: {  	[sflag:s30] =	ssyncset.done $0x0  }
0xf1: {  	s8 =	simm.s32 $0x480;
	[sflag:s30] =	ssyncadd.s32 $0xFFFFC000  }
0xf2: {  	[tilespmem:s23], [sflag:$0x2] =	stream.indirect.gather [hbm4b:s4+s20], $0x80, s8, s20, $0xb8;
	[tilespmem:$0x1FC00] =	vst v63  }
0xf3: {  	_ =	swait.ge [sflag:s24], $0x4000  }
0xf4: {  	[sflag:s24] =	ssyncset.done $0x0  }
0xf5: {  	s9 =	simm.s32 $0x2480;
	[sflag:s24] =	ssyncadd.s32 $0xFFFFC000  }
0xf6: {  	[spmem:s2] =	stream.indirect.scatter.add.f32 [tilespmem:s23], [sflag:$0x4], $0x80, s9, s20, $0xb8;
	[tilespmem:$0x1FC00] =	vst v63  }
0xf7: {  	_ =	swait.ge [sflag:s26], $0x4000  }
0xf8: {  	[sflag:s26] =	ssyncset.done $0x0  }
0xf9: {  	s8 =	simm.s32 $0x500;
	[sflag:s26] =	ssyncadd.s32 $0xFFFFC000  }
0xfa: {  	[tilespmem:s21], [sflag:$0x1] =	stream.indirect.gather [hbm4b:s4+s20], $0x80, s8, s20, $0xb8;
	[tilespmem:$0x1FC00] =	vst v63  }
0xfb: {  	_ =	swait.ge [sflag:s22], $0x4000  }
0xfc: {  	[sflag:s22] =	ssyncset.done $0x0  }
0xfd: {  	s9 =	simm.s32 $0x2500;
	[sflag:s22] =	ssyncadd.s32 $0xFFFFC000  }
0xfe: {  	[spmem:s2] =	stream.indirect.scatter.add.f32 [tilespmem:s21], [sflag:$0x3], $0x80, s9, s20, $0xb8;
	[tilespmem:$0x1FC00] =	vst v63  }
0xff: {  	_ =	swait.ge [sflag:s30], $0x4000  }
0x100: {  	[sflag:s30] =	ssyncset.done $0x0  }
0x101: {  	s8 =	simm.s32 $0x580;
	[sflag:s30] =	ssyncadd.s32 $0xFFFFC000  }
0x102: {  	[tilespmem:s23], [sflag:$0x2] =	stream.indirect.gather [hbm4b:s4+s20], $0x80, s8, s20, $0xb8;
	[tilespmem:$0x1FC00] =	vst v63  }
0x103: {  	_ =	swait.ge [sflag:s24], $0x4000  }
0x104: {  	[sflag:s24] =	ssyncset.done $0x0  }
0x105: {  	s9 =	simm.s32 $0x2580;
	[sflag:s24] =	ssyncadd.s32 $0xFFFFC000  }
0x106: {  	[spmem:s2] =	stream.indirect.scatter.add.f32 [tilespmem:s23], [sflag:$0x4], $0x80, s9, s20, $0xb8;
	[tilespmem:$0x1FC00] =	vst v63  }
0x107: {  	_ =	swait.ge [sflag:s26], $0x4000  }
0x108: {  	[sflag:s26] =	ssyncset.done $0x0  }
0x109: {  	s8 =	simm.s32 $0x600;
	[sflag:s26] =	ssyncadd.s32 $0xFFFFC000  }
0x10a: {  	[tilespmem:s21], [sflag:$0x1] =	stream.indirect.gather [hbm4b:s4+s20], $0x80, s8, s20, $0xb8;
	[tilespmem:$0x1FC00] =	vst v63  }
0x10b: {  	_ =	swait.ge [sflag:s22], $0x4000  }
0x10c: {  	[sflag:s22] =	ssyncset.done $0x0  }
0x10d: {  	s9 =	simm.s32 $0x2600;
	[sflag:s22] =	ssyncadd.s32 $0xFFFFC000  }
0x10e: {  	[spmem:s2] =	stream.indirect.scatter.add.f32 [tilespmem:s21], [sflag:$0x3], $0x80, s9, s20, $0xb8;
	[tilespmem:$0x1FC00] =	vst v63  }
0x10f: {  	_ =	swait.ge [sflag:s30], $0x4000  }
0x110: {  	[sflag:s30] =	ssyncset.done $0x0  }
0x111: {  	s8 =	simm.s32 $0x680;
	[sflag:s30] =	ssyncadd.s32 $0xFFFFC000  }
0x112: {  	[tilespmem:s23], [sflag:$0x2] =	stream.indirect.gather [hbm4b:s4+s20], $0x80, s8, s20, $0xb8;
	[tilespmem:$0x1FC00] =	vst v63  }
0x113: {  	_ =	swait.ge [sflag:s24], $0x4000  }
0x114: {  	[sflag:s24] =	ssyncset.done $0x0  }
0x115: {  	s9 =	simm.s32 $0x2680;
	[sflag:s24] =	ssyncadd.s32 $0xFFFFC000  }
0x116: {  	[spmem:s2] =	stream.indirect.scatter.add.f32 [tilespmem:s23], [sflag:$0x4], $0x80, s9, s20, $0xb8;
	[tilespmem:$0x1FC00] =	vst v63  }
0x117: {  	_ =	swait.ge [sflag:s26], $0x4000  }
0x118: {  	[sflag:s26] =	ssyncset.done $0x0  }
0x119: {  	s8 =	simm.s32 $0x700;
	[sflag:s26] =	ssyncadd.s32 $0xFFFFC000  }
0x11a: {  	[tilespmem:s21], [sflag:$0x1] =	stream.indirect.gather [hbm4b:s4+s20], $0x80, s8, s20, $0xb8;
	[tilespmem:$0x1FC00] =	vst v63  }
0x11b: {  	_ =	swait.ge [sflag:s22], $0x4000  }
0x11c: {  	[sflag:s22] =	ssyncset.done $0x0  }
0x11d: {  	s9 =	simm.s32 $0x2700;
	[sflag:s22] =	ssyncadd.s32 $0xFFFFC000  }
0x11e: {  	[spmem:s2] =	stream.indirect.scatter.add.f32 [tilespmem:s21], [sflag:$0x3], $0x80, s9, s20, $0xb8;
	[tilespmem:$0x1FC00] =	vst v63  }
0x11f: {  	_ =	swait.ge [sflag:s30], $0x4000  }
0x120: {  	[sflag:s30] =	ssyncset.done $0x0  }
0x121: {  	s8 =	simm.s32 $0x780;
	[sflag:s30] =	ssyncadd.s32 $0xFFFFC000  }
0x122: {  	[tilespmem:s23], [sflag:$0x2] =	stream.indirect.gather [hbm4b:s4+s20], $0x80, s8, s20, $0xb8;
	[tilespmem:$0x1FC00] =	vst v63  }
0x123: {  	_ =	swait.ge [sflag:s24], $0x4000  }
0x124: {  	[sflag:s24] =	ssyncset.done $0x0  }
0x125: {  	s9 =	simm.s32 $0x2780;
	[sflag:s24] =	ssyncadd.s32 $0xFFFFC000  }
0x126: {  	[spmem:s2] =	stream.indirect.scatter.add.f32 [tilespmem:s23], [sflag:$0x4], $0x80, s9, s20, $0xb8;
	[tilespmem:$0x1FC00] =	vst v63  }
0x127: {  	_ =	swait.ge [sflag:s26], $0x4000  }
0x128: {  	[sflag:s26] =	ssyncset.done $0x0  }
0x129: {  	s10 =	simm.s32 $0x2080;
	s12 =	simm.s32 $0x2000;
	[sflag:s26] =	ssyncadd.s32 $0xFFFFC000  }
.LBB2_9:
0x12a: {  	_ =	swait.ge [sflag:s30], $0x4000  }
0x12b: {  	s1 =	sadd.s32 $0x1, s1;
	[sflag:s30] =	ssyncset.done $0x0  }
0x12c: {  	p1 =	sne.s32 s1, s11;
	[sflag:s30] =	ssyncadd.s32 $0xFFFFC000  }
.Ltmp1:
0x12d: {  	[bflag:$0x0] =	sbarrier.arrive $0xFFFF;
	(pc) =	sbr.rel @!p1 .LBB2_10-.Ltmp1, $4  }
0x12e: {  	[hbm:s0], [sflag:s6] =	dma.local [spmem:s13], $0x2780  }
0x12f: {  	_ =	swait.ge [sflag:s18], $0x2780  }
0x130: {  	[sflag:s18] =	ssyncset.done $0x0  }
0x131: {  	[sflag:s18] =	ssyncadd.s32 $0xFFFFD880  }
.LBB2_1:
0x132: {  	[spmem:s13], [sflag:s6] =	dma.local [hbm:s5], $0x2780  }
.Ltmp2:
0x133: {  	_ =	swait.ge [sflag:s18], $0x2780;
	(pc) =	sbr.rel @p0 .LBB2_8-.Ltmp2, $3  }
0x134: {  	[sflag:s18] =	ssyncset.done $0x0  }
0x135: {  	[sflag:s18] =	ssyncadd.s32 $0xFFFFD880  }
0x136: {  	[bflag:$0x0] =	sbarrier.arrive $0xFFFF;
	_ =	sdelay $0x1  }
0x137: {  	s7 =	rddreg [dreg:$0x3]  }
0x138: {  	[tilespmem:s3], [sflag:$0x5] =	stream.linear.gather [hbm4b:s7+s3], $0x2000, $0x38;
	[tilespmem:$0x1FC00] =	vst v63  }
0x139: {  	_ =	swait.ge [sflag:s18], $0x2000  }
0x13a: {  	[sflag:s18] =	ssyncset.done $0x0  }
0x13b: {  	s9 =	rddreg [dreg:$0x4];
	[sflag:s18] =	ssyncadd.s32 $0xFFFFE000  }
0x13c: {  	[tilespmem:s12], [sflag:$0x5] =	stream.linear.gather [hbm4b:s9+s3], $0x2000, $0x38;
	[tilespmem:$0x1FC00] =	vst v63  }
0x13d: {  	_ =	swait.ge [sflag:s18], $0x2000  }
0x13e: {  	[sflag:s18] =	ssyncset.done $0x0  }
0x13f: {  	[sflag:s18] =	ssyncadd.s32 $0xFFFFE000  }
0x140: {  	[tilespmem:s21], [sflag:$0x1] =	stream.indirect.gather [hbm4b:s4+s20], $0x80, s3, s20, $0xb8;
	[tilespmem:$0x1FC00] =	vst v63  }
0x141: {  	_ =	swait.ge [sflag:s22], $0x4000  }
0x142: {  	[sflag:s22] =	ssyncset.done $0x0  }
0x143: {  	[sflag:s22] =	ssyncadd.s32 $0xFFFFC000  }
0x144: {  	[spmem:s2] =	stream.indirect.scatter.add.f32 [tilespmem:s21], [sflag:$0x3], $0x80, s12, s20, $0xb8;
	[tilespmem:$0x1FC00] =	vst v63  }
0x145: {  	_ = 	snop  }
0x146: {  	[tilespmem:s23], [sflag:$0x2] =	stream.indirect.gather [hbm4b:s4+s20], $0x80, s20, s20, $0xb8;
	[tilespmem:$0x1FC00] =	vst v63  }
0x147: {  	_ =	swait.ge [sflag:s24], $0x4000  }
0x148: {  	[sflag:s24] =	ssyncset.done $0x0  }
0x149: {  	[sflag:s24] =	ssyncadd.s32 $0xFFFFC000  }
0x14a: {  	[spmem:s2] =	stream.indirect.scatter.add.f32 [tilespmem:s23], [sflag:$0x4], $0x80, s10, s20, $0xb8;
	[tilespmem:$0x1FC00] =	vst v63  }
0x14b: {  	_ =	swait.ge [sflag:s26], $0x4000  }
0x14c: {  	[sflag:s26] =	ssyncset.done $0x0  }
0x14d: {  	s7 =	simm.s32 $0xFFFF8800;
	[sflag:s26] =	ssyncadd.s32 $0xFFFFC000  }
0x14e: {  	[tilespmem:s21], [sflag:$0x1] =	stream.indirect.gather [hbm4b:s4+s20], $0x80, s28, s20, $0xb8;
	[tilespmem:$0x1FC00] =	vst v63  }
.LBB2_3:
0x14f: {  	_ =	swait.ge [sflag:s22], $0x4000  }
0x150: {  	s8 =	sshra.s32 s7, $0x2;
	[sflag:s22] =	ssyncset.done $0x0  }
0x151: {  	s9 =	sadd.s32 $0x3F00, s8;
	[sflag:s22] =	ssyncadd.s32 $0xFFFFC000  }
0x152: {  	[spmem:s2] =	stream.indirect.scatter.add.f32 [tilespmem:s21], [sflag:$0x3], $0x80, s9, s20, $0xb8;
	[tilespmem:$0x1FC00] =	vst v63  }
0x153: {  	_ =	swait.ge [sflag:s30], $0x4000  }
0x154: {  	[sflag:s30] =	ssyncset.done $0x0  }
0x155: {  	s9 =	sadd.s32 $0x1F80, s8;
	[sflag:s30] =	ssyncadd.s32 $0xFFFFC000  }
0x156: {  	[tilespmem:s23], [sflag:$0x2] =	stream.indirect.gather [hbm4b:s4+s20], $0x80, s9, s20, $0xb8;
	[tilespmem:$0x1FC00] =	vst v63  }
0x157: {  	_ =	swait.ge [sflag:s24], $0x4000  }
0x158: {  	p1 =	seq.s32 s7, $0x0;
	[sflag:s24] =	ssyncset.done $0x0  }
.Ltmp3:
0x159: {  	s9 =	sadd.s32 $0x3F80, s8;
	[sflag:s24] =	ssyncadd.s32 $0xFFFFC000;
	(pc) =	sbr.rel @p1 .LBB2_5-.Ltmp3, $4  }
0x15a: {  	[spmem:s2] =	stream.indirect.scatter.add.f32 [tilespmem:s23], [sflag:$0x4], $0x80, s9, s20, $0xb8;
	[tilespmem:$0x1FC00] =	vst v63  }
0x15b: {  	_ =	swait.ge [sflag:s26], $0x4000  }
0x15c: {  	[sflag:s26] =	ssyncset.done $0x0  }
0x15d: {  	[sflag:s26] =	ssyncadd.s32 $0xFFFFC000  }
.Ltmp4:
0x15e: {  	(pc) =	sbr.rel .LBB2_3-.Ltmp4, $3  }
0x15f: {  	_ =	sdelay $0x1  }
0x160: {  	s8 =	sadd.s32 $0x2000, s8;
	s7 =	sadd.s32 $0x400, s7  }
0x161: {  	[tilespmem:s21], [sflag:$0x1] =	stream.indirect.gather [hbm4b:s4+s20], $0x80, s8, s20, $0xb8;
	[tilespmem:$0x1FC00] =	vst v63  }
.LBB2_5:
0x162: {  	_ =	swait.ge [sflag:s30], $0x4000  }
0x163: {  	[sflag:s30] =	ssyncset.done $0x0  }
0x164: {  	s7 =	rddreg [dreg:$0x5];
	[sflag:s30] =	ssyncadd.s32 $0xFFFFC000  }
0x165: {  	[tilespmem:s3], [sflag:$0x5] =	stream.linear.gather [hbm4b:s7+s3], $0x2000, $0x38;
	[tilespmem:$0x1FC00] =	vst v63  }
0x166: {  	_ =	swait.ge [sflag:s18], $0x2000  }
0x167: {  	[sflag:s18] =	ssyncset.done $0x0  }
0x168: {  	s9 =	rddreg [dreg:$0x6];
	[sflag:s18] =	ssyncadd.s32 $0xFFFFE000  }
0x169: {  	[tilespmem:s12], [sflag:$0x5] =	stream.linear.gather [hbm4b:s9+s3], $0x2000, $0x38;
	[tilespmem:$0x1FC00] =	vst v63  }
0x16a: {  	_ =	swait.ge [sflag:s18], $0x2000  }
0x16b: {  	[sflag:s18] =	ssyncset.done $0x0  }
0x16c: {  	[sflag:s18] =	ssyncadd.s32 $0xFFFFE000  }
0x16d: {  	[tilespmem:s21], [sflag:$0x1] =	stream.indirect.gather [hbm4b:s4+s20], $0x80, s3, s20, $0xb8;
	[tilespmem:$0x1FC00] =	vst v63  }
0x16e: {  	_ =	swait.ge [sflag:s22], $0x4000  }
0x16f: {  	[sflag:s22] =	ssyncset.done $0x0  }
0x170: {  	[sflag:s22] =	ssyncadd.s32 $0xFFFFC000  }
0x171: {  	[spmem:s2] =	stream.indirect.scatter.add.f32 [tilespmem:s21], [sflag:$0x3], $0x80, s12, s20, $0xb8;
	[tilespmem:$0x1FC00] =	vst v63  }
0x172: {  	_ = 	snop  }
0x173: {  	[tilespmem:s23], [sflag:$0x2] =	stream.indirect.gather [hbm4b:s4+s20], $0x80, s20, s20, $0xb8;
	[tilespmem:$0x1FC00] =	vst v63  }
0x174: {  	_ =	swait.ge [sflag:s24], $0x4000  }
0x175: {  	[sflag:s24] =	ssyncset.done $0x0  }
0x176: {  	[sflag:s24] =	ssyncadd.s32 $0xFFFFC000  }
0x177: {  	[spmem:s2] =	stream.indirect.scatter.add.f32 [tilespmem:s23], [sflag:$0x4], $0x80, s10, s20, $0xb8;
	[tilespmem:$0x1FC00] =	vst v63  }
0x178: {  	_ =	swait.ge [sflag:s26], $0x4000  }
0x179: {  	[sflag:s26] =	ssyncset.done $0x0  }
0x17a: {  	s7 =	simm.s32 $0xFFFF8800;
	[sflag:s26] =	ssyncadd.s32 $0xFFFFC000  }
0x17b: {  	[tilespmem:s21], [sflag:$0x1] =	stream.indirect.gather [hbm4b:s4+s20], $0x80, s28, s20, $0xb8;
	[tilespmem:$0x1FC00] =	vst v63  }
.LBB2_6:
0x17c: {  	_ =	swait.ge [sflag:s22], $0x4000  }
0x17d: {  	s8 =	sshra.s32 s7, $0x2;
	[sflag:s22] =	ssyncset.done $0x0  }
0x17e: {  	s9 =	sadd.s32 $0x3F00, s8;
	[sflag:s22] =	ssyncadd.s32 $0xFFFFC000  }
0x17f: {  	[spmem:s2] =	stream.indirect.scatter.add.f32 [tilespmem:s21], [sflag:$0x3], $0x80, s9, s20, $0xb8;
	[tilespmem:$0x1FC00] =	vst v63  }
0x180: {  	_ =	swait.ge [sflag:s30], $0x4000  }
0x181: {  	[sflag:s30] =	ssyncset.done $0x0  }
0x182: {  	s9 =	sadd.s32 $0x1F80, s8;
	[sflag:s30] =	ssyncadd.s32 $0xFFFFC000  }
0x183: {  	[tilespmem:s23], [sflag:$0x2] =	stream.indirect.gather [hbm4b:s4+s20], $0x80, s9, s20, $0xb8;
	[tilespmem:$0x1FC00] =	vst v63  }
0x184: {  	_ =	swait.ge [sflag:s24], $0x4000  }
0x185: {  	p1 =	seq.s32 s7, $0x0;
	[sflag:s24] =	ssyncset.done $0x0  }
.Ltmp5:
0x186: {  	s9 =	sadd.s32 $0x3F80, s8;
	[sflag:s24] =	ssyncadd.s32 $0xFFFFC000;
	(pc) =	sbr.rel @p1 .LBB2_9-.Ltmp5, $4  }
0x187: {  	[spmem:s2] =	stream.indirect.scatter.add.f32 [tilespmem:s23], [sflag:$0x4], $0x80, s9, s20, $0xb8;
	[tilespmem:$0x1FC00] =	vst v63  }
0x188: {  	_ =	swait.ge [sflag:s26], $0x4000  }
0x189: {  	[sflag:s26] =	ssyncset.done $0x0  }
0x18a: {  	[sflag:s26] =	ssyncadd.s32 $0xFFFFC000  }
.Ltmp6:
0x18b: {  	(pc) =	sbr.rel .LBB2_6-.Ltmp6, $3  }
0x18c: {  	_ =	sdelay $0x1  }
0x18d: {  	s8 =	sadd.s32 $0x2000, s8;
	s7 =	sadd.s32 $0x400, s7  }
0x18e: {  	[tilespmem:s21], [sflag:$0x1] =	stream.indirect.gather [hbm4b:s4+s20], $0x80, s8, s20, $0xb8;
	[tilespmem:$0x1FC00] =	vst v63  }
.LBB2_10:
0x18f: {  	_ =	sfence.sel $0x180000  }
0x190: {  	[bflag:$0x0] =	sbarrier.arrive $0xFFFF  }
0x191: {  	_ =	strace $0x9000004D  }
0x192: {  	s0 =	stileid.u32;
	[bflag:$0x2] =	sbarrier.arrive $0xFFFF  }
0x193: {  	p0 =	sne.s32 s0, $0x0;
	s0 =	rddreg [dreg:$0x2]  }
0x194: {  	s0 =	sadd.s32 @!p0 $0x100000, s0  }
0x195: {  	[sflag:s0] =	ssyncadd.tile.s32 @!p0 $0x1;
	_ =	shalt  }
.Lfunc_end2:
_tile_overlayer_lowered:
.L_overlay_start_2:
0x196: {  	(tag) =	ssettag $0x2  }
0x197: {  	s0 =	rddreg [dreg:$0x0];
	s2 =	stileid.u32  }
0x198: {  	s1 =	rddreg [dreg:$0x1];
	p0 =	sne.s32 s2, $0x0  }
0x199: {  	s3 =	rddreg [dreg:$0x2];
	[bflag:$0x3] =	sbarrier.arrive $0xFFFF;
	s2 =	simm.s32 @!p0 $0x1C05  }
0x19a: {  	[timem:s3], [sflag:s2] =	dma.local @!p0 [hbm:s0], s1  }
0x19b: {  	s0 =	simm.s32 @!p0 $0x5  }
0x19c: {  	_ =	swait.ge @!p0 [sflag:s0], s1  }
0x19d: {  	s1 =	ssub.s32 @!p0 $0x0, s1;
	[sflag:s0] =	ssyncset.done @!p0 $0x0  }
0x19e: {  	[sflag:s0] =	ssyncadd.s32 @!p0 s1  }
0x19f: {  	[bflag:$0x3] =	sbarrier.arrive $0xFFFF  }
0x1a0: {  	_ =	shalt  }

// kernel: kernel.19.cloned.1.call-start
scs
__scs_entry_jumppad:
0x0: {  	(pc) =	sbr.rel $0x88, $3  }
0x1: {  	(tag) =	ssettag $0x0;
	lr =	simm.s32 $0x1  }
0x2: {  	[smem:$0x3F94] =	sst lr;
	_ =	strace $0xD0000000  }
0x3: {  	_ = 	snop  }
0x4: {  	_ = 	snop  }
0x5: {  	_ = 	snop  }
0x6: {  	_ = 	snop  }
0x7: {  	_ = 	snop  }
__scs_overlays_trampoline_lowered:
0x8: {  	[smem:$0x3FA3] =	sst s0  }
0x9: {  	[smem:$0x3FA4] =	sst s1  }
0xa: {  	[smem:$0x3FA5] =	sst s2  }
0xb: {  	[smem:$0x3FA6] =	sst s3  }
0xc: {  	[smem:$0x3FA7] =	sst s4  }
0xd: {  	[smem:$0x3FA8] =	sst s5  }
0xe: {  	[smem:$0x3FA9] =	sst s6  }
0xf: {  	[smem:$0x3FAA] =	sst s7  }
0x10: {  	[smem:$0x3FAB] =	sst s8  }
0x11: {  	[smem:$0x3FAC] =	sst s9;
	s0 =	simm.s32 @!p0 $0x0  }
0x12: {  	s1 =	sld [smem:$0x3F92];
	s0 =	simm.s32 @p0 $0x1  }
0x13: {  	[smem:$0x3FAD] =	sst s0;
	s0 =	simm.s32 @!p1 $0x0  }
0x14: {  	s2 =	sld [smem:$0x3F91];
	s0 =	simm.s32 @p1 $0x1  }
0x15: {  	[smem:$0x3FAE] =	sst s0;
	s0 =	simm.s32 @!p2 $0x0  }
0x16: {  	s3 =	sld [smem:$0x3FDB];
	s0 =	simm.s32 @p2 $0x1  }
0x17: {  	s4 =	simm.s32 $0x1BF5;
	[smem:$0x3FB0] =	sst s0  }
0x18: {  	s0 =	sld [smem:$0x3F93];
	_ =	swait.ge [sflag:s4], $0x0  }
0x19: {  	s7 =	sld [smem:$0x3F94]  }
0x1a: {  	s8 =	sadd.s32 $0xFFFFE003, lr  }
0x1b: {  	s9 =	sadd.s32 $0xFFFFFEF7, lr;
	s5 =	simm.s32 $0xFFFFFFFF;
	p2 =	slt.u32 s8, $0xFFFFF086  }
0x1c: {  	p1 =	slt.u32 s9, $0xF7A;
	s5 =	simm.s32 @!p2 $0x0  }
0x1d: {  	s5 =	simm.s32 @p1 $0x1;
	p0 =	seq.s32 s7, s2  }
0x1e: {  	s7 =	smul.u32 @!p0 $0xF7A, s2;
	p2 =	seq.s32 @!p0 s5, $0x0  }
0x1f: {  	s9 =	smul.u32 $0xF7A, s1;
	s8 =	simm.s32 @!p0 $0x1BF5;
	p2 =	por !p2, p0  }
0x20: {  	[sflag:s8] =	ssyncset.s32 @!p0 $0xFFFFF086;
	s6 =	sadd.s32 @!p0 s3, s7;
	s7 =	simm.s32 @!p0 $0x108  }
0x21: {  	s3 =	sadd.s32 s3, s9;
	s6 =	sadd.s32 @!p0 $0x88, s6;
	s7 =	simm.s32 @p2 $0x1082  }
0x22: {  	[simem:s7], [sflag:s8] =	dma.local @!p0 [hbm:s6], $0xF7A  }
0x23: {  	s9 =	sor.u32 $0xD0000000, s2;
	s6 =	simm.s32 $0x108;
	_ =	swait.ge @!p0 [sflag:s8], $0x0  }
0x24: {  	s3 =	sadd.s32 $0x88, s3;
	s6 =	simm.s32 @!p1 $0x1082;
	[sflag:s4] =	ssyncset.s32 $0xFFFFF086  }
0x25: {  	[simem:s6], [sflag:s4] =	dma.local [hbm:s3], $0xF7A  }
0x26: {  	[smem:$0x3F94] =	sst s1;
	(tag) =	ssettag s2;
	_ =	strace s9  }
0x27: {  	s1 =	sld [smem:$0x3FA4]  }
0x28: {  	s2 =	sld [smem:$0x3FA5]  }
0x29: {  	s4 =	sld [smem:$0x3FA7]  }
0x2a: {  	p0 =	seq.s32 s5, $0x0;
	s5 =	sld [smem:$0x3FA8]  }
0x2b: {  	s6 =	sld [smem:$0x3FA9]  }
0x2c: {  	s7 =	sld [smem:$0x3FAA]  }
0x2d: {  	s3 =	simm.s32 $0x108;
	s8 =	sld [smem:$0x3FAB]  }
0x2e: {  	s3 =	simm.s32 @!p0 $0x1082;
	s9 =	sld [smem:$0x3FAC]  }
0x2f: {  	lr =	sadd.s32 s0, s3;
	s0 =	sld [smem:$0x3FA3]  }
0x30: {  	s3 =	sld [smem:$0x3FA6]  }
0x31: {  	[smem:$0x3FAF] =	sst s10  }
0x32: {  	s10 =	sld [smem:$0x3FAD];
	_ =	sdelay $0x3  }
0x33: {  	p0 =	seq.s32 s10, $0x1;
	s10 =	sld [smem:$0x3FAF];
	_ =	sdelay $0x3  }
0x34: {  	[smem:$0x3FAF] =	sst s10  }
0x35: {  	s10 =	sld [smem:$0x3FAE];
	_ =	sdelay $0x3  }
0x36: {  	p1 =	seq.s32 s10, $0x1;
	s10 =	sld [smem:$0x3FAF];
	_ =	sdelay $0x3  }
0x37: {  	[smem:$0x3FAF] =	sst s10  }
0x38: {  	s10 =	sld [smem:$0x3FB0]  }
0x39: {  	_ = 	snop;
	(pc) =	sbr.ind lr, $3  }
0x3a: {  	_ = 	snop  }
0x3b: {  	_ = 	snop  }
0x3c: {  	p2 =	seq.s32 s10, $0x1;
	s10 =	sld [smem:$0x3FAF]  }
0x3d: {  	_ =	shalt  }
0x3e: {  	_ =	shalt  }
0x3f: {  	_ =	shalt  }
0x40: {  	_ =	shalt  }
0x41: {  	_ =	shalt  }
0x42: {  	_ =	shalt  }
0x43: {  	_ =	shalt  }
0x44: {  	_ =	shalt  }
0x45: {  	_ =	shalt  }
0x46: {  	_ =	shalt  }
0x47: {  	_ =	shalt  }
0x48: {  	_ =	shalt  }
0x49: {  	_ =	shalt  }
0x4a: {  	_ =	shalt  }
0x4b: {  	_ =	shalt  }
0x4c: {  	_ =	shalt  }
0x4d: {  	_ =	shalt  }
0x4e: {  	_ =	shalt  }
0x4f: {  	_ =	shalt  }
0x50: {  	_ =	shalt  }
0x51: {  	_ =	shalt  }
0x52: {  	_ =	shalt  }
0x53: {  	_ =	shalt  }
0x54: {  	_ =	shalt  }
0x55: {  	_ =	shalt  }
0x56: {  	_ =	shalt  }
0x57: {  	_ =	shalt  }
0x58: {  	_ =	shalt  }
0x59: {  	_ =	shalt  }
0x5a: {  	_ =	shalt  }
0x5b: {  	_ =	shalt  }
0x5c: {  	_ =	shalt  }
0x5d: {  	_ =	shalt  }
0x5e: {  	_ =	shalt  }
0x5f: {  	_ =	shalt  }
0x60: {  	_ =	shalt  }
0x61: {  	_ =	shalt  }
0x62: {  	_ =	shalt  }
0x63: {  	_ =	shalt  }
0x64: {  	_ =	shalt  }
0x65: {  	_ =	shalt  }
0x66: {  	_ =	shalt  }
0x67: {  	_ =	shalt  }
0x68: {  	_ =	shalt  }
0x69: {  	_ =	shalt  }
0x6a: {  	_ =	shalt  }
0x6b: {  	_ =	shalt  }
0x6c: {  	_ =	shalt  }
0x6d: {  	_ =	shalt  }
0x6e: {  	_ =	shalt  }
0x6f: {  	_ =	shalt  }
0x70: {  	_ =	shalt  }
0x71: {  	_ =	shalt  }
0x72: {  	_ =	shalt  }
0x73: {  	_ =	shalt  }
0x74: {  	_ =	shalt  }
0x75: {  	_ =	shalt  }
0x76: {  	_ =	shalt  }
0x77: {  	_ =	shalt  }
0x78: {  	_ =	shalt  }
0x79: {  	_ =	shalt  }
0x7a: {  	_ =	shalt  }
0x7b: {  	_ =	shalt  }
0x7c: {  	_ =	shalt  }
0x7d: {  	_ =	shalt  }
0x7e: {  	_ =	shalt  }
0x7f: {  	_ =	shalt  }
0x80: {  	_ =	shalt  }
0x81: {  	_ =	shalt  }
0x82: {  	_ =	shalt  }
0x83: {  	_ =	shalt  }
0x84: {  	_ =	shalt  }
0x85: {  	_ =	shalt  }
0x86: {  	_ =	shalt  }
0x87: {  	_ =	shalt  }
.Lfunc_end0:
.L_simem_size_0:
called_computation.3_lowered:
.L_overlay_start_0:
0x88: {  	s2 =	sld [smem:$0x3FD9]  }
0x89: {  	s3 =	sld [smem:$0x3FFE];
	_ =	sdelay $0x1  }
0x8a: {  	s1 =	srdreg.scid  }
0x8b: {  	s0 =	sand.u32 $0x1, s1  }
0x8c: {  	s16 =	sshll.u32 s0, $0xA;
	s2 =	sadd.s32 s3, s2  }
0x8d: {  	s2 =	sadd.s32 s2, s16  }
0x8e: {  	[smem:$0x3FBB] =	sst s2  }
0x8f: {  	_ = 	snop  }
0x90: {  	(tm) =	ssettm $0x1  }
0x91: {  	s17 =	sld [smem:$0x3FFB];
	_ =	sdelay $0x3  }
0x92: {  	_ =	strace s17  }
0x93: {  	s2 =	sld [smem:$0x3FFC];
	_ =	sdelay $0x3  }
0x94: {  	_ =	strace s2  }
0x95: {  	s2 =	sld [smem:$0x3FFD];
	_ =	sdelay $0x3  }
0x96: {  	_ =	strace s2  }
0x97: {  	_ =	strace $0x8FFFFFFF  }
0x98: {  	s18 =	sld [smem:$0x3FDB];
	_ =	sdelay $0x1  }
0x99: {  	s19 =	simm.s32 $_scs_section_size  }
0x9a: {  	s4 =	simm.s32 $_size__tile_overlayer_lowered;
	s5 =	simm.s32 $_tile_overlayer_lowered  }
0x9b: {  	s22 =	simm.s32 $0x1BFF;
	s21 =	sshll.u32 s5, $0x1;
	s2 =	sadd.s32 s19, s18  }
0x9c: {  	s6 =	simm.s32 $0x0;
	s20 =	sshll.u32 s4, $0x1;
	s4 =	sadd.s32 s21, s2  }
0x9d: {  	[timem:s6], [sflag:s22] =	dma.local [hbm:s4], s20  }
0x9e: {  	_ =	swait.ge [sflag:s22], s20  }
0x9f: {  	s3 =	ssub.s32 $0x0, s20;
	[sflag:s22] =	ssyncset.done $0x0  }
0xa0: {  	[sflag:s22] =	ssyncadd.s32 s3;
	_ =	sdelay $0x1  }
0xa1: {  	s23 =	simm.s32 $0x1B8B  }
0xa2: {  	_ =	swait.ge [sflag:s23], $0x1  }
0xa3: {  	[sflag:s23] =	ssyncset.done $0x0  }
0xa4: {  	s25 =	simm.s32 $0x1B8E;
	s24 =	sld [smem:$0x3FFE];
	[sflag:s23] =	ssyncadd.s32 $0xFFFFFFFF  }
0xa5: {  	s26 =	simm.s32 $execute0_lowered;
	[smem:$0x3FD2] =	sst s25  }
0xa6: {  	s4 =	sshll.u32 s26, $0x1;
	_ =	strace $0x8000004F;
	[dreg:$0x1] =	wrdreg $0xFFFFFFFF  }
0xa7: {  	s28 =	simm.s32 $_size_execute0_lowered;
	s2 =	sadd.s32 s2, s4;
	[dreg:$0x0] =	wrdreg $0x0  }
0xa8: {  	s4 =	sshll.u32 s28, $0x1;
	[dreg:$0x2] =	wrdreg s2  }
0xa9: {  	[dreg:$0x3] =	wrdreg s4  }
0xaa: {  	[dreg:$0x4] =	wrdreg $0xC0  }
0xab: {  	_ =	task [dreg:s6], $0x5FFFF  }
0xac: {  	[dreg:$0x1] =	wrdreg $0xFFFFFFFF  }
0xad: {  	[dreg:$0x0] =	wrdreg $0x60  }
0xae: {  	[dreg:$0x2] =	wrdreg s24  }
0xaf: {  	[dreg:$0x3] =	wrdreg $0xC0000  }
0xb0: {  	[dreg:$0x4] =	wrdreg $0x9  }
0xb1: {  	_ =	task.clear_ibuf [dreg:s6], $0x5FFFF;
	_ =	strace $0x9000004F  }
0xb2: {  	s29 =	simm.s32 $0x9;
	_ =	strace $0x80000051  }
0xb3: {  	_ =	swait.ge [sflag:s29], $0x1  }
0xb4: {  	[sflag:s29] =	ssyncadd.s32 $0xFFFFFFFF  }
0xb5: {  	_ =	strace $0x90000051  }
0xb6: {  	_ =	sfence  }
0xb7: {  	s30 =	sld [smem:$0x0];
	_ =	sdelay $0x2  }
0xb8: {  	s31 =	sshll.u32 s1, $0xD;
	s1 =	sshrl.u32 s1, $0x2  }
0xb9: {  	s3 =	sand.u32 $0x4000, s31;
	s1 =	sadd.s32 s1, s30  }
0xba: {  	s0 =	sor.u32 s3, s0;
	s1 =	sshll.u32 s1, $0x11  }
0xbb: {  	s0 =	sor.u32 s1, s0  }
0xbc: {  	s0 =	sadd.s32 $0x8F2B, s0  }
0xbd: {  	[sflag:s0] =	ssyncadd.remote.s32 $0x1  }
0xbe: {  	_ =	sfence.sel $0xFFFF  }
0xbf: {  	[dreg:$0x0] =	wrdreg $0xFFFFFFFF;
	(pc) =	sbr.abs _section_cstart, $3  }
0xc0: {  	[dreg:$0x1] =	wrdreg $0xFFFFFFFF  }
0xc1: {  	_ =	task.clear_ibuf [dreg:s6], $0x2FFFF;
	_ =	strace $0x9FFFFFFF  }
0xc2: {  	(tm) =	ssettm $0x7FFFFFFF  }
0xc3: {  	_ =	shalt  }
tec
execute0_lowered:
.L_overlay_start_1:
0x0: {  	(tag) =	ssettag $0x1  }
0x1: {  	s0 =	rddreg [dreg:$0x0]  }
0x2: {  	s2 =	rddreg [dreg:$0x1];
	s3 =	simm.s32 $0x0;
	s12 =	stileid.u32  }
0x3: {  	s1 =	srdreg.scid;
	s28 =	simm.s32 $0x100;
	s30 =	simm.s32 $0x4  }
0x4: {  	s14 =	simm.s32 $0x2280;
	s29 =	simm.s32 $0x300;
	s31 =	simm.s32 $0x2300  }
0x5: {  	[smem:$0x7FF] =	sst s3;
	s5 =	smul.u32 $0x13C00, s12;
	s1 =	sand.u32 $0x1, s1  }
0x6: {  	s4 =	sadd.s32 $0x3FE00, s0;
	s7 =	sadd.s32 $0x4600, s0;
	s8 =	sadd.s32 $0xE600, s0  }
0x7: {  	s10 =	smul.u32 $0x4F000, s12;
	s17 =	sshll.u32 s12, $0x6;
	s18 =	sshll.u32 s12, $0xB  }
0x8: {  	s12 =	sshll.u32 s12, $0x9;
	_ =	strace $0x80000050;
	s6 =	smul.u32 $0x13C000, s1  }
0x9: {  	s15 =	ssub.s32 $0x2, s1;
	p0 =	seq.s32 s1, $0x1;
	s19 =	sadd.s32 s7, s18  }
0xa: {  	s20 =	sor.u32 $0x400, s18;
	s1 =	sadd.s32 s8, s18;
	s22 =	sor.u32 $0x8000, s12  }
0xb: {  	s24 =	sor.u32 $0x8100, s12;
	s18 =	simm.s32 $0x5;
	s12 =	simm.s32 $0x2000  }
0xc: {  	s9 =	sshrl.u32 s5, $0x3;
	s11 =	sshrl.u32 s15, $0x1;
	[dreg:$0x3] =	wrdreg s19  }
0xd: {  	s16 =	sshrl.u32 s10, $0x2;
	[dreg:$0x4] =	wrdreg s1;
	s21 =	sadd.s32 s7, s20  }
0xe: {  	s23 =	sadd.s32 s7, s22;
	s1 =	sadd.s32 s8, s22;
	s25 =	sadd.s32 s7, s24  }
0xf: {  	s26 =	sadd.s32 s8, s24;
	s22 =	simm.s32 $0x1;
	[dreg:$0x5] =	wrdreg s21  }
0x10: {  	s24 =	simm.s32 $0x2;
	s19 =	simm.s32 $0x400;
	[dreg:$0x7] =	wrdreg s23  }
0x11: {  	s5 =	sadd.s32 s5, s6;
	s9 =	sadd.s32 s9, s0;
	[dreg:$0x8] =	wrdreg s1  }
0x12: {  	s11 =	ssub.s32 s15, s11;
	s10 =	sadd.s32 s16, s2;
	[dreg:$0x9] =	wrdreg s25  }
0x13: {  	s6 =	sor.u32 $0x1C05, s17;
	[dreg:$0xa] =	wrdreg s26;
	s21 =	simm.s32 $0x4000  }
0x14: {  	s23 =	simm.s32 $0x8000;
	s26 =	simm.s32 $0x3;
	s1 =	simm.s32 $0x0  }
.Ltmp0:
0x15: {  	s25 =	simm.s32 $0x200;
	s17 =	simm.s32 $0x2000;
	(pc) =	sbr.rel .LBB2_1-.Ltmp0, $4  }
0x16: {  	s16 =	simm.s32 $0x380;
	s15 =	simm.s32 $0x2380;
	s5 =	sshrl.u32 s5, $0x3  }
0x17: {  	s11 =	smax.u32 s11, $0x1;
	s13 =	sshrl.u32 s10, $0x3;
	s10 =	simm.s32 $0x2080  }
0x18: {  	s0 =	sadd.s32 s5, s0;
	s5 =	sadd.s32 $0x18600, s9;
	s9 =	sadd.s32 s8, s20  }
0x19: {  	s20 =	simm.s32 $0x80;
	[dreg:$0x6] =	wrdreg s9;
	s0 =	sadd.s32 $0x67000, s0  }
.LBB2_8:
0x1a: {  	s7 =	rddreg [dreg:$0x7]  }
0x1b: {  	[tilespmem:s3], [sflag:$0x5] =	stream.linear.gather [hbm4b:s7+s3], $0x800, $0x38;
	[tilespmem:$0x1FC00] =	vst v63  }
0x1c: {  	_ =	swait.ge [sflag:s18], $0x800  }
0x1d: {  	[sflag:s18] =	ssyncset.done $0x0  }
0x1e: {  	s9 =	rddreg [dreg:$0x8];
	[sflag:s18] =	ssyncadd.s32 $0xFFFFF800  }
0x1f: {  	[tilespmem:s12], [sflag:$0x5] =	stream.linear.gather [hbm4b:s9+s3], $0x800, $0x38;
	[tilespmem:$0x1FC00] =	vst v63  }
0x20: {  	_ =	swait.ge [sflag:s18], $0x800  }
0x21: {  	[sflag:s18] =	ssyncset.done $0x0  }
0x22: {  	[sflag:s18] =	ssyncadd.s32 $0xFFFFF800  }
0x23: {  	[tilespmem:s21], [sflag:$0x1] =	stream.indirect.gather [hbm4b:s4+s20], $0x80, s3, s20, $0xb8;
	[tilespmem:$0x1FC00] =	vst v63  }
0x24: {  	_ =	swait.ge [sflag:s22], $0x4000  }
0x25: {  	[sflag:s22] =	ssyncset.done $0x0  }
0x26: {  	[sflag:s22] =	ssyncadd.s32 $0xFFFFC000  }
0x27: {  	[spmem:s2] =	stream.indirect.scatter.add.f32 [tilespmem:s21], [sflag:$0x3], $0x80, s12, s20, $0xb8;
	[tilespmem:$0x1FC00] =	vst v63  }
0x28: {  	_ = 	snop  }
0x29: {  	[tilespmem:s23], [sflag:$0x2] =	stream.indirect.gather [hbm4b:s4+s20], $0x80, s20, s20, $0xb8;
	[tilespmem:$0x1FC00] =	vst v63  }
0x2a: {  	_ =	swait.ge [sflag:s24], $0x4000  }
0x2b: {  	[sflag:s24] =	ssyncset.done $0x0  }
0x2c: {  	[sflag:s24] =	ssyncadd.s32 $0xFFFFC000  }
0x2d: {  	[spmem:s2] =	stream.indirect.scatter.add.f32 [tilespmem:s23], [sflag:$0x4], $0x80, s10, s20, $0xb8;
	[tilespmem:$0x1FC00] =	vst v63  }
0x2e: {  	_ =	swait.ge [sflag:s26], $0x4000  }
0x2f: {  	[sflag:s26] =	ssyncset.done $0x0  }
0x30: {  	[sflag:s26] =	ssyncadd.s32 $0xFFFFC000  }
0x31: {  	[tilespmem:s21], [sflag:$0x1] =	stream.indirect.gather [hbm4b:s4+s20], $0x80, s28, s20, $0xb8;
	[tilespmem:$0x1FC00] =	vst v63  }
0x32: {  	_ =	swait.ge [sflag:s22], $0x4000  }
0x33: {  	[sflag:s22] =	ssyncset.done $0x0  }
0x34: {  	s8 =	simm.s32 $0x2100;
	[sflag:s22] =	ssyncadd.s32 $0xFFFFC000  }
0x35: {  	[spmem:s2] =	stream.indirect.scatter.add.f32 [tilespmem:s21], [sflag:$0x3], $0x80, s8, s20, $0xb8;
	[tilespmem:$0x1FC00] =	vst v63  }
0x36: {  	_ =	swait.ge [sflag:s30], $0x4000  }
0x37: {  	[sflag:s30] =	ssyncset.done $0x0  }
0x38: {  	s9 =	simm.s32 $0x180;
	[sflag:s30] =	ssyncadd.s32 $0xFFFFC000  }
0x39: {  	[tilespmem:s23], [sflag:$0x2] =	stream.indirect.gather [hbm4b:s4+s20], $0x80, s9, s20, $0xb8;
	[tilespmem:$0x1FC00] =	vst v63  }
0x3a: {  	_ =	swait.ge [sflag:s24], $0x4000  }
0x3b: {  	[sflag:s24] =	ssyncset.done $0x0  }
0x3c: {  	s10 =	simm.s32 $0x2180;
	[sflag:s24] =	ssyncadd.s32 $0xFFFFC000  }
0x3d: {  	[spmem:s2] =	stream.indirect.scatter.add.f32 [tilespmem:s23], [sflag:$0x4], $0x80, s10, s20, $0xb8;
	[tilespmem:$0x1FC00] =	vst v63  }
0x3e: {  	_ =	swait.ge [sflag:s26], $0x4000  }
0x3f: {  	[sflag:s26] =	ssyncset.done $0x0  }
0x40: {  	[sflag:s26] =	ssyncadd.s32 $0xFFFFC000  }
0x41: {  	[tilespmem:s21], [sflag:$0x1] =	stream.indirect.gather [hbm4b:s4+s20], $0x80, s25, s20, $0xb8;
	[tilespmem:$0x1FC00] =	vst v63  }
0x42: {  	_ =	swait.ge [sflag:s22], $0x4000  }
0x43: {  	[sflag:s22] =	ssyncset.done $0x0  }
0x44: {  	s12 =	simm.s32 $0x2200;
	[sflag:s22] =	ssyncadd.s32 $0xFFFFC000  }
0x45: {  	[spmem:s2] =	stream.indirect.scatter.add.f32 [tilespmem:s21], [sflag:$0x3], $0x80, s12, s20, $0xb8;
	[tilespmem:$0x1FC00] =	vst v63  }
0x46: {  	_ =	swait.ge [sflag:s30], $0x4000  }
0x47: {  	[sflag:s30] =	ssyncset.done $0x0  }
0x48: {  	s7 =	simm.s32 $0x280;
	[sflag:s30] =	ssyncadd.s32 $0xFFFFC000  }
0x49: {  	[tilespmem:s23], [sflag:$0x2] =	stream.indirect.gather [hbm4b:s4+s20], $0x80, s7, s20, $0xb8;
	[tilespmem:$0x1FC00] =	vst v63  }
0x4a: {  	_ =	swait.ge [sflag:s24], $0x4000  }
0x4b: {  	[sflag:s24] =	ssyncset.done $0x0  }
0x4c: {  	[sflag:s24] =	ssyncadd.s32 $0xFFFFC000  }
0x4d: {  	[spmem:s2] =	stream.indirect.scatter.add.f32 [tilespmem:s23], [sflag:$0x4], $0x80, s14, s20, $0xb8;
	[tilespmem:$0x1FC00] =	vst v63  }
0x4e: {  	_ =	swait.ge [sflag:s26], $0x4000  }
0x4f: {  	[sflag:s26] =	ssyncset.done $0x0  }
0x50: {  	[sflag:s26] =	ssyncadd.s32 $0xFFFFC000  }
0x51: {  	[tilespmem:s21], [sflag:$0x1] =	stream.indirect.gather [hbm4b:s4+s20], $0x80, s29, s20, $0xb8;
	[tilespmem:$0x1FC00] =	vst v63  }
0x52: {  	_ =	swait.ge [sflag:s22], $0x4000  }
0x53: {  	[sflag:s22] =	ssyncset.done $0x0  }
0x54: {  	[sflag:s22] =	ssyncadd.s32 $0xFFFFC000  }
0x55: {  	[spmem:s2] =	stream.indirect.scatter.add.f32 [tilespmem:s21], [sflag:$0x3], $0x80, s31, s20, $0xb8;
	[tilespmem:$0x1FC00] =	vst v63  }
0x56: {  	_ =	swait.ge [sflag:s30], $0x4000  }
0x57: {  	[sflag:s30] =	ssyncset.done $0x0  }
0x58: {  	[sflag:s30] =	ssyncadd.s32 $0xFFFFC000  }
0x59: {  	[tilespmem:s23], [sflag:$0x2] =	stream.indirect.gather [hbm4b:s4+s20], $0x80, s16, s20, $0xb8;
	[tilespmem:$0x1FC00] =	vst v63  }
0x5a: {  	_ =	swait.ge [sflag:s24], $0x4000  }
0x5b: {  	[sflag:s24] =	ssyncset.done $0x0  }
0x5c: {  	[sflag:s24] =	ssyncadd.s32 $0xFFFFC000  }
0x5d: {  	[spmem:s2] =	stream.indirect.scatter.add.f32 [tilespmem:s23], [sflag:$0x4], $0x80, s15, s20, $0xb8;
	[tilespmem:$0x1FC00] =	vst v63  }
0x5e: {  	_ =	swait.ge [sflag:s26], $0x4000  }
0x5f: {  	[sflag:s26] =	ssyncset.done $0x0  }
0x60: {  	[sflag:s26] =	ssyncadd.s32 $0xFFFFC000  }
0x61: {  	[tilespmem:s21], [sflag:$0x1] =	stream.indirect.gather [hbm4b:s4+s20], $0x80, s19, s20, $0xb8;
	[tilespmem:$0x1FC00] =	vst v63  }
0x62: {  	_ =	swait.ge [sflag:s22], $0x4000  }
0x63: {  	[sflag:s22] =	ssyncset.done $0x0  }
0x64: {  	s7 =	simm.s32 $0x2400;
	[sflag:s22] =	ssyncadd.s32 $0xFFFFC000  }
0x65: {  	[spmem:s2] =	stream.indirect.scatter.add.f32 [tilespmem:s21], [sflag:$0x3], $0x80, s7, s20, $0xb8;
	[tilespmem:$0x1FC00] =	vst v63  }
0x66: {  	_ =	swait.ge [sflag:s30], $0x4000  }
0x67: {  	[sflag:s30] =	ssyncset.done $0x0  }
0x68: {  	s7 =	simm.s32 $0x480;
	[sflag:s30] =	ssyncadd.s32 $0xFFFFC000  }
0x69: {  	[tilespmem:s23], [sflag:$0x2] =	stream.indirect.gather [hbm4b:s4+s20], $0x80, s7, s20, $0xb8;
	[tilespmem:$0x1FC00] =	vst v63  }
0x6a: {  	_ =	swait.ge [sflag:s24], $0x4000  }
0x6b: {  	[sflag:s24] =	ssyncset.done $0x0  }
0x6c: {  	s7 =	simm.s32 $0x2480;
	[sflag:s24] =	ssyncadd.s32 $0xFFFFC000  }
0x6d: {  	[spmem:s2] =	stream.indirect.scatter.add.f32 [tilespmem:s23], [sflag:$0x4], $0x80, s7, s20, $0xb8;
	[tilespmem:$0x1FC00] =	vst v63  }
0x6e: {  	_ =	swait.ge [sflag:s26], $0x4000  }
0x6f: {  	[sflag:s26] =	ssyncset.done $0x0  }
0x70: {  	s7 =	simm.s32 $0x500;
	[sflag:s26] =	ssyncadd.s32 $0xFFFFC000  }
0x71: {  	[tilespmem:s21], [sflag:$0x1] =	stream.indirect.gather [hbm4b:s4+s20], $0x80, s7, s20, $0xb8;
	[tilespmem:$0x1FC00] =	vst v63  }
0x72: {  	_ =	swait.ge [sflag:s22], $0x4000  }
0x73: {  	[sflag:s22] =	ssyncset.done $0x0  }
0x74: {  	s7 =	simm.s32 $0x2500;
	[sflag:s22] =	ssyncadd.s32 $0xFFFFC000  }
0x75: {  	[spmem:s2] =	stream.indirect.scatter.add.f32 [tilespmem:s21], [sflag:$0x3], $0x80, s7, s20, $0xb8;
	[tilespmem:$0x1FC00] =	vst v63  }
0x76: {  	_ =	swait.ge [sflag:s30], $0x4000  }
0x77: {  	[sflag:s30] =	ssyncset.done $0x0  }
0x78: {  	s7 =	simm.s32 $0x580;
	[sflag:s30] =	ssyncadd.s32 $0xFFFFC000  }
0x79: {  	[tilespmem:s23], [sflag:$0x2] =	stream.indirect.gather [hbm4b:s4+s20], $0x80, s7, s20, $0xb8;
	[tilespmem:$0x1FC00] =	vst v63  }
0x7a: {  	_ =	swait.ge [sflag:s24], $0x4000  }
0x7b: {  	[sflag:s24] =	ssyncset.done $0x0  }
0x7c: {  	s7 =	simm.s32 $0x2580;
	[sflag:s24] =	ssyncadd.s32 $0xFFFFC000  }
0x7d: {  	[spmem:s2] =	stream.indirect.scatter.add.f32 [tilespmem:s23], [sflag:$0x4], $0x80, s7, s20, $0xb8;
	[tilespmem:$0x1FC00] =	vst v63  }
0x7e: {  	_ =	swait.ge [sflag:s26], $0x4000  }
0x7f: {  	[sflag:s26] =	ssyncset.done $0x0  }
0x80: {  	s7 =	simm.s32 $0x600;
	[sflag:s26] =	ssyncadd.s32 $0xFFFFC000  }
0x81: {  	[tilespmem:s21], [sflag:$0x1] =	stream.indirect.gather [hbm4b:s4+s20], $0x80, s7, s20, $0xb8;
	[tilespmem:$0x1FC00] =	vst v63  }
0x82: {  	_ =	swait.ge [sflag:s22], $0x4000  }
0x83: {  	[sflag:s22] =	ssyncset.done $0x0  }
0x84: {  	s7 =	simm.s32 $0x2600;
	[sflag:s22] =	ssyncadd.s32 $0xFFFFC000  }
0x85: {  	[spmem:s2] =	stream.indirect.scatter.add.f32 [tilespmem:s21], [sflag:$0x3], $0x80, s7, s20, $0xb8;
	[tilespmem:$0x1FC00] =	vst v63  }
0x86: {  	_ =	swait.ge [sflag:s30], $0x4000  }
0x87: {  	[sflag:s30] =	ssyncset.done $0x0  }
0x88: {  	s7 =	simm.s32 $0x680;
	[sflag:s30] =	ssyncadd.s32 $0xFFFFC000  }
0x89: {  	[tilespmem:s23], [sflag:$0x2] =	stream.indirect.gather [hbm4b:s4+s20], $0x80, s7, s20, $0xb8;
	[tilespmem:$0x1FC00] =	vst v63  }
0x8a: {  	_ =	swait.ge [sflag:s24], $0x4000  }
0x8b: {  	[sflag:s24] =	ssyncset.done $0x0  }
0x8c: {  	s7 =	simm.s32 $0x2680;
	[sflag:s24] =	ssyncadd.s32 $0xFFFFC000  }
0x8d: {  	[spmem:s2] =	stream.indirect.scatter.add.f32 [tilespmem:s23], [sflag:$0x4], $0x80, s7, s20, $0xb8;
	[tilespmem:$0x1FC00] =	vst v63  }
0x8e: {  	_ =	swait.ge [sflag:s26], $0x4000  }
0x8f: {  	[sflag:s26] =	ssyncset.done $0x0  }
0x90: {  	s7 =	simm.s32 $0x700;
	[sflag:s26] =	ssyncadd.s32 $0xFFFFC000  }
0x91: {  	[tilespmem:s21], [sflag:$0x1] =	stream.indirect.gather [hbm4b:s4+s20], $0x80, s7, s20, $0xb8;
	[tilespmem:$0x1FC00] =	vst v63  }
0x92: {  	_ =	swait.ge [sflag:s22], $0x4000  }
0x93: {  	[sflag:s22] =	ssyncset.done $0x0  }
0x94: {  	s7 =	simm.s32 $0x2700;
	[sflag:s22] =	ssyncadd.s32 $0xFFFFC000  }
0x95: {  	[spmem:s2] =	stream.indirect.scatter.add.f32 [tilespmem:s21], [sflag:$0x3], $0x80, s7, s20, $0xb8;
	[tilespmem:$0x1FC00] =	vst v63  }
0x96: {  	_ =	swait.ge [sflag:s30], $0x4000  }
0x97: {  	[sflag:s30] =	ssyncset.done $0x0  }
0x98: {  	s7 =	simm.s32 $0x780;
	[sflag:s30] =	ssyncadd.s32 $0xFFFFC000  }
0x99: {  	[tilespmem:s23], [sflag:$0x2] =	stream.indirect.gather [hbm4b:s4+s20], $0x80, s7, s20, $0xb8;
	[tilespmem:$0x1FC00] =	vst v63  }
0x9a: {  	_ =	swait.ge [sflag:s24], $0x4000  }
0x9b: {  	[sflag:s24] =	ssyncset.done $0x0  }
0x9c: {  	s7 =	simm.s32 $0x2780;
	[sflag:s24] =	ssyncadd.s32 $0xFFFFC000  }
0x9d: {  	[spmem:s2] =	stream.indirect.scatter.add.f32 [tilespmem:s23], [sflag:$0x4], $0x80, s7, s20, $0xb8;
	[tilespmem:$0x1FC00] =	vst v63  }
0x9e: {  	_ =	swait.ge [sflag:s26], $0x4000  }
0x9f: {  	[sflag:s26] =	ssyncset.done $0x0  }
0xa0: {  	[sflag:s26] =	ssyncadd.s32 $0xFFFFC000  }
0xa1: {  	_ =	swait.ge [sflag:s30], $0x4000  }
0xa2: {  	[sflag:s30] =	ssyncset.done $0x0  }
0xa3: {  	s7 =	rddreg [dreg:$0x9];
	[sflag:s30] =	ssyncadd.s32 $0xFFFFC000  }
0xa4: {  	[tilespmem:s3], [sflag:$0x5] =	stream.linear.gather [hbm4b:s7+s3], $0x800, $0x38;
	[tilespmem:$0x1FC00] =	vst v63  }
0xa5: {  	_ =	swait.ge [sflag:s18], $0x800  }
0xa6: {  	[sflag:s18] =	ssyncset.done $0x0  }
0xa7: {  	s7 =	rddreg [dreg:$0xa];
	[sflag:s18] =	ssyncadd.s32 $0xFFFFF800  }
0xa8: {  	[tilespmem:s17], [sflag:$0x5] =	stream.linear.gather [hbm4b:s7+s3], $0x800, $0x38;
	[tilespmem:$0x1FC00] =	vst v63  }
0xa9: {  	_ =	swait.ge [sflag:s18], $0x800  }
0xaa: {  	[sflag:s18] =	ssyncset.done $0x0  }
0xab: {  	[sflag:s18] =	ssyncadd.s32 $0xFFFFF800  }
0xac: {  	[tilespmem:s21], [sflag:$0x1] =	stream.indirect.gather [hbm4b:s4+s20], $0x80, s3, s20, $0xb8;
	[tilespmem:$0x1FC00] =	vst v63  }
0xad: {  	_ =	swait.ge [sflag:s22], $0x4000  }
0xae: {  	[sflag:s22] =	ssyncset.done $0x0  }
0xaf: {  	[sflag:s22] =	ssyncadd.s32 $0xFFFFC000  }
0xb0: {  	[spmem:s2] =	stream.indirect.scatter.add.f32 [tilespmem:s21], [sflag:$0x3], $0x80, s17, s20, $0xb8;
	[tilespmem:$0x1FC00] =	vst v63  }
0xb1: {  	_ = 	snop  }
0xb2: {  	[tilespmem:s23], [sflag:$0x2] =	stream.indirect.gather [hbm4b:s4+s20], $0x80, s20, s20, $0xb8;
	[tilespmem:$0x1FC00] =	vst v63  }
0xb3: {  	_ =	swait.ge [sflag:s24], $0x4000  }
0xb4: {  	[sflag:s24] =	ssyncset.done $0x0  }
0xb5: {  	s28 =	simm.s32 $0x2080;
	[sflag:s24] =	ssyncadd.s32 $0xFFFFC000  }
0xb6: {  	[spmem:s2] =	stream.indirect.scatter.add.f32 [tilespmem:s23], [sflag:$0x4], $0x80, s28, s20, $0xb8;
	[tilespmem:$0x1FC00] =	vst v63  }
0xb7: {  	_ =	swait.ge [sflag:s26], $0x4000  }
0xb8: {  	[sflag:s26] =	ssyncset.done $0x0  }
0xb9: {  	s28 =	simm.s32 $0x100;
	[sflag:s26] =	ssyncadd.s32 $0xFFFFC000  }
0xba: {  	[tilespmem:s21], [sflag:$0x1] =	stream.indirect.gather [hbm4b:s4+s20], $0x80, s28, s20, $0xb8;
	[tilespmem:$0x1FC00] =	vst v63  }
0xbb: {  	_ =	swait.ge [sflag:s22], $0x4000  }
0xbc: {  	[sflag:s22] =	ssyncset.done $0x0  }
0xbd: {  	[sflag:s22] =	ssyncadd.s32 $0xFFFFC000  }
0xbe: {  	[spmem:s2] =	stream.indirect.scatter.add.f32 [tilespmem:s21], [sflag:$0x3], $0x80, s8, s20, $0xb8;
	[tilespmem:$0x1FC00] =	vst v63  }
0xbf: {  	_ =	swait.ge [sflag:s30], $0x4000  }
0xc0: {  	[sflag:s30] =	ssyncset.done $0x0  }
0xc1: {  	[sflag:s30] =	ssyncadd.s32 $0xFFFFC000  }
0xc2: {  	[tilespmem:s23], [sflag:$0x2] =	stream.indirect.gather [hbm4b:s4+s20], $0x80, s9, s20, $0xb8;
	[tilespmem:$0x1FC00] =	vst v63  }
0xc3: {  	_ =	swait.ge [sflag:s24], $0x4000  }
0xc4: {  	[sflag:s24] =	ssyncset.done $0x0  }
0xc5: {  	[sflag:s24] =	ssyncadd.s32 $0xFFFFC000  }
0xc6: {  	[spmem:s2] =	stream.indirect.scatter.add.f32 [tilespmem:s23], [sflag:$0x4], $0x80, s10, s20, $0xb8;
	[tilespmem:$0x1FC00] =	vst v63  }
0xc7: {  	_ =	swait.ge [sflag:s26], $0x4000  }
0xc8: {  	[sflag:s26] =	ssyncset.done $0x0  }
0xc9: {  	[sflag:s26] =	ssyncadd.s32 $0xFFFFC000  }
0xca: {  	[tilespmem:s21], [sflag:$0x1] =	stream.indirect.gather [hbm4b:s4+s20], $0x80, s25, s20, $0xb8;
	[tilespmem:$0x1FC00] =	vst v63  }
0xcb: {  	_ =	swait.ge [sflag:s22], $0x4000  }
0xcc: {  	[sflag:s22] =	ssyncset.done $0x0  }
0xcd: {  	[sflag:s22] =	ssyncadd.s32 $0xFFFFC000  }
0xce: {  	[spmem:s2] =	stream.indirect.scatter.add.f32 [tilespmem:s21], [sflag:$0x3], $0x80, s12, s20, $0xb8;
	[tilespmem:$0x1FC00] =	vst v63  }
0xcf: {  	_ =	swait.ge [sflag:s30], $0x4000  }
0xd0: {  	[sflag:s30] =	ssyncset.done $0x0  }
0xd1: {  	s8 =	simm.s32 $0x280;
	[sflag:s30] =	ssyncadd.s32 $0xFFFFC000  }
0xd2: {  	[tilespmem:s23], [sflag:$0x2] =	stream.indirect.gather [hbm4b:s4+s20], $0x80, s8, s20, $0xb8;
	[tilespmem:$0x1FC00] =	vst v63  }
0xd3: {  	_ =	swait.ge [sflag:s24], $0x4000  }
0xd4: {  	[sflag:s24] =	ssyncset.done $0x0  }
0xd5: {  	[sflag:s24] =	ssyncadd.s32 $0xFFFFC000  }
0xd6: {  	[spmem:s2] =	stream.indirect.scatter.add.f32 [tilespmem:s23], [sflag:$0x4], $0x80, s14, s20, $0xb8;
	[tilespmem:$0x1FC00] =	vst v63  }
0xd7: {  	_ =	swait.ge [sflag:s26], $0x4000  }
0xd8: {  	[sflag:s26] =	ssyncset.done $0x0  }
0xd9: {  	[sflag:s26] =	ssyncadd.s32 $0xFFFFC000  }
0xda: {  	[tilespmem:s21], [sflag:$0x1] =	stream.indirect.gather [hbm4b:s4+s20], $0x80, s29, s20, $0xb8;
	[tilespmem:$0x1FC00] =	vst v63  }
0xdb: {  	_ =	swait.ge [sflag:s22], $0x4000  }
0xdc: {  	[sflag:s22] =	ssyncset.done $0x0  }
0xdd: {  	[sflag:s22] =	ssyncadd.s32 $0xFFFFC000  }
0xde: {  	[spmem:s2] =	stream.indirect.scatter.add.f32 [tilespmem:s21], [sflag:$0x3], $0x80, s31, s20, $0xb8;
	[tilespmem:$0x1FC00] =	vst v63  }
0xdf: {  	_ =	swait.ge [sflag:s30], $0x4000  }
0xe0: {  	[sflag:s30] =	ssyncset.done $0x0  }
0xe1: {  	[sflag:s30] =	ssyncadd.s32 $0xFFFFC000  }
0xe2: {  	[tilespmem:s23], [sflag:$0x2] =	stream.indirect.gather [hbm4b:s4+s20], $0x80, s16, s20, $0xb8;
	[tilespmem:$0x1FC00] =	vst v63  }
0xe3: {  	_ =	swait.ge [sflag:s24], $0x4000  }
0xe4: {  	[sflag:s24] =	ssyncset.done $0x0  }
0xe5: {  	[sflag:s24] =	ssyncadd.s32 $0xFFFFC000  }
0xe6: {  	[spmem:s2] =	stream.indirect.scatter.add.f32 [tilespmem:s23], [sflag:$0x4], $0x80, s15, s20, $0xb8;
	[tilespmem:$0x1FC00] =	vst v63  }
0xe7: {  	_ =	swait.ge [sflag:s26], $0x4000  }
0xe8: {  	[sflag:s26] =	ssyncset.done $0x0  }
0xe9: {  	[sflag:s26] =	ssyncadd.s32 $0xFFFFC000  }
0xea: {  	[tilespmem:s21], [sflag:$0x1] =	stream.indirect.gather [hbm4b:s4+s20], $0x80, s19, s20, $0xb8;
	[tilespmem:$0x1FC00] =	vst v63  }
0xeb: {  	_ =	swait.ge [sflag:s22], $0x4000  }
0xec: {  	[sflag:s22] =	ssyncset.done $0x0  }
0xed: {  	s9 =	simm.s32 $0x2400;
	[sflag:s22] =	ssyncadd.s32 $0xFFFFC000  }
0xee: {  	[spmem:s2] =	stream.indirect.scatter.add.f32 [tilespmem:s21], [sflag:$0x3], $0x80, s9, s20, $0xb8;
	[tilespmem:$0x1FC00] =	vst v63  }
0xef: {  	_ =	swait.ge [sflag:s30], $0x4000  }
0xf0: {  	[sflag:s30] =	ssyncset.done $0x0  }
0xf1: {  	s8 =	simm.s32 $0x480;
	[sflag:s30] =	ssyncadd.s32 $0xFFFFC000  }
0xf2: {  	[tilespmem:s23], [sflag:$0x2] =	stream.indirect.gather [hbm4b:s4+s20], $0x80, s8, s20, $0xb8;
	[tilespmem:$0x1FC00] =	vst v63  }
0xf3: {  	_ =	swait.ge [sflag:s24], $0x4000  }
0xf4: {  	[sflag:s24] =	ssyncset.done $0x0  }
0xf5: {  	s9 =	simm.s32 $0x2480;
	[sflag:s24] =	ssyncadd.s32 $0xFFFFC000  }
0xf6: {  	[spmem:s2] =	stream.indirect.scatter.add.f32 [tilespmem:s23], [sflag:$0x4], $0x80, s9, s20, $0xb8;
	[tilespmem:$0x1FC00] =	vst v63  }
0xf7: {  	_ =	swait.ge [sflag:s26], $0x4000  }
0xf8: {  	[sflag:s26] =	ssyncset.done $0x0  }
0xf9: {  	s8 =	simm.s32 $0x500;
	[sflag:s26] =	ssyncadd.s32 $0xFFFFC000  }
0xfa: {  	[tilespmem:s21], [sflag:$0x1] =	stream.indirect.gather [hbm4b:s4+s20], $0x80, s8, s20, $0xb8;
	[tilespmem:$0x1FC00] =	vst v63  }
0xfb: {  	_ =	swait.ge [sflag:s22], $0x4000  }
0xfc: {  	[sflag:s22] =	ssyncset.done $0x0  }
0xfd: {  	s9 =	simm.s32 $0x2500;
	[sflag:s22] =	ssyncadd.s32 $0xFFFFC000  }
0xfe: {  	[spmem:s2] =	stream.indirect.scatter.add.f32 [tilespmem:s21], [sflag:$0x3], $0x80, s9, s20, $0xb8;
	[tilespmem:$0x1FC00] =	vst v63  }
0xff: {  	_ =	swait.ge [sflag:s30], $0x4000  }
0x100: {  	[sflag:s30] =	ssyncset.done $0x0  }
0x101: {  	s8 =	simm.s32 $0x580;
	[sflag:s30] =	ssyncadd.s32 $0xFFFFC000  }
0x102: {  	[tilespmem:s23], [sflag:$0x2] =	stream.indirect.gather [hbm4b:s4+s20], $0x80, s8, s20, $0xb8;
	[tilespmem:$0x1FC00] =	vst v63  }
0x103: {  	_ =	swait.ge [sflag:s24], $0x4000  }
0x104: {  	[sflag:s24] =	ssyncset.done $0x0  }
0x105: {  	s9 =	simm.s32 $0x2580;
	[sflag:s24] =	ssyncadd.s32 $0xFFFFC000  }
0x106: {  	[spmem:s2] =	stream.indirect.scatter.add.f32 [tilespmem:s23], [sflag:$0x4], $0x80, s9, s20, $0xb8;
	[tilespmem:$0x1FC00] =	vst v63  }
0x107: {  	_ =	swait.ge [sflag:s26], $0x4000  }
0x108: {  	[sflag:s26] =	ssyncset.done $0x0  }
0x109: {  	s8 =	simm.s32 $0x600;
	[sflag:s26] =	ssyncadd.s32 $0xFFFFC000  }
0x10a: {  	[tilespmem:s21], [sflag:$0x1] =	stream.indirect.gather [hbm4b:s4+s20], $0x80, s8, s20, $0xb8;
	[tilespmem:$0x1FC00] =	vst v63  }
0x10b: {  	_ =	swait.ge [sflag:s22], $0x4000  }
0x10c: {  	[sflag:s22] =	ssyncset.done $0x0  }
0x10d: {  	s9 =	simm.s32 $0x2600;
	[sflag:s22] =	ssyncadd.s32 $0xFFFFC000  }
0x10e: {  	[spmem:s2] =	stream.indirect.scatter.add.f32 [tilespmem:s21], [sflag:$0x3], $0x80, s9, s20, $0xb8;
	[tilespmem:$0x1FC00] =	vst v63  }
0x10f: {  	_ =	swait.ge [sflag:s30], $0x4000  }
0x110: {  	[sflag:s30] =	ssyncset.done $0x0  }
0x111: {  	s8 =	simm.s32 $0x680;
	[sflag:s30] =	ssyncadd.s32 $0xFFFFC000  }
0x112: {  	[tilespmem:s23], [sflag:$0x2] =	stream.indirect.gather [hbm4b:s4+s20], $0x80, s8, s20, $0xb8;
	[tilespmem:$0x1FC00] =	vst v63  }
0x113: {  	_ =	swait.ge [sflag:s24], $0x4000  }
0x114: {  	[sflag:s24] =	ssyncset.done $0x0  }
0x115: {  	s9 =	simm.s32 $0x2680;
	[sflag:s24] =	ssyncadd.s32 $0xFFFFC000  }
0x116: {  	[spmem:s2] =	stream.indirect.scatter.add.f32 [tilespmem:s23], [sflag:$0x4], $0x80, s9, s20, $0xb8;
	[tilespmem:$0x1FC00] =	vst v63  }
0x117: {  	_ =	swait.ge [sflag:s26], $0x4000  }
0x118: {  	[sflag:s26] =	ssyncset.done $0x0  }
0x119: {  	s8 =	simm.s32 $0x700;
	[sflag:s26] =	ssyncadd.s32 $0xFFFFC000  }
0x11a: {  	[tilespmem:s21], [sflag:$0x1] =	stream.indirect.gather [hbm4b:s4+s20], $0x80, s8, s20, $0xb8;
	[tilespmem:$0x1FC00] =	vst v63  }
0x11b: {  	_ =	swait.ge [sflag:s22], $0x4000  }
0x11c: {  	[sflag:s22] =	ssyncset.done $0x0  }
0x11d: {  	s9 =	simm.s32 $0x2700;
	[sflag:s22] =	ssyncadd.s32 $0xFFFFC000  }
0x11e: {  	[spmem:s2] =	stream.indirect.scatter.add.f32 [tilespmem:s21], [sflag:$0x3], $0x80, s9, s20, $0xb8;
	[tilespmem:$0x1FC00] =	vst v63  }
0x11f: {  	_ =	swait.ge [sflag:s30], $0x4000  }
0x120: {  	[sflag:s30] =	ssyncset.done $0x0  }
0x121: {  	s8 =	simm.s32 $0x780;
	[sflag:s30] =	ssyncadd.s32 $0xFFFFC000  }
0x122: {  	[tilespmem:s23], [sflag:$0x2] =	stream.indirect.gather [hbm4b:s4+s20], $0x80, s8, s20, $0xb8;
	[tilespmem:$0x1FC00] =	vst v63  }
0x123: {  	_ =	swait.ge [sflag:s24], $0x4000  }
0x124: {  	[sflag:s24] =	ssyncset.done $0x0  }
0x125: {  	s9 =	simm.s32 $0x2780;
	[sflag:s24] =	ssyncadd.s32 $0xFFFFC000  }
0x126: {  	[spmem:s2] =	stream.indirect.scatter.add.f32 [tilespmem:s23], [sflag:$0x4], $0x80, s9, s20, $0xb8;
	[tilespmem:$0x1FC00] =	vst v63  }
0x127: {  	_ =	swait.ge [sflag:s26], $0x4000  }
0x128: {  	[sflag:s26] =	ssyncset.done $0x0  }
0x129: {  	s10 =	simm.s32 $0x2080;
	s12 =	simm.s32 $0x2000;
	[sflag:s26] =	ssyncadd.s32 $0xFFFFC000  }
.LBB2_9:
0x12a: {  	_ =	swait.ge [sflag:s30], $0x4000  }
0x12b: {  	s1 =	sadd.s32 $0x1, s1;
	[sflag:s30] =	ssyncset.done $0x0  }
0x12c: {  	p1 =	sne.s32 s1, s11;
	[sflag:s30] =	ssyncadd.s32 $0xFFFFC000  }
.Ltmp1:
0x12d: {  	[bflag:$0x0] =	sbarrier.arrive $0xFFFF;
	(pc) =	sbr.rel @!p1 .LBB2_10-.Ltmp1, $4  }
0x12e: {  	[hbm:s0], [sflag:s6] =	dma.local [spmem:s13], $0x2780  }
0x12f: {  	_ =	swait.ge [sflag:s18], $0x2780  }
0x130: {  	[sflag:s18] =	ssyncset.done $0x0  }
0x131: {  	[sflag:s18] =	ssyncadd.s32 $0xFFFFD880  }
.LBB2_1:
0x132: {  	[spmem:s13], [sflag:s6] =	dma.local [hbm:s5], $0x2780  }
.Ltmp2:
0x133: {  	_ =	swait.ge [sflag:s18], $0x2780;
	(pc) =	sbr.rel @p0 .LBB2_8-.Ltmp2, $3  }
0x134: {  	[sflag:s18] =	ssyncset.done $0x0  }
0x135: {  	[sflag:s18] =	ssyncadd.s32 $0xFFFFD880  }
0x136: {  	[bflag:$0x0] =	sbarrier.arrive $0xFFFF;
	_ =	sdelay $0x1  }
0x137: {  	s7 =	rddreg [dreg:$0x3]  }
0x138: {  	[tilespmem:s3], [sflag:$0x5] =	stream.linear.gather [hbm4b:s7+s3], $0x2000, $0x38;
	[tilespmem:$0x1FC00] =	vst v63  }
0x139: {  	_ =	swait.ge [sflag:s18], $0x2000  }
0x13a: {  	[sflag:s18] =	ssyncset.done $0x0  }
0x13b: {  	s9 =	rddreg [dreg:$0x4];
	[sflag:s18] =	ssyncadd.s32 $0xFFFFE000  }
0x13c: {  	[tilespmem:s12], [sflag:$0x5] =	stream.linear.gather [hbm4b:s9+s3], $0x2000, $0x38;
	[tilespmem:$0x1FC00] =	vst v63  }
0x13d: {  	_ =	swait.ge [sflag:s18], $0x2000  }
0x13e: {  	[sflag:s18] =	ssyncset.done $0x0  }
0x13f: {  	[sflag:s18] =	ssyncadd.s32 $0xFFFFE000  }
0x140: {  	[tilespmem:s21], [sflag:$0x1] =	stream.indirect.gather [hbm4b:s4+s20], $0x80, s3, s20, $0xb8;
	[tilespmem:$0x1FC00] =	vst v63  }
0x141: {  	_ =	swait.ge [sflag:s22], $0x4000  }
0x142: {  	[sflag:s22] =	ssyncset.done $0x0  }
0x143: {  	[sflag:s22] =	ssyncadd.s32 $0xFFFFC000  }
0x144: {  	[spmem:s2] =	stream.indirect.scatter.add.f32 [tilespmem:s21], [sflag:$0x3], $0x80, s12, s20, $0xb8;
	[tilespmem:$0x1FC00] =	vst v63  }
0x145: {  	_ = 	snop  }
0x146: {  	[tilespmem:s23], [sflag:$0x2] =	stream.indirect.gather [hbm4b:s4+s20], $0x80, s20, s20, $0xb8;
	[tilespmem:$0x1FC00] =	vst v63  }
0x147: {  	_ =	swait.ge [sflag:s24], $0x4000  }
0x148: {  	[sflag:s24] =	ssyncset.done $0x0  }
0x149: {  	[sflag:s24] =	ssyncadd.s32 $0xFFFFC000  }
0x14a: {  	[spmem:s2] =	stream.indirect.scatter.add.f32 [tilespmem:s23], [sflag:$0x4], $0x80, s10, s20, $0xb8;
	[tilespmem:$0x1FC00] =	vst v63  }
0x14b: {  	_ =	swait.ge [sflag:s26], $0x4000  }
0x14c: {  	[sflag:s26] =	ssyncset.done $0x0  }
0x14d: {  	s7 =	simm.s32 $0xFFFF8800;
	[sflag:s26] =	ssyncadd.s32 $0xFFFFC000  }
0x14e: {  	[tilespmem:s21], [sflag:$0x1] =	stream.indirect.gather [hbm4b:s4+s20], $0x80, s28, s20, $0xb8;
	[tilespmem:$0x1FC00] =	vst v63  }
.LBB2_3:
0x14f: {  	_ =	swait.ge [sflag:s22], $0x4000  }
0x150: {  	s8 =	sshra.s32 s7, $0x2;
	[sflag:s22] =	ssyncset.done $0x0  }
0x151: {  	s9 =	sadd.s32 $0x3F00, s8;
	[sflag:s22] =	ssyncadd.s32 $0xFFFFC000  }
0x152: {  	[spmem:s2] =	stream.indirect.scatter.add.f32 [tilespmem:s21], [sflag:$0x3], $0x80, s9, s20, $0xb8;
	[tilespmem:$0x1FC00] =	vst v63  }
0x153: {  	_ =	swait.ge [sflag:s30], $0x4000  }
0x154: {  	[sflag:s30] =	ssyncset.done $0x0  }
0x155: {  	s9 =	sadd.s32 $0x1F80, s8;
	[sflag:s30] =	ssyncadd.s32 $0xFFFFC000  }
0x156: {  	[tilespmem:s23], [sflag:$0x2] =	stream.indirect.gather [hbm4b:s4+s20], $0x80, s9, s20, $0xb8;
	[tilespmem:$0x1FC00] =	vst v63  }
0x157: {  	_ =	swait.ge [sflag:s24], $0x4000  }
0x158: {  	p1 =	seq.s32 s7, $0x0;
	[sflag:s24] =	ssyncset.done $0x0  }
.Ltmp3:
0x159: {  	s9 =	sadd.s32 $0x3F80, s8;
	[sflag:s24] =	ssyncadd.s32 $0xFFFFC000;
	(pc) =	sbr.rel @p1 .LBB2_5-.Ltmp3, $4  }
0x15a: {  	[spmem:s2] =	stream.indirect.scatter.add.f32 [tilespmem:s23], [sflag:$0x4], $0x80, s9, s20, $0xb8;
	[tilespmem:$0x1FC00] =	vst v63  }
0x15b: {  	_ =	swait.ge [sflag:s26], $0x4000  }
0x15c: {  	[sflag:s26] =	ssyncset.done $0x0  }
0x15d: {  	[sflag:s26] =	ssyncadd.s32 $0xFFFFC000  }
.Ltmp4:
0x15e: {  	(pc) =	sbr.rel .LBB2_3-.Ltmp4, $3  }
0x15f: {  	_ =	sdelay $0x1  }
0x160: {  	s8 =	sadd.s32 $0x2000, s8;
	s7 =	sadd.s32 $0x400, s7  }
0x161: {  	[tilespmem:s21], [sflag:$0x1] =	stream.indirect.gather [hbm4b:s4+s20], $0x80, s8, s20, $0xb8;
	[tilespmem:$0x1FC00] =	vst v63  }
.LBB2_5:
0x162: {  	_ =	swait.ge [sflag:s30], $0x4000  }
0x163: {  	[sflag:s30] =	ssyncset.done $0x0  }
0x164: {  	s7 =	rddreg [dreg:$0x5];
	[sflag:s30] =	ssyncadd.s32 $0xFFFFC000  }
0x165: {  	[tilespmem:s3], [sflag:$0x5] =	stream.linear.gather [hbm4b:s7+s3], $0x2000, $0x38;
	[tilespmem:$0x1FC00] =	vst v63  }
0x166: {  	_ =	swait.ge [sflag:s18], $0x2000  }
0x167: {  	[sflag:s18] =	ssyncset.done $0x0  }
0x168: {  	s9 =	rddreg [dreg:$0x6];
	[sflag:s18] =	ssyncadd.s32 $0xFFFFE000  }
0x169: {  	[tilespmem:s12], [sflag:$0x5] =	stream.linear.gather [hbm4b:s9+s3], $0x2000, $0x38;
	[tilespmem:$0x1FC00] =	vst v63  }
0x16a: {  	_ =	swait.ge [sflag:s18], $0x2000  }
0x16b: {  	[sflag:s18] =	ssyncset.done $0x0  }
0x16c: {  	[sflag:s18] =	ssyncadd.s32 $0xFFFFE000  }
0x16d: {  	[tilespmem:s21], [sflag:$0x1] =	stream.indirect.gather [hbm4b:s4+s20], $0x80, s3, s20, $0xb8;
	[tilespmem:$0x1FC00] =	vst v63  }
0x16e: {  	_ =	swait.ge [sflag:s22], $0x4000  }
0x16f: {  	[sflag:s22] =	ssyncset.done $0x0  }
0x170: {  	[sflag:s22] =	ssyncadd.s32 $0xFFFFC000  }
0x171: {  	[spmem:s2] =	stream.indirect.scatter.add.f32 [tilespmem:s21], [sflag:$0x3], $0x80, s12, s20, $0xb8;
	[tilespmem:$0x1FC00] =	vst v63  }
0x172: {  	_ = 	snop  }
0x173: {  	[tilespmem:s23], [sflag:$0x2] =	stream.indirect.gather [hbm4b:s4+s20], $0x80, s20, s20, $0xb8;
	[tilespmem:$0x1FC00] =	vst v63  }
0x174: {  	_ =	swait.ge [sflag:s24], $0x4000  }
0x175: {  	[sflag:s24] =	ssyncset.done $0x0  }
0x176: {  	[sflag:s24] =	ssyncadd.s32 $0xFFFFC000  }
0x177: {  	[spmem:s2] =	stream.indirect.scatter.add.f32 [tilespmem:s23], [sflag:$0x4], $0x80, s10, s20, $0xb8;
	[tilespmem:$0x1FC00] =	vst v63  }
0x178: {  	_ =	swait.ge [sflag:s26], $0x4000  }
0x179: {  	[sflag:s26] =	ssyncset.done $0x0  }
0x17a: {  	s7 =	simm.s32 $0xFFFF8800;
	[sflag:s26] =	ssyncadd.s32 $0xFFFFC000  }
0x17b: {  	[tilespmem:s21], [sflag:$0x1] =	stream.indirect.gather [hbm4b:s4+s20], $0x80, s28, s20, $0xb8;
	[tilespmem:$0x1FC00] =	vst v63  }
.LBB2_6:
0x17c: {  	_ =	swait.ge [sflag:s22], $0x4000  }
0x17d: {  	s8 =	sshra.s32 s7, $0x2;
	[sflag:s22] =	ssyncset.done $0x0  }
0x17e: {  	s9 =	sadd.s32 $0x3F00, s8;
	[sflag:s22] =	ssyncadd.s32 $0xFFFFC000  }
0x17f: {  	[spmem:s2] =	stream.indirect.scatter.add.f32 [tilespmem:s21], [sflag:$0x3], $0x80, s9, s20, $0xb8;
	[tilespmem:$0x1FC00] =	vst v63  }
0x180: {  	_ =	swait.ge [sflag:s30], $0x4000  }
0x181: {  	[sflag:s30] =	ssyncset.done $0x0  }
0x182: {  	s9 =	sadd.s32 $0x1F80, s8;
	[sflag:s30] =	ssyncadd.s32 $0xFFFFC000  }
0x183: {  	[tilespmem:s23], [sflag:$0x2] =	stream.indirect.gather [hbm4b:s4+s20], $0x80, s9, s20, $0xb8;
	[tilespmem:$0x1FC00] =	vst v63  }
0x184: {  	_ =	swait.ge [sflag:s24], $0x4000  }
0x185: {  	p1 =	seq.s32 s7, $0x0;
	[sflag:s24] =	ssyncset.done $0x0  }
.Ltmp5:
0x186: {  	s9 =	sadd.s32 $0x3F80, s8;
	[sflag:s24] =	ssyncadd.s32 $0xFFFFC000;
	(pc) =	sbr.rel @p1 .LBB2_9-.Ltmp5, $4  }
0x187: {  	[spmem:s2] =	stream.indirect.scatter.add.f32 [tilespmem:s23], [sflag:$0x4], $0x80, s9, s20, $0xb8;
	[tilespmem:$0x1FC00] =	vst v63  }
0x188: {  	_ =	swait.ge [sflag:s26], $0x4000  }
0x189: {  	[sflag:s26] =	ssyncset.done $0x0  }
0x18a: {  	[sflag:s26] =	ssyncadd.s32 $0xFFFFC000  }
.Ltmp6:
0x18b: {  	(pc) =	sbr.rel .LBB2_6-.Ltmp6, $3  }
0x18c: {  	_ =	sdelay $0x1  }
0x18d: {  	s8 =	sadd.s32 $0x2000, s8;
	s7 =	sadd.s32 $0x400, s7  }
0x18e: {  	[tilespmem:s21], [sflag:$0x1] =	stream.indirect.gather [hbm4b:s4+s20], $0x80, s8, s20, $0xb8;
	[tilespmem:$0x1FC00] =	vst v63  }
.LBB2_10:
0x18f: {  	_ =	sfence.sel $0x180000  }
0x190: {  	[bflag:$0x0] =	sbarrier.arrive $0xFFFF  }
0x191: {  	_ =	strace $0x90000050  }
0x192: {  	s0 =	stileid.u32;
	[bflag:$0x2] =	sbarrier.arrive $0xFFFF  }
0x193: {  	p0 =	sne.s32 s0, $0x0;
	s0 =	rddreg [dreg:$0x2]  }
0x194: {  	s0 =	sadd.s32 @!p0 $0x100000, s0  }
0x195: {  	[sflag:s0] =	ssyncadd.tile.s32 @!p0 $0x1;
	_ =	shalt  }
.Lfunc_end2:
_tile_overlayer_lowered:
.L_overlay_start_2:
0x196: {  	(tag) =	ssettag $0x2  }
0x197: {  	s0 =	rddreg [dreg:$0x0];
	s2 =	stileid.u32  }
0x198: {  	s1 =	rddreg [dreg:$0x1];
	p0 =	sne.s32 s2, $0x0  }
0x199: {  	s3 =	rddreg [dreg:$0x2];
	[bflag:$0x3] =	sbarrier.arrive $0xFFFF;
	s2 =	simm.s32 @!p0 $0x1C05  }
0x19a: {  	[timem:s3], [sflag:s2] =	dma.local @!p0 [hbm:s0], s1  }
0x19b: {  	s0 =	simm.s32 @!p0 $0x5  }
0x19c: {  	_ =	swait.ge @!p0 [sflag:s0], s1  }
0x19d: {  	s1 =	ssub.s32 @!p0 $0x0, s1;
	[sflag:s0] =	ssyncset.done @!p0 $0x0  }
0x19e: {  	[sflag:s0] =	ssyncadd.s32 @!p0 s1  }
0x19f: {  	[bflag:$0x3] =	sbarrier.arrive $0xFFFF  }
0x1a0: {  	_ =	shalt  }

</sc_bundles>
